<compile_context>
chip_gen: v7x
topology: tpu7x:2x2x1
jax: 0.10.2.dev20260603
libtpu: 0.0.44.dev20260713+nightly
codegen_flags: <defaults>
</compile_context>

<pallas_src>
import functools

import jax
import jax.numpy as jnp
from jax import lax
from jax.experimental import pallas as pl
from jax.experimental.pallas import tpu as pltpu
from jax.experimental.pallas import tpu_sc as plsc

E = 8
TOPK = 2
C = 1024
H = 4096
BM = 256
BH = 512


def _router_body(x_ref, gw_ref, gb_ref, logits_ref, w_ref, pos_ref, cnt_ref):
    n = x_ref.shape[0]
    lg = jnp.dot(x_ref[...], gw_ref[...], preferred_element_type=jnp.float32)
    lg = lg + gb_ref[...]
    logits_ref[...] = lg
    m = jnp.max(lg, axis=1, keepdims=True)
    p = jnp.exp(lg - m)
    p = p / jnp.sum(p, axis=1, keepdims=True)
    iota = lax.broadcasted_iota(jnp.int32, p.shape, 1)
    m1 = jnp.max(p, axis=1, keepdims=True)
    i1 = jnp.min(jnp.where(p == m1, iota, E), axis=1, keepdims=True)
    pm = jnp.where(iota == i1, -1.0, p)
    m2 = jnp.max(pm, axis=1, keepdims=True)
    i2 = jnp.min(jnp.where(pm == m2, iota, E), axis=1, keepdims=True)
    ssum = m1 + m2
    w_ref[...] = jnp.concatenate([m1 / ssum, m2 / ssum], axis=1)

    a = (iota == i1).astype(jnp.float32)
    b = (iota == i2).astype(jnp.float32)
    c = a + b
    ri = lax.broadcasted_iota(jnp.int32, (n, n), 0)
    ci = lax.broadcasted_iota(jnp.int32, (n, n), 1)
    tri = (ci < ri).astype(jnp.float32)
    prefix = jnp.dot(tri, c, preferred_element_type=jnp.float32)
    counts = jnp.sum(c, axis=0, keepdims=True)
    er = lax.broadcasted_iota(jnp.int32, (E, E), 0)
    ec = lax.broadcasted_iota(jnp.int32, (E, E), 1)
    tri8 = (er < ec).astype(jnp.float32)
    c_hi = jnp.floor(counts * (1.0 / 256.0))
    c_lo = counts - 256.0 * c_hi
    offs = (256.0 * jnp.dot(c_hi, tri8, preferred_element_type=jnp.float32)
            + jnp.dot(c_lo, tri8, preferred_element_type=jnp.float32))
    base = offs + prefix
    pos0 = jnp.sum(a * base, axis=1, keepdims=True)
    pos1 = jnp.sum(b * base, axis=1, keepdims=True)
    pos_ref[...] = jnp.concatenate([pos0, pos1], axis=1).astype(jnp.int32)
    cnt_ref[...] = counts.astype(jnp.int32)


def _ffn_body(tb, te, act, fst, ofs, ens, x_ref, w1_ref, b1_ref, w2_ref,
              b2_ref, out_ref):
    t = pl.program_id(0)
    h = pl.program_id(1)

    @pl.when((h == 0) & (fst[t] == 1))
    def _():
        out_ref[...] = jnp.zeros_like(out_ref)

    @pl.when(act[t] == 1)
    def _():
        xb = x_ref[...]
        hm = jnp.dot(xb, w1_ref[0], preferred_element_type=jnp.float32)
        hm = hm + b1_ref[0]
        hm = 0.5 * hm * (1.0 + lax.erf(hm * 0.7071067811865476))
        contrib = jnp.dot(hm, w2_ref[0], preferred_element_type=jnp.float32)
        e = te[t]
        row_g = tb[t] * BM + lax.broadcasted_iota(jnp.int32, (BM, 1), 0)
        inr = (row_g >= ofs[e]) & (row_g < ens[e])
        sc = jnp.where(inr, 1.0, 0.0)

        @pl.when(h == 0)
        def _():
            out_ref[...] += (contrib + b2_ref[0]) * sc

        @pl.when(h != 0)
        def _():
            out_ref[...] += contrib * sc


def _make_dispatch(n_tok, s_rows, d, nw):
    tpw = n_tok // nw
    mesh = plsc.VectorSubcoreMesh(core_axis_name="c", subcore_axis_name="s")

    @functools.partial(
        pl.kernel, mesh=mesh,
        out_type=jax.ShapeDtypeStruct((s_rows, d), jnp.float32),
        scratch_types=[
            pltpu.VMEM((tpw, d), jnp.float32),
            pltpu.VMEM((tpw,), jnp.int32),
            pltpu.VMEM((tpw,), jnp.int32),
            pltpu.SemaphoreType.DMA,
            pltpu.SemaphoreType.DMA,
            pltpu.SemaphoreType.DMA,
        ],
    )
    def disp(xf_hbm, p0_hbm, p1_hbm, out_hbm, xbuf, p0v, p1v, s0, s1, s2):
        wid = lax.axis_index("s") * 2 + lax.axis_index("c")
        base = wid * tpw
        pltpu.sync_copy(p0_hbm.at[pl.ds(base, tpw)], p0v)
        pltpu.sync_copy(p1_hbm.at[pl.ds(base, tpw)], p1v)
        pltpu.async_copy(xf_hbm.at[pl.ds(base, tpw)], xbuf, s0).wait()
        c0 = pltpu.async_copy(xbuf, out_hbm.at[p0v], s1)
        c1 = pltpu.async_copy(xbuf, out_hbm.at[p1v], s2)
        c0.wait()
        c1.wait()

    return disp


def _make_combine(n_tok, s_rows, d, nw):
    tpw = n_tok // nw
    ch = 32
    nchunk = tpw // ch
    mesh = plsc.VectorSubcoreMesh(core_axis_name="c", subcore_axis_name="s")

    @functools.partial(
        pl.kernel, mesh=mesh,
        out_type=jax.ShapeDtypeStruct((n_tok, d), jnp.float32),
        scratch_types=[
            pltpu.VMEM((ch, d), jnp.float32),
            pltpu.VMEM((ch, d), jnp.float32),
            pltpu.VMEM((ch,), jnp.int32),
            pltpu.VMEM((ch,), jnp.int32),
            pltpu.VMEM((ch, 16), jnp.float32),
            pltpu.VMEM((ch, 16), jnp.float32),
            pltpu.SemaphoreType.DMA,
            pltpu.SemaphoreType.DMA,
        ],
    )
    def comb(y_hbm, p0_hbm, p1_hbm, w0_hbm, w1_hbm, out_hbm,
             abuf, bbuf, p0v, p1v, w0v, w1v, sa, sb):
        wid = lax.axis_index("s") * 2 + lax.axis_index("c")
        for j in range(nchunk):
            base = wid * tpw + j * ch
            pltpu.sync_copy(p0_hbm.at[pl.ds(base, ch)], p0v)
            pltpu.sync_copy(p1_hbm.at[pl.ds(base, ch)], p1v)
            ca = pltpu.async_copy(y_hbm.at[p0v], abuf, sa)
            cb = pltpu.async_copy(y_hbm.at[p1v], bbuf, sb)
            pltpu.sync_copy(w0_hbm.at[pl.ds(base, ch)], w0v)
            pltpu.sync_copy(w1_hbm.at[pl.ds(base, ch)], w1v)
            ca.wait()
            cb.wait()

            def row_fn(r, _):
                wa = w0v[r, :]
                wb = w1v[r, :]
                for cc in range(0, d, 16):
                    abuf[r, pl.ds(cc, 16)] = (
                        wa * abuf[r, pl.ds(cc, 16)] + wb * bbuf[r, pl.ds(cc, 16)])
                return 0

            lax.fori_loop(0, ch, row_fn, 0)
            pltpu.sync_copy(abuf, out_hbm.at[pl.ds(base, ch)])

    return comb


def kernel(x, gate_w, gate_b, fc1_w, fc1_b, fc2_w, fc2_b):
    B, L, Cd = x.shape
    N = B * L
    S = N * TOPK
    NB = S // BM
    NH = H // BH
    T = NB + E - 1

    info = plsc.get_sparse_core_info()
    NW = info.num_cores * info.num_subcores

    xf = x.reshape(N, Cd)

    logits, w, pos, cnt = pl.pallas_call(
        _router_body,
        out_shape=[
            jax.ShapeDtypeStruct((N, E), jnp.float32),
            jax.ShapeDtypeStruct((N, TOPK), jnp.float32),
            jax.ShapeDtypeStruct((N, TOPK), jnp.int32),
            jax.ShapeDtypeStruct((1, E), jnp.int32),
        ],
    )(xf, gate_w, gate_b.reshape(1, E))

    counts = cnt[0]
    offs = jnp.concatenate(
        [jnp.zeros((1,), jnp.int32), jnp.cumsum(counts)[:-1].astype(jnp.int32)])
    ends = offs + counts
    first_b = jnp.minimum(offs // BM, NB - 1)
    last_b = jnp.where(counts > 0, jnp.maximum(ends - 1, 0) // BM, first_b)
    ntiles = (last_b - first_b + 1).astype(jnp.int32)
    tile_start = jnp.concatenate(
        [jnp.zeros((1,), jnp.int32), jnp.cumsum(ntiles)[:-1].astype(jnp.int32)])
    total = tile_start[-1] + ntiles[-1]
    t_range = jnp.arange(T, dtype=jnp.int32)
    e_of_t = jnp.clip(
        jnp.searchsorted(tile_start, t_range, side="right") - 1, 0, E - 1
    ).astype(jnp.int32)
    b_of_t = jnp.clip(first_b[e_of_t] + t_range - tile_start[e_of_t], 0, NB - 1)
    valid = t_range < total
    e_last = jnp.take(e_of_t, total - 1)
    b_last = jnp.take(b_of_t, total - 1)
    tile_e = jnp.where(valid, e_of_t, e_last).astype(jnp.int32)
    tile_b = jnp.where(valid, b_of_t, b_last).astype(jnp.int32)
    active = valid.astype(jnp.int32)
    prev_b = jnp.concatenate([jnp.full((1,), -1, jnp.int32), tile_b[:-1]])
    first = ((tile_b != prev_b) & valid).astype(jnp.int32)

    pos0 = pos[:, 0]
    pos1 = pos[:, 1]
    x_sorted = _make_dispatch(N, S, Cd, NW)(xf, pos0, pos1)

    grid_spec = pltpu.PrefetchScalarGridSpec(
        num_scalar_prefetch=6,
        grid=(T, NH),
        in_specs=[
            pl.BlockSpec((BM, C), lambda t, h, tb, te, a_, f_, o_, n_: (tb[t], 0)),
            pl.BlockSpec((1, C, BH), lambda t, h, tb, te, a_, f_, o_, n_: (te[t], 0, h)),
            pl.BlockSpec((1, 1, BH), lambda t, h, tb, te, a_, f_, o_, n_: (te[t], 0, h)),
            pl.BlockSpec((1, BH, C), lambda t, h, tb, te, a_, f_, o_, n_: (te[t], h, 0)),
            pl.BlockSpec((1, 1, C), lambda t, h, tb, te, a_, f_, o_, n_: (te[t], 0, 0)),
        ],
        out_specs=pl.BlockSpec((BM, C), lambda t, h, tb, te, a_, f_, o_, n_: (tb[t], 0)),
    )
    y_sorted = pl.pallas_call(
        _ffn_body,
        grid_spec=grid_spec,
        out_shape=jax.ShapeDtypeStruct((S, C), jnp.float32),
        compiler_params=pltpu.CompilerParams(
            dimension_semantics=("arbitrary", "arbitrary")),
    )(tile_b, tile_e, active, first, offs, ends,
      x_sorted, fc1_w, fc1_b.reshape(E, 1, H), fc2_w, fc2_b.reshape(E, 1, C))

    w0b = jnp.broadcast_to(w[:, 0:1], (N, 16))
    w1b = jnp.broadcast_to(w[:, 1:2], (N, 16))
    final = _make_combine(N, S, Cd, NW)(y_sorted, pos0, pos1, w0b, w1b)

    return final.reshape(B, L, Cd), logits.reshape(B, L, E)

# --- scband reference (transcript-rebuilt; emitter-appended) ---
"""Pipeline reference for scband-mo-e-ffn-14018773254408 (READ-ONLY COPY).

The authoritative reference and input builder live on the scoring server;
editing this copy changes nothing except your own understanding.
"""

import jax, jax.numpy as jnp
import numpy as np

E = 8
TOPK = 2
C = 1024
H = 4096


def setup_inputs(seed: int = 0) -> dict:
    key = jax.random.key(seed)
    ks = jax.random.split(key, 8)
    x = jax.random.normal(ks[0], (1, 2048, C), dtype=jnp.float32)
    gate_w = jax.random.normal(ks[1], (C, E), dtype=jnp.float32) * 0.02
    gate_b = jnp.zeros((E,), dtype=jnp.float32)
    fc1_w = jax.random.normal(ks[2], (E, C, H), dtype=jnp.float32) * 0.02
    fc1_b = jnp.zeros((E, H), dtype=jnp.float32)
    fc2_w = jax.random.normal(ks[3], (E, H, C), dtype=jnp.float32) * 0.02
    fc2_b = jnp.zeros((E, C), dtype=jnp.float32)
    return {"x": x, "gate_w": gate_w, "gate_b": gate_b, "fc1_w": fc1_w,
            "fc1_b": fc1_b, "fc2_w": fc2_w, "fc2_b": fc2_b}


def reference(x, gate_w, gate_b, fc1_w, fc1_b, fc2_w, fc2_b):
    B, L, Cd = x.shape
    # Router
    router_logits = x @ gate_w + gate_b                     # [B, L, E]
    router_prob = jax.nn.softmax(router_logits, axis=-1)
    expert_weights, selected_idx = jax.lax.top_k(router_prob, TOPK)  # [B, L, k]
    expert_weights = expert_weights / jnp.sum(expert_weights, axis=-1, keepdims=True)
    expert_weights = expert_weights.astype(x.dtype)

    xf = x.reshape(B * L, Cd)
    wf = expert_weights.reshape(B * L, TOPK)
    idx_f = selected_idx.reshape(B * L, TOPK)

    final = jnp.zeros_like(xf)
    for e in range(E):
        w_e = jnp.sum(jnp.where(idx_f == e, wf, jnp.zeros_like(wf)), axis=-1)
        h = jax.nn.gelu(xf @ fc1_w[e] + fc1_b[e], approximate=False)
        out = h @ fc2_w[e] + fc2_b[e]
        final = final + out * w_e[:, None]
    final = final.reshape(B, L, Cd)
    return final, router_logits

if __name__ == "__main__":
    import jax
    _d = setup_inputs()
    print(jax.jit(kernel)(*tuple(_d.values())))

</pallas_src>

<mosaic_0001>
#map = affine_map<(d0, d1) -> (0, 0)>
#map1 = affine_map<(d0, d1) -> (0)>
module attributes {stable_mosaic.version = 14 : i64} {
  func.func @comb(%arg0: i32, %arg1: i32, %arg2: memref<4096x1024xf32, #tpu.memory_space<hbm>>, %arg3: memref<2048xi32, #tpu.memory_space<hbm>>, %arg4: memref<2048xi32, #tpu.memory_space<hbm>>, %arg5: memref<2048x16xf32, #tpu.memory_space<hbm>>, %arg6: memref<2048x16xf32, #tpu.memory_space<hbm>>, %arg7: memref<2048x1024xf32, #tpu.memory_space<hbm>>, %arg8: memref<32x1024xf32, #tpu.memory_space<vmem>>, %arg9: memref<32x1024xf32, #tpu.memory_space<vmem>>, %arg10: memref<32xi32, #tpu.memory_space<vmem>>, %arg11: memref<32xi32, #tpu.memory_space<vmem>>, %arg12: memref<32x16xf32, #tpu.memory_space<vmem>>, %arg13: memref<32x16xf32, #tpu.memory_space<vmem>>, %arg14: memref<!tpu.dma_semaphore, #tpu.memory_space<semaphore_mem>>, %arg15: memref<!tpu.dma_semaphore, #tpu.memory_space<semaphore_mem>>) attributes {dimension_semantics = [#tpu.dimension_semantics<core_parallel>, #tpu.dimension_semantics<subcore_parallel>], iteration_bounds = array<i64: 2, 16>, scalar_prefetch = 0 : i64, scratch_operands = 8 : i64, tpu.core_type = #tpu.core_type<sc_vector_subcore>, window_params = [{transform_indices = #map}, {transform_indices = #map1}, {transform_indices = #map1}, {transform_indices = #map}, {transform_indices = #map}, {transform_indices = #map}]} {
    %mul3A = arith.constant 2 : i32
    %mul3A_0 = arith.muli %arg1, %mul3A : i32
    %add3A = arith.addi %mul3A_0, %arg0 : i32
    %mul3A_1 = arith.constant 64 : i32
    %mul3A_2 = arith.muli %add3A, %mul3A_1 : i32
    %add3A_3 = arith.constant 0 : i32
    %add3A_4 = arith.addi %mul3A_2, %add3A_3 : i32
    "tpu.region"() ({
      %run_scoped3A = tpu.sem_alloc : memref<!tpu.dma_semaphore, #tpu.memory_space<semaphore_mem>>
      %dma_start3A_44 = tpu.memref_slice %arg3[%add3A_4] : memref<2048xi32, #tpu.memory_space<hbm>> -> memref<32xi32, #tpu.memory_space<hbm>>
      %dma_start3A_45 = tpu.memref_slice %arg3[%add3A_4] : memref<2048xi32, #tpu.memory_space<hbm>> -> memref<32xi32, #tpu.memory_space<hbm>>
      tpu.enqueue_dma source(%dma_start3A_45 : memref<32xi32, #tpu.memory_space<hbm>>) target(%arg10 : memref<32xi32, #tpu.memory_space<vmem>>) target_semaphore(%run_scoped3A : memref<!tpu.dma_semaphore, #tpu.memory_space<semaphore_mem>>)
      %dma_wait3A_46 = tpu.memref_slice %arg3[%add3A_4] : memref<2048xi32, #tpu.memory_space<hbm>> -> memref<32xi32, #tpu.memory_space<hbm>>
      %dma_wait3A_47 = tpu.memref_slice %arg3[%add3A_4] : memref<2048xi32, #tpu.memory_space<hbm>> -> memref<32xi32, #tpu.memory_space<hbm>>
      tpu.wait_dma2 semaphore(%run_scoped3A : memref<!tpu.dma_semaphore, #tpu.memory_space<semaphore_mem>>) src(%dma_wait3A_47 : memref<32xi32, #tpu.memory_space<hbm>>) dst(%arg10 : memref<32xi32, #tpu.memory_space<vmem>>)
      tpu.yield
    }) : () -> ()
    "tpu.region"() ({
      %run_scoped3A = tpu.sem_alloc : memref<!tpu.dma_semaphore, #tpu.memory_space<semaphore_mem>>
      %dma_start3A_44 = tpu.memref_slice %arg4[%add3A_4] : memref<2048xi32, #tpu.memory_space<hbm>> -> memref<32xi32, #tpu.memory_space<hbm>>
      %dma_start3A_45 = tpu.memref_slice %arg4[%add3A_4] : memref<2048xi32, #tpu.memory_space<hbm>> -> memref<32xi32, #tpu.memory_space<hbm>>
      tpu.enqueue_dma source(%dma_start3A_45 : memref<32xi32, #tpu.memory_space<hbm>>) target(%arg11 : memref<32xi32, #tpu.memory_space<vmem>>) target_semaphore(%run_scoped3A : memref<!tpu.dma_semaphore, #tpu.memory_space<semaphore_mem>>)
      %dma_wait3A_46 = tpu.memref_slice %arg4[%add3A_4] : memref<2048xi32, #tpu.memory_space<hbm>> -> memref<32xi32, #tpu.memory_space<hbm>>
      %dma_wait3A_47 = tpu.memref_slice %arg4[%add3A_4] : memref<2048xi32, #tpu.memory_space<hbm>> -> memref<32xi32, #tpu.memory_space<hbm>>
      tpu.wait_dma2 semaphore(%run_scoped3A : memref<!tpu.dma_semaphore, #tpu.memory_space<semaphore_mem>>) src(%dma_wait3A_47 : memref<32xi32, #tpu.memory_space<hbm>>) dst(%arg11 : memref<32xi32, #tpu.memory_space<vmem>>)
      tpu.yield
    }) : () -> ()
    %dma_start3A = arith.constant 0 : i32
    %dma_start3A_5 = arith.constant 0 : i32
    %dma_start3A_6 = tpu.memref_slice %arg2[%dma_start3A, %dma_start3A_5] : memref<4096x1024xf32, #tpu.memory_space<hbm>> -> memref<4096x1024xf32, #tpu.memory_space<hbm>>
    tpu.enqueue_indirect_dma source(%dma_start3A_6 : memref<4096x1024xf32, #tpu.memory_space<hbm>>) target(%arg8 : memref<32x1024xf32, #tpu.memory_space<vmem>>) offsets(%arg10 : memref<32xi32, #tpu.memory_space<vmem>>) semaphore(%arg14 : memref<!tpu.dma_semaphore, #tpu.memory_space<semaphore_mem>>)
    %dma_start3A_7 = arith.constant 0 : i32
    %dma_start3A_8 = arith.constant 0 : i32
    %dma_start3A_9 = tpu.memref_slice %arg2[%dma_start3A_7, %dma_start3A_8] : memref<4096x1024xf32, #tpu.memory_space<hbm>> -> memref<4096x1024xf32, #tpu.memory_space<hbm>>
    tpu.enqueue_indirect_dma source(%dma_start3A_9 : memref<4096x1024xf32, #tpu.memory_space<hbm>>) target(%arg9 : memref<32x1024xf32, #tpu.memory_space<vmem>>) offsets(%arg11 : memref<32xi32, #tpu.memory_space<vmem>>) semaphore(%arg15 : memref<!tpu.dma_semaphore, #tpu.memory_space<semaphore_mem>>)
    "tpu.region"() ({
      %run_scoped3A = tpu.sem_alloc : memref<!tpu.dma_semaphore, #tpu.memory_space<semaphore_mem>>
      %dma_start3A_44 = arith.constant 0 : i32
      %dma_start3A_45 = tpu.memref_slice %arg5[%add3A_4, %dma_start3A_44] : memref<2048x16xf32, #tpu.memory_space<hbm>> -> memref<32x16xf32, #tpu.memory_space<hbm>>
      %dma_start3A_46 = arith.constant 0 : i32
      %dma_start3A_47 = tpu.memref_slice %arg5[%add3A_4, %dma_start3A_46] : memref<2048x16xf32, #tpu.memory_space<hbm>> -> memref<32x16xf32, #tpu.memory_space<hbm>>
      tpu.enqueue_dma source(%dma_start3A_47 : memref<32x16xf32, #tpu.memory_space<hbm>>) target(%arg12 : memref<32x16xf32, #tpu.memory_space<vmem>>) target_semaphore(%run_scoped3A : memref<!tpu.dma_semaphore, #tpu.memory_space<semaphore_mem>>)
      %dma_wait3A_48 = arith.constant 0 : i32
      %dma_wait3A_49 = tpu.memref_slice %arg5[%add3A_4, %dma_wait3A_48] : memref<2048x16xf32, #tpu.memory_space<hbm>> -> memref<32x16xf32, #tpu.memory_space<hbm>>
      %dma_wait3A_50 = arith.constant 0 : i32
      %dma_wait3A_51 = tpu.memref_slice %arg5[%add3A_4, %dma_wait3A_50] : memref<2048x16xf32, #tpu.memory_space<hbm>> -> memref<32x16xf32, #tpu.memory_space<hbm>>
      tpu.wait_dma2 semaphore(%run_scoped3A : memref<!tpu.dma_semaphore, #tpu.memory_space<semaphore_mem>>) src(%dma_wait3A_51 : memref<32x16xf32, #tpu.memory_space<hbm>>) dst(%arg12 : memref<32x16xf32, #tpu.memory_space<vmem>>)
      tpu.yield
    }) : () -> ()
    "tpu.region"() ({
      %run_scoped3A = tpu.sem_alloc : memref<!tpu.dma_semaphore, #tpu.memory_space<semaphore_mem>>
      %dma_start3A_44 = arith.constant 0 : i32
      %dma_start3A_45 = tpu.memref_slice %arg6[%add3A_4, %dma_start3A_44] : memref<2048x16xf32, #tpu.memory_space<hbm>> -> memref<32x16xf32, #tpu.memory_space<hbm>>
      %dma_start3A_46 = arith.constant 0 : i32
      %dma_start3A_47 = tpu.memref_slice %arg6[%add3A_4, %dma_start3A_46] : memref<2048x16xf32, #tpu.memory_space<hbm>> -> memref<32x16xf32, #tpu.memory_space<hbm>>
      tpu.enqueue_dma source(%dma_start3A_47 : memref<32x16xf32, #tpu.memory_space<hbm>>) target(%arg13 : memref<32x16xf32, #tpu.memory_space<vmem>>) target_semaphore(%run_scoped3A : memref<!tpu.dma_semaphore, #tpu.memory_space<semaphore_mem>>)
      %dma_wait3A_48 = arith.constant 0 : i32
      %dma_wait3A_49 = tpu.memref_slice %arg6[%add3A_4, %dma_wait3A_48] : memref<2048x16xf32, #tpu.memory_space<hbm>> -> memref<32x16xf32, #tpu.memory_space<hbm>>
      %dma_wait3A_50 = arith.constant 0 : i32
      %dma_wait3A_51 = tpu.memref_slice %arg6[%add3A_4, %dma_wait3A_50] : memref<2048x16xf32, #tpu.memory_space<hbm>> -> memref<32x16xf32, #tpu.memory_space<hbm>>
      tpu.wait_dma2 semaphore(%run_scoped3A : memref<!tpu.dma_semaphore, #tpu.memory_space<semaphore_mem>>) src(%dma_wait3A_51 : memref<32x16xf32, #tpu.memory_space<hbm>>) dst(%arg13 : memref<32x16xf32, #tpu.memory_space<vmem>>)
      tpu.yield
    }) : () -> ()
    %dma_wait3A = arith.constant 0 : i32
    %dma_wait3A_10 = arith.constant 0 : i32
    %dma_wait3A_11 = tpu.memref_slice %arg2[%dma_wait3A, %dma_wait3A_10] : memref<4096x1024xf32, #tpu.memory_space<hbm>> -> memref<4096x1024xf32, #tpu.memory_space<hbm>>
    tpu.wait_indirect_dma semaphore(%arg14 : memref<!tpu.dma_semaphore, #tpu.memory_space<semaphore_mem>>) src(%dma_wait3A_11 : memref<4096x1024xf32, #tpu.memory_space<hbm>>) dst(%arg8 : memref<32x1024xf32, #tpu.memory_space<vmem>>)
    %dma_wait3A_12 = arith.constant 0 : i32
    %dma_wait3A_13 = arith.constant 0 : i32
    %dma_wait3A_14 = tpu.memref_slice %arg2[%dma_wait3A_12, %dma_wait3A_13] : memref<4096x1024xf32, #tpu.memory_space<hbm>> -> memref<4096x1024xf32, #tpu.memory_space<hbm>>
    tpu.wait_indirect_dma semaphore(%arg15 : memref<!tpu.dma_semaphore, #tpu.memory_space<semaphore_mem>>) src(%dma_wait3A_14 : memref<4096x1024xf32, #tpu.memory_space<hbm>>) dst(%arg9 : memref<32x1024xf32, #tpu.memory_space<vmem>>)
    %scan3A = arith.constant 0 : i32
    %scan3A_15 = arith.constant 0 : i32
    %scan3A_16 = arith.constant 32 : i32
    %scan3A_17 = arith.addi %scan3A_15, %scan3A_16 : i32
    %scan3A_18 = arith.constant 1 : i32
    %scan3A_19 = scf.for %scan3A_44 = %scan3A_15 to %scan3A_17 step %scan3A_18 iter_args(%scan3A_45 = %scan3A) -> (i32)  : i32 {
      %get3A = arith.index_cast %scan3A_44 : i32 to index
      %get3A_46 = arith.constant 0 : index
      %get3A_47 = tpu.vector_load %arg12[%get3A, %get3A_46] {strides = array<i32>} : memref<32x16xf32, #tpu.memory_space<vmem>>, vector<1x16xf32>,
      %get3A_48 = vector.shape_cast %get3A_47 : vector<1x16xf32> to vector<16xf32>
      %get3A_49 = arith.index_cast %scan3A_44 : i32 to index
      %get3A_50 = arith.constant 0 : index
      %get3A_51 = tpu.vector_load %arg13[%get3A_49, %get3A_50] {strides = array<i32>} : memref<32x16xf32, #tpu.memory_space<vmem>>, vector<1x16xf32>,
      %get3A_52 = vector.shape_cast %get3A_51 : vector<1x16xf32> to vector<16xf32>
      %get3A_53 = arith.index_cast %scan3A_44 : i32 to index
      %get3A_54 = arith.constant 0 : index
      %get3A_55 = tpu.vector_load %arg8[%get3A_53, %get3A_54] {strides = array<i32>} : memref<32x1024xf32, #tpu.memory_space<vmem>>, vector<1x16xf32>,
      %get3A_56 = vector.shape_cast %get3A_55 : vector<1x16xf32> to vector<16xf32>
      %mul3A_57 = arith.mulf %get3A_48, %get3A_56 : vector<16xf32>
      %get3A_58 = arith.index_cast %scan3A_44 : i32 to index
      %get3A_59 = arith.constant 0 : index
      %get3A_60 = tpu.vector_load %arg9[%get3A_58, %get3A_59] {strides = array<i32>} : memref<32x1024xf32, #tpu.memory_space<vmem>>, vector<1x16xf32>,
      %get3A_61 = vector.shape_cast %get3A_60 : vector<1x16xf32> to vector<16xf32>
      %mul3A_62 = arith.mulf %get3A_52, %get3A_61 : vector<16xf32>
      %add3A_63 = arith.addf %mul3A_57, %mul3A_62 : vector<16xf32>
      %swap3A = arith.index_cast %scan3A_44 : i32 to index
      %swap3A_64 = arith.constant 0 : index
      %swap3A_65 = tpu.vector_load %arg8[%swap3A, %swap3A_64] {strides = array<i32>} : memref<32x1024xf32, #tpu.memory_space<vmem>>, vector<1x16xf32>,
      %swap3A_66 = vector.shape_cast %swap3A_65 : vector<1x16xf32> to vector<16xf32>
      %swap3A_67 = vector.shape_cast %add3A_63 : vector<16xf32> to vector<1x16xf32>
      tpu.vector_store %arg8[%swap3A, %swap3A_64], %swap3A_67 {strides = array<i32>} : memref<32x1024xf32, #tpu.memory_space<vmem>>, vector<1x16xf32>,
      %get3A_68 = arith.index_cast %scan3A_44 : i32 to index
      %get3A_69 = arith.constant 16 : index
      %get3A_70 = tpu.vector_load %arg8[%get3A_68, %get3A_69] {strides = array<i32>} : memref<32x1024xf32, #tpu.memory_space<vmem>>, vector<1x16xf32>,
      %get3A_71 = vector.shape_cast %get3A_70 : vector<1x16xf32> to vector<16xf32>
      %mul3A_72 = arith.mulf %get3A_48, %get3A_71 : vector<16xf32>
      %get3A_73 = arith.index_cast %scan3A_44 : i32 to index
      %get3A_74 = arith.constant 16 : index
      %get3A_75 = tpu.vector_load %arg9[%get3A_73, %get3A_74] {strides = array<i32>} : memref<32x1024xf32, #tpu.memory_space<vmem>>, vector<1x16xf32>,
      %get3A_76 = vector.shape_cast %get3A_75 : vector<1x16xf32> to vector<16xf32>
      %mul3A_77 = arith.mulf %get3A_52, %get3A_76 : vector<16xf32>
      %add3A_78 = arith.addf %mul3A_72, %mul3A_77 : vector<16xf32>
      %swap3A_79 = arith.index_cast %scan3A_44 : i32 to index
      %swap3A_80 = arith.constant 16 : index
      %swap3A_81 = tpu.vector_load %arg8[%swap3A_79, %swap3A_80] {strides = array<i32>} : memref<32x1024xf32, #tpu.memory_space<vmem>>, vector<1x16xf32>,
      %swap3A_82 = vector.shape_cast %swap3A_81 : vector<1x16xf32> to vector<16xf32>
      %swap3A_83 = vector.shape_cast %add3A_78 : vector<16xf32> to vector<1x16xf32>
      tpu.vector_store %arg8[%swap3A_79, %swap3A_80], %swap3A_83 {strides = array<i32>} : memref<32x1024xf32, #tpu.memory_space<vmem>>, vector<1x16xf32>,
      %get3A_84 = arith.index_cast %scan3A_44 : i32 to index
      %get3A_85 = arith.constant 32 : index
      %get3A_86 = tpu.vector_load %arg8[%get3A_84, %get3A_85] {strides = array<i32>} : memref<32x1024xf32, #tpu.memory_space<vmem>>, vector<1x16xf32>,
      %get3A_87 = vector.shape_cast %get3A_86 : vector<1x16xf32> to vector<16xf32>
      %mul3A_88 = arith.mulf %get3A_48, %get3A_87 : vector<16xf32>
      %get3A_89 = arith.index_cast %scan3A_44 : i32 to index
      %get3A_90 = arith.constant 32 : index
      %get3A_91 = tpu.vector_load %arg9[%get3A_89, %get3A_90] {strides = array<i32>} : memref<32x1024xf32, #tpu.memory_space<vmem>>, vector<1x16xf32>,
      %get3A_92 = vector.shape_cast %get3A_91 : vector<1x16xf32> to vector<16xf32>
      %mul3A_93 = arith.mulf %get3A_52, %get3A_92 : vector<16xf32>
      %add3A_94 = arith.addf %mul3A_88, %mul3A_93 : vector<16xf32>
      %swap3A_95 = arith.index_cast %scan3A_44 : i32 to index
      %swap3A_96 = arith.constant 32 : index
      %swap3A_97 = tpu.vector_load %arg8[%swap3A_95, %swap3A_96] {strides = array<i32>} : memref<32x1024xf32, #tpu.memory_space<vmem>>, vector<1x16xf32>,
      %swap3A_98 = vector.shape_cast %swap3A_97 : vector<1x16xf32> to vector<16xf32>
      %swap3A_99 = vector.shape_cast %add3A_94 : vector<16xf32> to vector<1x16xf32>
      tpu.vector_store %arg8[%swap3A_95, %swap3A_96], %swap3A_99 {strides = array<i32>} : memref<32x1024xf32, #tpu.memory_space<vmem>>, vector<1x16xf32>,
      %get3A_100 = arith.index_cast %scan3A_44 : i32 to index
      %get3A_101 = arith.constant 48 : index
      %get3A_102 = tpu.vector_load %arg8[%get3A_100, %get3A_101] {strides = array<i32>} : memref<32x1024xf32, #tpu.memory_space<vmem>>, vector<1x16xf32>,
      %get3A_103 = vector.shape_cast %get3A_102 : vector<1x16xf32> to vector<16xf32>
      %mul3A_104 = arith.mulf %get3A_48, %get3A_103 : vector<16xf32>
      %get3A_105 = arith.index_cast %scan3A_44 : i32 to index
      %get3A_106 = arith.constant 48 : index
      %get3A_107 = tpu.vector_load %arg9[%get3A_105, %get3A_106] {strides = array<i32>} : memref<32x1024xf32, #tpu.memory_space<vmem>>, vector<1x16xf32>,
      %get3A_108 = vector.shape_cast %get3A_107 : vector<1x16xf32> to vector<16xf32>
      %mul3A_109 = arith.mulf %get3A_52, %get3A_108 : vector<16xf32>
      %add3A_110 = arith.addf %mul3A_104, %mul3A_109 : vector<16xf32>
      %swap3A_111 = arith.index_cast %scan3A_44 : i32 to index
      %swap3A_112 = arith.constant 48 : index
      %swap3A_113 = tpu.vector_load %arg8[%swap3A_111, %swap3A_112] {strides = array<i32>} : memref<32x1024xf32, #tpu.memory_space<vmem>>, vector<1x16xf32>,
      %swap3A_114 = vector.shape_cast %swap3A_113 : vector<1x16xf32> to vector<16xf32>
      %swap3A_115 = vector.shape_cast %add3A_110 : vector<16xf32> to vector<1x16xf32>
      tpu.vector_store %arg8[%swap3A_111, %swap3A_112], %swap3A_115 {strides = array<i32>} : memref<32x1024xf32, #tpu.memory_space<vmem>>, vector<1x16xf32>,
      %get3A_116 = arith.index_cast %scan3A_44 : i32 to index
      %get3A_117 = arith.constant 64 : index
      %get3A_118 = tpu.vector_load %arg8[%get3A_116, %get3A_117] {strides = array<i32>} : memref<32x1024xf32, #tpu.memory_space<vmem>>, vector<1x16xf32>,
      %get3A_119 = vector.shape_cast %get3A_118 : vector<1x16xf32> to vector<16xf32>
      %mul3A_120 = arith.mulf %get3A_48, %get3A_119 : vector<16xf32>
      %get3A_121 = arith.index_cast %scan3A_44 : i32 to index
      %get3A_122 = arith.constant 64 : index
      %get3A_123 = tpu.vector_load %arg9[%get3A_121, %get3A_122] {strides = array<i32>} : memref<32x1024xf32, #tpu.memory_space<vmem>>, vector<1x16xf32>,
      %get3A_124 = vector.shape_cast %get3A_123 : vector<1x16xf32> to vector<16xf32>
      %mul3A_125 = arith.mulf %get3A_52, %get3A_124 : vector<16xf32>
      %add3A_126 = arith.addf %mul3A_120, %mul3A_125 : vector<16xf32>
      %swap3A_127 = arith.index_cast %scan3A_44 : i32 to index
      %swap3A_128 = arith.constant 64 : index
      %swap3A_129 = tpu.vector_load %arg8[%swap3A_127, %swap3A_128] {strides = array<i32>} : memref<32x1024xf32, #tpu.memory_space<vmem>>, vector<1x16xf32>,
      %swap3A_130 = vector.shape_cast %swap3A_129 : vector<1x16xf32> to vector<16xf32>
      %swap3A_131 = vector.shape_cast %add3A_126 : vector<16xf32> to vector<1x16xf32>
      tpu.vector_store %arg8[%swap3A_127, %swap3A_128], %swap3A_131 {strides = array<i32>} : memref<32x1024xf32, #tpu.memory_space<vmem>>, vector<1x16xf32>,
      %get3A_132 = arith.index_cast %scan3A_44 : i32 to index
      %get3A_133 = arith.constant 80 : index
      %get3A_134 = tpu.vector_load %arg8[%get3A_132, %get3A_133] {strides = array<i32>} : memref<32x1024xf32, #tpu.memory_space<vmem>>, vector<1x16xf32>,
      %get3A_135 = vector.shape_cast %get3A_134 : vector<1x16xf32> to vector<16xf32>
      %mul3A_136 = arith.mulf %get3A_48, %get3A_135 : vector<16xf32>
      %get3A_137 = arith.index_cast %scan3A_44 : i32 to index
      %get3A_138 = arith.constant 80 : index
      %get3A_139 = tpu.vector_load %arg9[%get3A_137, %get3A_138] {strides = array<i32>} : memref<32x1024xf32, #tpu.memory_space<vmem>>, vector<1x16xf32>,
      %get3A_140 = vector.shape_cast %get3A_139 : vector<1x16xf32> to vector<16xf32>
      %mul3A_141 = arith.mulf %get3A_52, %get3A_140 : vector<16xf32>
      %add3A_142 = arith.addf %mul3A_136, %mul3A_141 : vector<16xf32>
      %swap3A_143 = arith.index_cast %scan3A_44 : i32 to index
      %swap3A_144 = arith.constant 80 : index
      %swap3A_145 = tpu.vector_load %arg8[%swap3A_143, %swap3A_144] {strides = array<i32>} : memref<32x1024xf32, #tpu.memory_space<vmem>>, vector<1x16xf32>,
      %swap3A_146 = vector.shape_cast %swap3A_145 : vector<1x16xf32> to vector<16xf32>
      %swap3A_147 = vector.shape_cast %add3A_142 : vector<16xf32> to vector<1x16xf32>
      tpu.vector_store %arg8[%swap3A_143, %swap3A_144], %swap3A_147 {strides = array<i32>} : memref<32x1024xf32, #tpu.memory_space<vmem>>, vector<1x16xf32>,
      %get3A_148 = arith.index_cast %scan3A_44 : i32 to index
      %get3A_149 = arith.constant 96 : index
      %get3A_150 = tpu.vector_load %arg8[%get3A_148, %get3A_149] {strides = array<i32>} : memref<32x1024xf32, #tpu.memory_space<vmem>>, vector<1x16xf32>,
      %get3A_151 = vector.shape_cast %get3A_150 : vector<1x16xf32> to vector<16xf32>
      %mul3A_152 = arith.mulf %get3A_48, %get3A_151 : vector<16xf32>
      %get3A_153 = arith.index_cast %scan3A_44 : i32 to index
      %get3A_154 = arith.constant 96 : index
      %get3A_155 = tpu.vector_load %arg9[%get3A_153, %get3A_154] {strides = array<i32>} : memref<32x1024xf32, #tpu.memory_space<vmem>>, vector<1x16xf32>,
      %get3A_156 = vector.shape_cast %get3A_155 : vector<1x16xf32> to vector<16xf32>
      %mul3A_157 = arith.mulf %get3A_52, %get3A_156 : vector<16xf32>
      %add3A_158 = arith.addf %mul3A_152, %mul3A_157 : vector<16xf32>
      %swap3A_159 = arith.index_cast %scan3A_44 : i32 to index
      %swap3A_160 = arith.constant 96 : index
      %swap3A_161 = tpu.vector_load %arg8[%swap3A_159, %swap3A_160] {strides = array<i32>} : memref<32x1024xf32, #tpu.memory_space<vmem>>, vector<1x16xf32>,
      %swap3A_162 = vector.shape_cast %swap3A_161 : vector<1x16xf32> to vector<16xf32>
      %swap3A_163 = vector.shape_cast %add3A_158 : vector<16xf32> to vector<1x16xf32>
      tpu.vector_store %arg8[%swap3A_159, %swap3A_160], %swap3A_163 {strides = array<i32>} : memref<32x1024xf32, #tpu.memory_space<vmem>>, vector<1x16xf32>,
      %get3A_164 = arith.index_cast %scan3A_44 : i32 to index
      %get3A_165 = arith.constant 112 : index
      %get3A_166 = tpu.vector_load %arg8[%get3A_164, %get3A_165] {strides = array<i32>} : memref<32x1024xf32, #tpu.memory_space<vmem>>, vector<1x16xf32>,
      %get3A_167 = vector.shape_cast %get3A_166 : vector<1x16xf32> to vector<16xf32>
      %mul3A_168 = arith.mulf %get3A_48, %get3A_167 : vector<16xf32>
      %get3A_169 = arith.index_cast %scan3A_44 : i32 to index
      %get3A_170 = arith.constant 112 : index
      %get3A_171 = tpu.vector_load %arg9[%get3A_169, %get3A_170] {strides = array<i32>} : memref<32x1024xf32, #tpu.memory_space<vmem>>, vector<1x16xf32>,
      %get3A_172 = vector.shape_cast %get3A_171 : vector<1x16xf32> to vector<16xf32>
      %mul3A_173 = arith.mulf %get3A_52, %get3A_172 : vector<16xf32>
      %add3A_174 = arith.addf %mul3A_168, %mul3A_173 : vector<16xf32>
      %swap3A_175 = arith.index_cast %scan3A_44 : i32 to index
      %swap3A_176 = arith.constant 112 : index
      %swap3A_177 = tpu.vector_load %arg8[%swap3A_175, %swap3A_176] {strides = array<i32>} : memref<32x1024xf32, #tpu.memory_space<vmem>>, vector<1x16xf32>,
      %swap3A_178 = vector.shape_cast %swap3A_177 : vector<1x16xf32> to vector<16xf32>
      %swap3A_179 = vector.shape_cast %add3A_174 : vector<16xf32> to vector<1x16xf32>
      tpu.vector_store %arg8[%swap3A_175, %swap3A_176], %swap3A_179 {strides = array<i32>} : memref<32x1024xf32, #tpu.memory_space<vmem>>, vector<1x16xf32>,
      %get3A_180 = arith.index_cast %scan3A_44 : i32 to index
      %get3A_181 = arith.constant 128 : index
      %get3A_182 = tpu.vector_load %arg8[%get3A_180, %get3A_181] {strides = array<i32>} : memref<32x1024xf32, #tpu.memory_space<vmem>>, vector<1x16xf32>,
      %get3A_183 = vector.shape_cast %get3A_182 : vector<1x16xf32> to vector<16xf32>
      %mul3A_184 = arith.mulf %get3A_48, %get3A_183 : vector<16xf32>
      %get3A_185 = arith.index_cast %scan3A_44 : i32 to index
      %get3A_186 = arith.constant 128 : index
      %get3A_187 = tpu.vector_load %arg9[%get3A_185, %get3A_186] {strides = array<i32>} : memref<32x1024xf32, #tpu.memory_space<vmem>>, vector<1x16xf32>,
      %get3A_188 = vector.shape_cast %get3A_187 : vector<1x16xf32> to vector<16xf32>
      %mul3A_189 = arith.mulf %get3A_52, %get3A_188 : vector<16xf32>
      %add3A_190 = arith.addf %mul3A_184, %mul3A_189 : vector<16xf32>
      %swap3A_191 = arith.index_cast %scan3A_44 : i32 to index
      %swap3A_192 = arith.constant 128 : index
      %swap3A_193 = tpu.vector_load %arg8[%swap3A_191, %swap3A_192] {strides = array<i32>} : memref<32x1024xf32, #tpu.memory_space<vmem>>, vector<1x16xf32>,
      %swap3A_194 = vector.shape_cast %swap3A_193 : vector<1x16xf32> to vector<16xf32>
      %swap3A_195 = vector.shape_cast %add3A_190 : vector<16xf32> to vector<1x16xf32>
      tpu.vector_store %arg8[%swap3A_191, %swap3A_192], %swap3A_195 {strides = array<i32>} : memref<32x1024xf32, #tpu.memory_space<vmem>>, vector<1x16xf32>,
      %get3A_196 = arith.index_cast %scan3A_44 : i32 to index
      %get3A_197 = arith.constant 144 : index
      %get3A_198 = tpu.vector_load %arg8[%get3A_196, %get3A_197] {strides = array<i32>} : memref<32x1024xf32, #tpu.memory_space<vmem>>, vector<1x16xf32>,
      %get3A_199 = vector.shape_cast %get3A_198 : vector<1x16xf32> to vector<16xf32>
      %mul3A_200 = arith.mulf %get3A_48, %get3A_199 : vector<16xf32>
      %get3A_201 = arith.index_cast %scan3A_44 : i32 to index
      %get3A_202 = arith.constant 144 : index
      %get3A_203 = tpu.vector_load %arg9[%get3A_201, %get3A_202] {strides = array<i32>} : memref<32x1024xf32, #tpu.memory_space<vmem>>, vector<1x16xf32>,
      %get3A_204 = vector.shape_cast %get3A_203 : vector<1x16xf32> to vector<16xf32>
      %mul3A_205 = arith.mulf %get3A_52, %get3A_204 : vector<16xf32>
      %add3A_206 = arith.addf %mul3A_200, %mul3A_205 : vector<16xf32>
      %swap3A_207 = arith.index_cast %scan3A_44 : i32 to index
      %swap3A_208 = arith.constant 144 : index
      %swap3A_209 = tpu.vector_load %arg8[%swap3A_207, %swap3A_208] {strides = array<i32>} : memref<32x1024xf32, #tpu.memory_space<vmem>>, vector<1x16xf32>,
      %swap3A_210 = vector.shape_cast %swap3A_209 : vector<1x16xf32> to vector<16xf32>
      %swap3A_211 = vector.shape_cast %add3A_206 : vector<16xf32> to vector<1x16xf32>
      tpu.vector_store %arg8[%swap3A_207, %swap3A_208], %swap3A_211 {strides = array<i32>} : memref<32x1024xf32, #tpu.memory_space<vmem>>, vector<1x16xf32>,
      %get3A_212 = arith.index_cast %scan3A_44 : i32 to index
      %get3A_213 = arith.constant 160 : index
      %get3A_214 = tpu.vector_load %arg8[%get3A_212, %get3A_213] {strides = array<i32>} : memref<32x1024xf32, #tpu.memory_space<vmem>>, vector<1x16xf32>,
      %get3A_215 = vector.shape_cast %get3A_214 : vector<1x16xf32> to vector<16xf32>
      %mul3A_216 = arith.mulf %get3A_48, %get3A_215 : vector<16xf32>
      %get3A_217 = arith.index_cast %scan3A_44 : i32 to index
      %get3A_218 = arith.constant 160 : index
      %get3A_219 = tpu.vector_load %arg9[%get3A_217, %get3A_218] {strides = array<i32>} : memref<32x1024xf32, #tpu.memory_space<vmem>>, vector<1x16xf32>,
      %get3A_220 = vector.shape_cast %get3A_219 : vector<1x16xf32> to vector<16xf32>
      %mul3A_221 = arith.mulf %get3A_52, %get3A_220 : vector<16xf32>
      %add3A_222 = arith.addf %mul3A_216, %mul3A_221 : vector<16xf32>
      %swap3A_223 = arith.index_cast %scan3A_44 : i32 to index
      %swap3A_224 = arith.constant 160 : index
      %swap3A_225 = tpu.vector_load %arg8[%swap3A_223, %swap3A_224] {strides = array<i32>} : memref<32x1024xf32, #tpu.memory_space<vmem>>, vector<1x16xf32>,
      %swap3A_226 = vector.shape_cast %swap3A_225 : vector<1x16xf32> to vector<16xf32>
      %swap3A_227 = vector.shape_cast %add3A_222 : vector<16xf32> to vector<1x16xf32>
      tpu.vector_store %arg8[%swap3A_223, %swap3A_224], %swap3A_227 {strides = array<i32>} : memref<32x1024xf32, #tpu.memory_space<vmem>>, vector<1x16xf32>,
      %get3A_228 = arith.index_cast %scan3A_44 : i32 to index
      %get3A_229 = arith.constant 176 : index
      %get3A_230 = tpu.vector_load %arg8[%get3A_228, %get3A_229] {strides = array<i32>} : memref<32x1024xf32, #tpu.memory_space<vmem>>, vector<1x16xf32>,
      %get3A_231 = vector.shape_cast %get3A_230 : vector<1x16xf32> to vector<16xf32>
      %mul3A_232 = arith.mulf %get3A_48, %get3A_231 : vector<16xf32>
      %get3A_233 = arith.index_cast %scan3A_44 : i32 to index
      %get3A_234 = arith.constant 176 : index
      %get3A_235 = tpu.vector_load %arg9[%get3A_233, %get3A_234] {strides = array<i32>} : memref<32x1024xf32, #tpu.memory_space<vmem>>, vector<1x16xf32>,
      %get3A_236 = vector.shape_cast %get3A_235 : vector<1x16xf32> to vector<16xf32>
      %mul3A_237 = arith.mulf %get3A_52, %get3A_236 : vector<16xf32>
      %add3A_238 = arith.addf %mul3A_232, %mul3A_237 : vector<16xf32>
      %swap3A_239 = arith.index_cast %scan3A_44 : i32 to index
      %swap3A_240 = arith.constant 176 : index
      %swap3A_241 = tpu.vector_load %arg8[%swap3A_239, %swap3A_240] {strides = array<i32>} : memref<32x1024xf32, #tpu.memory_space<vmem>>, vector<1x16xf32>,
      %swap3A_242 = vector.shape_cast %swap3A_241 : vector<1x16xf32> to vector<16xf32>
      %swap3A_243 = vector.shape_cast %add3A_238 : vector<16xf32> to vector<1x16xf32>
      tpu.vector_store %arg8[%swap3A_239, %swap3A_240], %swap3A_243 {strides = array<i32>} : memref<32x1024xf32, #tpu.memory_space<vmem>>, vector<1x16xf32>,
      %get3A_244 = arith.index_cast %scan3A_44 : i32 to index
      %get3A_245 = arith.constant 192 : index
      %get3A_246 = tpu.vector_load %arg8[%get3A_244, %get3A_245] {strides = array<i32>} : memref<32x1024xf32, #tpu.memory_space<vmem>>, vector<1x16xf32>,
      %get3A_247 = vector.shape_cast %get3A_246 : vector<1x16xf32> to vector<16xf32>
      %mul3A_248 = arith.mulf %get3A_48, %get3A_247 : vector<16xf32>
      %get3A_249 = arith.index_cast %scan3A_44 : i32 to index
      %get3A_250 = arith.constant 192 : index
      %get3A_251 = tpu.vector_load %arg9[%get3A_249, %get3A_250] {strides = array<i32>} : memref<32x1024xf32, #tpu.memory_space<vmem>>, vector<1x16xf32>,
      %get3A_252 = vector.shape_cast %get3A_251 : vector<1x16xf32> to vector<16xf32>
      %mul3A_253 = arith.mulf %get3A_52, %get3A_252 : vector<16xf32>
      %add3A_254 = arith.addf %mul3A_248, %mul3A_253 : vector<16xf32>
      %swap3A_255 = arith.index_cast %scan3A_44 : i32 to index
      %swap3A_256 = arith.constant 192 : index
      %swap3A_257 = tpu.vector_load %arg8[%swap3A_255, %swap3A_256] {strides = array<i32>} : memref<32x1024xf32, #tpu.memory_space<vmem>>, vector<1x16xf32>,
      %swap3A_258 = vector.shape_cast %swap3A_257 : vector<1x16xf32> to vector<16xf32>
      %swap3A_259 = vector.shape_cast %add3A_254 : vector<16xf32> to vector<1x16xf32>
      tpu.vector_store %arg8[%swap3A_255, %swap3A_256], %swap3A_259 {strides = array<i32>} : memref<32x1024xf32, #tpu.memory_space<vmem>>, vector<1x16xf32>,
      %get3A_260 = arith.index_cast %scan3A_44 : i32 to index
      %get3A_261 = arith.constant 208 : index
      %get3A_262 = tpu.vector_load %arg8[%get3A_260, %get3A_261] {strides = array<i32>} : memref<32x1024xf32, #tpu.memory_space<vmem>>, vector<1x16xf32>,
      %get3A_263 = vector.shape_cast %get3A_262 : vector<1x16xf32> to vector<16xf32>
      %mul3A_264 = arith.mulf %get3A_48, %get3A_263 : vector<16xf32>
      %get3A_265 = arith.index_cast %scan3A_44 : i32 to index
      %get3A_266 = arith.constant 208 : index
      %get3A_267 = tpu.vector_load %arg9[%get3A_265, %get3A_266] {strides = array<i32>} : memref<32x1024xf32, #tpu.memory_space<vmem>>, vector<1x16xf32>,
      %get3A_268 = vector.shape_cast %get3A_267 : vector<1x16xf32> to vector<16xf32>
      %mul3A_269 = arith.mulf %get3A_52, %get3A_268 : vector<16xf32>
      %add3A_270 = arith.addf %mul3A_264, %mul3A_269 : vector<16xf32>
      %swap3A_271 = arith.index_cast %scan3A_44 : i32 to index
      %swap3A_272 = arith.constant 208 : index
      %swap3A_273 = tpu.vector_load %arg8[%swap3A_271, %swap3A_272] {strides = array<i32>} : memref<32x1024xf32, #tpu.memory_space<vmem>>, vector<1x16xf32>,
      %swap3A_274 = vector.shape_cast %swap3A_273 : vector<1x16xf32> to vector<16xf32>
      %swap3A_275 = vector.shape_cast %add3A_270 : vector<16xf32> to vector<1x16xf32>
      tpu.vector_store %arg8[%swap3A_271, %swap3A_272], %swap3A_275 {strides = array<i32>} : memref<32x1024xf32, #tpu.memory_space<vmem>>, vector<1x16xf32>,
      %get3A_276 = arith.index_cast %scan3A_44 : i32 to index
      %get3A_277 = arith.constant 224 : index
      %get3A_278 = tpu.vector_load %arg8[%get3A_276, %get3A_277] {strides = array<i32>} : memref<32x1024xf32, #tpu.memory_space<vmem>>, vector<1x16xf32>,
      %get3A_279 = vector.shape_cast %get3A_278 : vector<1x16xf32> to vector<16xf32>
      %mul3A_280 = arith.mulf %get3A_48, %get3A_279 : vector<16xf32>
      %get3A_281 = arith.index_cast %scan3A_44 : i32 to index
      %get3A_282 = arith.constant 224 : index
      %get3A_283 = tpu.vector_load %arg9[%get3A_281, %get3A_282] {strides = array<i32>} : memref<32x1024xf32, #tpu.memory_space<vmem>>, vector<1x16xf32>,
      %get3A_284 = vector.shape_cast %get3A_283 : vector<1x16xf32> to vector<16xf32>
      %mul3A_285 = arith.mulf %get3A_52, %get3A_284 : vector<16xf32>
      %add3A_286 = arith.addf %mul3A_280, %mul3A_285 : vector<16xf32>
      %swap3A_287 = arith.index_cast %scan3A_44 : i32 to index
      %swap3A_288 = arith.constant 224 : index
      %swap3A_289 = tpu.vector_load %arg8[%swap3A_287, %swap3A_288] {strides = array<i32>} : memref<32x1024xf32, #tpu.memory_space<vmem>>, vector<1x16xf32>,
      %swap3A_290 = vector.shape_cast %swap3A_289 : vector<1x16xf32> to vector<16xf32>
      %swap3A_291 = vector.shape_cast %add3A_286 : vector<16xf32> to vector<1x16xf32>
      tpu.vector_store %arg8[%swap3A_287, %swap3A_288], %swap3A_291 {strides = array<i32>} : memref<32x1024xf32, #tpu.memory_space<vmem>>, vector<1x16xf32>,
      %get3A_292 = arith.index_cast %scan3A_44 : i32 to index
      %get3A_293 = arith.constant 240 : index
      %get3A_294 = tpu.vector_load %arg8[%get3A_292, %get3A_293] {strides = array<i32>} : memref<32x1024xf32, #tpu.memory_space<vmem>>, vector<1x16xf32>,
      %get3A_295 = vector.shape_cast %get3A_294 : vector<1x16xf32> to vector<16xf32>
      %mul3A_296 = arith.mulf %get3A_48, %get3A_295 : vector<16xf32>
      %get3A_297 = arith.index_cast %scan3A_44 : i32 to index
      %get3A_298 = arith.constant 240 : index
      %get3A_299 = tpu.vector_load %arg9[%get3A_297, %get3A_298] {strides = array<i32>} : memref<32x1024xf32, #tpu.memory_space<vmem>>, vector<1x16xf32>,
      %get3A_300 = vector.shape_cast %get3A_299 : vector<1x16xf32> to vector<16xf32>
      %mul3A_301 = arith.mulf %get3A_52, %get3A_300 : vector<16xf32>
      %add3A_302 = arith.addf %mul3A_296, %mul3A_301 : vector<16xf32>
      %swap3A_303 = arith.index_cast %scan3A_44 : i32 to index
      %swap3A_304 = arith.constant 240 : index
      %swap3A_305 = tpu.vector_load %arg8[%swap3A_303, %swap3A_304] {strides = array<i32>} : memref<32x1024xf32, #tpu.memory_space<vmem>>, vector<1x16xf32>,
      %swap3A_306 = vector.shape_cast %swap3A_305 : vector<1x16xf32> to vector<16xf32>
      %swap3A_307 = vector.shape_cast %add3A_302 : vector<16xf32> to vector<1x16xf32>
      tpu.vector_store %arg8[%swap3A_303, %swap3A_304], %swap3A_307 {strides = array<i32>} : memref<32x1024xf32, #tpu.memory_space<vmem>>, vector<1x16xf32>,
      %get3A_308 = arith.index_cast %scan3A_44 : i32 to index
      %get3A_309 = arith.constant 256 : index
      %get3A_310 = tpu.vector_load %arg8[%get3A_308, %get3A_309] {strides = array<i32>} : memref<32x1024xf32, #tpu.memory_space<vmem>>, vector<1x16xf32>,
      %get3A_311 = vector.shape_cast %get3A_310 : vector<1x16xf32> to vector<16xf32>
      %mul3A_312 = arith.mulf %get3A_48, %get3A_311 : vector<16xf32>
      %get3A_313 = arith.index_cast %scan3A_44 : i32 to index
      %get3A_314 = arith.constant 256 : index
      %get3A_315 = tpu.vector_load %arg9[%get3A_313, %get3A_314] {strides = array<i32>} : memref<32x1024xf32, #tpu.memory_space<vmem>>, vector<1x16xf32>,
      %get3A_316 = vector.shape_cast %get3A_315 : vector<1x16xf32> to vector<16xf32>
      %mul3A_317 = arith.mulf %get3A_52, %get3A_316 : vector<16xf32>
      %add3A_318 = arith.addf %mul3A_312, %mul3A_317 : vector<16xf32>
      %swap3A_319 = arith.index_cast %scan3A_44 : i32 to index
      %swap3A_320 = arith.constant 256 : index
      %swap3A_321 = tpu.vector_load %arg8[%swap3A_319, %swap3A_320] {strides = array<i32>} : memref<32x1024xf32, #tpu.memory_space<vmem>>, vector<1x16xf32>,
      %swap3A_322 = vector.shape_cast %swap3A_321 : vector<1x16xf32> to vector<16xf32>
      %swap3A_323 = vector.shape_cast %add3A_318 : vector<16xf32> to vector<1x16xf32>
      tpu.vector_store %arg8[%swap3A_319, %swap3A_320], %swap3A_323 {strides = array<i32>} : memref<32x1024xf32, #tpu.memory_space<vmem>>, vector<1x16xf32>,
      %get3A_324 = arith.index_cast %scan3A_44 : i32 to index
      %get3A_325 = arith.constant 272 : index
      %get3A_326 = tpu.vector_load %arg8[%get3A_324, %get3A_325] {strides = array<i32>} : memref<32x1024xf32, #tpu.memory_space<vmem>>, vector<1x16xf32>,
      %get3A_327 = vector.shape_cast %get3A_326 : vector<1x16xf32> to vector<16xf32>
      %mul3A_328 = arith.mulf %get3A_48, %get3A_327 : vector<16xf32>
      %get3A_329 = arith.index_cast %scan3A_44 : i32 to index
      %get3A_330 = arith.constant 272 : index
      %get3A_331 = tpu.vector_load %arg9[%get3A_329, %get3A_330] {strides = array<i32>} : memref<32x1024xf32, #tpu.memory_space<vmem>>, vector<1x16xf32>,
      %get3A_332 = vector.shape_cast %get3A_331 : vector<1x16xf32> to vector<16xf32>
      %mul3A_333 = arith.mulf %get3A_52, %get3A_332 : vector<16xf32>
      %add3A_334 = arith.addf %mul3A_328, %mul3A_333 : vector<16xf32>
      %swap3A_335 = arith.index_cast %scan3A_44 : i32 to index
      %swap3A_336 = arith.constant 272 : index
      %swap3A_337 = tpu.vector_load %arg8[%swap3A_335, %swap3A_336] {strides = array<i32>} : memref<32x1024xf32, #tpu.memory_space<vmem>>, vector<1x16xf32>,
      %swap3A_338 = vector.shape_cast %swap3A_337 : vector<1x16xf32> to vector<16xf32>
      %swap3A_339 = vector.shape_cast %add3A_334 : vector<16xf32> to vector<1x16xf32>
      tpu.vector_store %arg8[%swap3A_335, %swap3A_336], %swap3A_339 {strides = array<i32>} : memref<32x1024xf32, #tpu.memory_space<vmem>>, vector<1x16xf32>,
      %get3A_340 = arith.index_cast %scan3A_44 : i32 to index
      %get3A_341 = arith.constant 288 : index
      %get3A_342 = tpu.vector_load %arg8[%get3A_340, %get3A_341] {strides = array<i32>} : memref<32x1024xf32, #tpu.memory_space<vmem>>, vector<1x16xf32>,
      %get3A_343 = vector.shape_cast %get3A_342 : vector<1x16xf32> to vector<16xf32>
      %mul3A_344 = arith.mulf %get3A_48, %get3A_343 : vector<16xf32>
      %get3A_345 = arith.index_cast %scan3A_44 : i32 to index
      %get3A_346 = arith.constant 288 : index
      %get3A_347 = tpu.vector_load %arg9[%get3A_345, %get3A_346] {strides = array<i32>} : memref<32x1024xf32, #tpu.memory_space<vmem>>, vector<1x16xf32>,
      %get3A_348 = vector.shape_cast %get3A_347 : vector<1x16xf32> to vector<16xf32>
      %mul3A_349 = arith.mulf %get3A_52, %get3A_348 : vector<16xf32>
      %add3A_350 = arith.addf %mul3A_344, %mul3A_349 : vector<16xf32>
      %swap3A_351 = arith.index_cast %scan3A_44 : i32 to index
      %swap3A_352 = arith.constant 288 : index
      %swap3A_353 = tpu.vector_load %arg8[%swap3A_351, %swap3A_352] {strides = array<i32>} : memref<32x1024xf32, #tpu.memory_space<vmem>>, vector<1x16xf32>,
      %swap3A_354 = vector.shape_cast %swap3A_353 : vector<1x16xf32> to vector<16xf32>
      %swap3A_355 = vector.shape_cast %add3A_350 : vector<16xf32> to vector<1x16xf32>
      tpu.vector_store %arg8[%swap3A_351, %swap3A_352], %swap3A_355 {strides = array<i32>} : memref<32x1024xf32, #tpu.memory_space<vmem>>, vector<1x16xf32>,
      %get3A_356 = arith.index_cast %scan3A_44 : i32 to index
      %get3A_357 = arith.constant 304 : index
      %get3A_358 = tpu.vector_load %arg8[%get3A_356, %get3A_357] {strides = array<i32>} : memref<32x1024xf32, #tpu.memory_space<vmem>>, vector<1x16xf32>,
      %get3A_359 = vector.shape_cast %get3A_358 : vector<1x16xf32> to vector<16xf32>
      %mul3A_360 = arith.mulf %get3A_48, %get3A_359 : vector<16xf32>
      %get3A_361 = arith.index_cast %scan3A_44 : i32 to index
      %get3A_362 = arith.constant 304 : index
      %get3A_363 = tpu.vector_load %arg9[%get3A_361, %get3A_362] {strides = array<i32>} : memref<32x1024xf32, #tpu.memory_space<vmem>>, vector<1x16xf32>,
      %get3A_364 = vector.shape_cast %get3A_363 : vector<1x16xf32> to vector<16xf32>
      %mul3A_365 = arith.mulf %get3A_52, %get3A_364 : vector<16xf32>
      %add3A_366 = arith.addf %mul3A_360, %mul3A_365 : vector<16xf32>
      %swap3A_367 = arith.index_cast %scan3A_44 : i32 to index
      %swap3A_368 = arith.constant 304 : index
      %swap3A_369 = tpu.vector_load %arg8[%swap3A_367, %swap3A_368] {strides = array<i32>} : memref<32x1024xf32, #tpu.memory_space<vmem>>, vector<1x16xf32>,
      %swap3A_370 = vector.shape_cast %swap3A_369 : vector<1x16xf32> to vector<16xf32>
      %swap3A_371 = vector.shape_cast %add3A_366 : vector<16xf32> to vector<1x16xf32>
      tpu.vector_store %arg8[%swap3A_367, %swap3A_368], %swap3A_371 {strides = array<i32>} : memref<32x1024xf32, #tpu.memory_space<vmem>>, vector<1x16xf32>,
      %get3A_372 = arith.index_cast %scan3A_44 : i32 to index
      %get3A_373 = arith.constant 320 : index
      %get3A_374 = tpu.vector_load %arg8[%get3A_372, %get3A_373] {strides = array<i32>} : memref<32x1024xf32, #tpu.memory_space<vmem>>, vector<1x16xf32>,
      %get3A_375 = vector.shape_cast %get3A_374 : vector<1x16xf32> to vector<16xf32>
      %mul3A_376 = arith.mulf %get3A_48, %get3A_375 : vector<16xf32>
      %get3A_377 = arith.index_cast %scan3A_44 : i32 to index
      %get3A_378 = arith.constant 320 : index
      %get3A_379 = tpu.vector_load %arg9[%get3A_377, %get3A_378] {strides = array<i32>} : memref<32x1024xf32, #tpu.memory_space<vmem>>, vector<1x16xf32>,
      %get3A_380 = vector.shape_cast %get3A_379 : vector<1x16xf32> to vector<16xf32>
      %mul3A_381 = arith.mulf %get3A_52, %get3A_380 : vector<16xf32>
      %add3A_382 = arith.addf %mul3A_376, %mul3A_381 : vector<16xf32>
      %swap3A_383 = arith.index_cast %scan3A_44 : i32 to index
      %swap3A_384 = arith.constant 320 : index
      %swap3A_385 = tpu.vector_load %arg8[%swap3A_383, %swap3A_384] {strides = array<i32>} : memref<32x1024xf32, #tpu.memory_space<vmem>>, vector<1x16xf32>,
      %swap3A_386 = vector.shape_cast %swap3A_385 : vector<1x16xf32> to vector<16xf32>
      %swap3A_387 = vector.shape_cast %add3A_382 : vector<16xf32> to vector<1x16xf32>
      tpu.vector_store %arg8[%swap3A_383, %swap3A_384], %swap3A_387 {strides = array<i32>} : memref<32x1024xf32, #tpu.memory_space<vmem>>, vector<1x16xf32>,
      %get3A_388 = arith.index_cast %scan3A_44 : i32 to index
      %get3A_389 = arith.constant 336 : index
      %get3A_390 = tpu.vector_load %arg8[%get3A_388, %get3A_389] {strides = array<i32>} : memref<32x1024xf32, #tpu.memory_space<vmem>>, vector<1x16xf32>,
      %get3A_391 = vector.shape_cast %get3A_390 : vector<1x16xf32> to vector<16xf32>
      %mul3A_392 = arith.mulf %get3A_48, %get3A_391 : vector<16xf32>
      %get3A_393 = arith.index_cast %scan3A_44 : i32 to index
      %get3A_394 = arith.constant 336 : index
      %get3A_395 = tpu.vector_load %arg9[%get3A_393, %get3A_394] {strides = array<i32>} : memref<32x1024xf32, #tpu.memory_space<vmem>>, vector<1x16xf32>,
      %get3A_396 = vector.shape_cast %get3A_395 : vector<1x16xf32> to vector<16xf32>
      %mul3A_397 = arith.mulf %get3A_52, %get3A_396 : vector<16xf32>
      %add3A_398 = arith.addf %mul3A_392, %mul3A_397 : vector<16xf32>
      %swap3A_399 = arith.index_cast %scan3A_44 : i32 to index
      %swap3A_400 = arith.constant 336 : index
      %swap3A_401 = tpu.vector_load %arg8[%swap3A_399, %swap3A_400] {strides = array<i32>} : memref<32x1024xf32, #tpu.memory_space<vmem>>, vector<1x16xf32>,
      %swap3A_402 = vector.shape_cast %swap3A_401 : vector<1x16xf32> to vector<16xf32>
      %swap3A_403 = vector.shape_cast %add3A_398 : vector<16xf32> to vector<1x16xf32>
      tpu.vector_store %arg8[%swap3A_399, %swap3A_400], %swap3A_403 {strides = array<i32>} : memref<32x1024xf32, #tpu.memory_space<vmem>>, vector<1x16xf32>,
      %get3A_404 = arith.index_cast %scan3A_44 : i32 to index
      %get3A_405 = arith.constant 352 : index
      %get3A_406 = tpu.vector_load %arg8[%get3A_404, %get3A_405] {strides = array<i32>} : memref<32x1024xf32, #tpu.memory_space<vmem>>, vector<1x16xf32>,
      %get3A_407 = vector.shape_cast %get3A_406 : vector<1x16xf32> to vector<16xf32>
      %mul3A_408 = arith.mulf %get3A_48, %get3A_407 : vector<16xf32>
      %get3A_409 = arith.index_cast %scan3A_44 : i32 to index
      %get3A_410 = arith.constant 352 : index
      %get3A_411 = tpu.vector_load %arg9[%get3A_409, %get3A_410] {strides = array<i32>} : memref<32x1024xf32, #tpu.memory_space<vmem>>, vector<1x16xf32>,
      %get3A_412 = vector.shape_cast %get3A_411 : vector<1x16xf32> to vector<16xf32>
      %mul3A_413 = arith.mulf %get3A_52, %get3A_412 : vector<16xf32>
      %add3A_414 = arith.addf %mul3A_408, %mul3A_413 : vector<16xf32>
      %swap3A_415 = arith.index_cast %scan3A_44 : i32 to index
      %swap3A_416 = arith.constant 352 : index
      %swap3A_417 = tpu.vector_load %arg8[%swap3A_415, %swap3A_416] {strides = array<i32>} : memref<32x1024xf32, #tpu.memory_space<vmem>>, vector<1x16xf32>,
      %swap3A_418 = vector.shape_cast %swap3A_417 : vector<1x16xf32> to vector<16xf32>
      %swap3A_419 = vector.shape_cast %add3A_414 : vector<16xf32> to vector<1x16xf32>
      tpu.vector_store %arg8[%swap3A_415, %swap3A_416], %swap3A_419 {strides = array<i32>} : memref<32x1024xf32, #tpu.memory_space<vmem>>, vector<1x16xf32>,
      %get3A_420 = arith.index_cast %scan3A_44 : i32 to index
      %get3A_421 = arith.constant 368 : index
      %get3A_422 = tpu.vector_load %arg8[%get3A_420, %get3A_421] {strides = array<i32>} : memref<32x1024xf32, #tpu.memory_space<vmem>>, vector<1x16xf32>,
      %get3A_423 = vector.shape_cast %get3A_422 : vector<1x16xf32> to vector<16xf32>
      %mul3A_424 = arith.mulf %get3A_48, %get3A_423 : vector<16xf32>
      %get3A_425 = arith.index_cast %scan3A_44 : i32 to index
      %get3A_426 = arith.constant 368 : index
      %get3A_427 = tpu.vector_load %arg9[%get3A_425, %get3A_426] {strides = array<i32>} : memref<32x1024xf32, #tpu.memory_space<vmem>>, vector<1x16xf32>,
      %get3A_428 = vector.shape_cast %get3A_427 : vector<1x16xf32> to vector<16xf32>
      %mul3A_429 = arith.mulf %get3A_52, %get3A_428 : vector<16xf32>
      %add3A_430 = arith.addf %mul3A_424, %mul3A_429 : vector<16xf32>
      %swap3A_431 = arith.index_cast %scan3A_44 : i32 to index
      %swap3A_432 = arith.constant 368 : index
      %swap3A_433 = tpu.vector_load %arg8[%swap3A_431, %swap3A_432] {strides = array<i32>} : memref<32x1024xf32, #tpu.memory_space<vmem>>, vector<1x16xf32>,
      %swap3A_434 = vector.shape_cast %swap3A_433 : vector<1x16xf32> to vector<16xf32>
      %swap3A_435 = vector.shape_cast %add3A_430 : vector<16xf32> to vector<1x16xf32>
      tpu.vector_store %arg8[%swap3A_431, %swap3A_432], %swap3A_435 {strides = array<i32>} : memref<32x1024xf32, #tpu.memory_space<vmem>>, vector<1x16xf32>,
      %get3A_436 = arith.index_cast %scan3A_44 : i32 to index
      %get3A_437 = arith.constant 384 : index
      %get3A_438 = tpu.vector_load %arg8[%get3A_436, %get3A_437] {strides = array<i32>} : memref<32x1024xf32, #tpu.memory_space<vmem>>, vector<1x16xf32>,
      %get3A_439 = vector.shape_cast %get3A_438 : vector<1x16xf32> to vector<16xf32>
      %mul3A_440 = arith.mulf %get3A_48, %get3A_439 : vector<16xf32>
      %get3A_441 = arith.index_cast %scan3A_44 : i32 to index
      %get3A_442 = arith.constant 384 : index
      %get3A_443 = tpu.vector_load %arg9[%get3A_441, %get3A_442] {strides = array<i32>} : memref<32x1024xf32, #tpu.memory_space<vmem>>, vector<1x16xf32>,
      %get3A_444 = vector.shape_cast %get3A_443 : vector<1x16xf32> to vector<16xf32>
      %mul3A_445 = arith.mulf %get3A_52, %get3A_444 : vector<16xf32>
      %add3A_446 = arith.addf %mul3A_440, %mul3A_445 : vector<16xf32>
      %swap3A_447 = arith.index_cast %scan3A_44 : i32 to index
      %swap3A_448 = arith.constant 384 : index
      %swap3A_449 = tpu.vector_load %arg8[%swap3A_447, %swap3A_448] {strides = array<i32>} : memref<32x1024xf32, #tpu.memory_space<vmem>>, vector<1x16xf32>,
      %swap3A_450 = vector.shape_cast %swap3A_449 : vector<1x16xf32> to vector<16xf32>
      %swap3A_451 = vector.shape_cast %add3A_446 : vector<16xf32> to vector<1x16xf32>
      tpu.vector_store %arg8[%swap3A_447, %swap3A_448], %swap3A_451 {strides = array<i32>} : memref<32x1024xf32, #tpu.memory_space<vmem>>, vector<1x16xf32>,
      %get3A_452 = arith.index_cast %scan3A_44 : i32 to index
      %get3A_453 = arith.constant 400 : index
      %get3A_454 = tpu.vector_load %arg8[%get3A_452, %get3A_453] {strides = array<i32>} : memref<32x1024xf32, #tpu.memory_space<vmem>>, vector<1x16xf32>,
      %get3A_455 = vector.shape_cast %get3A_454 : vector<1x16xf32> to vector<16xf32>
      %mul3A_456 = arith.mulf %get3A_48, %get3A_455 : vector<16xf32>
      %get3A_457 = arith.index_cast %scan3A_44 : i32 to index
      %get3A_458 = arith.constant 400 : index
      %get3A_459 = tpu.vector_load %arg9[%get3A_457, %get3A_458] {strides = array<i32>} : memref<32x1024xf32, #tpu.memory_space<vmem>>, vector<1x16xf32>,
      %get3A_460 = vector.shape_cast %get3A_459 : vector<1x16xf32> to vector<16xf32>
      %mul3A_461 = arith.mulf %get3A_52, %get3A_460 : vector<16xf32>
      %add3A_462 = arith.addf %mul3A_456, %mul3A_461 : vector<16xf32>
      %swap3A_463 = arith.index_cast %scan3A_44 : i32 to index
      %swap3A_464 = arith.constant 400 : index
      %swap3A_465 = tpu.vector_load %arg8[%swap3A_463, %swap3A_464] {strides = array<i32>} : memref<32x1024xf32, #tpu.memory_space<vmem>>, vector<1x16xf32>,
      %swap3A_466 = vector.shape_cast %swap3A_465 : vector<1x16xf32> to vector<16xf32>
      %swap3A_467 = vector.shape_cast %add3A_462 : vector<16xf32> to vector<1x16xf32>
      tpu.vector_store %arg8[%swap3A_463, %swap3A_464], %swap3A_467 {strides = array<i32>} : memref<32x1024xf32, #tpu.memory_space<vmem>>, vector<1x16xf32>,
      %get3A_468 = arith.index_cast %scan3A_44 : i32 to index
      %get3A_469 = arith.constant 416 : index
      %get3A_470 = tpu.vector_load %arg8[%get3A_468, %get3A_469] {strides = array<i32>} : memref<32x1024xf32, #tpu.memory_space<vmem>>, vector<1x16xf32>,
      %get3A_471 = vector.shape_cast %get3A_470 : vector<1x16xf32> to vector<16xf32>
      %mul3A_472 = arith.mulf %get3A_48, %get3A_471 : vector<16xf32>
      %get3A_473 = arith.index_cast %scan3A_44 : i32 to index
      %get3A_474 = arith.constant 416 : index
      %get3A_475 = tpu.vector_load %arg9[%get3A_473, %get3A_474] {strides = array<i32>} : memref<32x1024xf32, #tpu.memory_space<vmem>>, vector<1x16xf32>,
      %get3A_476 = vector.shape_cast %get3A_475 : vector<1x16xf32> to vector<16xf32>
      %mul3A_477 = arith.mulf %get3A_52, %get3A_476 : vector<16xf32>
      %add3A_478 = arith.addf %mul3A_472, %mul3A_477 : vector<16xf32>
      %swap3A_479 = arith.index_cast %scan3A_44 : i32 to index
      %swap3A_480 = arith.constant 416 : index
      %swap3A_481 = tpu.vector_load %arg8[%swap3A_479, %swap3A_480] {strides = array<i32>} : memref<32x1024xf32, #tpu.memory_space<vmem>>, vector<1x16xf32>,
      %swap3A_482 = vector.shape_cast %swap3A_481 : vector<1x16xf32> to vector<16xf32>
      %swap3A_483 = vector.shape_cast %add3A_478 : vector<16xf32> to vector<1x16xf32>
      tpu.vector_store %arg8[%swap3A_479, %swap3A_480], %swap3A_483 {strides = array<i32>} : memref<32x1024xf32, #tpu.memory_space<vmem>>, vector<1x16xf32>,
      %get3A_484 = arith.index_cast %scan3A_44 : i32 to index
      %get3A_485 = arith.constant 432 : index
      %get3A_486 = tpu.vector_load %arg8[%get3A_484, %get3A_485] {strides = array<i32>} : memref<32x1024xf32, #tpu.memory_space<vmem>>, vector<1x16xf32>,
      %get3A_487 = vector.shape_cast %get3A_486 : vector<1x16xf32> to vector<16xf32>
      %mul3A_488 = arith.mulf %get3A_48, %get3A_487 : vector<16xf32>
      %get3A_489 = arith.index_cast %scan3A_44 : i32 to index
      %get3A_490 = arith.constant 432 : index
      %get3A_491 = tpu.vector_load %arg9[%get3A_489, %get3A_490] {strides = array<i32>} : memref<32x1024xf32, #tpu.memory_space<vmem>>, vector<1x16xf32>,
      %get3A_492 = vector.shape_cast %get3A_491 : vector<1x16xf32> to vector<16xf32>
      %mul3A_493 = arith.mulf %get3A_52, %get3A_492 : vector<16xf32>
      %add3A_494 = arith.addf %mul3A_488, %mul3A_493 : vector<16xf32>
      %swap3A_495 = arith.index_cast %scan3A_44 : i32 to index
      %swap3A_496 = arith.constant 432 : index
      %swap3A_497 = tpu.vector_load %arg8[%swap3A_495, %swap3A_496] {strides = array<i32>} : memref<32x1024xf32, #tpu.memory_space<vmem>>, vector<1x16xf32>,
      %swap3A_498 = vector.shape_cast %swap3A_497 : vector<1x16xf32> to vector<16xf32>
      %swap3A_499 = vector.shape_cast %add3A_494 : vector<16xf32> to vector<1x16xf32>
      tpu.vector_store %arg8[%swap3A_495, %swap3A_496], %swap3A_499 {strides = array<i32>} : memref<32x1024xf32, #tpu.memory_space<vmem>>, vector<1x16xf32>,
      %get3A_500 = arith.index_cast %scan3A_44 : i32 to index
      %get3A_501 = arith.constant 448 : index
      %get3A_502 = tpu.vector_load %arg8[%get3A_500, %get3A_501] {strides = array<i32>} : memref<32x1024xf32, #tpu.memory_space<vmem>>, vector<1x16xf32>,
      %get3A_503 = vector.shape_cast %get3A_502 : vector<1x16xf32> to vector<16xf32>
      %mul3A_504 = arith.mulf %get3A_48, %get3A_503 : vector<16xf32>
      %get3A_505 = arith.index_cast %scan3A_44 : i32 to index
      %get3A_506 = arith.constant 448 : index
      %get3A_507 = tpu.vector_load %arg9[%get3A_505, %get3A_506] {strides = array<i32>} : memref<32x1024xf32, #tpu.memory_space<vmem>>, vector<1x16xf32>,
      %get3A_508 = vector.shape_cast %get3A_507 : vector<1x16xf32> to vector<16xf32>
      %mul3A_509 = arith.mulf %get3A_52, %get3A_508 : vector<16xf32>
      %add3A_510 = arith.addf %mul3A_504, %mul3A_509 : vector<16xf32>
      %swap3A_511 = arith.index_cast %scan3A_44 : i32 to index
      %swap3A_512 = arith.constant 448 : index
      %swap3A_513 = tpu.vector_load %arg8[%swap3A_511, %swap3A_512] {strides = array<i32>} : memref<32x1024xf32, #tpu.memory_space<vmem>>, vector<1x16xf32>,
      %swap3A_514 = vector.shape_cast %swap3A_513 : vector<1x16xf32> to vector<16xf32>
      %swap3A_515 = vector.shape_cast %add3A_510 : vector<16xf32> to vector<1x16xf32>
      tpu.vector_store %arg8[%swap3A_511, %swap3A_512], %swap3A_515 {strides = array<i32>} : memref<32x1024xf32, #tpu.memory_space<vmem>>, vector<1x16xf32>,
      %get3A_516 = arith.index_cast %scan3A_44 : i32 to index
      %get3A_517 = arith.constant 464 : index
      %get3A_518 = tpu.vector_load %arg8[%get3A_516, %get3A_517] {strides = array<i32>} : memref<32x1024xf32, #tpu.memory_space<vmem>>, vector<1x16xf32>,
      %get3A_519 = vector.shape_cast %get3A_518 : vector<1x16xf32> to vector<16xf32>
      %mul3A_520 = arith.mulf %get3A_48, %get3A_519 : vector<16xf32>
      %get3A_521 = arith.index_cast %scan3A_44 : i32 to index
      %get3A_522 = arith.constant 464 : index
      %get3A_523 = tpu.vector_load %arg9[%get3A_521, %get3A_522] {strides = array<i32>} : memref<32x1024xf32, #tpu.memory_space<vmem>>, vector<1x16xf32>,
      %get3A_524 = vector.shape_cast %get3A_523 : vector<1x16xf32> to vector<16xf32>
      %mul3A_525 = arith.mulf %get3A_52, %get3A_524 : vector<16xf32>
      %add3A_526 = arith.addf %mul3A_520, %mul3A_525 : vector<16xf32>
      %swap3A_527 = arith.index_cast %scan3A_44 : i32 to index
      %swap3A_528 = arith.constant 464 : index
      %swap3A_529 = tpu.vector_load %arg8[%swap3A_527, %swap3A_528] {strides = array<i32>} : memref<32x1024xf32, #tpu.memory_space<vmem>>, vector<1x16xf32>,
      %swap3A_530 = vector.shape_cast %swap3A_529 : vector<1x16xf32> to vector<16xf32>
      %swap3A_531 = vector.shape_cast %add3A_526 : vector<16xf32> to vector<1x16xf32>
      tpu.vector_store %arg8[%swap3A_527, %swap3A_528], %swap3A_531 {strides = array<i32>} : memref<32x1024xf32, #tpu.memory_space<vmem>>, vector<1x16xf32>,
      %get3A_532 = arith.index_cast %scan3A_44 : i32 to index
      %get3A_533 = arith.constant 480 : index
      %get3A_534 = tpu.vector_load %arg8[%get3A_532, %get3A_533] {strides = array<i32>} : memref<32x1024xf32, #tpu.memory_space<vmem>>, vector<1x16xf32>,
      %get3A_535 = vector.shape_cast %get3A_534 : vector<1x16xf32> to vector<16xf32>
      %mul3A_536 = arith.mulf %get3A_48, %get3A_535 : vector<16xf32>
      %get3A_537 = arith.index_cast %scan3A_44 : i32 to index
      %get3A_538 = arith.constant 480 : index
      %get3A_539 = tpu.vector_load %arg9[%get3A_537, %get3A_538] {strides = array<i32>} : memref<32x1024xf32, #tpu.memory_space<vmem>>, vector<1x16xf32>,
      %get3A_540 = vector.shape_cast %get3A_539 : vector<1x16xf32> to vector<16xf32>
      %mul3A_541 = arith.mulf %get3A_52, %get3A_540 : vector<16xf32>
      %add3A_542 = arith.addf %mul3A_536, %mul3A_541 : vector<16xf32>
      %swap3A_543 = arith.index_cast %scan3A_44 : i32 to index
      %swap3A_544 = arith.constant 480 : index
      %swap3A_545 = tpu.vector_load %arg8[%swap3A_543, %swap3A_544] {strides = array<i32>} : memref<32x1024xf32, #tpu.memory_space<vmem>>, vector<1x16xf32>,
      %swap3A_546 = vector.shape_cast %swap3A_545 : vector<1x16xf32> to vector<16xf32>
      %swap3A_547 = vector.shape_cast %add3A_542 : vector<16xf32> to vector<1x16xf32>
      tpu.vector_store %arg8[%swap3A_543, %swap3A_544], %swap3A_547 {strides = array<i32>} : memref<32x1024xf32, #tpu.memory_space<vmem>>, vector<1x16xf32>,
      %get3A_548 = arith.index_cast %scan3A_44 : i32 to index
      %get3A_549 = arith.constant 496 : index
      %get3A_550 = tpu.vector_load %arg8[%get3A_548, %get3A_549] {strides = array<i32>} : memref<32x1024xf32, #tpu.memory_space<vmem>>, vector<1x16xf32>,
      %get3A_551 = vector.shape_cast %get3A_550 : vector<1x16xf32> to vector<16xf32>
      %mul3A_552 = arith.mulf %get3A_48, %get3A_551 : vector<16xf32>
      %get3A_553 = arith.index_cast %scan3A_44 : i32 to index
      %get3A_554 = arith.constant 496 : index
      %get3A_555 = tpu.vector_load %arg9[%get3A_553, %get3A_554] {strides = array<i32>} : memref<32x1024xf32, #tpu.memory_space<vmem>>, vector<1x16xf32>,
      %get3A_556 = vector.shape_cast %get3A_555 : vector<1x16xf32> to vector<16xf32>
      %mul3A_557 = arith.mulf %get3A_52, %get3A_556 : vector<16xf32>
      %add3A_558 = arith.addf %mul3A_552, %mul3A_557 : vector<16xf32>
      %swap3A_559 = arith.index_cast %scan3A_44 : i32 to index
      %swap3A_560 = arith.constant 496 : index
      %swap3A_561 = tpu.vector_load %arg8[%swap3A_559, %swap3A_560] {strides = array<i32>} : memref<32x1024xf32, #tpu.memory_space<vmem>>, vector<1x16xf32>,
      %swap3A_562 = vector.shape_cast %swap3A_561 : vector<1x16xf32> to vector<16xf32>
      %swap3A_563 = vector.shape_cast %add3A_558 : vector<16xf32> to vector<1x16xf32>
      tpu.vector_store %arg8[%swap3A_559, %swap3A_560], %swap3A_563 {strides = array<i32>} : memref<32x1024xf32, #tpu.memory_space<vmem>>, vector<1x16xf32>,
      %get3A_564 = arith.index_cast %scan3A_44 : i32 to index
      %get3A_565 = arith.constant 512 : index
      %get3A_566 = tpu.vector_load %arg8[%get3A_564, %get3A_565] {strides = array<i32>} : memref<32x1024xf32, #tpu.memory_space<vmem>>, vector<1x16xf32>,
      %get3A_567 = vector.shape_cast %get3A_566 : vector<1x16xf32> to vector<16xf32>
      %mul3A_568 = arith.mulf %get3A_48, %get3A_567 : vector<16xf32>
      %get3A_569 = arith.index_cast %scan3A_44 : i32 to index
      %get3A_570 = arith.constant 512 : index
      %get3A_571 = tpu.vector_load %arg9[%get3A_569, %get3A_570] {strides = array<i32>} : memref<32x1024xf32, #tpu.memory_space<vmem>>, vector<1x16xf32>,
      %get3A_572 = vector.shape_cast %get3A_571 : vector<1x16xf32> to vector<16xf32>
      %mul3A_573 = arith.mulf %get3A_52, %get3A_572 : vector<16xf32>
      %add3A_574 = arith.addf %mul3A_568, %mul3A_573 : vector<16xf32>
      %swap3A_575 = arith.index_cast %scan3A_44 : i32 to index
      %swap3A_576 = arith.constant 512 : index
      %swap3A_577 = tpu.vector_load %arg8[%swap3A_575, %swap3A_576] {strides = array<i32>} : memref<32x1024xf32, #tpu.memory_space<vmem>>, vector<1x16xf32>,
      %swap3A_578 = vector.shape_cast %swap3A_577 : vector<1x16xf32> to vector<16xf32>
      %swap3A_579 = vector.shape_cast %add3A_574 : vector<16xf32> to vector<1x16xf32>
      tpu.vector_store %arg8[%swap3A_575, %swap3A_576], %swap3A_579 {strides = array<i32>} : memref<32x1024xf32, #tpu.memory_space<vmem>>, vector<1x16xf32>,
      %get3A_580 = arith.index_cast %scan3A_44 : i32 to index
      %get3A_581 = arith.constant 528 : index
      %get3A_582 = tpu.vector_load %arg8[%get3A_580, %get3A_581] {strides = array<i32>} : memref<32x1024xf32, #tpu.memory_space<vmem>>, vector<1x16xf32>,
      %get3A_583 = vector.shape_cast %get3A_582 : vector<1x16xf32> to vector<16xf32>
      %mul3A_584 = arith.mulf %get3A_48, %get3A_583 : vector<16xf32>
      %get3A_585 = arith.index_cast %scan3A_44 : i32 to index
      %get3A_586 = arith.constant 528 : index
      %get3A_587 = tpu.vector_load %arg9[%get3A_585, %get3A_586] {strides = array<i32>} : memref<32x1024xf32, #tpu.memory_space<vmem>>, vector<1x16xf32>,
      %get3A_588 = vector.shape_cast %get3A_587 : vector<1x16xf32> to vector<16xf32>
      %mul3A_589 = arith.mulf %get3A_52, %get3A_588 : vector<16xf32>
      %add3A_590 = arith.addf %mul3A_584, %mul3A_589 : vector<16xf32>
      %swap3A_591 = arith.index_cast %scan3A_44 : i32 to index
      %swap3A_592 = arith.constant 528 : index
      %swap3A_593 = tpu.vector_load %arg8[%swap3A_591, %swap3A_592] {strides = array<i32>} : memref<32x1024xf32, #tpu.memory_space<vmem>>, vector<1x16xf32>,
      %swap3A_594 = vector.shape_cast %swap3A_593 : vector<1x16xf32> to vector<16xf32>
      %swap3A_595 = vector.shape_cast %add3A_590 : vector<16xf32> to vector<1x16xf32>
      tpu.vector_store %arg8[%swap3A_591, %swap3A_592], %swap3A_595 {strides = array<i32>} : memref<32x1024xf32, #tpu.memory_space<vmem>>, vector<1x16xf32>,
      %get3A_596 = arith.index_cast %scan3A_44 : i32 to index
      %get3A_597 = arith.constant 544 : index
      %get3A_598 = tpu.vector_load %arg8[%get3A_596, %get3A_597] {strides = array<i32>} : memref<32x1024xf32, #tpu.memory_space<vmem>>, vector<1x16xf32>,
      %get3A_599 = vector.shape_cast %get3A_598 : vector<1x16xf32> to vector<16xf32>
      %mul3A_600 = arith.mulf %get3A_48, %get3A_599 : vector<16xf32>
      %get3A_601 = arith.index_cast %scan3A_44 : i32 to index
      %get3A_602 = arith.constant 544 : index
      %get3A_603 = tpu.vector_load %arg9[%get3A_601, %get3A_602] {strides = array<i32>} : memref<32x1024xf32, #tpu.memory_space<vmem>>, vector<1x16xf32>,
      %get3A_604 = vector.shape_cast %get3A_603 : vector<1x16xf32> to vector<16xf32>
      %mul3A_605 = arith.mulf %get3A_52, %get3A_604 : vector<16xf32>
      %add3A_606 = arith.addf %mul3A_600, %mul3A_605 : vector<16xf32>
      %swap3A_607 = arith.index_cast %scan3A_44 : i32 to index
      %swap3A_608 = arith.constant 544 : index
      %swap3A_609 = tpu.vector_load %arg8[%swap3A_607, %swap3A_608] {strides = array<i32>} : memref<32x1024xf32, #tpu.memory_space<vmem>>, vector<1x16xf32>,
      %swap3A_610 = vector.shape_cast %swap3A_609 : vector<1x16xf32> to vector<16xf32>
      %swap3A_611 = vector.shape_cast %add3A_606 : vector<16xf32> to vector<1x16xf32>
      tpu.vector_store %arg8[%swap3A_607, %swap3A_608], %swap3A_611 {strides = array<i32>} : memref<32x1024xf32, #tpu.memory_space<vmem>>, vector<1x16xf32>,
      %get3A_612 = arith.index_cast %scan3A_44 : i32 to index
      %get3A_613 = arith.constant 560 : index
      %get3A_614 = tpu.vector_load %arg8[%get3A_612, %get3A_613] {strides = array<i32>} : memref<32x1024xf32, #tpu.memory_space<vmem>>, vector<1x16xf32>,
      %get3A_615 = vector.shape_cast %get3A_614 : vector<1x16xf32> to vector<16xf32>
      %mul3A_616 = arith.mulf %get3A_48, %get3A_615 : vector<16xf32>
      %get3A_617 = arith.index_cast %scan3A_44 : i32 to index
      %get3A_618 = arith.constant 560 : index
      %get3A_619 = tpu.vector_load %arg9[%get3A_617, %get3A_618] {strides = array<i32>} : memref<32x1024xf32, #tpu.memory_space<vmem>>, vector<1x16xf32>,
      %get3A_620 = vector.shape_cast %get3A_619 : vector<1x16xf32> to vector<16xf32>
      %mul3A_621 = arith.mulf %get3A_52, %get3A_620 : vector<16xf32>
      %add3A_622 = arith.addf %mul3A_616, %mul3A_621 : vector<16xf32>
      %swap3A_623 = arith.index_cast %scan3A_44 : i32 to index
      %swap3A_624 = arith.constant 560 : index
      %swap3A_625 = tpu.vector_load %arg8[%swap3A_623, %swap3A_624] {strides = array<i32>} : memref<32x1024xf32, #tpu.memory_space<vmem>>, vector<1x16xf32>,
      %swap3A_626 = vector.shape_cast %swap3A_625 : vector<1x16xf32> to vector<16xf32>
      %swap3A_627 = vector.shape_cast %add3A_622 : vector<16xf32> to vector<1x16xf32>
      tpu.vector_store %arg8[%swap3A_623, %swap3A_624], %swap3A_627 {strides = array<i32>} : memref<32x1024xf32, #tpu.memory_space<vmem>>, vector<1x16xf32>,
      %get3A_628 = arith.index_cast %scan3A_44 : i32 to index
      %get3A_629 = arith.constant 576 : index
      %get3A_630 = tpu.vector_load %arg8[%get3A_628, %get3A_629] {strides = array<i32>} : memref<32x1024xf32, #tpu.memory_space<vmem>>, vector<1x16xf32>,
      %get3A_631 = vector.shape_cast %get3A_630 : vector<1x16xf32> to vector<16xf32>
      %mul3A_632 = arith.mulf %get3A_48, %get3A_631 : vector<16xf32>
      %get3A_633 = arith.index_cast %scan3A_44 : i32 to index
      %get3A_634 = arith.constant 576 : index
      %get3A_635 = tpu.vector_load %arg9[%get3A_633, %get3A_634] {strides = array<i32>} : memref<32x1024xf32, #tpu.memory_space<vmem>>, vector<1x16xf32>,
      %get3A_636 = vector.shape_cast %get3A_635 : vector<1x16xf32> to vector<16xf32>
      %mul3A_637 = arith.mulf %get3A_52, %get3A_636 : vector<16xf32>
      %add3A_638 = arith.addf %mul3A_632, %mul3A_637 : vector<16xf32>
      %swap3A_639 = arith.index_cast %scan3A_44 : i32 to index
      %swap3A_640 = arith.constant 576 : index
      %swap3A_641 = tpu.vector_load %arg8[%swap3A_639, %swap3A_640] {strides = array<i32>} : memref<32x1024xf32, #tpu.memory_space<vmem>>, vector<1x16xf32>,
      %swap3A_642 = vector.shape_cast %swap3A_641 : vector<1x16xf32> to vector<16xf32>
      %swap3A_643 = vector.shape_cast %add3A_638 : vector<16xf32> to vector<1x16xf32>
      tpu.vector_store %arg8[%swap3A_639, %swap3A_640], %swap3A_643 {strides = array<i32>} : memref<32x1024xf32, #tpu.memory_space<vmem>>, vector<1x16xf32>,
      %get3A_644 = arith.index_cast %scan3A_44 : i32 to index
      %get3A_645 = arith.constant 592 : index
      %get3A_646 = tpu.vector_load %arg8[%get3A_644, %get3A_645] {strides = array<i32>} : memref<32x1024xf32, #tpu.memory_space<vmem>>, vector<1x16xf32>,
      %get3A_647 = vector.shape_cast %get3A_646 : vector<1x16xf32> to vector<16xf32>
      %mul3A_648 = arith.mulf %get3A_48, %get3A_647 : vector<16xf32>
      %get3A_649 = arith.index_cast %scan3A_44 : i32 to index
      %get3A_650 = arith.constant 592 : index
      %get3A_651 = tpu.vector_load %arg9[%get3A_649, %get3A_650] {strides = array<i32>} : memref<32x1024xf32, #tpu.memory_space<vmem>>, vector<1x16xf32>,
      %get3A_652 = vector.shape_cast %get3A_651 : vector<1x16xf32> to vector<16xf32>
      %mul3A_653 = arith.mulf %get3A_52, %get3A_652 : vector<16xf32>
      %add3A_654 = arith.addf %mul3A_648, %mul3A_653 : vector<16xf32>
      %swap3A_655 = arith.index_cast %scan3A_44 : i32 to index
      %swap3A_656 = arith.constant 592 : index
      %swap3A_657 = tpu.vector_load %arg8[%swap3A_655, %swap3A_656] {strides = array<i32>} : memref<32x1024xf32, #tpu.memory_space<vmem>>, vector<1x16xf32>,
      %swap3A_658 = vector.shape_cast %swap3A_657 : vector<1x16xf32> to vector<16xf32>
      %swap3A_659 = vector.shape_cast %add3A_654 : vector<16xf32> to vector<1x16xf32>
      tpu.vector_store %arg8[%swap3A_655, %swap3A_656], %swap3A_659 {strides = array<i32>} : memref<32x1024xf32, #tpu.memory_space<vmem>>, vector<1x16xf32>,
      %get3A_660 = arith.index_cast %scan3A_44 : i32 to index
      %get3A_661 = arith.constant 608 : index
      %get3A_662 = tpu.vector_load %arg8[%get3A_660, %get3A_661] {strides = array<i32>} : memref<32x1024xf32, #tpu.memory_space<vmem>>, vector<1x16xf32>,
      %get3A_663 = vector.shape_cast %get3A_662 : vector<1x16xf32> to vector<16xf32>
      %mul3A_664 = arith.mulf %get3A_48, %get3A_663 : vector<16xf32>
      %get3A_665 = arith.index_cast %scan3A_44 : i32 to index
      %get3A_666 = arith.constant 608 : index
      %get3A_667 = tpu.vector_load %arg9[%get3A_665, %get3A_666] {strides = array<i32>} : memref<32x1024xf32, #tpu.memory_space<vmem>>, vector<1x16xf32>,
      %get3A_668 = vector.shape_cast %get3A_667 : vector<1x16xf32> to vector<16xf32>
      %mul3A_669 = arith.mulf %get3A_52, %get3A_668 : vector<16xf32>
      %add3A_670 = arith.addf %mul3A_664, %mul3A_669 : vector<16xf32>
      %swap3A_671 = arith.index_cast %scan3A_44 : i32 to index
      %swap3A_672 = arith.constant 608 : index
      %swap3A_673 = tpu.vector_load %arg8[%swap3A_671, %swap3A_672] {strides = array<i32>} : memref<32x1024xf32, #tpu.memory_space<vmem>>, vector<1x16xf32>,
      %swap3A_674 = vector.shape_cast %swap3A_673 : vector<1x16xf32> to vector<16xf32>
      %swap3A_675 = vector.shape_cast %add3A_670 : vector<16xf32> to vector<1x16xf32>
      tpu.vector_store %arg8[%swap3A_671, %swap3A_672], %swap3A_675 {strides = array<i32>} : memref<32x1024xf32, #tpu.memory_space<vmem>>, vector<1x16xf32>,
      %get3A_676 = arith.index_cast %scan3A_44 : i32 to index
      %get3A_677 = arith.constant 624 : index
      %get3A_678 = tpu.vector_load %arg8[%get3A_676, %get3A_677] {strides = array<i32>} : memref<32x1024xf32, #tpu.memory_space<vmem>>, vector<1x16xf32>,
      %get3A_679 = vector.shape_cast %get3A_678 : vector<1x16xf32> to vector<16xf32>
      %mul3A_680 = arith.mulf %get3A_48, %get3A_679 : vector<16xf32>
      %get3A_681 = arith.index_cast %scan3A_44 : i32 to index
      %get3A_682 = arith.constant 624 : index
      %get3A_683 = tpu.vector_load %arg9[%get3A_681, %get3A_682] {strides = array<i32>} : memref<32x1024xf32, #tpu.memory_space<vmem>>, vector<1x16xf32>,
      %get3A_684 = vector.shape_cast %get3A_683 : vector<1x16xf32> to vector<16xf32>
      %mul3A_685 = arith.mulf %get3A_52, %get3A_684 : vector<16xf32>
      %add3A_686 = arith.addf %mul3A_680, %mul3A_685 : vector<16xf32>
      %swap3A_687 = arith.index_cast %scan3A_44 : i32 to index
      %swap3A_688 = arith.constant 624 : index
      %swap3A_689 = tpu.vector_load %arg8[%swap3A_687, %swap3A_688] {strides = array<i32>} : memref<32x1024xf32, #tpu.memory_space<vmem>>, vector<1x16xf32>,
      %swap3A_690 = vector.shape_cast %swap3A_689 : vector<1x16xf32> to vector<16xf32>
      %swap3A_691 = vector.shape_cast %add3A_686 : vector<16xf32> to vector<1x16xf32>
      tpu.vector_store %arg8[%swap3A_687, %swap3A_688], %swap3A_691 {strides = array<i32>} : memref<32x1024xf32, #tpu.memory_space<vmem>>, vector<1x16xf32>,
      %get3A_692 = arith.index_cast %scan3A_44 : i32 to index
      %get3A_693 = arith.constant 640 : index
      %get3A_694 = tpu.vector_load %arg8[%get3A_692, %get3A_693] {strides = array<i32>} : memref<32x1024xf32, #tpu.memory_space<vmem>>, vector<1x16xf32>,
      %get3A_695 = vector.shape_cast %get3A_694 : vector<1x16xf32> to vector<16xf32>
      %mul3A_696 = arith.mulf %get3A_48, %get3A_695 : vector<16xf32>
      %get3A_697 = arith.index_cast %scan3A_44 : i32 to index
      %get3A_698 = arith.constant 640 : index
      %get3A_699 = tpu.vector_load %arg9[%get3A_697, %get3A_698] {strides = array<i32>} : memref<32x1024xf32, #tpu.memory_space<vmem>>, vector<1x16xf32>,
      %get3A_700 = vector.shape_cast %get3A_699 : vector<1x16xf32> to vector<16xf32>
      %mul3A_701 = arith.mulf %get3A_52, %get3A_700 : vector<16xf32>
      %add3A_702 = arith.addf %mul3A_696, %mul3A_701 : vector<16xf32>
      %swap3A_703 = arith.index_cast %scan3A_44 : i32 to index
      %swap3A_704 = arith.constant 640 : index
      %swap3A_705 = tpu.vector_load %arg8[%swap3A_703, %swap3A_704] {strides = array<i32>} : memref<32x1024xf32, #tpu.memory_space<vmem>>, vector<1x16xf32>,
      %swap3A_706 = vector.shape_cast %swap3A_705 : vector<1x16xf32> to vector<16xf32>
      %swap3A_707 = vector.shape_cast %add3A_702 : vector<16xf32> to vector<1x16xf32>
      tpu.vector_store %arg8[%swap3A_703, %swap3A_704], %swap3A_707 {strides = array<i32>} : memref<32x1024xf32, #tpu.memory_space<vmem>>, vector<1x16xf32>,
      %get3A_708 = arith.index_cast %scan3A_44 : i32 to index
      %get3A_709 = arith.constant 656 : index
      %get3A_710 = tpu.vector_load %arg8[%get3A_708, %get3A_709] {strides = array<i32>} : memref<32x1024xf32, #tpu.memory_space<vmem>>, vector<1x16xf32>,
      %get3A_711 = vector.shape_cast %get3A_710 : vector<1x16xf32> to vector<16xf32>
      %mul3A_712 = arith.mulf %get3A_48, %get3A_711 : vector<16xf32>
      %get3A_713 = arith.index_cast %scan3A_44 : i32 to index
      %get3A_714 = arith.constant 656 : index
      %get3A_715 = tpu.vector_load %arg9[%get3A_713, %get3A_714] {strides = array<i32>} : memref<32x1024xf32, #tpu.memory_space<vmem>>, vector<1x16xf32>,
      %get3A_716 = vector.shape_cast %get3A_715 : vector<1x16xf32> to vector<16xf32>
      %mul3A_717 = arith.mulf %get3A_52, %get3A_716 : vector<16xf32>
      %add3A_718 = arith.addf %mul3A_712, %mul3A_717 : vector<16xf32>
      %swap3A_719 = arith.index_cast %scan3A_44 : i32 to index
      %swap3A_720 = arith.constant 656 : index
      %swap3A_721 = tpu.vector_load %arg8[%swap3A_719, %swap3A_720] {strides = array<i32>} : memref<32x1024xf32, #tpu.memory_space<vmem>>, vector<1x16xf32>,
      %swap3A_722 = vector.shape_cast %swap3A_721 : vector<1x16xf32> to vector<16xf32>
      %swap3A_723 = vector.shape_cast %add3A_718 : vector<16xf32> to vector<1x16xf32>
      tpu.vector_store %arg8[%swap3A_719, %swap3A_720], %swap3A_723 {strides = array<i32>} : memref<32x1024xf32, #tpu.memory_space<vmem>>, vector<1x16xf32>,
      %get3A_724 = arith.index_cast %scan3A_44 : i32 to index
      %get3A_725 = arith.constant 672 : index
      %get3A_726 = tpu.vector_load %arg8[%get3A_724, %get3A_725] {strides = array<i32>} : memref<32x1024xf32, #tpu.memory_space<vmem>>, vector<1x16xf32>,
      %get3A_727 = vector.shape_cast %get3A_726 : vector<1x16xf32> to vector<16xf32>
      %mul3A_728 = arith.mulf %get3A_48, %get3A_727 : vector<16xf32>
      %get3A_729 = arith.index_cast %scan3A_44 : i32 to index
      %get3A_730 = arith.constant 672 : index
      %get3A_731 = tpu.vector_load %arg9[%get3A_729, %get3A_730] {strides = array<i32>} : memref<32x1024xf32, #tpu.memory_space<vmem>>, vector<1x16xf32>,
      %get3A_732 = vector.shape_cast %get3A_731 : vector<1x16xf32> to vector<16xf32>
      %mul3A_733 = arith.mulf %get3A_52, %get3A_732 : vector<16xf32>
      %add3A_734 = arith.addf %mul3A_728, %mul3A_733 : vector<16xf32>
      %swap3A_735 = arith.index_cast %scan3A_44 : i32 to index
      %swap3A_736 = arith.constant 672 : index
      %swap3A_737 = tpu.vector_load %arg8[%swap3A_735, %swap3A_736] {strides = array<i32>} : memref<32x1024xf32, #tpu.memory_space<vmem>>, vector<1x16xf32>,
      %swap3A_738 = vector.shape_cast %swap3A_737 : vector<1x16xf32> to vector<16xf32>
      %swap3A_739 = vector.shape_cast %add3A_734 : vector<16xf32> to vector<1x16xf32>
      tpu.vector_store %arg8[%swap3A_735, %swap3A_736], %swap3A_739 {strides = array<i32>} : memref<32x1024xf32, #tpu.memory_space<vmem>>, vector<1x16xf32>,
      %get3A_740 = arith.index_cast %scan3A_44 : i32 to index
      %get3A_741 = arith.constant 688 : index
      %get3A_742 = tpu.vector_load %arg8[%get3A_740, %get3A_741] {strides = array<i32>} : memref<32x1024xf32, #tpu.memory_space<vmem>>, vector<1x16xf32>,
      %get3A_743 = vector.shape_cast %get3A_742 : vector<1x16xf32> to vector<16xf32>
      %mul3A_744 = arith.mulf %get3A_48, %get3A_743 : vector<16xf32>
      %get3A_745 = arith.index_cast %scan3A_44 : i32 to index
      %get3A_746 = arith.constant 688 : index
      %get3A_747 = tpu.vector_load %arg9[%get3A_745, %get3A_746] {strides = array<i32>} : memref<32x1024xf32, #tpu.memory_space<vmem>>, vector<1x16xf32>,
      %get3A_748 = vector.shape_cast %get3A_747 : vector<1x16xf32> to vector<16xf32>
      %mul3A_749 = arith.mulf %get3A_52, %get3A_748 : vector<16xf32>
      %add3A_750 = arith.addf %mul3A_744, %mul3A_749 : vector<16xf32>
      %swap3A_751 = arith.index_cast %scan3A_44 : i32 to index
      %swap3A_752 = arith.constant 688 : index
      %swap3A_753 = tpu.vector_load %arg8[%swap3A_751, %swap3A_752] {strides = array<i32>} : memref<32x1024xf32, #tpu.memory_space<vmem>>, vector<1x16xf32>,
      %swap3A_754 = vector.shape_cast %swap3A_753 : vector<1x16xf32> to vector<16xf32>
      %swap3A_755 = vector.shape_cast %add3A_750 : vector<16xf32> to vector<1x16xf32>
      tpu.vector_store %arg8[%swap3A_751, %swap3A_752], %swap3A_755 {strides = array<i32>} : memref<32x1024xf32, #tpu.memory_space<vmem>>, vector<1x16xf32>,
      %get3A_756 = arith.index_cast %scan3A_44 : i32 to index
      %get3A_757 = arith.constant 704 : index
      %get3A_758 = tpu.vector_load %arg8[%get3A_756, %get3A_757] {strides = array<i32>} : memref<32x1024xf32, #tpu.memory_space<vmem>>, vector<1x16xf32>,
      %get3A_759 = vector.shape_cast %get3A_758 : vector<1x16xf32> to vector<16xf32>
      %mul3A_760 = arith.mulf %get3A_48, %get3A_759 : vector<16xf32>
      %get3A_761 = arith.index_cast %scan3A_44 : i32 to index
      %get3A_762 = arith.constant 704 : index
      %get3A_763 = tpu.vector_load %arg9[%get3A_761, %get3A_762] {strides = array<i32>} : memref<32x1024xf32, #tpu.memory_space<vmem>>, vector<1x16xf32>,
      %get3A_764 = vector.shape_cast %get3A_763 : vector<1x16xf32> to vector<16xf32>
      %mul3A_765 = arith.mulf %get3A_52, %get3A_764 : vector<16xf32>
      %add3A_766 = arith.addf %mul3A_760, %mul3A_765 : vector<16xf32>
      %swap3A_767 = arith.index_cast %scan3A_44 : i32 to index
      %swap3A_768 = arith.constant 704 : index
      %swap3A_769 = tpu.vector_load %arg8[%swap3A_767, %swap3A_768] {strides = array<i32>} : memref<32x1024xf32, #tpu.memory_space<vmem>>, vector<1x16xf32>,
      %swap3A_770 = vector.shape_cast %swap3A_769 : vector<1x16xf32> to vector<16xf32>
      %swap3A_771 = vector.shape_cast %add3A_766 : vector<16xf32> to vector<1x16xf32>
      tpu.vector_store %arg8[%swap3A_767, %swap3A_768], %swap3A_771 {strides = array<i32>} : memref<32x1024xf32, #tpu.memory_space<vmem>>, vector<1x16xf32>,
      %get3A_772 = arith.index_cast %scan3A_44 : i32 to index
      %get3A_773 = arith.constant 720 : index
      %get3A_774 = tpu.vector_load %arg8[%get3A_772, %get3A_773] {strides = array<i32>} : memref<32x1024xf32, #tpu.memory_space<vmem>>, vector<1x16xf32>,
      %get3A_775 = vector.shape_cast %get3A_774 : vector<1x16xf32> to vector<16xf32>
      %mul3A_776 = arith.mulf %get3A_48, %get3A_775 : vector<16xf32>
      %get3A_777 = arith.index_cast %scan3A_44 : i32 to index
      %get3A_778 = arith.constant 720 : index
      %get3A_779 = tpu.vector_load %arg9[%get3A_777, %get3A_778] {strides = array<i32>} : memref<32x1024xf32, #tpu.memory_space<vmem>>, vector<1x16xf32>,
      %get3A_780 = vector.shape_cast %get3A_779 : vector<1x16xf32> to vector<16xf32>
      %mul3A_781 = arith.mulf %get3A_52, %get3A_780 : vector<16xf32>
      %add3A_782 = arith.addf %mul3A_776, %mul3A_781 : vector<16xf32>
      %swap3A_783 = arith.index_cast %scan3A_44 : i32 to index
      %swap3A_784 = arith.constant 720 : index
      %swap3A_785 = tpu.vector_load %arg8[%swap3A_783, %swap3A_784] {strides = array<i32>} : memref<32x1024xf32, #tpu.memory_space<vmem>>, vector<1x16xf32>,
      %swap3A_786 = vector.shape_cast %swap3A_785 : vector<1x16xf32> to vector<16xf32>
      %swap3A_787 = vector.shape_cast %add3A_782 : vector<16xf32> to vector<1x16xf32>
      tpu.vector_store %arg8[%swap3A_783, %swap3A_784], %swap3A_787 {strides = array<i32>} : memref<32x1024xf32, #tpu.memory_space<vmem>>, vector<1x16xf32>,
      %get3A_788 = arith.index_cast %scan3A_44 : i32 to index
      %get3A_789 = arith.constant 736 : index
      %get3A_790 = tpu.vector_load %arg8[%get3A_788, %get3A_789] {strides = array<i32>} : memref<32x1024xf32, #tpu.memory_space<vmem>>, vector<1x16xf32>,
      %get3A_791 = vector.shape_cast %get3A_790 : vector<1x16xf32> to vector<16xf32>
      %mul3A_792 = arith.mulf %get3A_48, %get3A_791 : vector<16xf32>
      %get3A_793 = arith.index_cast %scan3A_44 : i32 to index
      %get3A_794 = arith.constant 736 : index
      %get3A_795 = tpu.vector_load %arg9[%get3A_793, %get3A_794] {strides = array<i32>} : memref<32x1024xf32, #tpu.memory_space<vmem>>, vector<1x16xf32>,
      %get3A_796 = vector.shape_cast %get3A_795 : vector<1x16xf32> to vector<16xf32>
      %mul3A_797 = arith.mulf %get3A_52, %get3A_796 : vector<16xf32>
      %add3A_798 = arith.addf %mul3A_792, %mul3A_797 : vector<16xf32>
      %swap3A_799 = arith.index_cast %scan3A_44 : i32 to index
      %swap3A_800 = arith.constant 736 : index
      %swap3A_801 = tpu.vector_load %arg8[%swap3A_799, %swap3A_800] {strides = array<i32>} : memref<32x1024xf32, #tpu.memory_space<vmem>>, vector<1x16xf32>,
      %swap3A_802 = vector.shape_cast %swap3A_801 : vector<1x16xf32> to vector<16xf32>
      %swap3A_803 = vector.shape_cast %add3A_798 : vector<16xf32> to vector<1x16xf32>
      tpu.vector_store %arg8[%swap3A_799, %swap3A_800], %swap3A_803 {strides = array<i32>} : memref<32x1024xf32, #tpu.memory_space<vmem>>, vector<1x16xf32>,
      %get3A_804 = arith.index_cast %scan3A_44 : i32 to index
      %get3A_805 = arith.constant 752 : index
      %get3A_806 = tpu.vector_load %arg8[%get3A_804, %get3A_805] {strides = array<i32>} : memref<32x1024xf32, #tpu.memory_space<vmem>>, vector<1x16xf32>,
      %get3A_807 = vector.shape_cast %get3A_806 : vector<1x16xf32> to vector<16xf32>
      %mul3A_808 = arith.mulf %get3A_48, %get3A_807 : vector<16xf32>
      %get3A_809 = arith.index_cast %scan3A_44 : i32 to index
      %get3A_810 = arith.constant 752 : index
      %get3A_811 = tpu.vector_load %arg9[%get3A_809, %get3A_810] {strides = array<i32>} : memref<32x1024xf32, #tpu.memory_space<vmem>>, vector<1x16xf32>,
      %get3A_812 = vector.shape_cast %get3A_811 : vector<1x16xf32> to vector<16xf32>
      %mul3A_813 = arith.mulf %get3A_52, %get3A_812 : vector<16xf32>
      %add3A_814 = arith.addf %mul3A_808, %mul3A_813 : vector<16xf32>
      %swap3A_815 = arith.index_cast %scan3A_44 : i32 to index
      %swap3A_816 = arith.constant 752 : index
      %swap3A_817 = tpu.vector_load %arg8[%swap3A_815, %swap3A_816] {strides = array<i32>} : memref<32x1024xf32, #tpu.memory_space<vmem>>, vector<1x16xf32>,
      %swap3A_818 = vector.shape_cast %swap3A_817 : vector<1x16xf32> to vector<16xf32>
      %swap3A_819 = vector.shape_cast %add3A_814 : vector<16xf32> to vector<1x16xf32>
      tpu.vector_store %arg8[%swap3A_815, %swap3A_816], %swap3A_819 {strides = array<i32>} : memref<32x1024xf32, #tpu.memory_space<vmem>>, vector<1x16xf32>,
      %get3A_820 = arith.index_cast %scan3A_44 : i32 to index
      %get3A_821 = arith.constant 768 : index
      %get3A_822 = tpu.vector_load %arg8[%get3A_820, %get3A_821] {strides = array<i32>} : memref<32x1024xf32, #tpu.memory_space<vmem>>, vector<1x16xf32>,
      %get3A_823 = vector.shape_cast %get3A_822 : vector<1x16xf32> to vector<16xf32>
      %mul3A_824 = arith.mulf %get3A_48, %get3A_823 : vector<16xf32>
      %get3A_825 = arith.index_cast %scan3A_44 : i32 to index
      %get3A_826 = arith.constant 768 : index
      %get3A_827 = tpu.vector_load %arg9[%get3A_825, %get3A_826] {strides = array<i32>} : memref<32x1024xf32, #tpu.memory_space<vmem>>, vector<1x16xf32>,
      %get3A_828 = vector.shape_cast %get3A_827 : vector<1x16xf32> to vector<16xf32>
      %mul3A_829 = arith.mulf %get3A_52, %get3A_828 : vector<16xf32>
      %add3A_830 = arith.addf %mul3A_824, %mul3A_829 : vector<16xf32>
      %swap3A_831 = arith.index_cast %scan3A_44 : i32 to index
      %swap3A_832 = arith.constant 768 : index
      %swap3A_833 = tpu.vector_load %arg8[%swap3A_831, %swap3A_832] {strides = array<i32>} : memref<32x1024xf32, #tpu.memory_space<vmem>>, vector<1x16xf32>,
      %swap3A_834 = vector.shape_cast %swap3A_833 : vector<1x16xf32> to vector<16xf32>
      %swap3A_835 = vector.shape_cast %add3A_830 : vector<16xf32> to vector<1x16xf32>
      tpu.vector_store %arg8[%swap3A_831, %swap3A_832], %swap3A_835 {strides = array<i32>} : memref<32x1024xf32, #tpu.memory_space<vmem>>, vector<1x16xf32>,
      %get3A_836 = arith.index_cast %scan3A_44 : i32 to index
      %get3A_837 = arith.constant 784 : index
      %get3A_838 = tpu.vector_load %arg8[%get3A_836, %get3A_837] {strides = array<i32>} : memref<32x1024xf32, #tpu.memory_space<vmem>>, vector<1x16xf32>,
      %get3A_839 = vector.shape_cast %get3A_838 : vector<1x16xf32> to vector<16xf32>
      %mul3A_840 = arith.mulf %get3A_48, %get3A_839 : vector<16xf32>
      %get3A_841 = arith.index_cast %scan3A_44 : i32 to index
      %get3A_842 = arith.constant 784 : index
      %get3A_843 = tpu.vector_load %arg9[%get3A_841, %get3A_842] {strides = array<i32>} : memref<32x1024xf32, #tpu.memory_space<vmem>>, vector<1x16xf32>,
      %get3A_844 = vector.shape_cast %get3A_843 : vector<1x16xf32> to vector<16xf32>
      %mul3A_845 = arith.mulf %get3A_52, %get3A_844 : vector<16xf32>
      %add3A_846 = arith.addf %mul3A_840, %mul3A_845 : vector<16xf32>
      %swap3A_847 = arith.index_cast %scan3A_44 : i32 to index
      %swap3A_848 = arith.constant 784 : index
      %swap3A_849 = tpu.vector_load %arg8[%swap3A_847, %swap3A_848] {strides = array<i32>} : memref<32x1024xf32, #tpu.memory_space<vmem>>, vector<1x16xf32>,
      %swap3A_850 = vector.shape_cast %swap3A_849 : vector<1x16xf32> to vector<16xf32>
      %swap3A_851 = vector.shape_cast %add3A_846 : vector<16xf32> to vector<1x16xf32>
      tpu.vector_store %arg8[%swap3A_847, %swap3A_848], %swap3A_851 {strides = array<i32>} : memref<32x1024xf32, #tpu.memory_space<vmem>>, vector<1x16xf32>,
      %get3A_852 = arith.index_cast %scan3A_44 : i32 to index
      %get3A_853 = arith.constant 800 : index
      %get3A_854 = tpu.vector_load %arg8[%get3A_852, %get3A_853] {strides = array<i32>} : memref<32x1024xf32, #tpu.memory_space<vmem>>, vector<1x16xf32>,
      %get3A_855 = vector.shape_cast %get3A_854 : vector<1x16xf32> to vector<16xf32>
      %mul3A_856 = arith.mulf %get3A_48, %get3A_855 : vector<16xf32>
      %get3A_857 = arith.index_cast %scan3A_44 : i32 to index
      %get3A_858 = arith.constant 800 : index
      %get3A_859 = tpu.vector_load %arg9[%get3A_857, %get3A_858] {strides = array<i32>} : memref<32x1024xf32, #tpu.memory_space<vmem>>, vector<1x16xf32>,
      %get3A_860 = vector.shape_cast %get3A_859 : vector<1x16xf32> to vector<16xf32>
      %mul3A_861 = arith.mulf %get3A_52, %get3A_860 : vector<16xf32>
      %add3A_862 = arith.addf %mul3A_856, %mul3A_861 : vector<16xf32>
      %swap3A_863 = arith.index_cast %scan3A_44 : i32 to index
      %swap3A_864 = arith.constant 800 : index
      %swap3A_865 = tpu.vector_load %arg8[%swap3A_863, %swap3A_864] {strides = array<i32>} : memref<32x1024xf32, #tpu.memory_space<vmem>>, vector<1x16xf32>,
      %swap3A_866 = vector.shape_cast %swap3A_865 : vector<1x16xf32> to vector<16xf32>
      %swap3A_867 = vector.shape_cast %add3A_862 : vector<16xf32> to vector<1x16xf32>
      tpu.vector_store %arg8[%swap3A_863, %swap3A_864], %swap3A_867 {strides = array<i32>} : memref<32x1024xf32, #tpu.memory_space<vmem>>, vector<1x16xf32>,
      %get3A_868 = arith.index_cast %scan3A_44 : i32 to index
      %get3A_869 = arith.constant 816 : index
      %get3A_870 = tpu.vector_load %arg8[%get3A_868, %get3A_869] {strides = array<i32>} : memref<32x1024xf32, #tpu.memory_space<vmem>>, vector<1x16xf32>,
      %get3A_871 = vector.shape_cast %get3A_870 : vector<1x16xf32> to vector<16xf32>
      %mul3A_872 = arith.mulf %get3A_48, %get3A_871 : vector<16xf32>
      %get3A_873 = arith.index_cast %scan3A_44 : i32 to index
      %get3A_874 = arith.constant 816 : index
      %get3A_875 = tpu.vector_load %arg9[%get3A_873, %get3A_874] {strides = array<i32>} : memref<32x1024xf32, #tpu.memory_space<vmem>>, vector<1x16xf32>,
      %get3A_876 = vector.shape_cast %get3A_875 : vector<1x16xf32> to vector<16xf32>
      %mul3A_877 = arith.mulf %get3A_52, %get3A_876 : vector<16xf32>
      %add3A_878 = arith.addf %mul3A_872, %mul3A_877 : vector<16xf32>
      %swap3A_879 = arith.index_cast %scan3A_44 : i32 to index
      %swap3A_880 = arith.constant 816 : index
      %swap3A_881 = tpu.vector_load %arg8[%swap3A_879, %swap3A_880] {strides = array<i32>} : memref<32x1024xf32, #tpu.memory_space<vmem>>, vector<1x16xf32>,
      %swap3A_882 = vector.shape_cast %swap3A_881 : vector<1x16xf32> to vector<16xf32>
      %swap3A_883 = vector.shape_cast %add3A_878 : vector<16xf32> to vector<1x16xf32>
      tpu.vector_store %arg8[%swap3A_879, %swap3A_880], %swap3A_883 {strides = array<i32>} : memref<32x1024xf32, #tpu.memory_space<vmem>>, vector<1x16xf32>,
      %get3A_884 = arith.index_cast %scan3A_44 : i32 to index
      %get3A_885 = arith.constant 832 : index
      %get3A_886 = tpu.vector_load %arg8[%get3A_884, %get3A_885] {strides = array<i32>} : memref<32x1024xf32, #tpu.memory_space<vmem>>, vector<1x16xf32>,
      %get3A_887 = vector.shape_cast %get3A_886 : vector<1x16xf32> to vector<16xf32>
      %mul3A_888 = arith.mulf %get3A_48, %get3A_887 : vector<16xf32>
      %get3A_889 = arith.index_cast %scan3A_44 : i32 to index
      %get3A_890 = arith.constant 832 : index
      %get3A_891 = tpu.vector_load %arg9[%get3A_889, %get3A_890] {strides = array<i32>} : memref<32x1024xf32, #tpu.memory_space<vmem>>, vector<1x16xf32>,
      %get3A_892 = vector.shape_cast %get3A_891 : vector<1x16xf32> to vector<16xf32>
      %mul3A_893 = arith.mulf %get3A_52, %get3A_892 : vector<16xf32>
      %add3A_894 = arith.addf %mul3A_888, %mul3A_893 : vector<16xf32>
      %swap3A_895 = arith.index_cast %scan3A_44 : i32 to index
      %swap3A_896 = arith.constant 832 : index
      %swap3A_897 = tpu.vector_load %arg8[%swap3A_895, %swap3A_896] {strides = array<i32>} : memref<32x1024xf32, #tpu.memory_space<vmem>>, vector<1x16xf32>,
      %swap3A_898 = vector.shape_cast %swap3A_897 : vector<1x16xf32> to vector<16xf32>
      %swap3A_899 = vector.shape_cast %add3A_894 : vector<16xf32> to vector<1x16xf32>
      tpu.vector_store %arg8[%swap3A_895, %swap3A_896], %swap3A_899 {strides = array<i32>} : memref<32x1024xf32, #tpu.memory_space<vmem>>, vector<1x16xf32>,
      %get3A_900 = arith.index_cast %scan3A_44 : i32 to index
      %get3A_901 = arith.constant 848 : index
      %get3A_902 = tpu.vector_load %arg8[%get3A_900, %get3A_901] {strides = array<i32>} : memref<32x1024xf32, #tpu.memory_space<vmem>>, vector<1x16xf32>,
      %get3A_903 = vector.shape_cast %get3A_902 : vector<1x16xf32> to vector<16xf32>
      %mul3A_904 = arith.mulf %get3A_48, %get3A_903 : vector<16xf32>
      %get3A_905 = arith.index_cast %scan3A_44 : i32 to index
      %get3A_906 = arith.constant 848 : index
      %get3A_907 = tpu.vector_load %arg9[%get3A_905, %get3A_906] {strides = array<i32>} : memref<32x1024xf32, #tpu.memory_space<vmem>>, vector<1x16xf32>,
      %get3A_908 = vector.shape_cast %get3A_907 : vector<1x16xf32> to vector<16xf32>
      %mul3A_909 = arith.mulf %get3A_52, %get3A_908 : vector<16xf32>
      %add3A_910 = arith.addf %mul3A_904, %mul3A_909 : vector<16xf32>
      %swap3A_911 = arith.index_cast %scan3A_44 : i32 to index
      %swap3A_912 = arith.constant 848 : index
      %swap3A_913 = tpu.vector_load %arg8[%swap3A_911, %swap3A_912] {strides = array<i32>} : memref<32x1024xf32, #tpu.memory_space<vmem>>, vector<1x16xf32>,
      %swap3A_914 = vector.shape_cast %swap3A_913 : vector<1x16xf32> to vector<16xf32>
      %swap3A_915 = vector.shape_cast %add3A_910 : vector<16xf32> to vector<1x16xf32>
      tpu.vector_store %arg8[%swap3A_911, %swap3A_912], %swap3A_915 {strides = array<i32>} : memref<32x1024xf32, #tpu.memory_space<vmem>>, vector<1x16xf32>,
      %get3A_916 = arith.index_cast %scan3A_44 : i32 to index
      %get3A_917 = arith.constant 864 : index
      %get3A_918 = tpu.vector_load %arg8[%get3A_916, %get3A_917] {strides = array<i32>} : memref<32x1024xf32, #tpu.memory_space<vmem>>, vector<1x16xf32>,
      %get3A_919 = vector.shape_cast %get3A_918 : vector<1x16xf32> to vector<16xf32>
      %mul3A_920 = arith.mulf %get3A_48, %get3A_919 : vector<16xf32>
      %get3A_921 = arith.index_cast %scan3A_44 : i32 to index
      %get3A_922 = arith.constant 864 : index
      %get3A_923 = tpu.vector_load %arg9[%get3A_921, %get3A_922] {strides = array<i32>} : memref<32x1024xf32, #tpu.memory_space<vmem>>, vector<1x16xf32>,
      %get3A_924 = vector.shape_cast %get3A_923 : vector<1x16xf32> to vector<16xf32>
      %mul3A_925 = arith.mulf %get3A_52, %get3A_924 : vector<16xf32>
      %add3A_926 = arith.addf %mul3A_920, %mul3A_925 : vector<16xf32>
      %swap3A_927 = arith.index_cast %scan3A_44 : i32 to index
      %swap3A_928 = arith.constant 864 : index
      %swap3A_929 = tpu.vector_load %arg8[%swap3A_927, %swap3A_928] {strides = array<i32>} : memref<32x1024xf32, #tpu.memory_space<vmem>>, vector<1x16xf32>,
      %swap3A_930 = vector.shape_cast %swap3A_929 : vector<1x16xf32> to vector<16xf32>
      %swap3A_931 = vector.shape_cast %add3A_926 : vector<16xf32> to vector<1x16xf32>
      tpu.vector_store %arg8[%swap3A_927, %swap3A_928], %swap3A_931 {strides = array<i32>} : memref<32x1024xf32, #tpu.memory_space<vmem>>, vector<1x16xf32>,
      %get3A_932 = arith.index_cast %scan3A_44 : i32 to index
      %get3A_933 = arith.constant 880 : index
      %get3A_934 = tpu.vector_load %arg8[%get3A_932, %get3A_933] {strides = array<i32>} : memref<32x1024xf32, #tpu.memory_space<vmem>>, vector<1x16xf32>,
      %get3A_935 = vector.shape_cast %get3A_934 : vector<1x16xf32> to vector<16xf32>
      %mul3A_936 = arith.mulf %get3A_48, %get3A_935 : vector<16xf32>
      %get3A_937 = arith.index_cast %scan3A_44 : i32 to index
      %get3A_938 = arith.constant 880 : index
      %get3A_939 = tpu.vector_load %arg9[%get3A_937, %get3A_938] {strides = array<i32>} : memref<32x1024xf32, #tpu.memory_space<vmem>>, vector<1x16xf32>,
      %get3A_940 = vector.shape_cast %get3A_939 : vector<1x16xf32> to vector<16xf32>
      %mul3A_941 = arith.mulf %get3A_52, %get3A_940 : vector<16xf32>
      %add3A_942 = arith.addf %mul3A_936, %mul3A_941 : vector<16xf32>
      %swap3A_943 = arith.index_cast %scan3A_44 : i32 to index
      %swap3A_944 = arith.constant 880 : index
      %swap3A_945 = tpu.vector_load %arg8[%swap3A_943, %swap3A_944] {strides = array<i32>} : memref<32x1024xf32, #tpu.memory_space<vmem>>, vector<1x16xf32>,
      %swap3A_946 = vector.shape_cast %swap3A_945 : vector<1x16xf32> to vector<16xf32>
      %swap3A_947 = vector.shape_cast %add3A_942 : vector<16xf32> to vector<1x16xf32>
      tpu.vector_store %arg8[%swap3A_943, %swap3A_944], %swap3A_947 {strides = array<i32>} : memref<32x1024xf32, #tpu.memory_space<vmem>>, vector<1x16xf32>,
      %get3A_948 = arith.index_cast %scan3A_44 : i32 to index
      %get3A_949 = arith.constant 896 : index
      %get3A_950 = tpu.vector_load %arg8[%get3A_948, %get3A_949] {strides = array<i32>} : memref<32x1024xf32, #tpu.memory_space<vmem>>, vector<1x16xf32>,
      %get3A_951 = vector.shape_cast %get3A_950 : vector<1x16xf32> to vector<16xf32>
      %mul3A_952 = arith.mulf %get3A_48, %get3A_951 : vector<16xf32>
      %get3A_953 = arith.index_cast %scan3A_44 : i32 to index
      %get3A_954 = arith.constant 896 : index
      %get3A_955 = tpu.vector_load %arg9[%get3A_953, %get3A_954] {strides = array<i32>} : memref<32x1024xf32, #tpu.memory_space<vmem>>, vector<1x16xf32>,
      %get3A_956 = vector.shape_cast %get3A_955 : vector<1x16xf32> to vector<16xf32>
      %mul3A_957 = arith.mulf %get3A_52, %get3A_956 : vector<16xf32>
      %add3A_958 = arith.addf %mul3A_952, %mul3A_957 : vector<16xf32>
      %swap3A_959 = arith.index_cast %scan3A_44 : i32 to index
      %swap3A_960 = arith.constant 896 : index
      %swap3A_961 = tpu.vector_load %arg8[%swap3A_959, %swap3A_960] {strides = array<i32>} : memref<32x1024xf32, #tpu.memory_space<vmem>>, vector<1x16xf32>,
      %swap3A_962 = vector.shape_cast %swap3A_961 : vector<1x16xf32> to vector<16xf32>
      %swap3A_963 = vector.shape_cast %add3A_958 : vector<16xf32> to vector<1x16xf32>
      tpu.vector_store %arg8[%swap3A_959, %swap3A_960], %swap3A_963 {strides = array<i32>} : memref<32x1024xf32, #tpu.memory_space<vmem>>, vector<1x16xf32>,
      %get3A_964 = arith.index_cast %scan3A_44 : i32 to index
      %get3A_965 = arith.constant 912 : index
      %get3A_966 = tpu.vector_load %arg8[%get3A_964, %get3A_965] {strides = array<i32>} : memref<32x1024xf32, #tpu.memory_space<vmem>>, vector<1x16xf32>,
      %get3A_967 = vector.shape_cast %get3A_966 : vector<1x16xf32> to vector<16xf32>
      %mul3A_968 = arith.mulf %get3A_48, %get3A_967 : vector<16xf32>
      %get3A_969 = arith.index_cast %scan3A_44 : i32 to index
      %get3A_970 = arith.constant 912 : index
      %get3A_971 = tpu.vector_load %arg9[%get3A_969, %get3A_970] {strides = array<i32>} : memref<32x1024xf32, #tpu.memory_space<vmem>>, vector<1x16xf32>,
      %get3A_972 = vector.shape_cast %get3A_971 : vector<1x16xf32> to vector<16xf32>
      %mul3A_973 = arith.mulf %get3A_52, %get3A_972 : vector<16xf32>
      %add3A_974 = arith.addf %mul3A_968, %mul3A_973 : vector<16xf32>
      %swap3A_975 = arith.index_cast %scan3A_44 : i32 to index
      %swap3A_976 = arith.constant 912 : index
      %swap3A_977 = tpu.vector_load %arg8[%swap3A_975, %swap3A_976] {strides = array<i32>} : memref<32x1024xf32, #tpu.memory_space<vmem>>, vector<1x16xf32>,
      %swap3A_978 = vector.shape_cast %swap3A_977 : vector<1x16xf32> to vector<16xf32>
      %swap3A_979 = vector.shape_cast %add3A_974 : vector<16xf32> to vector<1x16xf32>
      tpu.vector_store %arg8[%swap3A_975, %swap3A_976], %swap3A_979 {strides = array<i32>} : memref<32x1024xf32, #tpu.memory_space<vmem>>, vector<1x16xf32>,
      %get3A_980 = arith.index_cast %scan3A_44 : i32 to index
      %get3A_981 = arith.constant 928 : index
      %get3A_982 = tpu.vector_load %arg8[%get3A_980, %get3A_981] {strides = array<i32>} : memref<32x1024xf32, #tpu.memory_space<vmem>>, vector<1x16xf32>,
      %get3A_983 = vector.shape_cast %get3A_982 : vector<1x16xf32> to vector<16xf32>
      %mul3A_984 = arith.mulf %get3A_48, %get3A_983 : vector<16xf32>
      %get3A_985 = arith.index_cast %scan3A_44 : i32 to index
      %get3A_986 = arith.constant 928 : index
      %get3A_987 = tpu.vector_load %arg9[%get3A_985, %get3A_986] {strides = array<i32>} : memref<32x1024xf32, #tpu.memory_space<vmem>>, vector<1x16xf32>,
      %get3A_988 = vector.shape_cast %get3A_987 : vector<1x16xf32> to vector<16xf32>
      %mul3A_989 = arith.mulf %get3A_52, %get3A_988 : vector<16xf32>
      %add3A_990 = arith.addf %mul3A_984, %mul3A_989 : vector<16xf32>
      %swap3A_991 = arith.index_cast %scan3A_44 : i32 to index
      %swap3A_992 = arith.constant 928 : index
      %swap3A_993 = tpu.vector_load %arg8[%swap3A_991, %swap3A_992] {strides = array<i32>} : memref<32x1024xf32, #tpu.memory_space<vmem>>, vector<1x16xf32>,
      %swap3A_994 = vector.shape_cast %swap3A_993 : vector<1x16xf32> to vector<16xf32>
      %swap3A_995 = vector.shape_cast %add3A_990 : vector<16xf32> to vector<1x16xf32>
      tpu.vector_store %arg8[%swap3A_991, %swap3A_992], %swap3A_995 {strides = array<i32>} : memref<32x1024xf32, #tpu.memory_space<vmem>>, vector<1x16xf32>,
      %get3A_996 = arith.index_cast %scan3A_44 : i32 to index
      %get3A_997 = arith.constant 944 : index
      %get3A_998 = tpu.vector_load %arg8[%get3A_996, %get3A_997] {strides = array<i32>} : memref<32x1024xf32, #tpu.memory_space<vmem>>, vector<1x16xf32>,
      %get3A_999 = vector.shape_cast %get3A_998 : vector<1x16xf32> to vector<16xf32>
      %mul3A_1000 = arith.mulf %get3A_48, %get3A_999 : vector<16xf32>
      %get3A_1001 = arith.index_cast %scan3A_44 : i32 to index
      %get3A_1002 = arith.constant 944 : index
      %get3A_1003 = tpu.vector_load %arg9[%get3A_1001, %get3A_1002] {strides = array<i32>} : memref<32x1024xf32, #tpu.memory_space<vmem>>, vector<1x16xf32>,
      %get3A_1004 = vector.shape_cast %get3A_1003 : vector<1x16xf32> to vector<16xf32>
      %mul3A_1005 = arith.mulf %get3A_52, %get3A_1004 : vector<16xf32>
      %add3A_1006 = arith.addf %mul3A_1000, %mul3A_1005 : vector<16xf32>
      %swap3A_1007 = arith.index_cast %scan3A_44 : i32 to index
      %swap3A_1008 = arith.constant 944 : index
      %swap3A_1009 = tpu.vector_load %arg8[%swap3A_1007, %swap3A_1008] {strides = array<i32>} : memref<32x1024xf32, #tpu.memory_space<vmem>>, vector<1x16xf32>,
      %swap3A_1010 = vector.shape_cast %swap3A_1009 : vector<1x16xf32> to vector<16xf32>
      %swap3A_1011 = vector.shape_cast %add3A_1006 : vector<16xf32> to vector<1x16xf32>
      tpu.vector_store %arg8[%swap3A_1007, %swap3A_1008], %swap3A_1011 {strides = array<i32>} : memref<32x1024xf32, #tpu.memory_space<vmem>>, vector<1x16xf32>,
      %get3A_1012 = arith.index_cast %scan3A_44 : i32 to index
      %get3A_1013 = arith.constant 960 : index
      %get3A_1014 = tpu.vector_load %arg8[%get3A_1012, %get3A_1013] {strides = array<i32>} : memref<32x1024xf32, #tpu.memory_space<vmem>>, vector<1x16xf32>,
      %get3A_1015 = vector.shape_cast %get3A_1014 : vector<1x16xf32> to vector<16xf32>
      %mul3A_1016 = arith.mulf %get3A_48, %get3A_1015 : vector<16xf32>
      %get3A_1017 = arith.index_cast %scan3A_44 : i32 to index
      %get3A_1018 = arith.constant 960 : index
      %get3A_1019 = tpu.vector_load %arg9[%get3A_1017, %get3A_1018] {strides = array<i32>} : memref<32x1024xf32, #tpu.memory_space<vmem>>, vector<1x16xf32>,
      %get3A_1020 = vector.shape_cast %get3A_1019 : vector<1x16xf32> to vector<16xf32>
      %mul3A_1021 = arith.mulf %get3A_52, %get3A_1020 : vector<16xf32>
      %add3A_1022 = arith.addf %mul3A_1016, %mul3A_1021 : vector<16xf32>
      %swap3A_1023 = arith.index_cast %scan3A_44 : i32 to index
      %swap3A_1024 = arith.constant 960 : index
      %swap3A_1025 = tpu.vector_load %arg8[%swap3A_1023, %swap3A_1024] {strides = array<i32>} : memref<32x1024xf32, #tpu.memory_space<vmem>>, vector<1x16xf32>,
      %swap3A_1026 = vector.shape_cast %swap3A_1025 : vector<1x16xf32> to vector<16xf32>
      %swap3A_1027 = vector.shape_cast %add3A_1022 : vector<16xf32> to vector<1x16xf32>
      tpu.vector_store %arg8[%swap3A_1023, %swap3A_1024], %swap3A_1027 {strides = array<i32>} : memref<32x1024xf32, #tpu.memory_space<vmem>>, vector<1x16xf32>,
      %get3A_1028 = arith.index_cast %scan3A_44 : i32 to index
      %get3A_1029 = arith.constant 976 : index
      %get3A_1030 = tpu.vector_load %arg8[%get3A_1028, %get3A_1029] {strides = array<i32>} : memref<32x1024xf32, #tpu.memory_space<vmem>>, vector<1x16xf32>,
      %get3A_1031 = vector.shape_cast %get3A_1030 : vector<1x16xf32> to vector<16xf32>
      %mul3A_1032 = arith.mulf %get3A_48, %get3A_1031 : vector<16xf32>
      %get3A_1033 = arith.index_cast %scan3A_44 : i32 to index
      %get3A_1034 = arith.constant 976 : index
      %get3A_1035 = tpu.vector_load %arg9[%get3A_1033, %get3A_1034] {strides = array<i32>} : memref<32x1024xf32, #tpu.memory_space<vmem>>, vector<1x16xf32>,
      %get3A_1036 = vector.shape_cast %get3A_1035 : vector<1x16xf32> to vector<16xf32>
      %mul3A_1037 = arith.mulf %get3A_52, %get3A_1036 : vector<16xf32>
      %add3A_1038 = arith.addf %mul3A_1032, %mul3A_1037 : vector<16xf32>
      %swap3A_1039 = arith.index_cast %scan3A_44 : i32 to index
      %swap3A_1040 = arith.constant 976 : index
      %swap3A_1041 = tpu.vector_load %arg8[%swap3A_1039, %swap3A_1040] {strides = array<i32>} : memref<32x1024xf32, #tpu.memory_space<vmem>>, vector<1x16xf32>,
      %swap3A_1042 = vector.shape_cast %swap3A_1041 : vector<1x16xf32> to vector<16xf32>
      %swap3A_1043 = vector.shape_cast %add3A_1038 : vector<16xf32> to vector<1x16xf32>
      tpu.vector_store %arg8[%swap3A_1039, %swap3A_1040], %swap3A_1043 {strides = array<i32>} : memref<32x1024xf32, #tpu.memory_space<vmem>>, vector<1x16xf32>,
      %get3A_1044 = arith.index_cast %scan3A_44 : i32 to index
      %get3A_1045 = arith.constant 992 : index
      %get3A_1046 = tpu.vector_load %arg8[%get3A_1044, %get3A_1045] {strides = array<i32>} : memref<32x1024xf32, #tpu.memory_space<vmem>>, vector<1x16xf32>,
      %get3A_1047 = vector.shape_cast %get3A_1046 : vector<1x16xf32> to vector<16xf32>
      %mul3A_1048 = arith.mulf %get3A_48, %get3A_1047 : vector<16xf32>
      %get3A_1049 = arith.index_cast %scan3A_44 : i32 to index
      %get3A_1050 = arith.constant 992 : index
      %get3A_1051 = tpu.vector_load %arg9[%get3A_1049, %get3A_1050] {strides = array<i32>} : memref<32x1024xf32, #tpu.memory_space<vmem>>, vector<1x16xf32>,
      %get3A_1052 = vector.shape_cast %get3A_1051 : vector<1x16xf32> to vector<16xf32>
      %mul3A_1053 = arith.mulf %get3A_52, %get3A_1052 : vector<16xf32>
      %add3A_1054 = arith.addf %mul3A_1048, %mul3A_1053 : vector<16xf32>
      %swap3A_1055 = arith.index_cast %scan3A_44 : i32 to index
      %swap3A_1056 = arith.constant 992 : index
      %swap3A_1057 = tpu.vector_load %arg8[%swap3A_1055, %swap3A_1056] {strides = array<i32>} : memref<32x1024xf32, #tpu.memory_space<vmem>>, vector<1x16xf32>,
      %swap3A_1058 = vector.shape_cast %swap3A_1057 : vector<1x16xf32> to vector<16xf32>
      %swap3A_1059 = vector.shape_cast %add3A_1054 : vector<16xf32> to vector<1x16xf32>
      tpu.vector_store %arg8[%swap3A_1055, %swap3A_1056], %swap3A_1059 {strides = array<i32>} : memref<32x1024xf32, #tpu.memory_space<vmem>>, vector<1x16xf32>,
      %get3A_1060 = arith.index_cast %scan3A_44 : i32 to index
      %get3A_1061 = arith.constant 1008 : index
      %get3A_1062 = tpu.vector_load %arg8[%get3A_1060, %get3A_1061] {strides = array<i32>} : memref<32x1024xf32, #tpu.memory_space<vmem>>, vector<1x16xf32>,
      %get3A_1063 = vector.shape_cast %get3A_1062 : vector<1x16xf32> to vector<16xf32>
      %mul3A_1064 = arith.mulf %get3A_48, %get3A_1063 : vector<16xf32>
      %get3A_1065 = arith.index_cast %scan3A_44 : i32 to index
      %get3A_1066 = arith.constant 1008 : index
      %get3A_1067 = tpu.vector_load %arg9[%get3A_1065, %get3A_1066] {strides = array<i32>} : memref<32x1024xf32, #tpu.memory_space<vmem>>, vector<1x16xf32>,
      %get3A_1068 = vector.shape_cast %get3A_1067 : vector<1x16xf32> to vector<16xf32>
      %mul3A_1069 = arith.mulf %get3A_52, %get3A_1068 : vector<16xf32>
      %add3A_1070 = arith.addf %mul3A_1064, %mul3A_1069 : vector<16xf32>
      %swap3A_1071 = arith.index_cast %scan3A_44 : i32 to index
      %swap3A_1072 = arith.constant 1008 : index
      %swap3A_1073 = tpu.vector_load %arg8[%swap3A_1071, %swap3A_1072] {strides = array<i32>} : memref<32x1024xf32, #tpu.memory_space<vmem>>, vector<1x16xf32>,
      %swap3A_1074 = vector.shape_cast %swap3A_1073 : vector<1x16xf32> to vector<16xf32>
      %swap3A_1075 = vector.shape_cast %add3A_1070 : vector<16xf32> to vector<1x16xf32>
      tpu.vector_store %arg8[%swap3A_1071, %swap3A_1072], %swap3A_1075 {strides = array<i32>} : memref<32x1024xf32, #tpu.memory_space<vmem>>, vector<1x16xf32>,
      %scan3A_1076 = arith.constant 0 : i32
      scf.yield %scan3A_1076 : i32
    }
    %scan3A_20 = arith.constant 32 : i32
    "tpu.region"() ({
      %run_scoped3A = tpu.sem_alloc : memref<!tpu.dma_semaphore, #tpu.memory_space<semaphore_mem>>
      %dma_start3A_44 = arith.constant 0 : i32
      %dma_start3A_45 = tpu.memref_slice %arg7[%add3A_4, %dma_start3A_44] : memref<2048x1024xf32, #tpu.memory_space<hbm>> -> memref<32x1024xf32, #tpu.memory_space<hbm>>
      %dma_start3A_46 = arith.constant 0 : i32
      %dma_start3A_47 = tpu.memref_slice %arg7[%add3A_4, %dma_start3A_46] : memref<2048x1024xf32, #tpu.memory_space<hbm>> -> memref<32x1024xf32, #tpu.memory_space<hbm>>
      tpu.enqueue_dma source(%arg8 : memref<32x1024xf32, #tpu.memory_space<vmem>>) target(%dma_start3A_47 : memref<32x1024xf32, #tpu.memory_space<hbm>>) target_semaphore(%run_scoped3A : memref<!tpu.dma_semaphore, #tpu.memory_space<semaphore_mem>>)
      %dma_wait3A_48 = arith.constant 0 : i32
      %dma_wait3A_49 = tpu.memref_slice %arg7[%add3A_4, %dma_wait3A_48] : memref<2048x1024xf32, #tpu.memory_space<hbm>> -> memref<32x1024xf32, #tpu.memory_space<hbm>>
      %dma_wait3A_50 = arith.constant 0 : i32
      %dma_wait3A_51 = tpu.memref_slice %arg7[%add3A_4, %dma_wait3A_50] : memref<2048x1024xf32, #tpu.memory_space<hbm>> -> memref<32x1024xf32, #tpu.memory_space<hbm>>
      tpu.wait_dma2 semaphore(%run_scoped3A : memref<!tpu.dma_semaphore, #tpu.memory_space<semaphore_mem>>) src(%arg8 : memref<32x1024xf32, #tpu.memory_space<vmem>>) dst(%dma_wait3A_51 : memref<32x1024xf32, #tpu.memory_space<hbm>>)
      tpu.yield
    }) : () -> ()
    %mul3A_21 = arith.constant 64 : i32
    %mul3A_22 = arith.muli %add3A, %mul3A_21 : i32
    %add3A_23 = arith.constant 32 : i32
    %add3A_24 = arith.addi %mul3A_22, %add3A_23 : i32
    "tpu.region"() ({
      %run_scoped3A = tpu.sem_alloc : memref<!tpu.dma_semaphore, #tpu.memory_space<semaphore_mem>>
      %dma_start3A_44 = tpu.memref_slice %arg3[%add3A_24] : memref<2048xi32, #tpu.memory_space<hbm>> -> memref<32xi32, #tpu.memory_space<hbm>>
      %dma_start3A_45 = tpu.memref_slice %arg3[%add3A_24] : memref<2048xi32, #tpu.memory_space<hbm>> -> memref<32xi32, #tpu.memory_space<hbm>>
      tpu.enqueue_dma source(%dma_start3A_45 : memref<32xi32, #tpu.memory_space<hbm>>) target(%arg10 : memref<32xi32, #tpu.memory_space<vmem>>) target_semaphore(%run_scoped3A : memref<!tpu.dma_semaphore, #tpu.memory_space<semaphore_mem>>)
      %dma_wait3A_46 = tpu.memref_slice %arg3[%add3A_24] : memref<2048xi32, #tpu.memory_space<hbm>> -> memref<32xi32, #tpu.memory_space<hbm>>
      %dma_wait3A_47 = tpu.memref_slice %arg3[%add3A_24] : memref<2048xi32, #tpu.memory_space<hbm>> -> memref<32xi32, #tpu.memory_space<hbm>>
      tpu.wait_dma2 semaphore(%run_scoped3A : memref<!tpu.dma_semaphore, #tpu.memory_space<semaphore_mem>>) src(%dma_wait3A_47 : memref<32xi32, #tpu.memory_space<hbm>>) dst(%arg10 : memref<32xi32, #tpu.memory_space<vmem>>)
      tpu.yield
    }) : () -> ()
    "tpu.region"() ({
      %run_scoped3A = tpu.sem_alloc : memref<!tpu.dma_semaphore, #tpu.memory_space<semaphore_mem>>
      %dma_start3A_44 = tpu.memref_slice %arg4[%add3A_24] : memref<2048xi32, #tpu.memory_space<hbm>> -> memref<32xi32, #tpu.memory_space<hbm>>
      %dma_start3A_45 = tpu.memref_slice %arg4[%add3A_24] : memref<2048xi32, #tpu.memory_space<hbm>> -> memref<32xi32, #tpu.memory_space<hbm>>
      tpu.enqueue_dma source(%dma_start3A_45 : memref<32xi32, #tpu.memory_space<hbm>>) target(%arg11 : memref<32xi32, #tpu.memory_space<vmem>>) target_semaphore(%run_scoped3A : memref<!tpu.dma_semaphore, #tpu.memory_space<semaphore_mem>>)
      %dma_wait3A_46 = tpu.memref_slice %arg4[%add3A_24] : memref<2048xi32, #tpu.memory_space<hbm>> -> memref<32xi32, #tpu.memory_space<hbm>>
      %dma_wait3A_47 = tpu.memref_slice %arg4[%add3A_24] : memref<2048xi32, #tpu.memory_space<hbm>> -> memref<32xi32, #tpu.memory_space<hbm>>
      tpu.wait_dma2 semaphore(%run_scoped3A : memref<!tpu.dma_semaphore, #tpu.memory_space<semaphore_mem>>) src(%dma_wait3A_47 : memref<32xi32, #tpu.memory_space<hbm>>) dst(%arg11 : memref<32xi32, #tpu.memory_space<vmem>>)
      tpu.yield
    }) : () -> ()
    %dma_start3A_25 = arith.constant 0 : i32
    %dma_start3A_26 = arith.constant 0 : i32
    %dma_start3A_27 = tpu.memref_slice %arg2[%dma_start3A_25, %dma_start3A_26] : memref<4096x1024xf32, #tpu.memory_space<hbm>> -> memref<4096x1024xf32, #tpu.memory_space<hbm>>
    tpu.enqueue_indirect_dma source(%dma_start3A_27 : memref<4096x1024xf32, #tpu.memory_space<hbm>>) target(%arg8 : memref<32x1024xf32, #tpu.memory_space<vmem>>) offsets(%arg10 : memref<32xi32, #tpu.memory_space<vmem>>) semaphore(%arg14 : memref<!tpu.dma_semaphore, #tpu.memory_space<semaphore_mem>>)
    %dma_start3A_28 = arith.constant 0 : i32
    %dma_start3A_29 = arith.constant 0 : i32
    %dma_start3A_30 = tpu.memref_slice %arg2[%dma_start3A_28, %dma_start3A_29] : memref<4096x1024xf32, #tpu.memory_space<hbm>> -> memref<4096x1024xf32, #tpu.memory_space<hbm>>
    tpu.enqueue_indirect_dma source(%dma_start3A_30 : memref<4096x1024xf32, #tpu.memory_space<hbm>>) target(%arg9 : memref<32x1024xf32, #tpu.memory_space<vmem>>) offsets(%arg11 : memref<32xi32, #tpu.memory_space<vmem>>) semaphore(%arg15 : memref<!tpu.dma_semaphore, #tpu.memory_space<semaphore_mem>>)
    "tpu.region"() ({
      %run_scoped3A = tpu.sem_alloc : memref<!tpu.dma_semaphore, #tpu.memory_space<semaphore_mem>>
      %dma_start3A_44 = arith.constant 0 : i32
      %dma_start3A_45 = tpu.memref_slice %arg5[%add3A_24, %dma_start3A_44] : memref<2048x16xf32, #tpu.memory_space<hbm>> -> memref<32x16xf32, #tpu.memory_space<hbm>>
      %dma_start3A_46 = arith.constant 0 : i32
      %dma_start3A_47 = tpu.memref_slice %arg5[%add3A_24, %dma_start3A_46] : memref<2048x16xf32, #tpu.memory_space<hbm>> -> memref<32x16xf32, #tpu.memory_space<hbm>>
      tpu.enqueue_dma source(%dma_start3A_47 : memref<32x16xf32, #tpu.memory_space<hbm>>) target(%arg12 : memref<32x16xf32, #tpu.memory_space<vmem>>) target_semaphore(%run_scoped3A : memref<!tpu.dma_semaphore, #tpu.memory_space<semaphore_mem>>)
      %dma_wait3A_48 = arith.constant 0 : i32
      %dma_wait3A_49 = tpu.memref_slice %arg5[%add3A_24, %dma_wait3A_48] : memref<2048x16xf32, #tpu.memory_space<hbm>> -> memref<32x16xf32, #tpu.memory_space<hbm>>
      %dma_wait3A_50 = arith.constant 0 : i32
      %dma_wait3A_51 = tpu.memref_slice %arg5[%add3A_24, %dma_wait3A_50] : memref<2048x16xf32, #tpu.memory_space<hbm>> -> memref<32x16xf32, #tpu.memory_space<hbm>>
      tpu.wait_dma2 semaphore(%run_scoped3A : memref<!tpu.dma_semaphore, #tpu.memory_space<semaphore_mem>>) src(%dma_wait3A_51 : memref<32x16xf32, #tpu.memory_space<hbm>>) dst(%arg12 : memref<32x16xf32, #tpu.memory_space<vmem>>)
      tpu.yield
    }) : () -> ()
    "tpu.region"() ({
      %run_scoped3A = tpu.sem_alloc : memref<!tpu.dma_semaphore, #tpu.memory_space<semaphore_mem>>
      %dma_start3A_44 = arith.constant 0 : i32
      %dma_start3A_45 = tpu.memref_slice %arg6[%add3A_24, %dma_start3A_44] : memref<2048x16xf32, #tpu.memory_space<hbm>> -> memref<32x16xf32, #tpu.memory_space<hbm>>
      %dma_start3A_46 = arith.constant 0 : i32
      %dma_start3A_47 = tpu.memref_slice %arg6[%add3A_24, %dma_start3A_46] : memref<2048x16xf32, #tpu.memory_space<hbm>> -> memref<32x16xf32, #tpu.memory_space<hbm>>
      tpu.enqueue_dma source(%dma_start3A_47 : memref<32x16xf32, #tpu.memory_space<hbm>>) target(%arg13 : memref<32x16xf32, #tpu.memory_space<vmem>>) target_semaphore(%run_scoped3A : memref<!tpu.dma_semaphore, #tpu.memory_space<semaphore_mem>>)
      %dma_wait3A_48 = arith.constant 0 : i32
      %dma_wait3A_49 = tpu.memref_slice %arg6[%add3A_24, %dma_wait3A_48] : memref<2048x16xf32, #tpu.memory_space<hbm>> -> memref<32x16xf32, #tpu.memory_space<hbm>>
      %dma_wait3A_50 = arith.constant 0 : i32
      %dma_wait3A_51 = tpu.memref_slice %arg6[%add3A_24, %dma_wait3A_50] : memref<2048x16xf32, #tpu.memory_space<hbm>> -> memref<32x16xf32, #tpu.memory_space<hbm>>
      tpu.wait_dma2 semaphore(%run_scoped3A : memref<!tpu.dma_semaphore, #tpu.memory_space<semaphore_mem>>) src(%dma_wait3A_51 : memref<32x16xf32, #tpu.memory_space<hbm>>) dst(%arg13 : memref<32x16xf32, #tpu.memory_space<vmem>>)
      tpu.yield
    }) : () -> ()
    %dma_wait3A_31 = arith.constant 0 : i32
    %dma_wait3A_32 = arith.constant 0 : i32
    %dma_wait3A_33 = tpu.memref_slice %arg2[%dma_wait3A_31, %dma_wait3A_32] : memref<4096x1024xf32, #tpu.memory_space<hbm>> -> memref<4096x1024xf32, #tpu.memory_space<hbm>>
    tpu.wait_indirect_dma semaphore(%arg14 : memref<!tpu.dma_semaphore, #tpu.memory_space<semaphore_mem>>) src(%dma_wait3A_33 : memref<4096x1024xf32, #tpu.memory_space<hbm>>) dst(%arg8 : memref<32x1024xf32, #tpu.memory_space<vmem>>)
    %dma_wait3A_34 = arith.constant 0 : i32
    %dma_wait3A_35 = arith.constant 0 : i32
    %dma_wait3A_36 = tpu.memref_slice %arg2[%dma_wait3A_34, %dma_wait3A_35] : memref<4096x1024xf32, #tpu.memory_space<hbm>> -> memref<4096x1024xf32, #tpu.memory_space<hbm>>
    tpu.wait_indirect_dma semaphore(%arg15 : memref<!tpu.dma_semaphore, #tpu.memory_space<semaphore_mem>>) src(%dma_wait3A_36 : memref<4096x1024xf32, #tpu.memory_space<hbm>>) dst(%arg9 : memref<32x1024xf32, #tpu.memory_space<vmem>>)
    %scan3A_37 = arith.constant 0 : i32
    %scan3A_38 = arith.constant 0 : i32
    %scan3A_39 = arith.constant 32 : i32
    %scan3A_40 = arith.addi %scan3A_38, %scan3A_39 : i32
    %scan3A_41 = arith.constant 1 : i32
    %scan3A_42 = scf.for %scan3A_44 = %scan3A_38 to %scan3A_40 step %scan3A_41 iter_args(%scan3A_45 = %scan3A_37) -> (i32)  : i32 {
      %get3A = arith.index_cast %scan3A_44 : i32 to index
      %get3A_46 = arith.constant 0 : index
      %get3A_47 = tpu.vector_load %arg12[%get3A, %get3A_46] {strides = array<i32>} : memref<32x16xf32, #tpu.memory_space<vmem>>, vector<1x16xf32>,
      %get3A_48 = vector.shape_cast %get3A_47 : vector<1x16xf32> to vector<16xf32>
      %get3A_49 = arith.index_cast %scan3A_44 : i32 to index
      %get3A_50 = arith.constant 0 : index
      %get3A_51 = tpu.vector_load %arg13[%get3A_49, %get3A_50] {strides = array<i32>} : memref<32x16xf32, #tpu.memory_space<vmem>>, vector<1x16xf32>,
      %get3A_52 = vector.shape_cast %get3A_51 : vector<1x16xf32> to vector<16xf32>
      %get3A_53 = arith.index_cast %scan3A_44 : i32 to index
      %get3A_54 = arith.constant 0 : index
      %get3A_55 = tpu.vector_load %arg8[%get3A_53, %get3A_54] {strides = array<i32>} : memref<32x1024xf32, #tpu.memory_space<vmem>>, vector<1x16xf32>,
      %get3A_56 = vector.shape_cast %get3A_55 : vector<1x16xf32> to vector<16xf32>
      %mul3A_57 = arith.mulf %get3A_48, %get3A_56 : vector<16xf32>
      %get3A_58 = arith.index_cast %scan3A_44 : i32 to index
      %get3A_59 = arith.constant 0 : index
      %get3A_60 = tpu.vector_load %arg9[%get3A_58, %get3A_59] {strides = array<i32>} : memref<32x1024xf32, #tpu.memory_space<vmem>>, vector<1x16xf32>,
      %get3A_61 = vector.shape_cast %get3A_60 : vector<1x16xf32> to vector<16xf32>
      %mul3A_62 = arith.mulf %get3A_52, %get3A_61 : vector<16xf32>
      %add3A_63 = arith.addf %mul3A_57, %mul3A_62 : vector<16xf32>
      %swap3A = arith.index_cast %scan3A_44 : i32 to index
      %swap3A_64 = arith.constant 0 : index
      %swap3A_65 = tpu.vector_load %arg8[%swap3A, %swap3A_64] {strides = array<i32>} : memref<32x1024xf32, #tpu.memory_space<vmem>>, vector<1x16xf32>,
      %swap3A_66 = vector.shape_cast %swap3A_65 : vector<1x16xf32> to vector<16xf32>
      %swap3A_67 = vector.shape_cast %add3A_63 : vector<16xf32> to vector<1x16xf32>
      tpu.vector_store %arg8[%swap3A, %swap3A_64], %swap3A_67 {strides = array<i32>} : memref<32x1024xf32, #tpu.memory_space<vmem>>, vector<1x16xf32>,
      %get3A_68 = arith.index_cast %scan3A_44 : i32 to index
      %get3A_69 = arith.constant 16 : index
      %get3A_70 = tpu.vector_load %arg8[%get3A_68, %get3A_69] {strides = array<i32>} : memref<32x1024xf32, #tpu.memory_space<vmem>>, vector<1x16xf32>,
      %get3A_71 = vector.shape_cast %get3A_70 : vector<1x16xf32> to vector<16xf32>
      %mul3A_72 = arith.mulf %get3A_48, %get3A_71 : vector<16xf32>
      %get3A_73 = arith.index_cast %scan3A_44 : i32 to index
      %get3A_74 = arith.constant 16 : index
      %get3A_75 = tpu.vector_load %arg9[%get3A_73, %get3A_74] {strides = array<i32>} : memref<32x1024xf32, #tpu.memory_space<vmem>>, vector<1x16xf32>,
      %get3A_76 = vector.shape_cast %get3A_75 : vector<1x16xf32> to vector<16xf32>
      %mul3A_77 = arith.mulf %get3A_52, %get3A_76 : vector<16xf32>
      %add3A_78 = arith.addf %mul3A_72, %mul3A_77 : vector<16xf32>
      %swap3A_79 = arith.index_cast %scan3A_44 : i32 to index
      %swap3A_80 = arith.constant 16 : index
      %swap3A_81 = tpu.vector_load %arg8[%swap3A_79, %swap3A_80] {strides = array<i32>} : memref<32x1024xf32, #tpu.memory_space<vmem>>, vector<1x16xf32>,
      %swap3A_82 = vector.shape_cast %swap3A_81 : vector<1x16xf32> to vector<16xf32>
      %swap3A_83 = vector.shape_cast %add3A_78 : vector<16xf32> to vector<1x16xf32>
      tpu.vector_store %arg8[%swap3A_79, %swap3A_80], %swap3A_83 {strides = array<i32>} : memref<32x1024xf32, #tpu.memory_space<vmem>>, vector<1x16xf32>,
      %get3A_84 = arith.index_cast %scan3A_44 : i32 to index
      %get3A_85 = arith.constant 32 : index
      %get3A_86 = tpu.vector_load %arg8[%get3A_84, %get3A_85] {strides = array<i32>} : memref<32x1024xf32, #tpu.memory_space<vmem>>, vector<1x16xf32>,
      %get3A_87 = vector.shape_cast %get3A_86 : vector<1x16xf32> to vector<16xf32>
      %mul3A_88 = arith.mulf %get3A_48, %get3A_87 : vector<16xf32>
      %get3A_89 = arith.index_cast %scan3A_44 : i32 to index
      %get3A_90 = arith.constant 32 : index
      %get3A_91 = tpu.vector_load %arg9[%get3A_89, %get3A_90] {strides = array<i32>} : memref<32x1024xf32, #tpu.memory_space<vmem>>, vector<1x16xf32>,
      %get3A_92 = vector.shape_cast %get3A_91 : vector<1x16xf32> to vector<16xf32>
      %mul3A_93 = arith.mulf %get3A_52, %get3A_92 : vector<16xf32>
      %add3A_94 = arith.addf %mul3A_88, %mul3A_93 : vector<16xf32>
      %swap3A_95 = arith.index_cast %scan3A_44 : i32 to index
      %swap3A_96 = arith.constant 32 : index
      %swap3A_97 = tpu.vector_load %arg8[%swap3A_95, %swap3A_96] {strides = array<i32>} : memref<32x1024xf32, #tpu.memory_space<vmem>>, vector<1x16xf32>,
      %swap3A_98 = vector.shape_cast %swap3A_97 : vector<1x16xf32> to vector<16xf32>
      %swap3A_99 = vector.shape_cast %add3A_94 : vector<16xf32> to vector<1x16xf32>
      tpu.vector_store %arg8[%swap3A_95, %swap3A_96], %swap3A_99 {strides = array<i32>} : memref<32x1024xf32, #tpu.memory_space<vmem>>, vector<1x16xf32>,
      %get3A_100 = arith.index_cast %scan3A_44 : i32 to index
      %get3A_101 = arith.constant 48 : index
      %get3A_102 = tpu.vector_load %arg8[%get3A_100, %get3A_101] {strides = array<i32>} : memref<32x1024xf32, #tpu.memory_space<vmem>>, vector<1x16xf32>,
      %get3A_103 = vector.shape_cast %get3A_102 : vector<1x16xf32> to vector<16xf32>
      %mul3A_104 = arith.mulf %get3A_48, %get3A_103 : vector<16xf32>
      %get3A_105 = arith.index_cast %scan3A_44 : i32 to index
      %get3A_106 = arith.constant 48 : index
      %get3A_107 = tpu.vector_load %arg9[%get3A_105, %get3A_106] {strides = array<i32>} : memref<32x1024xf32, #tpu.memory_space<vmem>>, vector<1x16xf32>,
      %get3A_108 = vector.shape_cast %get3A_107 : vector<1x16xf32> to vector<16xf32>
      %mul3A_109 = arith.mulf %get3A_52, %get3A_108 : vector<16xf32>
      %add3A_110 = arith.addf %mul3A_104, %mul3A_109 : vector<16xf32>
      %swap3A_111 = arith.index_cast %scan3A_44 : i32 to index
      %swap3A_112 = arith.constant 48 : index
      %swap3A_113 = tpu.vector_load %arg8[%swap3A_111, %swap3A_112] {strides = array<i32>} : memref<32x1024xf32, #tpu.memory_space<vmem>>, vector<1x16xf32>,
      %swap3A_114 = vector.shape_cast %swap3A_113 : vector<1x16xf32> to vector<16xf32>
      %swap3A_115 = vector.shape_cast %add3A_110 : vector<16xf32> to vector<1x16xf32>
      tpu.vector_store %arg8[%swap3A_111, %swap3A_112], %swap3A_115 {strides = array<i32>} : memref<32x1024xf32, #tpu.memory_space<vmem>>, vector<1x16xf32>,
      %get3A_116 = arith.index_cast %scan3A_44 : i32 to index
      %get3A_117 = arith.constant 64 : index
      %get3A_118 = tpu.vector_load %arg8[%get3A_116, %get3A_117] {strides = array<i32>} : memref<32x1024xf32, #tpu.memory_space<vmem>>, vector<1x16xf32>,
      %get3A_119 = vector.shape_cast %get3A_118 : vector<1x16xf32> to vector<16xf32>
      %mul3A_120 = arith.mulf %get3A_48, %get3A_119 : vector<16xf32>
      %get3A_121 = arith.index_cast %scan3A_44 : i32 to index
      %get3A_122 = arith.constant 64 : index
      %get3A_123 = tpu.vector_load %arg9[%get3A_121, %get3A_122] {strides = array<i32>} : memref<32x1024xf32, #tpu.memory_space<vmem>>, vector<1x16xf32>,
      %get3A_124 = vector.shape_cast %get3A_123 : vector<1x16xf32> to vector<16xf32>
      %mul3A_125 = arith.mulf %get3A_52, %get3A_124 : vector<16xf32>
      %add3A_126 = arith.addf %mul3A_120, %mul3A_125 : vector<16xf32>
      %swap3A_127 = arith.index_cast %scan3A_44 : i32 to index
      %swap3A_128 = arith.constant 64 : index
      %swap3A_129 = tpu.vector_load %arg8[%swap3A_127, %swap3A_128] {strides = array<i32>} : memref<32x1024xf32, #tpu.memory_space<vmem>>, vector<1x16xf32>,
      %swap3A_130 = vector.shape_cast %swap3A_129 : vector<1x16xf32> to vector<16xf32>
      %swap3A_131 = vector.shape_cast %add3A_126 : vector<16xf32> to vector<1x16xf32>
      tpu.vector_store %arg8[%swap3A_127, %swap3A_128], %swap3A_131 {strides = array<i32>} : memref<32x1024xf32, #tpu.memory_space<vmem>>, vector<1x16xf32>,
      %get3A_132 = arith.index_cast %scan3A_44 : i32 to index
      %get3A_133 = arith.constant 80 : index
      %get3A_134 = tpu.vector_load %arg8[%get3A_132, %get3A_133] {strides = array<i32>} : memref<32x1024xf32, #tpu.memory_space<vmem>>, vector<1x16xf32>,
      %get3A_135 = vector.shape_cast %get3A_134 : vector<1x16xf32> to vector<16xf32>
      %mul3A_136 = arith.mulf %get3A_48, %get3A_135 : vector<16xf32>
      %get3A_137 = arith.index_cast %scan3A_44 : i32 to index
      %get3A_138 = arith.constant 80 : index
      %get3A_139 = tpu.vector_load %arg9[%get3A_137, %get3A_138] {strides = array<i32>} : memref<32x1024xf32, #tpu.memory_space<vmem>>, vector<1x16xf32>,
      %get3A_140 = vector.shape_cast %get3A_139 : vector<1x16xf32> to vector<16xf32>
      %mul3A_141 = arith.mulf %get3A_52, %get3A_140 : vector<16xf32>
      %add3A_142 = arith.addf %mul3A_136, %mul3A_141 : vector<16xf32>
      %swap3A_143 = arith.index_cast %scan3A_44 : i32 to index
      %swap3A_144 = arith.constant 80 : index
      %swap3A_145 = tpu.vector_load %arg8[%swap3A_143, %swap3A_144] {strides = array<i32>} : memref<32x1024xf32, #tpu.memory_space<vmem>>, vector<1x16xf32>,
      %swap3A_146 = vector.shape_cast %swap3A_145 : vector<1x16xf32> to vector<16xf32>
      %swap3A_147 = vector.shape_cast %add3A_142 : vector<16xf32> to vector<1x16xf32>
      tpu.vector_store %arg8[%swap3A_143, %swap3A_144], %swap3A_147 {strides = array<i32>} : memref<32x1024xf32, #tpu.memory_space<vmem>>, vector<1x16xf32>,
      %get3A_148 = arith.index_cast %scan3A_44 : i32 to index
      %get3A_149 = arith.constant 96 : index
      %get3A_150 = tpu.vector_load %arg8[%get3A_148, %get3A_149] {strides = array<i32>} : memref<32x1024xf32, #tpu.memory_space<vmem>>, vector<1x16xf32>,
      %get3A_151 = vector.shape_cast %get3A_150 : vector<1x16xf32> to vector<16xf32>
      %mul3A_152 = arith.mulf %get3A_48, %get3A_151 : vector<16xf32>
      %get3A_153 = arith.index_cast %scan3A_44 : i32 to index
      %get3A_154 = arith.constant 96 : index
      %get3A_155 = tpu.vector_load %arg9[%get3A_153, %get3A_154] {strides = array<i32>} : memref<32x1024xf32, #tpu.memory_space<vmem>>, vector<1x16xf32>,
      %get3A_156 = vector.shape_cast %get3A_155 : vector<1x16xf32> to vector<16xf32>
      %mul3A_157 = arith.mulf %get3A_52, %get3A_156 : vector<16xf32>
      %add3A_158 = arith.addf %mul3A_152, %mul3A_157 : vector<16xf32>
      %swap3A_159 = arith.index_cast %scan3A_44 : i32 to index
      %swap3A_160 = arith.constant 96 : index
      %swap3A_161 = tpu.vector_load %arg8[%swap3A_159, %swap3A_160] {strides = array<i32>} : memref<32x1024xf32, #tpu.memory_space<vmem>>, vector<1x16xf32>,
      %swap3A_162 = vector.shape_cast %swap3A_161 : vector<1x16xf32> to vector<16xf32>
      %swap3A_163 = vector.shape_cast %add3A_158 : vector<16xf32> to vector<1x16xf32>
      tpu.vector_store %arg8[%swap3A_159, %swap3A_160], %swap3A_163 {strides = array<i32>} : memref<32x1024xf32, #tpu.memory_space<vmem>>, vector<1x16xf32>,
      %get3A_164 = arith.index_cast %scan3A_44 : i32 to index
      %get3A_165 = arith.constant 112 : index
      %get3A_166 = tpu.vector_load %arg8[%get3A_164, %get3A_165] {strides = array<i32>} : memref<32x1024xf32, #tpu.memory_space<vmem>>, vector<1x16xf32>,
      %get3A_167 = vector.shape_cast %get3A_166 : vector<1x16xf32> to vector<16xf32>
      %mul3A_168 = arith.mulf %get3A_48, %get3A_167 : vector<16xf32>
      %get3A_169 = arith.index_cast %scan3A_44 : i32 to index
      %get3A_170 = arith.constant 112 : index
      %get3A_171 = tpu.vector_load %arg9[%get3A_169, %get3A_170] {strides = array<i32>} : memref<32x1024xf32, #tpu.memory_space<vmem>>, vector<1x16xf32>,
      %get3A_172 = vector.shape_cast %get3A_171 : vector<1x16xf32> to vector<16xf32>
      %mul3A_173 = arith.mulf %get3A_52, %get3A_172 : vector<16xf32>
      %add3A_174 = arith.addf %mul3A_168, %mul3A_173 : vector<16xf32>
      %swap3A_175 = arith.index_cast %scan3A_44 : i32 to index
      %swap3A_176 = arith.constant 112 : index
      %swap3A_177 = tpu.vector_load %arg8[%swap3A_175, %swap3A_176] {strides = array<i32>} : memref<32x1024xf32, #tpu.memory_space<vmem>>, vector<1x16xf32>,
      %swap3A_178 = vector.shape_cast %swap3A_177 : vector<1x16xf32> to vector<16xf32>
      %swap3A_179 = vector.shape_cast %add3A_174 : vector<16xf32> to vector<1x16xf32>
      tpu.vector_store %arg8[%swap3A_175, %swap3A_176], %swap3A_179 {strides = array<i32>} : memref<32x1024xf32, #tpu.memory_space<vmem>>, vector<1x16xf32>,
      %get3A_180 = arith.index_cast %scan3A_44 : i32 to index
      %get3A_181 = arith.constant 128 : index
      %get3A_182 = tpu.vector_load %arg8[%get3A_180, %get3A_181] {strides = array<i32>} : memref<32x1024xf32, #tpu.memory_space<vmem>>, vector<1x16xf32>,
      %get3A_183 = vector.shape_cast %get3A_182 : vector<1x16xf32> to vector<16xf32>
      %mul3A_184 = arith.mulf %get3A_48, %get3A_183 : vector<16xf32>
      %get3A_185 = arith.index_cast %scan3A_44 : i32 to index
      %get3A_186 = arith.constant 128 : index
      %get3A_187 = tpu.vector_load %arg9[%get3A_185, %get3A_186] {strides = array<i32>} : memref<32x1024xf32, #tpu.memory_space<vmem>>, vector<1x16xf32>,
      %get3A_188 = vector.shape_cast %get3A_187 : vector<1x16xf32> to vector<16xf32>
      %mul3A_189 = arith.mulf %get3A_52, %get3A_188 : vector<16xf32>
      %add3A_190 = arith.addf %mul3A_184, %mul3A_189 : vector<16xf32>
      %swap3A_191 = arith.index_cast %scan3A_44 : i32 to index
      %swap3A_192 = arith.constant 128 : index
      %swap3A_193 = tpu.vector_load %arg8[%swap3A_191, %swap3A_192] {strides = array<i32>} : memref<32x1024xf32, #tpu.memory_space<vmem>>, vector<1x16xf32>,
      %swap3A_194 = vector.shape_cast %swap3A_193 : vector<1x16xf32> to vector<16xf32>
      %swap3A_195 = vector.shape_cast %add3A_190 : vector<16xf32> to vector<1x16xf32>
      tpu.vector_store %arg8[%swap3A_191, %swap3A_192], %swap3A_195 {strides = array<i32>} : memref<32x1024xf32, #tpu.memory_space<vmem>>, vector<1x16xf32>,
      %get3A_196 = arith.index_cast %scan3A_44 : i32 to index
      %get3A_197 = arith.constant 144 : index
      %get3A_198 = tpu.vector_load %arg8[%get3A_196, %get3A_197] {strides = array<i32>} : memref<32x1024xf32, #tpu.memory_space<vmem>>, vector<1x16xf32>,
      %get3A_199 = vector.shape_cast %get3A_198 : vector<1x16xf32> to vector<16xf32>
      %mul3A_200 = arith.mulf %get3A_48, %get3A_199 : vector<16xf32>
      %get3A_201 = arith.index_cast %scan3A_44 : i32 to index
      %get3A_202 = arith.constant 144 : index
      %get3A_203 = tpu.vector_load %arg9[%get3A_201, %get3A_202] {strides = array<i32>} : memref<32x1024xf32, #tpu.memory_space<vmem>>, vector<1x16xf32>,
      %get3A_204 = vector.shape_cast %get3A_203 : vector<1x16xf32> to vector<16xf32>
      %mul3A_205 = arith.mulf %get3A_52, %get3A_204 : vector<16xf32>
      %add3A_206 = arith.addf %mul3A_200, %mul3A_205 : vector<16xf32>
      %swap3A_207 = arith.index_cast %scan3A_44 : i32 to index
      %swap3A_208 = arith.constant 144 : index
      %swap3A_209 = tpu.vector_load %arg8[%swap3A_207, %swap3A_208] {strides = array<i32>} : memref<32x1024xf32, #tpu.memory_space<vmem>>, vector<1x16xf32>,
      %swap3A_210 = vector.shape_cast %swap3A_209 : vector<1x16xf32> to vector<16xf32>
      %swap3A_211 = vector.shape_cast %add3A_206 : vector<16xf32> to vector<1x16xf32>
      tpu.vector_store %arg8[%swap3A_207, %swap3A_208], %swap3A_211 {strides = array<i32>} : memref<32x1024xf32, #tpu.memory_space<vmem>>, vector<1x16xf32>,
      %get3A_212 = arith.index_cast %scan3A_44 : i32 to index
      %get3A_213 = arith.constant 160 : index
      %get3A_214 = tpu.vector_load %arg8[%get3A_212, %get3A_213] {strides = array<i32>} : memref<32x1024xf32, #tpu.memory_space<vmem>>, vector<1x16xf32>,
      %get3A_215 = vector.shape_cast %get3A_214 : vector<1x16xf32> to vector<16xf32>
      %mul3A_216 = arith.mulf %get3A_48, %get3A_215 : vector<16xf32>
      %get3A_217 = arith.index_cast %scan3A_44 : i32 to index
      %get3A_218 = arith.constant 160 : index
      %get3A_219 = tpu.vector_load %arg9[%get3A_217, %get3A_218] {strides = array<i32>} : memref<32x1024xf32, #tpu.memory_space<vmem>>, vector<1x16xf32>,
      %get3A_220 = vector.shape_cast %get3A_219 : vector<1x16xf32> to vector<16xf32>
      %mul3A_221 = arith.mulf %get3A_52, %get3A_220 : vector<16xf32>
      %add3A_222 = arith.addf %mul3A_216, %mul3A_221 : vector<16xf32>
      %swap3A_223 = arith.index_cast %scan3A_44 : i32 to index
      %swap3A_224 = arith.constant 160 : index
      %swap3A_225 = tpu.vector_load %arg8[%swap3A_223, %swap3A_224] {strides = array<i32>} : memref<32x1024xf32, #tpu.memory_space<vmem>>, vector<1x16xf32>,
      %swap3A_226 = vector.shape_cast %swap3A_225 : vector<1x16xf32> to vector<16xf32>
      %swap3A_227 = vector.shape_cast %add3A_222 : vector<16xf32> to vector<1x16xf32>
      tpu.vector_store %arg8[%swap3A_223, %swap3A_224], %swap3A_227 {strides = array<i32>} : memref<32x1024xf32, #tpu.memory_space<vmem>>, vector<1x16xf32>,
      %get3A_228 = arith.index_cast %scan3A_44 : i32 to index
      %get3A_229 = arith.constant 176 : index
      %get3A_230 = tpu.vector_load %arg8[%get3A_228, %get3A_229] {strides = array<i32>} : memref<32x1024xf32, #tpu.memory_space<vmem>>, vector<1x16xf32>,
      %get3A_231 = vector.shape_cast %get3A_230 : vector<1x16xf32> to vector<16xf32>
      %mul3A_232 = arith.mulf %get3A_48, %get3A_231 : vector<16xf32>
      %get3A_233 = arith.index_cast %scan3A_44 : i32 to index
      %get3A_234 = arith.constant 176 : index
      %get3A_235 = tpu.vector_load %arg9[%get3A_233, %get3A_234] {strides = array<i32>} : memref<32x1024xf32, #tpu.memory_space<vmem>>, vector<1x16xf32>,
      %get3A_236 = vector.shape_cast %get3A_235 : vector<1x16xf32> to vector<16xf32>
      %mul3A_237 = arith.mulf %get3A_52, %get3A_236 : vector<16xf32>
      %add3A_238 = arith.addf %mul3A_232, %mul3A_237 : vector<16xf32>
      %swap3A_239 = arith.index_cast %scan3A_44 : i32 to index
      %swap3A_240 = arith.constant 176 : index
      %swap3A_241 = tpu.vector_load %arg8[%swap3A_239, %swap3A_240] {strides = array<i32>} : memref<32x1024xf32, #tpu.memory_space<vmem>>, vector<1x16xf32>,
      %swap3A_242 = vector.shape_cast %swap3A_241 : vector<1x16xf32> to vector<16xf32>
      %swap3A_243 = vector.shape_cast %add3A_238 : vector<16xf32> to vector<1x16xf32>
      tpu.vector_store %arg8[%swap3A_239, %swap3A_240], %swap3A_243 {strides = array<i32>} : memref<32x1024xf32, #tpu.memory_space<vmem>>, vector<1x16xf32>,
      %get3A_244 = arith.index_cast %scan3A_44 : i32 to index
      %get3A_245 = arith.constant 192 : index
      %get3A_246 = tpu.vector_load %arg8[%get3A_244, %get3A_245] {strides = array<i32>} : memref<32x1024xf32, #tpu.memory_space<vmem>>, vector<1x16xf32>,
      %get3A_247 = vector.shape_cast %get3A_246 : vector<1x16xf32> to vector<16xf32>
      %mul3A_248 = arith.mulf %get3A_48, %get3A_247 : vector<16xf32>
      %get3A_249 = arith.index_cast %scan3A_44 : i32 to index
      %get3A_250 = arith.constant 192 : index
      %get3A_251 = tpu.vector_load %arg9[%get3A_249, %get3A_250] {strides = array<i32>} : memref<32x1024xf32, #tpu.memory_space<vmem>>, vector<1x16xf32>,
      %get3A_252 = vector.shape_cast %get3A_251 : vector<1x16xf32> to vector<16xf32>
      %mul3A_253 = arith.mulf %get3A_52, %get3A_252 : vector<16xf32>
      %add3A_254 = arith.addf %mul3A_248, %mul3A_253 : vector<16xf32>
      %swap3A_255 = arith.index_cast %scan3A_44 : i32 to index
      %swap3A_256 = arith.constant 192 : index
      %swap3A_257 = tpu.vector_load %arg8[%swap3A_255, %swap3A_256] {strides = array<i32>} : memref<32x1024xf32, #tpu.memory_space<vmem>>, vector<1x16xf32>,
      %swap3A_258 = vector.shape_cast %swap3A_257 : vector<1x16xf32> to vector<16xf32>
      %swap3A_259 = vector.shape_cast %add3A_254 : vector<16xf32> to vector<1x16xf32>
      tpu.vector_store %arg8[%swap3A_255, %swap3A_256], %swap3A_259 {strides = array<i32>} : memref<32x1024xf32, #tpu.memory_space<vmem>>, vector<1x16xf32>,
      %get3A_260 = arith.index_cast %scan3A_44 : i32 to index
      %get3A_261 = arith.constant 208 : index
      %get3A_262 = tpu.vector_load %arg8[%get3A_260, %get3A_261] {strides = array<i32>} : memref<32x1024xf32, #tpu.memory_space<vmem>>, vector<1x16xf32>,
      %get3A_263 = vector.shape_cast %get3A_262 : vector<1x16xf32> to vector<16xf32>
      %mul3A_264 = arith.mulf %get3A_48, %get3A_263 : vector<16xf32>
      %get3A_265 = arith.index_cast %scan3A_44 : i32 to index
      %get3A_266 = arith.constant 208 : index
      %get3A_267 = tpu.vector_load %arg9[%get3A_265, %get3A_266] {strides = array<i32>} : memref<32x1024xf32, #tpu.memory_space<vmem>>, vector<1x16xf32>,
      %get3A_268 = vector.shape_cast %get3A_267 : vector<1x16xf32> to vector<16xf32>
      %mul3A_269 = arith.mulf %get3A_52, %get3A_268 : vector<16xf32>
      %add3A_270 = arith.addf %mul3A_264, %mul3A_269 : vector<16xf32>
      %swap3A_271 = arith.index_cast %scan3A_44 : i32 to index
      %swap3A_272 = arith.constant 208 : index
      %swap3A_273 = tpu.vector_load %arg8[%swap3A_271, %swap3A_272] {strides = array<i32>} : memref<32x1024xf32, #tpu.memory_space<vmem>>, vector<1x16xf32>,
      %swap3A_274 = vector.shape_cast %swap3A_273 : vector<1x16xf32> to vector<16xf32>
      %swap3A_275 = vector.shape_cast %add3A_270 : vector<16xf32> to vector<1x16xf32>
      tpu.vector_store %arg8[%swap3A_271, %swap3A_272], %swap3A_275 {strides = array<i32>} : memref<32x1024xf32, #tpu.memory_space<vmem>>, vector<1x16xf32>,
      %get3A_276 = arith.index_cast %scan3A_44 : i32 to index
      %get3A_277 = arith.constant 224 : index
      %get3A_278 = tpu.vector_load %arg8[%get3A_276, %get3A_277] {strides = array<i32>} : memref<32x1024xf32, #tpu.memory_space<vmem>>, vector<1x16xf32>,
      %get3A_279 = vector.shape_cast %get3A_278 : vector<1x16xf32> to vector<16xf32>
      %mul3A_280 = arith.mulf %get3A_48, %get3A_279 : vector<16xf32>
      %get3A_281 = arith.index_cast %scan3A_44 : i32 to index
      %get3A_282 = arith.constant 224 : index
      %get3A_283 = tpu.vector_load %arg9[%get3A_281, %get3A_282] {strides = array<i32>} : memref<32x1024xf32, #tpu.memory_space<vmem>>, vector<1x16xf32>,
      %get3A_284 = vector.shape_cast %get3A_283 : vector<1x16xf32> to vector<16xf32>
      %mul3A_285 = arith.mulf %get3A_52, %get3A_284 : vector<16xf32>
      %add3A_286 = arith.addf %mul3A_280, %mul3A_285 : vector<16xf32>
      %swap3A_287 = arith.index_cast %scan3A_44 : i32 to index
      %swap3A_288 = arith.constant 224 : index
      %swap3A_289 = tpu.vector_load %arg8[%swap3A_287, %swap3A_288] {strides = array<i32>} : memref<32x1024xf32, #tpu.memory_space<vmem>>, vector<1x16xf32>,
      %swap3A_290 = vector.shape_cast %swap3A_289 : vector<1x16xf32> to vector<16xf32>
      %swap3A_291 = vector.shape_cast %add3A_286 : vector<16xf32> to vector<1x16xf32>
      tpu.vector_store %arg8[%swap3A_287, %swap3A_288], %swap3A_291 {strides = array<i32>} : memref<32x1024xf32, #tpu.memory_space<vmem>>, vector<1x16xf32>,
      %get3A_292 = arith.index_cast %scan3A_44 : i32 to index
      %get3A_293 = arith.constant 240 : index
      %get3A_294 = tpu.vector_load %arg8[%get3A_292, %get3A_293] {strides = array<i32>} : memref<32x1024xf32, #tpu.memory_space<vmem>>, vector<1x16xf32>,
      %get3A_295 = vector.shape_cast %get3A_294 : vector<1x16xf32> to vector<16xf32>
      %mul3A_296 = arith.mulf %get3A_48, %get3A_295 : vector<16xf32>
      %get3A_297 = arith.index_cast %scan3A_44 : i32 to index
      %get3A_298 = arith.constant 240 : index
      %get3A_299 = tpu.vector_load %arg9[%get3A_297, %get3A_298] {strides = array<i32>} : memref<32x1024xf32, #tpu.memory_space<vmem>>, vector<1x16xf32>,
      %get3A_300 = vector.shape_cast %get3A_299 : vector<1x16xf32> to vector<16xf32>
      %mul3A_301 = arith.mulf %get3A_52, %get3A_300 : vector<16xf32>
      %add3A_302 = arith.addf %mul3A_296, %mul3A_301 : vector<16xf32>
      %swap3A_303 = arith.index_cast %scan3A_44 : i32 to index
      %swap3A_304 = arith.constant 240 : index
      %swap3A_305 = tpu.vector_load %arg8[%swap3A_303, %swap3A_304] {strides = array<i32>} : memref<32x1024xf32, #tpu.memory_space<vmem>>, vector<1x16xf32>,
      %swap3A_306 = vector.shape_cast %swap3A_305 : vector<1x16xf32> to vector<16xf32>
      %swap3A_307 = vector.shape_cast %add3A_302 : vector<16xf32> to vector<1x16xf32>
      tpu.vector_store %arg8[%swap3A_303, %swap3A_304], %swap3A_307 {strides = array<i32>} : memref<32x1024xf32, #tpu.memory_space<vmem>>, vector<1x16xf32>,
      %get3A_308 = arith.index_cast %scan3A_44 : i32 to index
      %get3A_309 = arith.constant 256 : index
      %get3A_310 = tpu.vector_load %arg8[%get3A_308, %get3A_309] {strides = array<i32>} : memref<32x1024xf32, #tpu.memory_space<vmem>>, vector<1x16xf32>,
      %get3A_311 = vector.shape_cast %get3A_310 : vector<1x16xf32> to vector<16xf32>
      %mul3A_312 = arith.mulf %get3A_48, %get3A_311 : vector<16xf32>
      %get3A_313 = arith.index_cast %scan3A_44 : i32 to index
      %get3A_314 = arith.constant 256 : index
      %get3A_315 = tpu.vector_load %arg9[%get3A_313, %get3A_314] {strides = array<i32>} : memref<32x1024xf32, #tpu.memory_space<vmem>>, vector<1x16xf32>,
      %get3A_316 = vector.shape_cast %get3A_315 : vector<1x16xf32> to vector<16xf32>
      %mul3A_317 = arith.mulf %get3A_52, %get3A_316 : vector<16xf32>
      %add3A_318 = arith.addf %mul3A_312, %mul3A_317 : vector<16xf32>
      %swap3A_319 = arith.index_cast %scan3A_44 : i32 to index
      %swap3A_320 = arith.constant 256 : index
      %swap3A_321 = tpu.vector_load %arg8[%swap3A_319, %swap3A_320] {strides = array<i32>} : memref<32x1024xf32, #tpu.memory_space<vmem>>, vector<1x16xf32>,
      %swap3A_322 = vector.shape_cast %swap3A_321 : vector<1x16xf32> to vector<16xf32>
      %swap3A_323 = vector.shape_cast %add3A_318 : vector<16xf32> to vector<1x16xf32>
      tpu.vector_store %arg8[%swap3A_319, %swap3A_320], %swap3A_323 {strides = array<i32>} : memref<32x1024xf32, #tpu.memory_space<vmem>>, vector<1x16xf32>,
      %get3A_324 = arith.index_cast %scan3A_44 : i32 to index
      %get3A_325 = arith.constant 272 : index
      %get3A_326 = tpu.vector_load %arg8[%get3A_324, %get3A_325] {strides = array<i32>} : memref<32x1024xf32, #tpu.memory_space<vmem>>, vector<1x16xf32>,
      %get3A_327 = vector.shape_cast %get3A_326 : vector<1x16xf32> to vector<16xf32>
      %mul3A_328 = arith.mulf %get3A_48, %get3A_327 : vector<16xf32>
      %get3A_329 = arith.index_cast %scan3A_44 : i32 to index
      %get3A_330 = arith.constant 272 : index
      %get3A_331 = tpu.vector_load %arg9[%get3A_329, %get3A_330] {strides = array<i32>} : memref<32x1024xf32, #tpu.memory_space<vmem>>, vector<1x16xf32>,
      %get3A_332 = vector.shape_cast %get3A_331 : vector<1x16xf32> to vector<16xf32>
      %mul3A_333 = arith.mulf %get3A_52, %get3A_332 : vector<16xf32>
      %add3A_334 = arith.addf %mul3A_328, %mul3A_333 : vector<16xf32>
      %swap3A_335 = arith.index_cast %scan3A_44 : i32 to index
      %swap3A_336 = arith.constant 272 : index
      %swap3A_337 = tpu.vector_load %arg8[%swap3A_335, %swap3A_336] {strides = array<i32>} : memref<32x1024xf32, #tpu.memory_space<vmem>>, vector<1x16xf32>,
      %swap3A_338 = vector.shape_cast %swap3A_337 : vector<1x16xf32> to vector<16xf32>
      %swap3A_339 = vector.shape_cast %add3A_334 : vector<16xf32> to vector<1x16xf32>
      tpu.vector_store %arg8[%swap3A_335, %swap3A_336], %swap3A_339 {strides = array<i32>} : memref<32x1024xf32, #tpu.memory_space<vmem>>, vector<1x16xf32>,
      %get3A_340 = arith.index_cast %scan3A_44 : i32 to index
      %get3A_341 = arith.constant 288 : index
      %get3A_342 = tpu.vector_load %arg8[%get3A_340, %get3A_341] {strides = array<i32>} : memref<32x1024xf32, #tpu.memory_space<vmem>>, vector<1x16xf32>,
      %get3A_343 = vector.shape_cast %get3A_342 : vector<1x16xf32> to vector<16xf32>
      %mul3A_344 = arith.mulf %get3A_48, %get3A_343 : vector<16xf32>
      %get3A_345 = arith.index_cast %scan3A_44 : i32 to index
      %get3A_346 = arith.constant 288 : index
      %get3A_347 = tpu.vector_load %arg9[%get3A_345, %get3A_346] {strides = array<i32>} : memref<32x1024xf32, #tpu.memory_space<vmem>>, vector<1x16xf32>,
      %get3A_348 = vector.shape_cast %get3A_347 : vector<1x16xf32> to vector<16xf32>
      %mul3A_349 = arith.mulf %get3A_52, %get3A_348 : vector<16xf32>
      %add3A_350 = arith.addf %mul3A_344, %mul3A_349 : vector<16xf32>
      %swap3A_351 = arith.index_cast %scan3A_44 : i32 to index
      %swap3A_352 = arith.constant 288 : index
      %swap3A_353 = tpu.vector_load %arg8[%swap3A_351, %swap3A_352] {strides = array<i32>} : memref<32x1024xf32, #tpu.memory_space<vmem>>, vector<1x16xf32>,
      %swap3A_354 = vector.shape_cast %swap3A_353 : vector<1x16xf32> to vector<16xf32>
      %swap3A_355 = vector.shape_cast %add3A_350 : vector<16xf32> to vector<1x16xf32>
      tpu.vector_store %arg8[%swap3A_351, %swap3A_352], %swap3A_355 {strides = array<i32>} : memref<32x1024xf32, #tpu.memory_space<vmem>>, vector<1x16xf32>,
      %get3A_356 = arith.index_cast %scan3A_44 : i32 to index
      %get3A_357 = arith.constant 304 : index
      %get3A_358 = tpu.vector_load %arg8[%get3A_356, %get3A_357] {strides = array<i32>} : memref<32x1024xf32, #tpu.memory_space<vmem>>, vector<1x16xf32>,
      %get3A_359 = vector.shape_cast %get3A_358 : vector<1x16xf32> to vector<16xf32>
      %mul3A_360 = arith.mulf %get3A_48, %get3A_359 : vector<16xf32>
      %get3A_361 = arith.index_cast %scan3A_44 : i32 to index
      %get3A_362 = arith.constant 304 : index
      %get3A_363 = tpu.vector_load %arg9[%get3A_361, %get3A_362] {strides = array<i32>} : memref<32x1024xf32, #tpu.memory_space<vmem>>, vector<1x16xf32>,
      %get3A_364 = vector.shape_cast %get3A_363 : vector<1x16xf32> to vector<16xf32>
      %mul3A_365 = arith.mulf %get3A_52, %get3A_364 : vector<16xf32>
      %add3A_366 = arith.addf %mul3A_360, %mul3A_365 : vector<16xf32>
      %swap3A_367 = arith.index_cast %scan3A_44 : i32 to index
      %swap3A_368 = arith.constant 304 : index
      %swap3A_369 = tpu.vector_load %arg8[%swap3A_367, %swap3A_368] {strides = array<i32>} : memref<32x1024xf32, #tpu.memory_space<vmem>>, vector<1x16xf32>,
      %swap3A_370 = vector.shape_cast %swap3A_369 : vector<1x16xf32> to vector<16xf32>
      %swap3A_371 = vector.shape_cast %add3A_366 : vector<16xf32> to vector<1x16xf32>
      tpu.vector_store %arg8[%swap3A_367, %swap3A_368], %swap3A_371 {strides = array<i32>} : memref<32x1024xf32, #tpu.memory_space<vmem>>, vector<1x16xf32>,
      %get3A_372 = arith.index_cast %scan3A_44 : i32 to index
      %get3A_373 = arith.constant 320 : index
      %get3A_374 = tpu.vector_load %arg8[%get3A_372, %get3A_373] {strides = array<i32>} : memref<32x1024xf32, #tpu.memory_space<vmem>>, vector<1x16xf32>,
      %get3A_375 = vector.shape_cast %get3A_374 : vector<1x16xf32> to vector<16xf32>
      %mul3A_376 = arith.mulf %get3A_48, %get3A_375 : vector<16xf32>
      %get3A_377 = arith.index_cast %scan3A_44 : i32 to index
      %get3A_378 = arith.constant 320 : index
      %get3A_379 = tpu.vector_load %arg9[%get3A_377, %get3A_378] {strides = array<i32>} : memref<32x1024xf32, #tpu.memory_space<vmem>>, vector<1x16xf32>,
      %get3A_380 = vector.shape_cast %get3A_379 : vector<1x16xf32> to vector<16xf32>
      %mul3A_381 = arith.mulf %get3A_52, %get3A_380 : vector<16xf32>
      %add3A_382 = arith.addf %mul3A_376, %mul3A_381 : vector<16xf32>
      %swap3A_383 = arith.index_cast %scan3A_44 : i32 to index
      %swap3A_384 = arith.constant 320 : index
      %swap3A_385 = tpu.vector_load %arg8[%swap3A_383, %swap3A_384] {strides = array<i32>} : memref<32x1024xf32, #tpu.memory_space<vmem>>, vector<1x16xf32>,
      %swap3A_386 = vector.shape_cast %swap3A_385 : vector<1x16xf32> to vector<16xf32>
      %swap3A_387 = vector.shape_cast %add3A_382 : vector<16xf32> to vector<1x16xf32>
      tpu.vector_store %arg8[%swap3A_383, %swap3A_384], %swap3A_387 {strides = array<i32>} : memref<32x1024xf32, #tpu.memory_space<vmem>>, vector<1x16xf32>,
      %get3A_388 = arith.index_cast %scan3A_44 : i32 to index
      %get3A_389 = arith.constant 336 : index
      %get3A_390 = tpu.vector_load %arg8[%get3A_388, %get3A_389] {strides = array<i32>} : memref<32x1024xf32, #tpu.memory_space<vmem>>, vector<1x16xf32>,
      %get3A_391 = vector.shape_cast %get3A_390 : vector<1x16xf32> to vector<16xf32>
      %mul3A_392 = arith.mulf %get3A_48, %get3A_391 : vector<16xf32>
      %get3A_393 = arith.index_cast %scan3A_44 : i32 to index
      %get3A_394 = arith.constant 336 : index
      %get3A_395 = tpu.vector_load %arg9[%get3A_393, %get3A_394] {strides = array<i32>} : memref<32x1024xf32, #tpu.memory_space<vmem>>, vector<1x16xf32>,
      %get3A_396 = vector.shape_cast %get3A_395 : vector<1x16xf32> to vector<16xf32>
      %mul3A_397 = arith.mulf %get3A_52, %get3A_396 : vector<16xf32>
      %add3A_398 = arith.addf %mul3A_392, %mul3A_397 : vector<16xf32>
      %swap3A_399 = arith.index_cast %scan3A_44 : i32 to index
      %swap3A_400 = arith.constant 336 : index
      %swap3A_401 = tpu.vector_load %arg8[%swap3A_399, %swap3A_400] {strides = array<i32>} : memref<32x1024xf32, #tpu.memory_space<vmem>>, vector<1x16xf32>,
      %swap3A_402 = vector.shape_cast %swap3A_401 : vector<1x16xf32> to vector<16xf32>
      %swap3A_403 = vector.shape_cast %add3A_398 : vector<16xf32> to vector<1x16xf32>
      tpu.vector_store %arg8[%swap3A_399, %swap3A_400], %swap3A_403 {strides = array<i32>} : memref<32x1024xf32, #tpu.memory_space<vmem>>, vector<1x16xf32>,
      %get3A_404 = arith.index_cast %scan3A_44 : i32 to index
      %get3A_405 = arith.constant 352 : index
      %get3A_406 = tpu.vector_load %arg8[%get3A_404, %get3A_405] {strides = array<i32>} : memref<32x1024xf32, #tpu.memory_space<vmem>>, vector<1x16xf32>,
      %get3A_407 = vector.shape_cast %get3A_406 : vector<1x16xf32> to vector<16xf32>
      %mul3A_408 = arith.mulf %get3A_48, %get3A_407 : vector<16xf32>
      %get3A_409 = arith.index_cast %scan3A_44 : i32 to index
      %get3A_410 = arith.constant 352 : index
      %get3A_411 = tpu.vector_load %arg9[%get3A_409, %get3A_410] {strides = array<i32>} : memref<32x1024xf32, #tpu.memory_space<vmem>>, vector<1x16xf32>,
      %get3A_412 = vector.shape_cast %get3A_411 : vector<1x16xf32> to vector<16xf32>
      %mul3A_413 = arith.mulf %get3A_52, %get3A_412 : vector<16xf32>
      %add3A_414 = arith.addf %mul3A_408, %mul3A_413 : vector<16xf32>
      %swap3A_415 = arith.index_cast %scan3A_44 : i32 to index
      %swap3A_416 = arith.constant 352 : index
      %swap3A_417 = tpu.vector_load %arg8[%swap3A_415, %swap3A_416] {strides = array<i32>} : memref<32x1024xf32, #tpu.memory_space<vmem>>, vector<1x16xf32>,
      %swap3A_418 = vector.shape_cast %swap3A_417 : vector<1x16xf32> to vector<16xf32>
      %swap3A_419 = vector.shape_cast %add3A_414 : vector<16xf32> to vector<1x16xf32>
      tpu.vector_store %arg8[%swap3A_415, %swap3A_416], %swap3A_419 {strides = array<i32>} : memref<32x1024xf32, #tpu.memory_space<vmem>>, vector<1x16xf32>,
      %get3A_420 = arith.index_cast %scan3A_44 : i32 to index
      %get3A_421 = arith.constant 368 : index
      %get3A_422 = tpu.vector_load %arg8[%get3A_420, %get3A_421] {strides = array<i32>} : memref<32x1024xf32, #tpu.memory_space<vmem>>, vector<1x16xf32>,
      %get3A_423 = vector.shape_cast %get3A_422 : vector<1x16xf32> to vector<16xf32>
      %mul3A_424 = arith.mulf %get3A_48, %get3A_423 : vector<16xf32>
      %get3A_425 = arith.index_cast %scan3A_44 : i32 to index
      %get3A_426 = arith.constant 368 : index
      %get3A_427 = tpu.vector_load %arg9[%get3A_425, %get3A_426] {strides = array<i32>} : memref<32x1024xf32, #tpu.memory_space<vmem>>, vector<1x16xf32>,
      %get3A_428 = vector.shape_cast %get3A_427 : vector<1x16xf32> to vector<16xf32>
      %mul3A_429 = arith.mulf %get3A_52, %get3A_428 : vector<16xf32>
      %add3A_430 = arith.addf %mul3A_424, %mul3A_429 : vector<16xf32>
      %swap3A_431 = arith.index_cast %scan3A_44 : i32 to index
      %swap3A_432 = arith.constant 368 : index
      %swap3A_433 = tpu.vector_load %arg8[%swap3A_431, %swap3A_432] {strides = array<i32>} : memref<32x1024xf32, #tpu.memory_space<vmem>>, vector<1x16xf32>,
      %swap3A_434 = vector.shape_cast %swap3A_433 : vector<1x16xf32> to vector<16xf32>
      %swap3A_435 = vector.shape_cast %add3A_430 : vector<16xf32> to vector<1x16xf32>
      tpu.vector_store %arg8[%swap3A_431, %swap3A_432], %swap3A_435 {strides = array<i32>} : memref<32x1024xf32, #tpu.memory_space<vmem>>, vector<1x16xf32>,
      %get3A_436 = arith.index_cast %scan3A_44 : i32 to index
      %get3A_437 = arith.constant 384 : index
      %get3A_438 = tpu.vector_load %arg8[%get3A_436, %get3A_437] {strides = array<i32>} : memref<32x1024xf32, #tpu.memory_space<vmem>>, vector<1x16xf32>,
      %get3A_439 = vector.shape_cast %get3A_438 : vector<1x16xf32> to vector<16xf32>
      %mul3A_440 = arith.mulf %get3A_48, %get3A_439 : vector<16xf32>
      %get3A_441 = arith.index_cast %scan3A_44 : i32 to index
      %get3A_442 = arith.constant 384 : index
      %get3A_443 = tpu.vector_load %arg9[%get3A_441, %get3A_442] {strides = array<i32>} : memref<32x1024xf32, #tpu.memory_space<vmem>>, vector<1x16xf32>,
      %get3A_444 = vector.shape_cast %get3A_443 : vector<1x16xf32> to vector<16xf32>
      %mul3A_445 = arith.mulf %get3A_52, %get3A_444 : vector<16xf32>
      %add3A_446 = arith.addf %mul3A_440, %mul3A_445 : vector<16xf32>
      %swap3A_447 = arith.index_cast %scan3A_44 : i32 to index
      %swap3A_448 = arith.constant 384 : index
      %swap3A_449 = tpu.vector_load %arg8[%swap3A_447, %swap3A_448] {strides = array<i32>} : memref<32x1024xf32, #tpu.memory_space<vmem>>, vector<1x16xf32>,
      %swap3A_450 = vector.shape_cast %swap3A_449 : vector<1x16xf32> to vector<16xf32>
      %swap3A_451 = vector.shape_cast %add3A_446 : vector<16xf32> to vector<1x16xf32>
      tpu.vector_store %arg8[%swap3A_447, %swap3A_448], %swap3A_451 {strides = array<i32>} : memref<32x1024xf32, #tpu.memory_space<vmem>>, vector<1x16xf32>,
      %get3A_452 = arith.index_cast %scan3A_44 : i32 to index
      %get3A_453 = arith.constant 400 : index
      %get3A_454 = tpu.vector_load %arg8[%get3A_452, %get3A_453] {strides = array<i32>} : memref<32x1024xf32, #tpu.memory_space<vmem>>, vector<1x16xf32>,
      %get3A_455 = vector.shape_cast %get3A_454 : vector<1x16xf32> to vector<16xf32>
      %mul3A_456 = arith.mulf %get3A_48, %get3A_455 : vector<16xf32>
      %get3A_457 = arith.index_cast %scan3A_44 : i32 to index
      %get3A_458 = arith.constant 400 : index
      %get3A_459 = tpu.vector_load %arg9[%get3A_457, %get3A_458] {strides = array<i32>} : memref<32x1024xf32, #tpu.memory_space<vmem>>, vector<1x16xf32>,
      %get3A_460 = vector.shape_cast %get3A_459 : vector<1x16xf32> to vector<16xf32>
      %mul3A_461 = arith.mulf %get3A_52, %get3A_460 : vector<16xf32>
      %add3A_462 = arith.addf %mul3A_456, %mul3A_461 : vector<16xf32>
      %swap3A_463 = arith.index_cast %scan3A_44 : i32 to index
      %swap3A_464 = arith.constant 400 : index
      %swap3A_465 = tpu.vector_load %arg8[%swap3A_463, %swap3A_464] {strides = array<i32>} : memref<32x1024xf32, #tpu.memory_space<vmem>>, vector<1x16xf32>,
      %swap3A_466 = vector.shape_cast %swap3A_465 : vector<1x16xf32> to vector<16xf32>
      %swap3A_467 = vector.shape_cast %add3A_462 : vector<16xf32> to vector<1x16xf32>
      tpu.vector_store %arg8[%swap3A_463, %swap3A_464], %swap3A_467 {strides = array<i32>} : memref<32x1024xf32, #tpu.memory_space<vmem>>, vector<1x16xf32>,
      %get3A_468 = arith.index_cast %scan3A_44 : i32 to index
      %get3A_469 = arith.constant 416 : index
      %get3A_470 = tpu.vector_load %arg8[%get3A_468, %get3A_469] {strides = array<i32>} : memref<32x1024xf32, #tpu.memory_space<vmem>>, vector<1x16xf32>,
      %get3A_471 = vector.shape_cast %get3A_470 : vector<1x16xf32> to vector<16xf32>
      %mul3A_472 = arith.mulf %get3A_48, %get3A_471 : vector<16xf32>
      %get3A_473 = arith.index_cast %scan3A_44 : i32 to index
      %get3A_474 = arith.constant 416 : index
      %get3A_475 = tpu.vector_load %arg9[%get3A_473, %get3A_474] {strides = array<i32>} : memref<32x1024xf32, #tpu.memory_space<vmem>>, vector<1x16xf32>,
      %get3A_476 = vector.shape_cast %get3A_475 : vector<1x16xf32> to vector<16xf32>
      %mul3A_477 = arith.mulf %get3A_52, %get3A_476 : vector<16xf32>
      %add3A_478 = arith.addf %mul3A_472, %mul3A_477 : vector<16xf32>
      %swap3A_479 = arith.index_cast %scan3A_44 : i32 to index
      %swap3A_480 = arith.constant 416 : index
      %swap3A_481 = tpu.vector_load %arg8[%swap3A_479, %swap3A_480] {strides = array<i32>} : memref<32x1024xf32, #tpu.memory_space<vmem>>, vector<1x16xf32>,
      %swap3A_482 = vector.shape_cast %swap3A_481 : vector<1x16xf32> to vector<16xf32>
      %swap3A_483 = vector.shape_cast %add3A_478 : vector<16xf32> to vector<1x16xf32>
      tpu.vector_store %arg8[%swap3A_479, %swap3A_480], %swap3A_483 {strides = array<i32>} : memref<32x1024xf32, #tpu.memory_space<vmem>>, vector<1x16xf32>,
      %get3A_484 = arith.index_cast %scan3A_44 : i32 to index
      %get3A_485 = arith.constant 432 : index
      %get3A_486 = tpu.vector_load %arg8[%get3A_484, %get3A_485] {strides = array<i32>} : memref<32x1024xf32, #tpu.memory_space<vmem>>, vector<1x16xf32>,
      %get3A_487 = vector.shape_cast %get3A_486 : vector<1x16xf32> to vector<16xf32>
      %mul3A_488 = arith.mulf %get3A_48, %get3A_487 : vector<16xf32>
      %get3A_489 = arith.index_cast %scan3A_44 : i32 to index
      %get3A_490 = arith.constant 432 : index
      %get3A_491 = tpu.vector_load %arg9[%get3A_489, %get3A_490] {strides = array<i32>} : memref<32x1024xf32, #tpu.memory_space<vmem>>, vector<1x16xf32>,
      %get3A_492 = vector.shape_cast %get3A_491 : vector<1x16xf32> to vector<16xf32>
      %mul3A_493 = arith.mulf %get3A_52, %get3A_492 : vector<16xf32>
      %add3A_494 = arith.addf %mul3A_488, %mul3A_493 : vector<16xf32>
      %swap3A_495 = arith.index_cast %scan3A_44 : i32 to index
      %swap3A_496 = arith.constant 432 : index
      %swap3A_497 = tpu.vector_load %arg8[%swap3A_495, %swap3A_496] {strides = array<i32>} : memref<32x1024xf32, #tpu.memory_space<vmem>>, vector<1x16xf32>,
      %swap3A_498 = vector.shape_cast %swap3A_497 : vector<1x16xf32> to vector<16xf32>
      %swap3A_499 = vector.shape_cast %add3A_494 : vector<16xf32> to vector<1x16xf32>
      tpu.vector_store %arg8[%swap3A_495, %swap3A_496], %swap3A_499 {strides = array<i32>} : memref<32x1024xf32, #tpu.memory_space<vmem>>, vector<1x16xf32>,
      %get3A_500 = arith.index_cast %scan3A_44 : i32 to index
      %get3A_501 = arith.constant 448 : index
      %get3A_502 = tpu.vector_load %arg8[%get3A_500, %get3A_501] {strides = array<i32>} : memref<32x1024xf32, #tpu.memory_space<vmem>>, vector<1x16xf32>,
      %get3A_503 = vector.shape_cast %get3A_502 : vector<1x16xf32> to vector<16xf32>
      %mul3A_504 = arith.mulf %get3A_48, %get3A_503 : vector<16xf32>
      %get3A_505 = arith.index_cast %scan3A_44 : i32 to index
      %get3A_506 = arith.constant 448 : index
      %get3A_507 = tpu.vector_load %arg9[%get3A_505, %get3A_506] {strides = array<i32>} : memref<32x1024xf32, #tpu.memory_space<vmem>>, vector<1x16xf32>,
      %get3A_508 = vector.shape_cast %get3A_507 : vector<1x16xf32> to vector<16xf32>
      %mul3A_509 = arith.mulf %get3A_52, %get3A_508 : vector<16xf32>
      %add3A_510 = arith.addf %mul3A_504, %mul3A_509 : vector<16xf32>
      %swap3A_511 = arith.index_cast %scan3A_44 : i32 to index
      %swap3A_512 = arith.constant 448 : index
      %swap3A_513 = tpu.vector_load %arg8[%swap3A_511, %swap3A_512] {strides = array<i32>} : memref<32x1024xf32, #tpu.memory_space<vmem>>, vector<1x16xf32>,
      %swap3A_514 = vector.shape_cast %swap3A_513 : vector<1x16xf32> to vector<16xf32>
      %swap3A_515 = vector.shape_cast %add3A_510 : vector<16xf32> to vector<1x16xf32>
      tpu.vector_store %arg8[%swap3A_511, %swap3A_512], %swap3A_515 {strides = array<i32>} : memref<32x1024xf32, #tpu.memory_space<vmem>>, vector<1x16xf32>,
      %get3A_516 = arith.index_cast %scan3A_44 : i32 to index
      %get3A_517 = arith.constant 464 : index
      %get3A_518 = tpu.vector_load %arg8[%get3A_516, %get3A_517] {strides = array<i32>} : memref<32x1024xf32, #tpu.memory_space<vmem>>, vector<1x16xf32>,
      %get3A_519 = vector.shape_cast %get3A_518 : vector<1x16xf32> to vector<16xf32>
      %mul3A_520 = arith.mulf %get3A_48, %get3A_519 : vector<16xf32>
      %get3A_521 = arith.index_cast %scan3A_44 : i32 to index
      %get3A_522 = arith.constant 464 : index
      %get3A_523 = tpu.vector_load %arg9[%get3A_521, %get3A_522] {strides = array<i32>} : memref<32x1024xf32, #tpu.memory_space<vmem>>, vector<1x16xf32>,
      %get3A_524 = vector.shape_cast %get3A_523 : vector<1x16xf32> to vector<16xf32>
      %mul3A_525 = arith.mulf %get3A_52, %get3A_524 : vector<16xf32>
      %add3A_526 = arith.addf %mul3A_520, %mul3A_525 : vector<16xf32>
      %swap3A_527 = arith.index_cast %scan3A_44 : i32 to index
      %swap3A_528 = arith.constant 464 : index
      %swap3A_529 = tpu.vector_load %arg8[%swap3A_527, %swap3A_528] {strides = array<i32>} : memref<32x1024xf32, #tpu.memory_space<vmem>>, vector<1x16xf32>,
      %swap3A_530 = vector.shape_cast %swap3A_529 : vector<1x16xf32> to vector<16xf32>
      %swap3A_531 = vector.shape_cast %add3A_526 : vector<16xf32> to vector<1x16xf32>
      tpu.vector_store %arg8[%swap3A_527, %swap3A_528], %swap3A_531 {strides = array<i32>} : memref<32x1024xf32, #tpu.memory_space<vmem>>, vector<1x16xf32>,
      %get3A_532 = arith.index_cast %scan3A_44 : i32 to index
      %get3A_533 = arith.constant 480 : index
      %get3A_534 = tpu.vector_load %arg8[%get3A_532, %get3A_533] {strides = array<i32>} : memref<32x1024xf32, #tpu.memory_space<vmem>>, vector<1x16xf32>,
      %get3A_535 = vector.shape_cast %get3A_534 : vector<1x16xf32> to vector<16xf32>
      %mul3A_536 = arith.mulf %get3A_48, %get3A_535 : vector<16xf32>
      %get3A_537 = arith.index_cast %scan3A_44 : i32 to index
      %get3A_538 = arith.constant 480 : index
      %get3A_539 = tpu.vector_load %arg9[%get3A_537, %get3A_538] {strides = array<i32>} : memref<32x1024xf32, #tpu.memory_space<vmem>>, vector<1x16xf32>,
      %get3A_540 = vector.shape_cast %get3A_539 : vector<1x16xf32> to vector<16xf32>
      %mul3A_541 = arith.mulf %get3A_52, %get3A_540 : vector<16xf32>
      %add3A_542 = arith.addf %mul3A_536, %mul3A_541 : vector<16xf32>
      %swap3A_543 = arith.index_cast %scan3A_44 : i32 to index
      %swap3A_544 = arith.constant 480 : index
      %swap3A_545 = tpu.vector_load %arg8[%swap3A_543, %swap3A_544] {strides = array<i32>} : memref<32x1024xf32, #tpu.memory_space<vmem>>, vector<1x16xf32>,
      %swap3A_546 = vector.shape_cast %swap3A_545 : vector<1x16xf32> to vector<16xf32>
      %swap3A_547 = vector.shape_cast %add3A_542 : vector<16xf32> to vector<1x16xf32>
      tpu.vector_store %arg8[%swap3A_543, %swap3A_544], %swap3A_547 {strides = array<i32>} : memref<32x1024xf32, #tpu.memory_space<vmem>>, vector<1x16xf32>,
      %get3A_548 = arith.index_cast %scan3A_44 : i32 to index
      %get3A_549 = arith.constant 496 : index
      %get3A_550 = tpu.vector_load %arg8[%get3A_548, %get3A_549] {strides = array<i32>} : memref<32x1024xf32, #tpu.memory_space<vmem>>, vector<1x16xf32>,
      %get3A_551 = vector.shape_cast %get3A_550 : vector<1x16xf32> to vector<16xf32>
      %mul3A_552 = arith.mulf %get3A_48, %get3A_551 : vector<16xf32>
      %get3A_553 = arith.index_cast %scan3A_44 : i32 to index
      %get3A_554 = arith.constant 496 : index
      %get3A_555 = tpu.vector_load %arg9[%get3A_553, %get3A_554] {strides = array<i32>} : memref<32x1024xf32, #tpu.memory_space<vmem>>, vector<1x16xf32>,
      %get3A_556 = vector.shape_cast %get3A_555 : vector<1x16xf32> to vector<16xf32>
      %mul3A_557 = arith.mulf %get3A_52, %get3A_556 : vector<16xf32>
      %add3A_558 = arith.addf %mul3A_552, %mul3A_557 : vector<16xf32>
      %swap3A_559 = arith.index_cast %scan3A_44 : i32 to index
      %swap3A_560 = arith.constant 496 : index
      %swap3A_561 = tpu.vector_load %arg8[%swap3A_559, %swap3A_560] {strides = array<i32>} : memref<32x1024xf32, #tpu.memory_space<vmem>>, vector<1x16xf32>,
      %swap3A_562 = vector.shape_cast %swap3A_561 : vector<1x16xf32> to vector<16xf32>
      %swap3A_563 = vector.shape_cast %add3A_558 : vector<16xf32> to vector<1x16xf32>
      tpu.vector_store %arg8[%swap3A_559, %swap3A_560], %swap3A_563 {strides = array<i32>} : memref<32x1024xf32, #tpu.memory_space<vmem>>, vector<1x16xf32>,
      %get3A_564 = arith.index_cast %scan3A_44 : i32 to index
      %get3A_565 = arith.constant 512 : index
      %get3A_566 = tpu.vector_load %arg8[%get3A_564, %get3A_565] {strides = array<i32>} : memref<32x1024xf32, #tpu.memory_space<vmem>>, vector<1x16xf32>,
      %get3A_567 = vector.shape_cast %get3A_566 : vector<1x16xf32> to vector<16xf32>
      %mul3A_568 = arith.mulf %get3A_48, %get3A_567 : vector<16xf32>
      %get3A_569 = arith.index_cast %scan3A_44 : i32 to index
      %get3A_570 = arith.constant 512 : index
      %get3A_571 = tpu.vector_load %arg9[%get3A_569, %get3A_570] {strides = array<i32>} : memref<32x1024xf32, #tpu.memory_space<vmem>>, vector<1x16xf32>,
      %get3A_572 = vector.shape_cast %get3A_571 : vector<1x16xf32> to vector<16xf32>
      %mul3A_573 = arith.mulf %get3A_52, %get3A_572 : vector<16xf32>
      %add3A_574 = arith.addf %mul3A_568, %mul3A_573 : vector<16xf32>
      %swap3A_575 = arith.index_cast %scan3A_44 : i32 to index
      %swap3A_576 = arith.constant 512 : index
      %swap3A_577 = tpu.vector_load %arg8[%swap3A_575, %swap3A_576] {strides = array<i32>} : memref<32x1024xf32, #tpu.memory_space<vmem>>, vector<1x16xf32>,
      %swap3A_578 = vector.shape_cast %swap3A_577 : vector<1x16xf32> to vector<16xf32>
      %swap3A_579 = vector.shape_cast %add3A_574 : vector<16xf32> to vector<1x16xf32>
      tpu.vector_store %arg8[%swap3A_575, %swap3A_576], %swap3A_579 {strides = array<i32>} : memref<32x1024xf32, #tpu.memory_space<vmem>>, vector<1x16xf32>,
      %get3A_580 = arith.index_cast %scan3A_44 : i32 to index
      %get3A_581 = arith.constant 528 : index
      %get3A_582 = tpu.vector_load %arg8[%get3A_580, %get3A_581] {strides = array<i32>} : memref<32x1024xf32, #tpu.memory_space<vmem>>, vector<1x16xf32>,
      %get3A_583 = vector.shape_cast %get3A_582 : vector<1x16xf32> to vector<16xf32>
      %mul3A_584 = arith.mulf %get3A_48, %get3A_583 : vector<16xf32>
      %get3A_585 = arith.index_cast %scan3A_44 : i32 to index
      %get3A_586 = arith.constant 528 : index
      %get3A_587 = tpu.vector_load %arg9[%get3A_585, %get3A_586] {strides = array<i32>} : memref<32x1024xf32, #tpu.memory_space<vmem>>, vector<1x16xf32>,
      %get3A_588 = vector.shape_cast %get3A_587 : vector<1x16xf32> to vector<16xf32>
      %mul3A_589 = arith.mulf %get3A_52, %get3A_588 : vector<16xf32>
      %add3A_590 = arith.addf %mul3A_584, %mul3A_589 : vector<16xf32>
      %swap3A_591 = arith.index_cast %scan3A_44 : i32 to index
      %swap3A_592 = arith.constant 528 : index
      %swap3A_593 = tpu.vector_load %arg8[%swap3A_591, %swap3A_592] {strides = array<i32>} : memref<32x1024xf32, #tpu.memory_space<vmem>>, vector<1x16xf32>,
      %swap3A_594 = vector.shape_cast %swap3A_593 : vector<1x16xf32> to vector<16xf32>
      %swap3A_595 = vector.shape_cast %add3A_590 : vector<16xf32> to vector<1x16xf32>
      tpu.vector_store %arg8[%swap3A_591, %swap3A_592], %swap3A_595 {strides = array<i32>} : memref<32x1024xf32, #tpu.memory_space<vmem>>, vector<1x16xf32>,
      %get3A_596 = arith.index_cast %scan3A_44 : i32 to index
      %get3A_597 = arith.constant 544 : index
      %get3A_598 = tpu.vector_load %arg8[%get3A_596, %get3A_597] {strides = array<i32>} : memref<32x1024xf32, #tpu.memory_space<vmem>>, vector<1x16xf32>,
      %get3A_599 = vector.shape_cast %get3A_598 : vector<1x16xf32> to vector<16xf32>
      %mul3A_600 = arith.mulf %get3A_48, %get3A_599 : vector<16xf32>
      %get3A_601 = arith.index_cast %scan3A_44 : i32 to index
      %get3A_602 = arith.constant 544 : index
      %get3A_603 = tpu.vector_load %arg9[%get3A_601, %get3A_602] {strides = array<i32>} : memref<32x1024xf32, #tpu.memory_space<vmem>>, vector<1x16xf32>,
      %get3A_604 = vector.shape_cast %get3A_603 : vector<1x16xf32> to vector<16xf32>
      %mul3A_605 = arith.mulf %get3A_52, %get3A_604 : vector<16xf32>
      %add3A_606 = arith.addf %mul3A_600, %mul3A_605 : vector<16xf32>
      %swap3A_607 = arith.index_cast %scan3A_44 : i32 to index
      %swap3A_608 = arith.constant 544 : index
      %swap3A_609 = tpu.vector_load %arg8[%swap3A_607, %swap3A_608] {strides = array<i32>} : memref<32x1024xf32, #tpu.memory_space<vmem>>, vector<1x16xf32>,
      %swap3A_610 = vector.shape_cast %swap3A_609 : vector<1x16xf32> to vector<16xf32>
      %swap3A_611 = vector.shape_cast %add3A_606 : vector<16xf32> to vector<1x16xf32>
      tpu.vector_store %arg8[%swap3A_607, %swap3A_608], %swap3A_611 {strides = array<i32>} : memref<32x1024xf32, #tpu.memory_space<vmem>>, vector<1x16xf32>,
      %get3A_612 = arith.index_cast %scan3A_44 : i32 to index
      %get3A_613 = arith.constant 560 : index
      %get3A_614 = tpu.vector_load %arg8[%get3A_612, %get3A_613] {strides = array<i32>} : memref<32x1024xf32, #tpu.memory_space<vmem>>, vector<1x16xf32>,
      %get3A_615 = vector.shape_cast %get3A_614 : vector<1x16xf32> to vector<16xf32>
      %mul3A_616 = arith.mulf %get3A_48, %get3A_615 : vector<16xf32>
      %get3A_617 = arith.index_cast %scan3A_44 : i32 to index
      %get3A_618 = arith.constant 560 : index
      %get3A_619 = tpu.vector_load %arg9[%get3A_617, %get3A_618] {strides = array<i32>} : memref<32x1024xf32, #tpu.memory_space<vmem>>, vector<1x16xf32>,
      %get3A_620 = vector.shape_cast %get3A_619 : vector<1x16xf32> to vector<16xf32>
      %mul3A_621 = arith.mulf %get3A_52, %get3A_620 : vector<16xf32>
      %add3A_622 = arith.addf %mul3A_616, %mul3A_621 : vector<16xf32>
      %swap3A_623 = arith.index_cast %scan3A_44 : i32 to index
      %swap3A_624 = arith.constant 560 : index
      %swap3A_625 = tpu.vector_load %arg8[%swap3A_623, %swap3A_624] {strides = array<i32>} : memref<32x1024xf32, #tpu.memory_space<vmem>>, vector<1x16xf32>,
      %swap3A_626 = vector.shape_cast %swap3A_625 : vector<1x16xf32> to vector<16xf32>
      %swap3A_627 = vector.shape_cast %add3A_622 : vector<16xf32> to vector<1x16xf32>
      tpu.vector_store %arg8[%swap3A_623, %swap3A_624], %swap3A_627 {strides = array<i32>} : memref<32x1024xf32, #tpu.memory_space<vmem>>, vector<1x16xf32>,
      %get3A_628 = arith.index_cast %scan3A_44 : i32 to index
      %get3A_629 = arith.constant 576 : index
      %get3A_630 = tpu.vector_load %arg8[%get3A_628, %get3A_629] {strides = array<i32>} : memref<32x1024xf32, #tpu.memory_space<vmem>>, vector<1x16xf32>,
      %get3A_631 = vector.shape_cast %get3A_630 : vector<1x16xf32> to vector<16xf32>
      %mul3A_632 = arith.mulf %get3A_48, %get3A_631 : vector<16xf32>
      %get3A_633 = arith.index_cast %scan3A_44 : i32 to index
      %get3A_634 = arith.constant 576 : index
      %get3A_635 = tpu.vector_load %arg9[%get3A_633, %get3A_634] {strides = array<i32>} : memref<32x1024xf32, #tpu.memory_space<vmem>>, vector<1x16xf32>,
      %get3A_636 = vector.shape_cast %get3A_635 : vector<1x16xf32> to vector<16xf32>
      %mul3A_637 = arith.mulf %get3A_52, %get3A_636 : vector<16xf32>
      %add3A_638 = arith.addf %mul3A_632, %mul3A_637 : vector<16xf32>
      %swap3A_639 = arith.index_cast %scan3A_44 : i32 to index
      %swap3A_640 = arith.constant 576 : index
      %swap3A_641 = tpu.vector_load %arg8[%swap3A_639, %swap3A_640] {strides = array<i32>} : memref<32x1024xf32, #tpu.memory_space<vmem>>, vector<1x16xf32>,
      %swap3A_642 = vector.shape_cast %swap3A_641 : vector<1x16xf32> to vector<16xf32>
      %swap3A_643 = vector.shape_cast %add3A_638 : vector<16xf32> to vector<1x16xf32>
      tpu.vector_store %arg8[%swap3A_639, %swap3A_640], %swap3A_643 {strides = array<i32>} : memref<32x1024xf32, #tpu.memory_space<vmem>>, vector<1x16xf32>,
      %get3A_644 = arith.index_cast %scan3A_44 : i32 to index
      %get3A_645 = arith.constant 592 : index
      %get3A_646 = tpu.vector_load %arg8[%get3A_644, %get3A_645] {strides = array<i32>} : memref<32x1024xf32, #tpu.memory_space<vmem>>, vector<1x16xf32>,
      %get3A_647 = vector.shape_cast %get3A_646 : vector<1x16xf32> to vector<16xf32>
      %mul3A_648 = arith.mulf %get3A_48, %get3A_647 : vector<16xf32>
      %get3A_649 = arith.index_cast %scan3A_44 : i32 to index
      %get3A_650 = arith.constant 592 : index
      %get3A_651 = tpu.vector_load %arg9[%get3A_649, %get3A_650] {strides = array<i32>} : memref<32x1024xf32, #tpu.memory_space<vmem>>, vector<1x16xf32>,
      %get3A_652 = vector.shape_cast %get3A_651 : vector<1x16xf32> to vector<16xf32>
      %mul3A_653 = arith.mulf %get3A_52, %get3A_652 : vector<16xf32>
      %add3A_654 = arith.addf %mul3A_648, %mul3A_653 : vector<16xf32>
      %swap3A_655 = arith.index_cast %scan3A_44 : i32 to index
      %swap3A_656 = arith.constant 592 : index
      %swap3A_657 = tpu.vector_load %arg8[%swap3A_655, %swap3A_656] {strides = array<i32>} : memref<32x1024xf32, #tpu.memory_space<vmem>>, vector<1x16xf32>,
      %swap3A_658 = vector.shape_cast %swap3A_657 : vector<1x16xf32> to vector<16xf32>
      %swap3A_659 = vector.shape_cast %add3A_654 : vector<16xf32> to vector<1x16xf32>
      tpu.vector_store %arg8[%swap3A_655, %swap3A_656], %swap3A_659 {strides = array<i32>} : memref<32x1024xf32, #tpu.memory_space<vmem>>, vector<1x16xf32>,
      %get3A_660 = arith.index_cast %scan3A_44 : i32 to index
      %get3A_661 = arith.constant 608 : index
      %get3A_662 = tpu.vector_load %arg8[%get3A_660, %get3A_661] {strides = array<i32>} : memref<32x1024xf32, #tpu.memory_space<vmem>>, vector<1x16xf32>,
      %get3A_663 = vector.shape_cast %get3A_662 : vector<1x16xf32> to vector<16xf32>
      %mul3A_664 = arith.mulf %get3A_48, %get3A_663 : vector<16xf32>
      %get3A_665 = arith.index_cast %scan3A_44 : i32 to index
      %get3A_666 = arith.constant 608 : index
      %get3A_667 = tpu.vector_load %arg9[%get3A_665, %get3A_666] {strides = array<i32>} : memref<32x1024xf32, #tpu.memory_space<vmem>>, vector<1x16xf32>,
      %get3A_668 = vector.shape_cast %get3A_667 : vector<1x16xf32> to vector<16xf32>
      %mul3A_669 = arith.mulf %get3A_52, %get3A_668 : vector<16xf32>
      %add3A_670 = arith.addf %mul3A_664, %mul3A_669 : vector<16xf32>
      %swap3A_671 = arith.index_cast %scan3A_44 : i32 to index
      %swap3A_672 = arith.constant 608 : index
      %swap3A_673 = tpu.vector_load %arg8[%swap3A_671, %swap3A_672] {strides = array<i32>} : memref<32x1024xf32, #tpu.memory_space<vmem>>, vector<1x16xf32>,
      %swap3A_674 = vector.shape_cast %swap3A_673 : vector<1x16xf32> to vector<16xf32>
      %swap3A_675 = vector.shape_cast %add3A_670 : vector<16xf32> to vector<1x16xf32>
      tpu.vector_store %arg8[%swap3A_671, %swap3A_672], %swap3A_675 {strides = array<i32>} : memref<32x1024xf32, #tpu.memory_space<vmem>>, vector<1x16xf32>,
      %get3A_676 = arith.index_cast %scan3A_44 : i32 to index
      %get3A_677 = arith.constant 624 : index
      %get3A_678 = tpu.vector_load %arg8[%get3A_676, %get3A_677] {strides = array<i32>} : memref<32x1024xf32, #tpu.memory_space<vmem>>, vector<1x16xf32>,
      %get3A_679 = vector.shape_cast %get3A_678 : vector<1x16xf32> to vector<16xf32>
      %mul3A_680 = arith.mulf %get3A_48, %get3A_679 : vector<16xf32>
      %get3A_681 = arith.index_cast %scan3A_44 : i32 to index
      %get3A_682 = arith.constant 624 : index
      %get3A_683 = tpu.vector_load %arg9[%get3A_681, %get3A_682] {strides = array<i32>} : memref<32x1024xf32, #tpu.memory_space<vmem>>, vector<1x16xf32>,
      %get3A_684 = vector.shape_cast %get3A_683 : vector<1x16xf32> to vector<16xf32>
      %mul3A_685 = arith.mulf %get3A_52, %get3A_684 : vector<16xf32>
      %add3A_686 = arith.addf %mul3A_680, %mul3A_685 : vector<16xf32>
      %swap3A_687 = arith.index_cast %scan3A_44 : i32 to index
      %swap3A_688 = arith.constant 624 : index
      %swap3A_689 = tpu.vector_load %arg8[%swap3A_687, %swap3A_688] {strides = array<i32>} : memref<32x1024xf32, #tpu.memory_space<vmem>>, vector<1x16xf32>,
      %swap3A_690 = vector.shape_cast %swap3A_689 : vector<1x16xf32> to vector<16xf32>
      %swap3A_691 = vector.shape_cast %add3A_686 : vector<16xf32> to vector<1x16xf32>
      tpu.vector_store %arg8[%swap3A_687, %swap3A_688], %swap3A_691 {strides = array<i32>} : memref<32x1024xf32, #tpu.memory_space<vmem>>, vector<1x16xf32>,
      %get3A_692 = arith.index_cast %scan3A_44 : i32 to index
      %get3A_693 = arith.constant 640 : index
      %get3A_694 = tpu.vector_load %arg8[%get3A_692, %get3A_693] {strides = array<i32>} : memref<32x1024xf32, #tpu.memory_space<vmem>>, vector<1x16xf32>,
      %get3A_695 = vector.shape_cast %get3A_694 : vector<1x16xf32> to vector<16xf32>
      %mul3A_696 = arith.mulf %get3A_48, %get3A_695 : vector<16xf32>
      %get3A_697 = arith.index_cast %scan3A_44 : i32 to index
      %get3A_698 = arith.constant 640 : index
      %get3A_699 = tpu.vector_load %arg9[%get3A_697, %get3A_698] {strides = array<i32>} : memref<32x1024xf32, #tpu.memory_space<vmem>>, vector<1x16xf32>,
      %get3A_700 = vector.shape_cast %get3A_699 : vector<1x16xf32> to vector<16xf32>
      %mul3A_701 = arith.mulf %get3A_52, %get3A_700 : vector<16xf32>
      %add3A_702 = arith.addf %mul3A_696, %mul3A_701 : vector<16xf32>
      %swap3A_703 = arith.index_cast %scan3A_44 : i32 to index
      %swap3A_704 = arith.constant 640 : index
      %swap3A_705 = tpu.vector_load %arg8[%swap3A_703, %swap3A_704] {strides = array<i32>} : memref<32x1024xf32, #tpu.memory_space<vmem>>, vector<1x16xf32>,
      %swap3A_706 = vector.shape_cast %swap3A_705 : vector<1x16xf32> to vector<16xf32>
      %swap3A_707 = vector.shape_cast %add3A_702 : vector<16xf32> to vector<1x16xf32>
      tpu.vector_store %arg8[%swap3A_703, %swap3A_704], %swap3A_707 {strides = array<i32>} : memref<32x1024xf32, #tpu.memory_space<vmem>>, vector<1x16xf32>,
      %get3A_708 = arith.index_cast %scan3A_44 : i32 to index
      %get3A_709 = arith.constant 656 : index
      %get3A_710 = tpu.vector_load %arg8[%get3A_708, %get3A_709] {strides = array<i32>} : memref<32x1024xf32, #tpu.memory_space<vmem>>, vector<1x16xf32>,
      %get3A_711 = vector.shape_cast %get3A_710 : vector<1x16xf32> to vector<16xf32>
      %mul3A_712 = arith.mulf %get3A_48, %get3A_711 : vector<16xf32>
      %get3A_713 = arith.index_cast %scan3A_44 : i32 to index
      %get3A_714 = arith.constant 656 : index
      %get3A_715 = tpu.vector_load %arg9[%get3A_713, %get3A_714] {strides = array<i32>} : memref<32x1024xf32, #tpu.memory_space<vmem>>, vector<1x16xf32>,
      %get3A_716 = vector.shape_cast %get3A_715 : vector<1x16xf32> to vector<16xf32>
      %mul3A_717 = arith.mulf %get3A_52, %get3A_716 : vector<16xf32>
      %add3A_718 = arith.addf %mul3A_712, %mul3A_717 : vector<16xf32>
      %swap3A_719 = arith.index_cast %scan3A_44 : i32 to index
      %swap3A_720 = arith.constant 656 : index
      %swap3A_721 = tpu.vector_load %arg8[%swap3A_719, %swap3A_720] {strides = array<i32>} : memref<32x1024xf32, #tpu.memory_space<vmem>>, vector<1x16xf32>,
      %swap3A_722 = vector.shape_cast %swap3A_721 : vector<1x16xf32> to vector<16xf32>
      %swap3A_723 = vector.shape_cast %add3A_718 : vector<16xf32> to vector<1x16xf32>
      tpu.vector_store %arg8[%swap3A_719, %swap3A_720], %swap3A_723 {strides = array<i32>} : memref<32x1024xf32, #tpu.memory_space<vmem>>, vector<1x16xf32>,
      %get3A_724 = arith.index_cast %scan3A_44 : i32 to index
      %get3A_725 = arith.constant 672 : index
      %get3A_726 = tpu.vector_load %arg8[%get3A_724, %get3A_725] {strides = array<i32>} : memref<32x1024xf32, #tpu.memory_space<vmem>>, vector<1x16xf32>,
      %get3A_727 = vector.shape_cast %get3A_726 : vector<1x16xf32> to vector<16xf32>
      %mul3A_728 = arith.mulf %get3A_48, %get3A_727 : vector<16xf32>
      %get3A_729 = arith.index_cast %scan3A_44 : i32 to index
      %get3A_730 = arith.constant 672 : index
      %get3A_731 = tpu.vector_load %arg9[%get3A_729, %get3A_730] {strides = array<i32>} : memref<32x1024xf32, #tpu.memory_space<vmem>>, vector<1x16xf32>,
      %get3A_732 = vector.shape_cast %get3A_731 : vector<1x16xf32> to vector<16xf32>
      %mul3A_733 = arith.mulf %get3A_52, %get3A_732 : vector<16xf32>
      %add3A_734 = arith.addf %mul3A_728, %mul3A_733 : vector<16xf32>
      %swap3A_735 = arith.index_cast %scan3A_44 : i32 to index
      %swap3A_736 = arith.constant 672 : index
      %swap3A_737 = tpu.vector_load %arg8[%swap3A_735, %swap3A_736] {strides = array<i32>} : memref<32x1024xf32, #tpu.memory_space<vmem>>, vector<1x16xf32>,
      %swap3A_738 = vector.shape_cast %swap3A_737 : vector<1x16xf32> to vector<16xf32>
      %swap3A_739 = vector.shape_cast %add3A_734 : vector<16xf32> to vector<1x16xf32>
      tpu.vector_store %arg8[%swap3A_735, %swap3A_736], %swap3A_739 {strides = array<i32>} : memref<32x1024xf32, #tpu.memory_space<vmem>>, vector<1x16xf32>,
      %get3A_740 = arith.index_cast %scan3A_44 : i32 to index
      %get3A_741 = arith.constant 688 : index
      %get3A_742 = tpu.vector_load %arg8[%get3A_740, %get3A_741] {strides = array<i32>} : memref<32x1024xf32, #tpu.memory_space<vmem>>, vector<1x16xf32>,
      %get3A_743 = vector.shape_cast %get3A_742 : vector<1x16xf32> to vector<16xf32>
      %mul3A_744 = arith.mulf %get3A_48, %get3A_743 : vector<16xf32>
      %get3A_745 = arith.index_cast %scan3A_44 : i32 to index
      %get3A_746 = arith.constant 688 : index
      %get3A_747 = tpu.vector_load %arg9[%get3A_745, %get3A_746] {strides = array<i32>} : memref<32x1024xf32, #tpu.memory_space<vmem>>, vector<1x16xf32>,
      %get3A_748 = vector.shape_cast %get3A_747 : vector<1x16xf32> to vector<16xf32>
      %mul3A_749 = arith.mulf %get3A_52, %get3A_748 : vector<16xf32>
      %add3A_750 = arith.addf %mul3A_744, %mul3A_749 : vector<16xf32>
      %swap3A_751 = arith.index_cast %scan3A_44 : i32 to index
      %swap3A_752 = arith.constant 688 : index
      %swap3A_753 = tpu.vector_load %arg8[%swap3A_751, %swap3A_752] {strides = array<i32>} : memref<32x1024xf32, #tpu.memory_space<vmem>>, vector<1x16xf32>,
      %swap3A_754 = vector.shape_cast %swap3A_753 : vector<1x16xf32> to vector<16xf32>
      %swap3A_755 = vector.shape_cast %add3A_750 : vector<16xf32> to vector<1x16xf32>
      tpu.vector_store %arg8[%swap3A_751, %swap3A_752], %swap3A_755 {strides = array<i32>} : memref<32x1024xf32, #tpu.memory_space<vmem>>, vector<1x16xf32>,
      %get3A_756 = arith.index_cast %scan3A_44 : i32 to index
      %get3A_757 = arith.constant 704 : index
      %get3A_758 = tpu.vector_load %arg8[%get3A_756, %get3A_757] {strides = array<i32>} : memref<32x1024xf32, #tpu.memory_space<vmem>>, vector<1x16xf32>,
      %get3A_759 = vector.shape_cast %get3A_758 : vector<1x16xf32> to vector<16xf32>
      %mul3A_760 = arith.mulf %get3A_48, %get3A_759 : vector<16xf32>
      %get3A_761 = arith.index_cast %scan3A_44 : i32 to index
      %get3A_762 = arith.constant 704 : index
      %get3A_763 = tpu.vector_load %arg9[%get3A_761, %get3A_762] {strides = array<i32>} : memref<32x1024xf32, #tpu.memory_space<vmem>>, vector<1x16xf32>,
      %get3A_764 = vector.shape_cast %get3A_763 : vector<1x16xf32> to vector<16xf32>
      %mul3A_765 = arith.mulf %get3A_52, %get3A_764 : vector<16xf32>
      %add3A_766 = arith.addf %mul3A_760, %mul3A_765 : vector<16xf32>
      %swap3A_767 = arith.index_cast %scan3A_44 : i32 to index
      %swap3A_768 = arith.constant 704 : index
      %swap3A_769 = tpu.vector_load %arg8[%swap3A_767, %swap3A_768] {strides = array<i32>} : memref<32x1024xf32, #tpu.memory_space<vmem>>, vector<1x16xf32>,
      %swap3A_770 = vector.shape_cast %swap3A_769 : vector<1x16xf32> to vector<16xf32>
      %swap3A_771 = vector.shape_cast %add3A_766 : vector<16xf32> to vector<1x16xf32>
      tpu.vector_store %arg8[%swap3A_767, %swap3A_768], %swap3A_771 {strides = array<i32>} : memref<32x1024xf32, #tpu.memory_space<vmem>>, vector<1x16xf32>,
      %get3A_772 = arith.index_cast %scan3A_44 : i32 to index
      %get3A_773 = arith.constant 720 : index
      %get3A_774 = tpu.vector_load %arg8[%get3A_772, %get3A_773] {strides = array<i32>} : memref<32x1024xf32, #tpu.memory_space<vmem>>, vector<1x16xf32>,
      %get3A_775 = vector.shape_cast %get3A_774 : vector<1x16xf32> to vector<16xf32>
      %mul3A_776 = arith.mulf %get3A_48, %get3A_775 : vector<16xf32>
      %get3A_777 = arith.index_cast %scan3A_44 : i32 to index
      %get3A_778 = arith.constant 720 : index
      %get3A_779 = tpu.vector_load %arg9[%get3A_777, %get3A_778] {strides = array<i32>} : memref<32x1024xf32, #tpu.memory_space<vmem>>, vector<1x16xf32>,
      %get3A_780 = vector.shape_cast %get3A_779 : vector<1x16xf32> to vector<16xf32>
      %mul3A_781 = arith.mulf %get3A_52, %get3A_780 : vector<16xf32>
      %add3A_782 = arith.addf %mul3A_776, %mul3A_781 : vector<16xf32>
      %swap3A_783 = arith.index_cast %scan3A_44 : i32 to index
      %swap3A_784 = arith.constant 720 : index
      %swap3A_785 = tpu.vector_load %arg8[%swap3A_783, %swap3A_784] {strides = array<i32>} : memref<32x1024xf32, #tpu.memory_space<vmem>>, vector<1x16xf32>,
      %swap3A_786 = vector.shape_cast %swap3A_785 : vector<1x16xf32> to vector<16xf32>
      %swap3A_787 = vector.shape_cast %add3A_782 : vector<16xf32> to vector<1x16xf32>
      tpu.vector_store %arg8[%swap3A_783, %swap3A_784], %swap3A_787 {strides = array<i32>} : memref<32x1024xf32, #tpu.memory_space<vmem>>, vector<1x16xf32>,
      %get3A_788 = arith.index_cast %scan3A_44 : i32 to index
      %get3A_789 = arith.constant 736 : index
      %get3A_790 = tpu.vector_load %arg8[%get3A_788, %get3A_789] {strides = array<i32>} : memref<32x1024xf32, #tpu.memory_space<vmem>>, vector<1x16xf32>,
      %get3A_791 = vector.shape_cast %get3A_790 : vector<1x16xf32> to vector<16xf32>
      %mul3A_792 = arith.mulf %get3A_48, %get3A_791 : vector<16xf32>
      %get3A_793 = arith.index_cast %scan3A_44 : i32 to index
      %get3A_794 = arith.constant 736 : index
      %get3A_795 = tpu.vector_load %arg9[%get3A_793, %get3A_794] {strides = array<i32>} : memref<32x1024xf32, #tpu.memory_space<vmem>>, vector<1x16xf32>,
      %get3A_796 = vector.shape_cast %get3A_795 : vector<1x16xf32> to vector<16xf32>
      %mul3A_797 = arith.mulf %get3A_52, %get3A_796 : vector<16xf32>
      %add3A_798 = arith.addf %mul3A_792, %mul3A_797 : vector<16xf32>
      %swap3A_799 = arith.index_cast %scan3A_44 : i32 to index
      %swap3A_800 = arith.constant 736 : index
      %swap3A_801 = tpu.vector_load %arg8[%swap3A_799, %swap3A_800] {strides = array<i32>} : memref<32x1024xf32, #tpu.memory_space<vmem>>, vector<1x16xf32>,
      %swap3A_802 = vector.shape_cast %swap3A_801 : vector<1x16xf32> to vector<16xf32>
      %swap3A_803 = vector.shape_cast %add3A_798 : vector<16xf32> to vector<1x16xf32>
      tpu.vector_store %arg8[%swap3A_799, %swap3A_800], %swap3A_803 {strides = array<i32>} : memref<32x1024xf32, #tpu.memory_space<vmem>>, vector<1x16xf32>,
      %get3A_804 = arith.index_cast %scan3A_44 : i32 to index
      %get3A_805 = arith.constant 752 : index
      %get3A_806 = tpu.vector_load %arg8[%get3A_804, %get3A_805] {strides = array<i32>} : memref<32x1024xf32, #tpu.memory_space<vmem>>, vector<1x16xf32>,
      %get3A_807 = vector.shape_cast %get3A_806 : vector<1x16xf32> to vector<16xf32>
      %mul3A_808 = arith.mulf %get3A_48, %get3A_807 : vector<16xf32>
      %get3A_809 = arith.index_cast %scan3A_44 : i32 to index
      %get3A_810 = arith.constant 752 : index
      %get3A_811 = tpu.vector_load %arg9[%get3A_809, %get3A_810] {strides = array<i32>} : memref<32x1024xf32, #tpu.memory_space<vmem>>, vector<1x16xf32>,
      %get3A_812 = vector.shape_cast %get3A_811 : vector<1x16xf32> to vector<16xf32>
      %mul3A_813 = arith.mulf %get3A_52, %get3A_812 : vector<16xf32>
      %add3A_814 = arith.addf %mul3A_808, %mul3A_813 : vector<16xf32>
      %swap3A_815 = arith.index_cast %scan3A_44 : i32 to index
      %swap3A_816 = arith.constant 752 : index
      %swap3A_817 = tpu.vector_load %arg8[%swap3A_815, %swap3A_816] {strides = array<i32>} : memref<32x1024xf32, #tpu.memory_space<vmem>>, vector<1x16xf32>,
      %swap3A_818 = vector.shape_cast %swap3A_817 : vector<1x16xf32> to vector<16xf32>
      %swap3A_819 = vector.shape_cast %add3A_814 : vector<16xf32> to vector<1x16xf32>
      tpu.vector_store %arg8[%swap3A_815, %swap3A_816], %swap3A_819 {strides = array<i32>} : memref<32x1024xf32, #tpu.memory_space<vmem>>, vector<1x16xf32>,
      %get3A_820 = arith.index_cast %scan3A_44 : i32 to index
      %get3A_821 = arith.constant 768 : index
      %get3A_822 = tpu.vector_load %arg8[%get3A_820, %get3A_821] {strides = array<i32>} : memref<32x1024xf32, #tpu.memory_space<vmem>>, vector<1x16xf32>,
      %get3A_823 = vector.shape_cast %get3A_822 : vector<1x16xf32> to vector<16xf32>
      %mul3A_824 = arith.mulf %get3A_48, %get3A_823 : vector<16xf32>
      %get3A_825 = arith.index_cast %scan3A_44 : i32 to index
      %get3A_826 = arith.constant 768 : index
      %get3A_827 = tpu.vector_load %arg9[%get3A_825, %get3A_826] {strides = array<i32>} : memref<32x1024xf32, #tpu.memory_space<vmem>>, vector<1x16xf32>,
      %get3A_828 = vector.shape_cast %get3A_827 : vector<1x16xf32> to vector<16xf32>
      %mul3A_829 = arith.mulf %get3A_52, %get3A_828 : vector<16xf32>
      %add3A_830 = arith.addf %mul3A_824, %mul3A_829 : vector<16xf32>
      %swap3A_831 = arith.index_cast %scan3A_44 : i32 to index
      %swap3A_832 = arith.constant 768 : index
      %swap3A_833 = tpu.vector_load %arg8[%swap3A_831, %swap3A_832] {strides = array<i32>} : memref<32x1024xf32, #tpu.memory_space<vmem>>, vector<1x16xf32>,
      %swap3A_834 = vector.shape_cast %swap3A_833 : vector<1x16xf32> to vector<16xf32>
      %swap3A_835 = vector.shape_cast %add3A_830 : vector<16xf32> to vector<1x16xf32>
      tpu.vector_store %arg8[%swap3A_831, %swap3A_832], %swap3A_835 {strides = array<i32>} : memref<32x1024xf32, #tpu.memory_space<vmem>>, vector<1x16xf32>,
      %get3A_836 = arith.index_cast %scan3A_44 : i32 to index
      %get3A_837 = arith.constant 784 : index
      %get3A_838 = tpu.vector_load %arg8[%get3A_836, %get3A_837] {strides = array<i32>} : memref<32x1024xf32, #tpu.memory_space<vmem>>, vector<1x16xf32>,
      %get3A_839 = vector.shape_cast %get3A_838 : vector<1x16xf32> to vector<16xf32>
      %mul3A_840 = arith.mulf %get3A_48, %get3A_839 : vector<16xf32>
      %get3A_841 = arith.index_cast %scan3A_44 : i32 to index
      %get3A_842 = arith.constant 784 : index
      %get3A_843 = tpu.vector_load %arg9[%get3A_841, %get3A_842] {strides = array<i32>} : memref<32x1024xf32, #tpu.memory_space<vmem>>, vector<1x16xf32>,
      %get3A_844 = vector.shape_cast %get3A_843 : vector<1x16xf32> to vector<16xf32>
      %mul3A_845 = arith.mulf %get3A_52, %get3A_844 : vector<16xf32>
      %add3A_846 = arith.addf %mul3A_840, %mul3A_845 : vector<16xf32>
      %swap3A_847 = arith.index_cast %scan3A_44 : i32 to index
      %swap3A_848 = arith.constant 784 : index
      %swap3A_849 = tpu.vector_load %arg8[%swap3A_847, %swap3A_848] {strides = array<i32>} : memref<32x1024xf32, #tpu.memory_space<vmem>>, vector<1x16xf32>,
      %swap3A_850 = vector.shape_cast %swap3A_849 : vector<1x16xf32> to vector<16xf32>
      %swap3A_851 = vector.shape_cast %add3A_846 : vector<16xf32> to vector<1x16xf32>
      tpu.vector_store %arg8[%swap3A_847, %swap3A_848], %swap3A_851 {strides = array<i32>} : memref<32x1024xf32, #tpu.memory_space<vmem>>, vector<1x16xf32>,
      %get3A_852 = arith.index_cast %scan3A_44 : i32 to index
      %get3A_853 = arith.constant 800 : index
      %get3A_854 = tpu.vector_load %arg8[%get3A_852, %get3A_853] {strides = array<i32>} : memref<32x1024xf32, #tpu.memory_space<vmem>>, vector<1x16xf32>,
      %get3A_855 = vector.shape_cast %get3A_854 : vector<1x16xf32> to vector<16xf32>
      %mul3A_856 = arith.mulf %get3A_48, %get3A_855 : vector<16xf32>
      %get3A_857 = arith.index_cast %scan3A_44 : i32 to index
      %get3A_858 = arith.constant 800 : index
      %get3A_859 = tpu.vector_load %arg9[%get3A_857, %get3A_858] {strides = array<i32>} : memref<32x1024xf32, #tpu.memory_space<vmem>>, vector<1x16xf32>,
      %get3A_860 = vector.shape_cast %get3A_859 : vector<1x16xf32> to vector<16xf32>
      %mul3A_861 = arith.mulf %get3A_52, %get3A_860 : vector<16xf32>
      %add3A_862 = arith.addf %mul3A_856, %mul3A_861 : vector<16xf32>
      %swap3A_863 = arith.index_cast %scan3A_44 : i32 to index
      %swap3A_864 = arith.constant 800 : index
      %swap3A_865 = tpu.vector_load %arg8[%swap3A_863, %swap3A_864] {strides = array<i32>} : memref<32x1024xf32, #tpu.memory_space<vmem>>, vector<1x16xf32>,
      %swap3A_866 = vector.shape_cast %swap3A_865 : vector<1x16xf32> to vector<16xf32>
      %swap3A_867 = vector.shape_cast %add3A_862 : vector<16xf32> to vector<1x16xf32>
      tpu.vector_store %arg8[%swap3A_863, %swap3A_864], %swap3A_867 {strides = array<i32>} : memref<32x1024xf32, #tpu.memory_space<vmem>>, vector<1x16xf32>,
      %get3A_868 = arith.index_cast %scan3A_44 : i32 to index
      %get3A_869 = arith.constant 816 : index
      %get3A_870 = tpu.vector_load %arg8[%get3A_868, %get3A_869] {strides = array<i32>} : memref<32x1024xf32, #tpu.memory_space<vmem>>, vector<1x16xf32>,
      %get3A_871 = vector.shape_cast %get3A_870 : vector<1x16xf32> to vector<16xf32>
      %mul3A_872 = arith.mulf %get3A_48, %get3A_871 : vector<16xf32>
      %get3A_873 = arith.index_cast %scan3A_44 : i32 to index
      %get3A_874 = arith.constant 816 : index
      %get3A_875 = tpu.vector_load %arg9[%get3A_873, %get3A_874] {strides = array<i32>} : memref<32x1024xf32, #tpu.memory_space<vmem>>, vector<1x16xf32>,
      %get3A_876 = vector.shape_cast %get3A_875 : vector<1x16xf32> to vector<16xf32>
      %mul3A_877 = arith.mulf %get3A_52, %get3A_876 : vector<16xf32>
      %add3A_878 = arith.addf %mul3A_872, %mul3A_877 : vector<16xf32>
      %swap3A_879 = arith.index_cast %scan3A_44 : i32 to index
      %swap3A_880 = arith.constant 816 : index
      %swap3A_881 = tpu.vector_load %arg8[%swap3A_879, %swap3A_880] {strides = array<i32>} : memref<32x1024xf32, #tpu.memory_space<vmem>>, vector<1x16xf32>,
      %swap3A_882 = vector.shape_cast %swap3A_881 : vector<1x16xf32> to vector<16xf32>
      %swap3A_883 = vector.shape_cast %add3A_878 : vector<16xf32> to vector<1x16xf32>
      tpu.vector_store %arg8[%swap3A_879, %swap3A_880], %swap3A_883 {strides = array<i32>} : memref<32x1024xf32, #tpu.memory_space<vmem>>, vector<1x16xf32>,
      %get3A_884 = arith.index_cast %scan3A_44 : i32 to index
      %get3A_885 = arith.constant 832 : index
      %get3A_886 = tpu.vector_load %arg8[%get3A_884, %get3A_885] {strides = array<i32>} : memref<32x1024xf32, #tpu.memory_space<vmem>>, vector<1x16xf32>,
      %get3A_887 = vector.shape_cast %get3A_886 : vector<1x16xf32> to vector<16xf32>
      %mul3A_888 = arith.mulf %get3A_48, %get3A_887 : vector<16xf32>
      %get3A_889 = arith.index_cast %scan3A_44 : i32 to index
      %get3A_890 = arith.constant 832 : index
      %get3A_891 = tpu.vector_load %arg9[%get3A_889, %get3A_890] {strides = array<i32>} : memref<32x1024xf32, #tpu.memory_space<vmem>>, vector<1x16xf32>,
      %get3A_892 = vector.shape_cast %get3A_891 : vector<1x16xf32> to vector<16xf32>
      %mul3A_893 = arith.mulf %get3A_52, %get3A_892 : vector<16xf32>
      %add3A_894 = arith.addf %mul3A_888, %mul3A_893 : vector<16xf32>
      %swap3A_895 = arith.index_cast %scan3A_44 : i32 to index
      %swap3A_896 = arith.constant 832 : index
      %swap3A_897 = tpu.vector_load %arg8[%swap3A_895, %swap3A_896] {strides = array<i32>} : memref<32x1024xf32, #tpu.memory_space<vmem>>, vector<1x16xf32>,
      %swap3A_898 = vector.shape_cast %swap3A_897 : vector<1x16xf32> to vector<16xf32>
      %swap3A_899 = vector.shape_cast %add3A_894 : vector<16xf32> to vector<1x16xf32>
      tpu.vector_store %arg8[%swap3A_895, %swap3A_896], %swap3A_899 {strides = array<i32>} : memref<32x1024xf32, #tpu.memory_space<vmem>>, vector<1x16xf32>,
      %get3A_900 = arith.index_cast %scan3A_44 : i32 to index
      %get3A_901 = arith.constant 848 : index
      %get3A_902 = tpu.vector_load %arg8[%get3A_900, %get3A_901] {strides = array<i32>} : memref<32x1024xf32, #tpu.memory_space<vmem>>, vector<1x16xf32>,
      %get3A_903 = vector.shape_cast %get3A_902 : vector<1x16xf32> to vector<16xf32>
      %mul3A_904 = arith.mulf %get3A_48, %get3A_903 : vector<16xf32>
      %get3A_905 = arith.index_cast %scan3A_44 : i32 to index
      %get3A_906 = arith.constant 848 : index
      %get3A_907 = tpu.vector_load %arg9[%get3A_905, %get3A_906] {strides = array<i32>} : memref<32x1024xf32, #tpu.memory_space<vmem>>, vector<1x16xf32>,
      %get3A_908 = vector.shape_cast %get3A_907 : vector<1x16xf32> to vector<16xf32>
      %mul3A_909 = arith.mulf %get3A_52, %get3A_908 : vector<16xf32>
      %add3A_910 = arith.addf %mul3A_904, %mul3A_909 : vector<16xf32>
      %swap3A_911 = arith.index_cast %scan3A_44 : i32 to index
      %swap3A_912 = arith.constant 848 : index
      %swap3A_913 = tpu.vector_load %arg8[%swap3A_911, %swap3A_912] {strides = array<i32>} : memref<32x1024xf32, #tpu.memory_space<vmem>>, vector<1x16xf32>,
      %swap3A_914 = vector.shape_cast %swap3A_913 : vector<1x16xf32> to vector<16xf32>
      %swap3A_915 = vector.shape_cast %add3A_910 : vector<16xf32> to vector<1x16xf32>
      tpu.vector_store %arg8[%swap3A_911, %swap3A_912], %swap3A_915 {strides = array<i32>} : memref<32x1024xf32, #tpu.memory_space<vmem>>, vector<1x16xf32>,
      %get3A_916 = arith.index_cast %scan3A_44 : i32 to index
      %get3A_917 = arith.constant 864 : index
      %get3A_918 = tpu.vector_load %arg8[%get3A_916, %get3A_917] {strides = array<i32>} : memref<32x1024xf32, #tpu.memory_space<vmem>>, vector<1x16xf32>,
      %get3A_919 = vector.shape_cast %get3A_918 : vector<1x16xf32> to vector<16xf32>
      %mul3A_920 = arith.mulf %get3A_48, %get3A_919 : vector<16xf32>
      %get3A_921 = arith.index_cast %scan3A_44 : i32 to index
      %get3A_922 = arith.constant 864 : index
      %get3A_923 = tpu.vector_load %arg9[%get3A_921, %get3A_922] {strides = array<i32>} : memref<32x1024xf32, #tpu.memory_space<vmem>>, vector<1x16xf32>,
      %get3A_924 = vector.shape_cast %get3A_923 : vector<1x16xf32> to vector<16xf32>
      %mul3A_925 = arith.mulf %get3A_52, %get3A_924 : vector<16xf32>
      %add3A_926 = arith.addf %mul3A_920, %mul3A_925 : vector<16xf32>
      %swap3A_927 = arith.index_cast %scan3A_44 : i32 to index
      %swap3A_928 = arith.constant 864 : index
      %swap3A_929 = tpu.vector_load %arg8[%swap3A_927, %swap3A_928] {strides = array<i32>} : memref<32x1024xf32, #tpu.memory_space<vmem>>, vector<1x16xf32>,
      %swap3A_930 = vector.shape_cast %swap3A_929 : vector<1x16xf32> to vector<16xf32>
      %swap3A_931 = vector.shape_cast %add3A_926 : vector<16xf32> to vector<1x16xf32>
      tpu.vector_store %arg8[%swap3A_927, %swap3A_928], %swap3A_931 {strides = array<i32>} : memref<32x1024xf32, #tpu.memory_space<vmem>>, vector<1x16xf32>,
      %get3A_932 = arith.index_cast %scan3A_44 : i32 to index
      %get3A_933 = arith.constant 880 : index
      %get3A_934 = tpu.vector_load %arg8[%get3A_932, %get3A_933] {strides = array<i32>} : memref<32x1024xf32, #tpu.memory_space<vmem>>, vector<1x16xf32>,
      %get3A_935 = vector.shape_cast %get3A_934 : vector<1x16xf32> to vector<16xf32>
      %mul3A_936 = arith.mulf %get3A_48, %get3A_935 : vector<16xf32>
      %get3A_937 = arith.index_cast %scan3A_44 : i32 to index
      %get3A_938 = arith.constant 880 : index
      %get3A_939 = tpu.vector_load %arg9[%get3A_937, %get3A_938] {strides = array<i32>} : memref<32x1024xf32, #tpu.memory_space<vmem>>, vector<1x16xf32>,
      %get3A_940 = vector.shape_cast %get3A_939 : vector<1x16xf32> to vector<16xf32>
      %mul3A_941 = arith.mulf %get3A_52, %get3A_940 : vector<16xf32>
      %add3A_942 = arith.addf %mul3A_936, %mul3A_941 : vector<16xf32>
      %swap3A_943 = arith.index_cast %scan3A_44 : i32 to index
      %swap3A_944 = arith.constant 880 : index
      %swap3A_945 = tpu.vector_load %arg8[%swap3A_943, %swap3A_944] {strides = array<i32>} : memref<32x1024xf32, #tpu.memory_space<vmem>>, vector<1x16xf32>,
      %swap3A_946 = vector.shape_cast %swap3A_945 : vector<1x16xf32> to vector<16xf32>
      %swap3A_947 = vector.shape_cast %add3A_942 : vector<16xf32> to vector<1x16xf32>
      tpu.vector_store %arg8[%swap3A_943, %swap3A_944], %swap3A_947 {strides = array<i32>} : memref<32x1024xf32, #tpu.memory_space<vmem>>, vector<1x16xf32>,
      %get3A_948 = arith.index_cast %scan3A_44 : i32 to index
      %get3A_949 = arith.constant 896 : index
      %get3A_950 = tpu.vector_load %arg8[%get3A_948, %get3A_949] {strides = array<i32>} : memref<32x1024xf32, #tpu.memory_space<vmem>>, vector<1x16xf32>,
      %get3A_951 = vector.shape_cast %get3A_950 : vector<1x16xf32> to vector<16xf32>
      %mul3A_952 = arith.mulf %get3A_48, %get3A_951 : vector<16xf32>
      %get3A_953 = arith.index_cast %scan3A_44 : i32 to index
      %get3A_954 = arith.constant 896 : index
      %get3A_955 = tpu.vector_load %arg9[%get3A_953, %get3A_954] {strides = array<i32>} : memref<32x1024xf32, #tpu.memory_space<vmem>>, vector<1x16xf32>,
      %get3A_956 = vector.shape_cast %get3A_955 : vector<1x16xf32> to vector<16xf32>
      %mul3A_957 = arith.mulf %get3A_52, %get3A_956 : vector<16xf32>
      %add3A_958 = arith.addf %mul3A_952, %mul3A_957 : vector<16xf32>
      %swap3A_959 = arith.index_cast %scan3A_44 : i32 to index
      %swap3A_960 = arith.constant 896 : index
      %swap3A_961 = tpu.vector_load %arg8[%swap3A_959, %swap3A_960] {strides = array<i32>} : memref<32x1024xf32, #tpu.memory_space<vmem>>, vector<1x16xf32>,
      %swap3A_962 = vector.shape_cast %swap3A_961 : vector<1x16xf32> to vector<16xf32>
      %swap3A_963 = vector.shape_cast %add3A_958 : vector<16xf32> to vector<1x16xf32>
      tpu.vector_store %arg8[%swap3A_959, %swap3A_960], %swap3A_963 {strides = array<i32>} : memref<32x1024xf32, #tpu.memory_space<vmem>>, vector<1x16xf32>,
      %get3A_964 = arith.index_cast %scan3A_44 : i32 to index
      %get3A_965 = arith.constant 912 : index
      %get3A_966 = tpu.vector_load %arg8[%get3A_964, %get3A_965] {strides = array<i32>} : memref<32x1024xf32, #tpu.memory_space<vmem>>, vector<1x16xf32>,
      %get3A_967 = vector.shape_cast %get3A_966 : vector<1x16xf32> to vector<16xf32>
      %mul3A_968 = arith.mulf %get3A_48, %get3A_967 : vector<16xf32>
      %get3A_969 = arith.index_cast %scan3A_44 : i32 to index
      %get3A_970 = arith.constant 912 : index
      %get3A_971 = tpu.vector_load %arg9[%get3A_969, %get3A_970] {strides = array<i32>} : memref<32x1024xf32, #tpu.memory_space<vmem>>, vector<1x16xf32>,
      %get3A_972 = vector.shape_cast %get3A_971 : vector<1x16xf32> to vector<16xf32>
      %mul3A_973 = arith.mulf %get3A_52, %get3A_972 : vector<16xf32>
      %add3A_974 = arith.addf %mul3A_968, %mul3A_973 : vector<16xf32>
      %swap3A_975 = arith.index_cast %scan3A_44 : i32 to index
      %swap3A_976 = arith.constant 912 : index
      %swap3A_977 = tpu.vector_load %arg8[%swap3A_975, %swap3A_976] {strides = array<i32>} : memref<32x1024xf32, #tpu.memory_space<vmem>>, vector<1x16xf32>,
      %swap3A_978 = vector.shape_cast %swap3A_977 : vector<1x16xf32> to vector<16xf32>
      %swap3A_979 = vector.shape_cast %add3A_974 : vector<16xf32> to vector<1x16xf32>
      tpu.vector_store %arg8[%swap3A_975, %swap3A_976], %swap3A_979 {strides = array<i32>} : memref<32x1024xf32, #tpu.memory_space<vmem>>, vector<1x16xf32>,
      %get3A_980 = arith.index_cast %scan3A_44 : i32 to index
      %get3A_981 = arith.constant 928 : index
      %get3A_982 = tpu.vector_load %arg8[%get3A_980, %get3A_981] {strides = array<i32>} : memref<32x1024xf32, #tpu.memory_space<vmem>>, vector<1x16xf32>,
      %get3A_983 = vector.shape_cast %get3A_982 : vector<1x16xf32> to vector<16xf32>
      %mul3A_984 = arith.mulf %get3A_48, %get3A_983 : vector<16xf32>
      %get3A_985 = arith.index_cast %scan3A_44 : i32 to index
      %get3A_986 = arith.constant 928 : index
      %get3A_987 = tpu.vector_load %arg9[%get3A_985, %get3A_986] {strides = array<i32>} : memref<32x1024xf32, #tpu.memory_space<vmem>>, vector<1x16xf32>,
      %get3A_988 = vector.shape_cast %get3A_987 : vector<1x16xf32> to vector<16xf32>
      %mul3A_989 = arith.mulf %get3A_52, %get3A_988 : vector<16xf32>
      %add3A_990 = arith.addf %mul3A_984, %mul3A_989 : vector<16xf32>
      %swap3A_991 = arith.index_cast %scan3A_44 : i32 to index
      %swap3A_992 = arith.constant 928 : index
      %swap3A_993 = tpu.vector_load %arg8[%swap3A_991, %swap3A_992] {strides = array<i32>} : memref<32x1024xf32, #tpu.memory_space<vmem>>, vector<1x16xf32>,
      %swap3A_994 = vector.shape_cast %swap3A_993 : vector<1x16xf32> to vector<16xf32>
      %swap3A_995 = vector.shape_cast %add3A_990 : vector<16xf32> to vector<1x16xf32>
      tpu.vector_store %arg8[%swap3A_991, %swap3A_992], %swap3A_995 {strides = array<i32>} : memref<32x1024xf32, #tpu.memory_space<vmem>>, vector<1x16xf32>,
      %get3A_996 = arith.index_cast %scan3A_44 : i32 to index
      %get3A_997 = arith.constant 944 : index
      %get3A_998 = tpu.vector_load %arg8[%get3A_996, %get3A_997] {strides = array<i32>} : memref<32x1024xf32, #tpu.memory_space<vmem>>, vector<1x16xf32>,
      %get3A_999 = vector.shape_cast %get3A_998 : vector<1x16xf32> to vector<16xf32>
      %mul3A_1000 = arith.mulf %get3A_48, %get3A_999 : vector<16xf32>
      %get3A_1001 = arith.index_cast %scan3A_44 : i32 to index
      %get3A_1002 = arith.constant 944 : index
      %get3A_1003 = tpu.vector_load %arg9[%get3A_1001, %get3A_1002] {strides = array<i32>} : memref<32x1024xf32, #tpu.memory_space<vmem>>, vector<1x16xf32>,
      %get3A_1004 = vector.shape_cast %get3A_1003 : vector<1x16xf32> to vector<16xf32>
      %mul3A_1005 = arith.mulf %get3A_52, %get3A_1004 : vector<16xf32>
      %add3A_1006 = arith.addf %mul3A_1000, %mul3A_1005 : vector<16xf32>
      %swap3A_1007 = arith.index_cast %scan3A_44 : i32 to index
      %swap3A_1008 = arith.constant 944 : index
      %swap3A_1009 = tpu.vector_load %arg8[%swap3A_1007, %swap3A_1008] {strides = array<i32>} : memref<32x1024xf32, #tpu.memory_space<vmem>>, vector<1x16xf32>,
      %swap3A_1010 = vector.shape_cast %swap3A_1009 : vector<1x16xf32> to vector<16xf32>
      %swap3A_1011 = vector.shape_cast %add3A_1006 : vector<16xf32> to vector<1x16xf32>
      tpu.vector_store %arg8[%swap3A_1007, %swap3A_1008], %swap3A_1011 {strides = array<i32>} : memref<32x1024xf32, #tpu.memory_space<vmem>>, vector<1x16xf32>,
      %get3A_1012 = arith.index_cast %scan3A_44 : i32 to index
      %get3A_1013 = arith.constant 960 : index
      %get3A_1014 = tpu.vector_load %arg8[%get3A_1012, %get3A_1013] {strides = array<i32>} : memref<32x1024xf32, #tpu.memory_space<vmem>>, vector<1x16xf32>,
      %get3A_1015 = vector.shape_cast %get3A_1014 : vector<1x16xf32> to vector<16xf32>
      %mul3A_1016 = arith.mulf %get3A_48, %get3A_1015 : vector<16xf32>
      %get3A_1017 = arith.index_cast %scan3A_44 : i32 to index
      %get3A_1018 = arith.constant 960 : index
      %get3A_1019 = tpu.vector_load %arg9[%get3A_1017, %get3A_1018] {strides = array<i32>} : memref<32x1024xf32, #tpu.memory_space<vmem>>, vector<1x16xf32>,
      %get3A_1020 = vector.shape_cast %get3A_1019 : vector<1x16xf32> to vector<16xf32>
      %mul3A_1021 = arith.mulf %get3A_52, %get3A_1020 : vector<16xf32>
      %add3A_1022 = arith.addf %mul3A_1016, %mul3A_1021 : vector<16xf32>
      %swap3A_1023 = arith.index_cast %scan3A_44 : i32 to index
      %swap3A_1024 = arith.constant 960 : index
      %swap3A_1025 = tpu.vector_load %arg8[%swap3A_1023, %swap3A_1024] {strides = array<i32>} : memref<32x1024xf32, #tpu.memory_space<vmem>>, vector<1x16xf32>,
      %swap3A_1026 = vector.shape_cast %swap3A_1025 : vector<1x16xf32> to vector<16xf32>
      %swap3A_1027 = vector.shape_cast %add3A_1022 : vector<16xf32> to vector<1x16xf32>
      tpu.vector_store %arg8[%swap3A_1023, %swap3A_1024], %swap3A_1027 {strides = array<i32>} : memref<32x1024xf32, #tpu.memory_space<vmem>>, vector<1x16xf32>,
      %get3A_1028 = arith.index_cast %scan3A_44 : i32 to index
      %get3A_1029 = arith.constant 976 : index
      %get3A_1030 = tpu.vector_load %arg8[%get3A_1028, %get3A_1029] {strides = array<i32>} : memref<32x1024xf32, #tpu.memory_space<vmem>>, vector<1x16xf32>,
      %get3A_1031 = vector.shape_cast %get3A_1030 : vector<1x16xf32> to vector<16xf32>
      %mul3A_1032 = arith.mulf %get3A_48, %get3A_1031 : vector<16xf32>
      %get3A_1033 = arith.index_cast %scan3A_44 : i32 to index
      %get3A_1034 = arith.constant 976 : index
      %get3A_1035 = tpu.vector_load %arg9[%get3A_1033, %get3A_1034] {strides = array<i32>} : memref<32x1024xf32, #tpu.memory_space<vmem>>, vector<1x16xf32>,
      %get3A_1036 = vector.shape_cast %get3A_1035 : vector<1x16xf32> to vector<16xf32>
      %mul3A_1037 = arith.mulf %get3A_52, %get3A_1036 : vector<16xf32>
      %add3A_1038 = arith.addf %mul3A_1032, %mul3A_1037 : vector<16xf32>
      %swap3A_1039 = arith.index_cast %scan3A_44 : i32 to index
      %swap3A_1040 = arith.constant 976 : index
      %swap3A_1041 = tpu.vector_load %arg8[%swap3A_1039, %swap3A_1040] {strides = array<i32>} : memref<32x1024xf32, #tpu.memory_space<vmem>>, vector<1x16xf32>,
      %swap3A_1042 = vector.shape_cast %swap3A_1041 : vector<1x16xf32> to vector<16xf32>
      %swap3A_1043 = vector.shape_cast %add3A_1038 : vector<16xf32> to vector<1x16xf32>
      tpu.vector_store %arg8[%swap3A_1039, %swap3A_1040], %swap3A_1043 {strides = array<i32>} : memref<32x1024xf32, #tpu.memory_space<vmem>>, vector<1x16xf32>,
      %get3A_1044 = arith.index_cast %scan3A_44 : i32 to index
      %get3A_1045 = arith.constant 992 : index
      %get3A_1046 = tpu.vector_load %arg8[%get3A_1044, %get3A_1045] {strides = array<i32>} : memref<32x1024xf32, #tpu.memory_space<vmem>>, vector<1x16xf32>,
      %get3A_1047 = vector.shape_cast %get3A_1046 : vector<1x16xf32> to vector<16xf32>
      %mul3A_1048 = arith.mulf %get3A_48, %get3A_1047 : vector<16xf32>
      %get3A_1049 = arith.index_cast %scan3A_44 : i32 to index
      %get3A_1050 = arith.constant 992 : index
      %get3A_1051 = tpu.vector_load %arg9[%get3A_1049, %get3A_1050] {strides = array<i32>} : memref<32x1024xf32, #tpu.memory_space<vmem>>, vector<1x16xf32>,
      %get3A_1052 = vector.shape_cast %get3A_1051 : vector<1x16xf32> to vector<16xf32>
      %mul3A_1053 = arith.mulf %get3A_52, %get3A_1052 : vector<16xf32>
      %add3A_1054 = arith.addf %mul3A_1048, %mul3A_1053 : vector<16xf32>
      %swap3A_1055 = arith.index_cast %scan3A_44 : i32 to index
      %swap3A_1056 = arith.constant 992 : index
      %swap3A_1057 = tpu.vector_load %arg8[%swap3A_1055, %swap3A_1056] {strides = array<i32>} : memref<32x1024xf32, #tpu.memory_space<vmem>>, vector<1x16xf32>,
      %swap3A_1058 = vector.shape_cast %swap3A_1057 : vector<1x16xf32> to vector<16xf32>
      %swap3A_1059 = vector.shape_cast %add3A_1054 : vector<16xf32> to vector<1x16xf32>
      tpu.vector_store %arg8[%swap3A_1055, %swap3A_1056], %swap3A_1059 {strides = array<i32>} : memref<32x1024xf32, #tpu.memory_space<vmem>>, vector<1x16xf32>,
      %get3A_1060 = arith.index_cast %scan3A_44 : i32 to index
      %get3A_1061 = arith.constant 1008 : index
      %get3A_1062 = tpu.vector_load %arg8[%get3A_1060, %get3A_1061] {strides = array<i32>} : memref<32x1024xf32, #tpu.memory_space<vmem>>, vector<1x16xf32>,
      %get3A_1063 = vector.shape_cast %get3A_1062 : vector<1x16xf32> to vector<16xf32>
      %mul3A_1064 = arith.mulf %get3A_48, %get3A_1063 : vector<16xf32>
      %get3A_1065 = arith.index_cast %scan3A_44 : i32 to index
      %get3A_1066 = arith.constant 1008 : index
      %get3A_1067 = tpu.vector_load %arg9[%get3A_1065, %get3A_1066] {strides = array<i32>} : memref<32x1024xf32, #tpu.memory_space<vmem>>, vector<1x16xf32>,
      %get3A_1068 = vector.shape_cast %get3A_1067 : vector<1x16xf32> to vector<16xf32>
      %mul3A_1069 = arith.mulf %get3A_52, %get3A_1068 : vector<16xf32>
      %add3A_1070 = arith.addf %mul3A_1064, %mul3A_1069 : vector<16xf32>
      %swap3A_1071 = arith.index_cast %scan3A_44 : i32 to index
      %swap3A_1072 = arith.constant 1008 : index
      %swap3A_1073 = tpu.vector_load %arg8[%swap3A_1071, %swap3A_1072] {strides = array<i32>} : memref<32x1024xf32, #tpu.memory_space<vmem>>, vector<1x16xf32>,
      %swap3A_1074 = vector.shape_cast %swap3A_1073 : vector<1x16xf32> to vector<16xf32>
      %swap3A_1075 = vector.shape_cast %add3A_1070 : vector<16xf32> to vector<1x16xf32>
      tpu.vector_store %arg8[%swap3A_1071, %swap3A_1072], %swap3A_1075 {strides = array<i32>} : memref<32x1024xf32, #tpu.memory_space<vmem>>, vector<1x16xf32>,
      %scan3A_1076 = arith.constant 0 : i32
      scf.yield %scan3A_1076 : i32
    }
    %scan3A_43 = arith.constant 32 : i32
    "tpu.region"() ({
      %run_scoped3A = tpu.sem_alloc : memref<!tpu.dma_semaphore, #tpu.memory_space<semaphore_mem>>
      %dma_start3A_44 = arith.constant 0 : i32
      %dma_start3A_45 = tpu.memref_slice %arg7[%add3A_24, %dma_start3A_44] : memref<2048x1024xf32, #tpu.memory_space<hbm>> -> memref<32x1024xf32, #tpu.memory_space<hbm>>
      %dma_start3A_46 = arith.constant 0 : i32
      %dma_start3A_47 = tpu.memref_slice %arg7[%add3A_24, %dma_start3A_46] : memref<2048x1024xf32, #tpu.memory_space<hbm>> -> memref<32x1024xf32, #tpu.memory_space<hbm>>
      tpu.enqueue_dma source(%arg8 : memref<32x1024xf32, #tpu.memory_space<vmem>>) target(%dma_start3A_47 : memref<32x1024xf32, #tpu.memory_space<hbm>>) target_semaphore(%run_scoped3A : memref<!tpu.dma_semaphore, #tpu.memory_space<semaphore_mem>>)
      %dma_wait3A_48 = arith.constant 0 : i32
      %dma_wait3A_49 = tpu.memref_slice %arg7[%add3A_24, %dma_wait3A_48] : memref<2048x1024xf32, #tpu.memory_space<hbm>> -> memref<32x1024xf32, #tpu.memory_space<hbm>>
      %dma_wait3A_50 = arith.constant 0 : i32
      %dma_wait3A_51 = tpu.memref_slice %arg7[%add3A_24, %dma_wait3A_50] : memref<2048x1024xf32, #tpu.memory_space<hbm>> -> memref<32x1024xf32, #tpu.memory_space<hbm>>
      tpu.wait_dma2 semaphore(%run_scoped3A : memref<!tpu.dma_semaphore, #tpu.memory_space<semaphore_mem>>) src(%arg8 : memref<32x1024xf32, #tpu.memory_space<vmem>>) dst(%dma_wait3A_51 : memref<32x1024xf32, #tpu.memory_space<hbm>>)
      tpu.yield
    }) : () -> ()
    return
  }
}

#map = affine_map<(d0, d1) -> (0, 0)>
#map1 = affine_map<(d0, d1) -> (0)>
module attributes {stable_mosaic.version = 14 : i64} {
  func.func @disp(%arg0: i32, %arg1: i32, %arg2: memref<2048x1024xf32, #tpu.memory_space<hbm>>, %arg3: memref<2048xi32, #tpu.memory_space<hbm>>, %arg4: memref<2048xi32, #tpu.memory_space<hbm>>, %arg5: memref<4096x1024xf32, #tpu.memory_space<hbm>>, %arg6: memref<64x1024xf32, #tpu.memory_space<vmem>>, %arg7: memref<64xi32, #tpu.memory_space<vmem>>, %arg8: memref<64xi32, #tpu.memory_space<vmem>>, %arg9: memref<!tpu.dma_semaphore, #tpu.memory_space<semaphore_mem>>, %arg10: memref<!tpu.dma_semaphore, #tpu.memory_space<semaphore_mem>>, %arg11: memref<!tpu.dma_semaphore, #tpu.memory_space<semaphore_mem>>) attributes {dimension_semantics = [#tpu.dimension_semantics<core_parallel>, #tpu.dimension_semantics<subcore_parallel>], iteration_bounds = array<i64: 2, 16>, scalar_prefetch = 0 : i64, scratch_operands = 6 : i64, tpu.core_type = #tpu.core_type<sc_vector_subcore>, window_params = [{transform_indices = #map}, {transform_indices = #map1}, {transform_indices = #map1}, {transform_indices = #map}]} {
    %mul3A = arith.constant 2 : i32
    %mul3A_0 = arith.muli %arg1, %mul3A : i32
    %add3A = arith.addi %mul3A_0, %arg0 : i32
    %mul3A_1 = arith.constant 64 : i32
    %mul3A_2 = arith.muli %add3A, %mul3A_1 : i32
    "tpu.region"() ({
      %run_scoped3A = tpu.sem_alloc : memref<!tpu.dma_semaphore, #tpu.memory_space<semaphore_mem>>
      %dma_start3A_21 = tpu.memref_slice %arg3[%mul3A_2] : memref<2048xi32, #tpu.memory_space<hbm>> -> memref<64xi32, #tpu.memory_space<hbm>>
      %dma_start3A_22 = tpu.memref_slice %arg3[%mul3A_2] : memref<2048xi32, #tpu.memory_space<hbm>> -> memref<64xi32, #tpu.memory_space<hbm>>
      tpu.enqueue_dma source(%dma_start3A_22 : memref<64xi32, #tpu.memory_space<hbm>>) target(%arg7 : memref<64xi32, #tpu.memory_space<vmem>>) target_semaphore(%run_scoped3A : memref<!tpu.dma_semaphore, #tpu.memory_space<semaphore_mem>>)
      %dma_wait3A_23 = tpu.memref_slice %arg3[%mul3A_2] : memref<2048xi32, #tpu.memory_space<hbm>> -> memref<64xi32, #tpu.memory_space<hbm>>
      %dma_wait3A_24 = tpu.memref_slice %arg3[%mul3A_2] : memref<2048xi32, #tpu.memory_space<hbm>> -> memref<64xi32, #tpu.memory_space<hbm>>
      tpu.wait_dma2 semaphore(%run_scoped3A : memref<!tpu.dma_semaphore, #tpu.memory_space<semaphore_mem>>) src(%dma_wait3A_24 : memref<64xi32, #tpu.memory_space<hbm>>) dst(%arg7 : memref<64xi32, #tpu.memory_space<vmem>>)
      tpu.yield
    }) : () -> ()
    "tpu.region"() ({
      %run_scoped3A = tpu.sem_alloc : memref<!tpu.dma_semaphore, #tpu.memory_space<semaphore_mem>>
      %dma_start3A_21 = tpu.memref_slice %arg4[%mul3A_2] : memref<2048xi32, #tpu.memory_space<hbm>> -> memref<64xi32, #tpu.memory_space<hbm>>
      %dma_start3A_22 = tpu.memref_slice %arg4[%mul3A_2] : memref<2048xi32, #tpu.memory_space<hbm>> -> memref<64xi32, #tpu.memory_space<hbm>>
      tpu.enqueue_dma source(%dma_start3A_22 : memref<64xi32, #tpu.memory_space<hbm>>) target(%arg8 : memref<64xi32, #tpu.memory_space<vmem>>) target_semaphore(%run_scoped3A : memref<!tpu.dma_semaphore, #tpu.memory_space<semaphore_mem>>)
      %dma_wait3A_23 = tpu.memref_slice %arg4[%mul3A_2] : memref<2048xi32, #tpu.memory_space<hbm>> -> memref<64xi32, #tpu.memory_space<hbm>>
      %dma_wait3A_24 = tpu.memref_slice %arg4[%mul3A_2] : memref<2048xi32, #tpu.memory_space<hbm>> -> memref<64xi32, #tpu.memory_space<hbm>>
      tpu.wait_dma2 semaphore(%run_scoped3A : memref<!tpu.dma_semaphore, #tpu.memory_space<semaphore_mem>>) src(%dma_wait3A_24 : memref<64xi32, #tpu.memory_space<hbm>>) dst(%arg8 : memref<64xi32, #tpu.memory_space<vmem>>)
      tpu.yield
    }) : () -> ()
    %dma_start3A = arith.constant 0 : i32
    %dma_start3A_3 = tpu.memref_slice %arg2[%mul3A_2, %dma_start3A] : memref<2048x1024xf32, #tpu.memory_space<hbm>> -> memref<64x1024xf32, #tpu.memory_space<hbm>>
    %dma_start3A_4 = arith.constant 0 : i32
    %dma_start3A_5 = tpu.memref_slice %arg2[%mul3A_2, %dma_start3A_4] : memref<2048x1024xf32, #tpu.memory_space<hbm>> -> memref<64x1024xf32, #tpu.memory_space<hbm>>
    tpu.enqueue_dma source(%dma_start3A_5 : memref<64x1024xf32, #tpu.memory_space<hbm>>) target(%arg6 : memref<64x1024xf32, #tpu.memory_space<vmem>>) target_semaphore(%arg9 : memref<!tpu.dma_semaphore, #tpu.memory_space<semaphore_mem>>)
    %dma_wait3A = arith.constant 0 : i32
    %dma_wait3A_6 = tpu.memref_slice %arg2[%mul3A_2, %dma_wait3A] : memref<2048x1024xf32, #tpu.memory_space<hbm>> -> memref<64x1024xf32, #tpu.memory_space<hbm>>
    %dma_wait3A_7 = arith.constant 0 : i32
    %dma_wait3A_8 = tpu.memref_slice %arg2[%mul3A_2, %dma_wait3A_7] : memref<2048x1024xf32, #tpu.memory_space<hbm>> -> memref<64x1024xf32, #tpu.memory_space<hbm>>
    tpu.wait_dma2 semaphore(%arg9 : memref<!tpu.dma_semaphore, #tpu.memory_space<semaphore_mem>>) src(%dma_wait3A_8 : memref<64x1024xf32, #tpu.memory_space<hbm>>) dst(%arg6 : memref<64x1024xf32, #tpu.memory_space<vmem>>)
    %dma_start3A_9 = arith.constant 0 : i32
    %dma_start3A_10 = arith.constant 0 : i32
    %dma_start3A_11 = tpu.memref_slice %arg5[%dma_start3A_9, %dma_start3A_10] : memref<4096x1024xf32, #tpu.memory_space<hbm>> -> memref<4096x1024xf32, #tpu.memory_space<hbm>>
    tpu.enqueue_indirect_dma source(%arg6 : memref<64x1024xf32, #tpu.memory_space<vmem>>) target(%dma_start3A_11 : memref<4096x1024xf32, #tpu.memory_space<hbm>>) offsets(%arg7 : memref<64xi32, #tpu.memory_space<vmem>>) semaphore(%arg10 : memref<!tpu.dma_semaphore, #tpu.memory_space<semaphore_mem>>)
    %dma_start3A_12 = arith.constant 0 : i32
    %dma_start3A_13 = arith.constant 0 : i32
    %dma_start3A_14 = tpu.memref_slice %arg5[%dma_start3A_12, %dma_start3A_13] : memref<4096x1024xf32, #tpu.memory_space<hbm>> -> memref<4096x1024xf32, #tpu.memory_space<hbm>>
    tpu.enqueue_indirect_dma source(%arg6 : memref<64x1024xf32, #tpu.memory_space<vmem>>) target(%dma_start3A_14 : memref<4096x1024xf32, #tpu.memory_space<hbm>>) offsets(%arg8 : memref<64xi32, #tpu.memory_space<vmem>>) semaphore(%arg11 : memref<!tpu.dma_semaphore, #tpu.memory_space<semaphore_mem>>)
    %dma_wait3A_15 = arith.constant 0 : i32
    %dma_wait3A_16 = arith.constant 0 : i32
    %dma_wait3A_17 = tpu.memref_slice %arg5[%dma_wait3A_15, %dma_wait3A_16] : memref<4096x1024xf32, #tpu.memory_space<hbm>> -> memref<4096x1024xf32, #tpu.memory_space<hbm>>
    tpu.wait_indirect_dma semaphore(%arg10 : memref<!tpu.dma_semaphore, #tpu.memory_space<semaphore_mem>>) src(%arg6 : memref<64x1024xf32, #tpu.memory_space<vmem>>) dst(%dma_wait3A_17 : memref<4096x1024xf32, #tpu.memory_space<hbm>>)
    %dma_wait3A_18 = arith.constant 0 : i32
    %dma_wait3A_19 = arith.constant 0 : i32
    %dma_wait3A_20 = tpu.memref_slice %arg5[%dma_wait3A_18, %dma_wait3A_19] : memref<4096x1024xf32, #tpu.memory_space<hbm>> -> memref<4096x1024xf32, #tpu.memory_space<hbm>>
    tpu.wait_indirect_dma semaphore(%arg11 : memref<!tpu.dma_semaphore, #tpu.memory_space<semaphore_mem>>) src(%arg6 : memref<64x1024xf32, #tpu.memory_space<vmem>>) dst(%dma_wait3A_20 : memref<4096x1024xf32, #tpu.memory_space<hbm>>)
    return
  }
}

module attributes {stable_mosaic.version = 14 : i64} {
  func.func @_router_body(%arg0: memref<2048x1024xf32, #tpu.memory_space<vmem>>, %arg1: memref<1024x8xf32, #tpu.memory_space<vmem>>, %arg2: memref<1x8xf32, #tpu.memory_space<vmem>>, %arg3: memref<2048x8xf32, #tpu.memory_space<vmem>>, %arg4: memref<2048x2xf32, #tpu.memory_space<vmem>>, %arg5: memref<2048x2xi32, #tpu.memory_space<vmem>>, %arg6: memref<1x8xi32, #tpu.memory_space<vmem>>) attributes {dimension_semantics = [], scalar_prefetch = 0 : i64, scratch_operands = 0 : i64, tpu.core_type = #tpu.core_type<tc>} {
    %get3A = arith.constant 0 : index
    %get3A_0 = arith.constant 0 : index
    %get3A_1 = vector.load %arg0[%get3A, %get3A_0] : memref<2048x1024xf32, #tpu.memory_space<vmem>>, vector<2048x1024xf32>
    %get3A_2 = arith.constant 0 : index
    %get3A_3 = arith.constant 0 : index
    %get3A_4 = vector.load %arg1[%get3A_2, %get3A_3] : memref<1024x8xf32, #tpu.memory_space<vmem>>, vector<1024x8xf32>
    %dot_general3A = arith.constant dense<0.000000e+00> : vector<2048x8xf32>
    %dot_general3A_5 = tpu.matmul %get3A_1, %get3A_4, %dot_general3A {dimension_numbers = #tpu.dot_dimension_numbers<[1], [0], [0], [1], [0, 0, 1, 1], [], []>, transpose_lhs_hint = false} : vector<2048x1024xf32>, vector<1024x8xf32>, vector<2048x8xf32> -> vector<2048x8xf32>
    %get3A_6 = arith.constant 0 : index
    %get3A_7 = arith.constant 0 : index
    %get3A_8 = vector.load %arg2[%get3A_6, %get3A_7] : memref<1x8xf32, #tpu.memory_space<vmem>>, vector<1x8xf32>
    %add3A = vector.broadcast %get3A_8 : vector<1x8xf32> to vector<2048x8xf32>
    %add3A_9 = arith.addf %dot_general3A_5, %add3A : vector<2048x8xf32>
    %swap3A = arith.constant 0 : index
    %swap3A_10 = arith.constant 0 : index
    %swap3A_11 = vector.load %arg3[%swap3A, %swap3A_10] : memref<2048x8xf32, #tpu.memory_space<vmem>>, vector<2048x8xf32>
    tpu.vector_store %arg3[%swap3A, %swap3A_10], %add3A_9 {strides = array<i32>} : memref<2048x8xf32, #tpu.memory_space<vmem>>, vector<2048x8xf32>,
    %reduce_max3A = arith.constant dense<0xFF800000> : vector<2048xf32>
    %reduce_max3A_12 = vector.multi_reduction <maximumf>, %add3A_9, %reduce_max3A [1] : vector<2048x8xf32> to vector<2048xf32>
    %broadcast_in_dim3A = vector.shape_cast %reduce_max3A_12 : vector<2048xf32> to vector<2048x1xf32>
    %sub3A = vector.broadcast %broadcast_in_dim3A : vector<2048x1xf32> to vector<2048x8xf32>
    %sub3A_13 = arith.subf %add3A_9, %sub3A : vector<2048x8xf32>
    %exp3A = math.exp %sub3A_13 : vector<2048x8xf32>
    %reduce_sum3A = arith.constant dense<0.000000e+00> : vector<2048xf32>
    %reduce_sum3A_14 = vector.multi_reduction <add>, %exp3A, %reduce_sum3A [1] : vector<2048x8xf32> to vector<2048xf32>
    %broadcast_in_dim3A_15 = vector.shape_cast %reduce_sum3A_14 : vector<2048xf32> to vector<2048x1xf32>
    %div3A = vector.broadcast %broadcast_in_dim3A_15 : vector<2048x1xf32> to vector<2048x8xf32>
    %div3A_16 = arith.divf %exp3A, %div3A : vector<2048x8xf32>
    %iota3A = tpu.iota {dimensions = array<i32: 1>} : vector<2048x8xi32>
    %reduce_max3A_17 = arith.constant dense<0xFF800000> : vector<2048xf32>
    %reduce_max3A_18 = vector.multi_reduction <maximumf>, %div3A_16, %reduce_max3A_17 [1] : vector<2048x8xf32> to vector<2048xf32>
    %broadcast_in_dim3A_19 = vector.shape_cast %reduce_max3A_18 : vector<2048xf32> to vector<2048x1xf32>
    %eq3A = vector.broadcast %broadcast_in_dim3A_19 : vector<2048x1xf32> to vector<2048x8xf32>
    %eq3A_20 = arith.cmpf oeq, %div3A_16, %eq3A : vector<2048x8xf32>
    %jit3A = arith.constant 8 : i32
    %broadcast_in_dim3A_21 = vector.broadcast %jit3A : i32 to vector<2048x8xi32>
    %select_n3A = arith.select %eq3A_20, %iota3A, %broadcast_in_dim3A_21 : vector<2048x8xi1>, vector<2048x8xi32>
    %reduce_min3A = arith.constant dense<2147483647> : vector<2048xi32>
    %reduce_min3A_22 = vector.multi_reduction <minsi>, %select_n3A, %reduce_min3A [1] : vector<2048x8xi32> to vector<2048xi32>
    %broadcast_in_dim3A_23 = vector.shape_cast %reduce_min3A_22 : vector<2048xi32> to vector<2048x1xi32>
    %eq3A_24 = vector.broadcast %broadcast_in_dim3A_23 : vector<2048x1xi32> to vector<2048x8xi32>
    %eq3A_25 = arith.cmpi eq, %iota3A, %eq3A_24 : vector<2048x8xi32>
    %jit3A_26 = arith.constant -1.000000e+00 : f32
    %broadcast_in_dim3A_27 = vector.broadcast %jit3A_26 : f32 to vector<2048x8xf32>
    %select_n3A_28 = arith.select %eq3A_25, %broadcast_in_dim3A_27, %div3A_16 : vector<2048x8xi1>, vector<2048x8xf32>
    %reduce_max3A_29 = arith.constant dense<0xFF800000> : vector<2048xf32>
    %reduce_max3A_30 = vector.multi_reduction <maximumf>, %select_n3A_28, %reduce_max3A_29 [1] : vector<2048x8xf32> to vector<2048xf32>
    %broadcast_in_dim3A_31 = vector.shape_cast %reduce_max3A_30 : vector<2048xf32> to vector<2048x1xf32>
    %eq3A_32 = vector.broadcast %broadcast_in_dim3A_31 : vector<2048x1xf32> to vector<2048x8xf32>
    %eq3A_33 = arith.cmpf oeq, %select_n3A_28, %eq3A_32 : vector<2048x8xf32>
    %jit3A_34 = arith.constant 8 : i32
    %broadcast_in_dim3A_35 = vector.broadcast %jit3A_34 : i32 to vector<2048x8xi32>
    %select_n3A_36 = arith.select %eq3A_33, %iota3A, %broadcast_in_dim3A_35 : vector<2048x8xi1>, vector<2048x8xi32>
    %reduce_min3A_37 = arith.constant dense<2147483647> : vector<2048xi32>
    %reduce_min3A_38 = vector.multi_reduction <minsi>, %select_n3A_36, %reduce_min3A_37 [1] : vector<2048x8xi32> to vector<2048xi32>
    %broadcast_in_dim3A_39 = vector.shape_cast %reduce_min3A_38 : vector<2048xi32> to vector<2048x1xi32>
    %add3A_40 = arith.addf %broadcast_in_dim3A_19, %broadcast_in_dim3A_31 : vector<2048x1xf32>
    %div3A_41 = arith.divf %broadcast_in_dim3A_19, %add3A_40 : vector<2048x1xf32>
    %div3A_42 = arith.divf %broadcast_in_dim3A_31, %add3A_40 : vector<2048x1xf32>
    %concatenate3A = tpu.concatenate %div3A_41, %div3A_42 in 1 : vector<2048x1xf32>, vector<2048x1xf32> -> vector<2048x2xf32>
    %swap3A_43 = arith.constant 0 : index
    %swap3A_44 = arith.constant 0 : index
    %swap3A_45 = vector.load %arg4[%swap3A_43, %swap3A_44] : memref<2048x2xf32, #tpu.memory_space<vmem>>, vector<2048x2xf32>
    tpu.vector_store %arg4[%swap3A_43, %swap3A_44], %concatenate3A {strides = array<i32>} : memref<2048x2xf32, #tpu.memory_space<vmem>>, vector<2048x2xf32>,
    %eq3A_46 = vector.broadcast %broadcast_in_dim3A_23 : vector<2048x1xi32> to vector<2048x8xi32>
    %eq3A_47 = arith.cmpi eq, %iota3A, %eq3A_46 : vector<2048x8xi32>
    %convert_element_type3A = arith.extui %eq3A_47 : vector<2048x8xi1> to vector<2048x8xi32>
    %convert_element_type3A_48 = arith.sitofp %convert_element_type3A : vector<2048x8xi32> to vector<2048x8xf32>
    %eq3A_49 = vector.broadcast %broadcast_in_dim3A_39 : vector<2048x1xi32> to vector<2048x8xi32>
    %eq3A_50 = arith.cmpi eq, %iota3A, %eq3A_49 : vector<2048x8xi32>
    %convert_element_type3A_51 = arith.extui %eq3A_50 : vector<2048x8xi1> to vector<2048x8xi32>
    %convert_element_type3A_52 = arith.sitofp %convert_element_type3A_51 : vector<2048x8xi32> to vector<2048x8xf32>
    %add3A_53 = arith.addf %convert_element_type3A_48, %convert_element_type3A_52 : vector<2048x8xf32>
    %iota3A_54 = tpu.iota {dimensions = array<i32: 0>} : vector<2048x2048xi32>
    %iota3A_55 = tpu.iota {dimensions = array<i32: 1>} : vector<2048x2048xi32>
    %lt3A = arith.cmpi slt, %iota3A_55, %iota3A_54 : vector<2048x2048xi32>
    %convert_element_type3A_56 = arith.extui %lt3A : vector<2048x2048xi1> to vector<2048x2048xi32>
    %convert_element_type3A_57 = arith.sitofp %convert_element_type3A_56 : vector<2048x2048xi32> to vector<2048x2048xf32>
    %dot_general3A_58 = arith.constant dense<0.000000e+00> : vector<2048x8xf32>
    %dot_general3A_59 = tpu.matmul %convert_element_type3A_57, %add3A_53, %dot_general3A_58 {dimension_numbers = #tpu.dot_dimension_numbers<[1], [0], [0], [1], [0, 0, 1, 1], [], []>, transpose_lhs_hint = false} : vector<2048x2048xf32>, vector<2048x8xf32>, vector<2048x8xf32> -> vector<2048x8xf32>
    %reduce_sum3A_60 = arith.constant dense<0.000000e+00> : vector<8xf32>
    %reduce_sum3A_61 = vector.multi_reduction <add>, %add3A_53, %reduce_sum3A_60 [0] : vector<2048x8xf32> to vector<8xf32>
    %broadcast_in_dim3A_62 = vector.shape_cast %reduce_sum3A_61 : vector<8xf32> to vector<1x8xf32>
    %iota3A_63 = tpu.iota {dimensions = array<i32: 0>} : vector<8x8xi32>
    %iota3A_64 = tpu.iota {dimensions = array<i32: 1>} : vector<8x8xi32>
    %lt3A_65 = arith.cmpi slt, %iota3A_63, %iota3A_64 : vector<8x8xi32>
    %convert_element_type3A_66 = arith.extui %lt3A_65 : vector<8x8xi1> to vector<8x8xi32>
    %convert_element_type3A_67 = arith.sitofp %convert_element_type3A_66 : vector<8x8xi32> to vector<8x8xf32>
    %mul3A = arith.constant 3.906250e-03 : f32
    %mul3A_68 = vector.broadcast %mul3A : f32 to vector<1x8xf32>
    %mul3A_69 = arith.mulf %broadcast_in_dim3A_62, %mul3A_68 : vector<1x8xf32>
    %floor3A = math.floor %mul3A_69 : vector<1x8xf32>
    %mul3A_70 = arith.constant 2.560000e+02 : f32
    %mul3A_71 = vector.broadcast %mul3A_70 : f32 to vector<1x8xf32>
    %mul3A_72 = arith.mulf %mul3A_71, %floor3A : vector<1x8xf32>
    %sub3A_73 = arith.subf %broadcast_in_dim3A_62, %mul3A_72 : vector<1x8xf32>
    %dot_general3A_74 = arith.constant dense<0.000000e+00> : vector<1x8xf32>
    %dot_general3A_75 = tpu.matmul %floor3A, %convert_element_type3A_67, %dot_general3A_74 {dimension_numbers = #tpu.dot_dimension_numbers<[1], [0], [0], [1], [0, 0, 1, 1], [], []>, transpose_lhs_hint = false} : vector<1x8xf32>, vector<8x8xf32>, vector<1x8xf32> -> vector<1x8xf32>
    %mul3A_76 = arith.constant 2.560000e+02 : f32
    %mul3A_77 = vector.broadcast %mul3A_76 : f32 to vector<1x8xf32>
    %mul3A_78 = arith.mulf %mul3A_77, %dot_general3A_75 : vector<1x8xf32>
    %dot_general3A_79 = arith.constant dense<0.000000e+00> : vector<1x8xf32>
    %dot_general3A_80 = tpu.matmul %sub3A_73, %convert_element_type3A_67, %dot_general3A_79 {dimension_numbers = #tpu.dot_dimension_numbers<[1], [0], [0], [1], [0, 0, 1, 1], [], []>, transpose_lhs_hint = false} : vector<1x8xf32>, vector<8x8xf32>, vector<1x8xf32> -> vector<1x8xf32>
    %add3A_81 = arith.addf %mul3A_78, %dot_general3A_80 : vector<1x8xf32>
    %add3A_82 = vector.broadcast %add3A_81 : vector<1x8xf32> to vector<2048x8xf32>
    %add3A_83 = arith.addf %add3A_82, %dot_general3A_59 : vector<2048x8xf32>
    %mul3A_84 = arith.mulf %convert_element_type3A_48, %add3A_83 : vector<2048x8xf32>
    %reduce_sum3A_85 = arith.constant dense<0.000000e+00> : vector<2048xf32>
    %reduce_sum3A_86 = vector.multi_reduction <add>, %mul3A_84, %reduce_sum3A_85 [1] : vector<2048x8xf32> to vector<2048xf32>
    %broadcast_in_dim3A_87 = vector.shape_cast %reduce_sum3A_86 : vector<2048xf32> to vector<2048x1xf32>
    %mul3A_88 = arith.mulf %convert_element_type3A_52, %add3A_83 : vector<2048x8xf32>
    %reduce_sum3A_89 = arith.constant dense<0.000000e+00> : vector<2048xf32>
    %reduce_sum3A_90 = vector.multi_reduction <add>, %mul3A_88, %reduce_sum3A_89 [1] : vector<2048x8xf32> to vector<2048xf32>
    %broadcast_in_dim3A_91 = vector.shape_cast %reduce_sum3A_90 : vector<2048xf32> to vector<2048x1xf32>
    %concatenate3A_92 = tpu.concatenate %broadcast_in_dim3A_87, %broadcast_in_dim3A_91 in 1 : vector<2048x1xf32>, vector<2048x1xf32> -> vector<2048x2xf32>
    %convert_element_type3A_93 = arith.fptosi %concatenate3A_92 : vector<2048x2xf32> to vector<2048x2xi32>
    %swap3A_94 = arith.constant 0 : index
    %swap3A_95 = arith.constant 0 : index
    %swap3A_96 = vector.load %arg5[%swap3A_94, %swap3A_95] : memref<2048x2xi32, #tpu.memory_space<vmem>>, vector<2048x2xi32>
    tpu.vector_store %arg5[%swap3A_94, %swap3A_95], %convert_element_type3A_93 {strides = array<i32>} : memref<2048x2xi32, #tpu.memory_space<vmem>>, vector<2048x2xi32>,
    %convert_element_type3A_97 = arith.fptosi %broadcast_in_dim3A_62 : vector<1x8xf32> to vector<1x8xi32>
    %swap3A_98 = arith.constant 0 : index
    %swap3A_99 = arith.constant 0 : index
    %swap3A_100 = vector.load %arg6[%swap3A_98, %swap3A_99] : memref<1x8xi32, #tpu.memory_space<vmem>>, vector<1x8xi32>
    tpu.vector_store %arg6[%swap3A_98, %swap3A_99], %convert_element_type3A_97 {strides = array<i32>} : memref<1x8xi32, #tpu.memory_space<vmem>>, vector<1x8xi32>,
    return
  }
}

module attributes {stable_mosaic.version = 14 : i64} {
  func.func @_ffn_body(%arg0: i32, %arg1: i32, %arg2: memref<23xi32, #tpu.memory_space<smem>>, %arg3: memref<23xi32, #tpu.memory_space<smem>>, %arg4: memref<23xi32, #tpu.memory_space<smem>>, %arg5: memref<23xi32, #tpu.memory_space<smem>>, %arg6: memref<8xi32, #tpu.memory_space<smem>>, %arg7: memref<8xi32, #tpu.memory_space<smem>>, %arg8: memref<256x1024xf32, #tpu.memory_space<vmem>>, %arg9: memref<1x1024x512xf32, #tpu.memory_space<vmem>>, %arg10: memref<1x1x512xf32, #tpu.memory_space<vmem>>, %arg11: memref<1x512x1024xf32, #tpu.memory_space<vmem>>, %arg12: memref<1x1x1024xf32, #tpu.memory_space<vmem>>, %arg13: memref<256x1024xf32, #tpu.memory_space<vmem>>) attributes {dimension_semantics = [#tpu.dimension_semantics<arbitrary>, #tpu.dimension_semantics<arbitrary>], iteration_bounds = array<i64: 23, 8>, scalar_prefetch = 6 : i64, scratch_operands = 0 : i64, tpu.core_type = #tpu.core_type<tc>, window_params = [{transform_indices = @transform_0, window_bounds = array<i64: 256, 1024>}, {transform_indices = @transform_1, window_bounds = array<i64: 1, 1024, 512>}, {transform_indices = @transform_2, window_bounds = array<i64: 1, 1, 512>}, {transform_indices = @transform_3, window_bounds = array<i64: 1, 512, 1024>}, {transform_indices = @transform_4, window_bounds = array<i64: 1, 1, 1024>}, {transform_indices = @transform_5, window_bounds = array<i64: 256, 1024>}]} {
    %eq3A = arith.constant 0 : i32
    %eq3A_0 = arith.cmpi eq, %arg1, %eq3A : i32
    %get3A = arith.index_cast %arg0 : i32 to index
    %get3A_1 = memref.load %arg5[%get3A] : memref<23xi32, #tpu.memory_space<smem>>
    %eq3A_2 = arith.constant 1 : i32
    %eq3A_3 = arith.cmpi eq, %get3A_1, %eq3A_2 : i32
    %and3A = arith.andi %eq3A_0, %eq3A_3 : i1
    %convert_element_type3A = arith.extui %and3A : i1 to i32
    %cond3A = arith.constant 0 : i32
    %cond3A_4 = arith.cmpi ne, %convert_element_type3A, %cond3A : i32
    scf.if %cond3A_4 {
      %broadcast_in_dim3A = arith.constant 0.000000e+00 : f32
      %broadcast_in_dim3A_12 = vector.broadcast %broadcast_in_dim3A : f32 to vector<256x1024xf32>
      %swap3A = arith.constant 0 : index
      %swap3A_13 = arith.constant 0 : index
      %swap3A_14 = vector.load %arg13[%swap3A, %swap3A_13] : memref<256x1024xf32, #tpu.memory_space<vmem>>, vector<256x1024xf32>
      tpu.vector_store %arg13[%swap3A, %swap3A_13], %broadcast_in_dim3A_12 {strides = array<i32>} : memref<256x1024xf32, #tpu.memory_space<vmem>>, vector<256x1024xf32>,
    } else {
    }
    %get3A_5 = arith.index_cast %arg0 : i32 to index
    %get3A_6 = memref.load %arg4[%get3A_5] : memref<23xi32, #tpu.memory_space<smem>>
    %eq3A_7 = arith.constant 1 : i32
    %eq3A_8 = arith.cmpi eq, %get3A_6, %eq3A_7 : i32
    %convert_element_type3A_9 = arith.extui %eq3A_8 : i1 to i32
    %cond3A_10 = arith.constant 0 : i32
    %cond3A_11 = arith.cmpi ne, %convert_element_type3A_9, %cond3A_10 : i32
    scf.if %cond3A_11 {
      %get3A_12 = arith.constant 0 : index
      %get3A_13 = arith.constant 0 : index
      %get3A_14 = vector.load %arg8[%get3A_12, %get3A_13] : memref<256x1024xf32, #tpu.memory_space<vmem>>, vector<256x1024xf32>
      %get3A_15 = arith.constant 0 : index
      %get3A_16 = arith.constant 0 : index
      %get3A_17 = arith.constant 0 : index
      %get3A_18 = vector.load %arg9[%get3A_15, %get3A_16, %get3A_17] : memref<1x1024x512xf32, #tpu.memory_space<vmem>>, vector<1x1024x512xf32>
      %get3A_19 = vector.shape_cast %get3A_18 : vector<1x1024x512xf32> to vector<1024x512xf32>
      %dot_general3A = arith.constant dense<0.000000e+00> : vector<256x512xf32>
      %dot_general3A_20 = tpu.matmul %get3A_14, %get3A_19, %dot_general3A {dimension_numbers = #tpu.dot_dimension_numbers<[1], [0], [0], [1], [0, 0, 1, 1], [], []>, transpose_lhs_hint = false} : vector<256x1024xf32>, vector<1024x512xf32>, vector<256x512xf32> -> vector<256x512xf32>
      %get3A_21 = arith.constant 0 : index
      %get3A_22 = arith.constant 0 : index
      %get3A_23 = arith.constant 0 : index
      %get3A_24 = vector.load %arg10[%get3A_21, %get3A_22, %get3A_23] : memref<1x1x512xf32, #tpu.memory_space<vmem>>, vector<1x1x512xf32>
      %get3A_25 = vector.shape_cast %get3A_24 : vector<1x1x512xf32> to vector<1x512xf32>
      %add3A = vector.broadcast %get3A_25 : vector<1x512xf32> to vector<256x512xf32>
      %add3A_26 = arith.addf %dot_general3A_20, %add3A : vector<256x512xf32>
      %mul3A = arith.constant 5.000000e-01 : f32
      %mul3A_27 = vector.broadcast %mul3A : f32 to vector<256x512xf32>
      %mul3A_28 = arith.mulf %mul3A_27, %add3A_26 : vector<256x512xf32>
      %mul3A_29 = arith.constant 0.707106769 : f32
      %mul3A_30 = vector.broadcast %mul3A_29 : f32 to vector<256x512xf32>
      %mul3A_31 = arith.mulf %add3A_26, %mul3A_30 : vector<256x512xf32>
      %erf3A = math.erf %mul3A_31 : vector<256x512xf32>
      %add3A_32 = arith.constant 1.000000e+00 : f32
      %add3A_33 = vector.broadcast %add3A_32 : f32 to vector<256x512xf32>
      %add3A_34 = arith.addf %add3A_33, %erf3A : vector<256x512xf32>
      %mul3A_35 = arith.mulf %mul3A_28, %add3A_34 : vector<256x512xf32>
      %get3A_36 = arith.constant 0 : index
      %get3A_37 = arith.constant 0 : index
      %get3A_38 = arith.constant 0 : index
      %get3A_39 = vector.load %arg11[%get3A_36, %get3A_37, %get3A_38] : memref<1x512x1024xf32, #tpu.memory_space<vmem>>, vector<1x512x1024xf32>
      %get3A_40 = vector.shape_cast %get3A_39 : vector<1x512x1024xf32> to vector<512x1024xf32>
      %dot_general3A_41 = arith.constant dense<0.000000e+00> : vector<256x1024xf32>
      %dot_general3A_42 = tpu.matmul %mul3A_35, %get3A_40, %dot_general3A_41 {dimension_numbers = #tpu.dot_dimension_numbers<[1], [0], [0], [1], [0, 0, 1, 1], [], []>, transpose_lhs_hint = false} : vector<256x512xf32>, vector<512x1024xf32>, vector<256x1024xf32> -> vector<256x1024xf32>
      %get3A_43 = arith.index_cast %arg0 : i32 to index
      %get3A_44 = memref.load %arg3[%get3A_43] : memref<23xi32, #tpu.memory_space<smem>>
      %get3A_45 = arith.index_cast %arg0 : i32 to index
      %get3A_46 = memref.load %arg2[%get3A_45] : memref<23xi32, #tpu.memory_space<smem>>
      %mul3A_47 = arith.constant 256 : i32
      %mul3A_48 = arith.muli %get3A_46, %mul3A_47 : i32
      %iota3A = tpu.iota {dimensions = array<i32: 0>} : vector<256x1xi32>
      %add3A_49 = vector.broadcast %mul3A_48 : i32 to vector<256x1xi32>
      %add3A_50 = arith.addi %add3A_49, %iota3A : vector<256x1xi32>
      %get3A_51 = arith.index_cast %get3A_44 : i32 to index
      %get3A_52 = memref.load %arg6[%get3A_51] : memref<8xi32, #tpu.memory_space<smem>>
      %ge3A = vector.broadcast %get3A_52 : i32 to vector<256x1xi32>
      %ge3A_53 = arith.cmpi sge, %add3A_50, %ge3A : vector<256x1xi32>
      %get3A_54 = arith.index_cast %get3A_44 : i32 to index
      %get3A_55 = memref.load %arg7[%get3A_54] : memref<8xi32, #tpu.memory_space<smem>>
      %lt3A = vector.broadcast %get3A_55 : i32 to vector<256x1xi32>
      %lt3A_56 = arith.cmpi slt, %add3A_50, %lt3A : vector<256x1xi32>
      %and3A_57 = arith.andi %ge3A_53, %lt3A_56 : vector<256x1xi1>
      %jit3A = arith.constant 1.000000e+00 : f32
      %jit3A_58 = arith.constant 0.000000e+00 : f32
      %broadcast_in_dim3A = vector.broadcast %jit3A : f32 to vector<256x1xf32>
      %broadcast_in_dim3A_59 = vector.broadcast %jit3A_58 : f32 to vector<256x1xf32>
      %select_n3A = arith.select %and3A_57, %broadcast_in_dim3A, %broadcast_in_dim3A_59 : vector<256x1xi1>, vector<256x1xf32>
      %eq3A_60 = arith.constant 0 : i32
      %eq3A_61 = arith.cmpi eq, %arg1, %eq3A_60 : i32
      %convert_element_type3A_62 = arith.extui %eq3A_61 : i1 to i32
      %cond3A_63 = arith.constant 0 : i32
      %cond3A_64 = arith.cmpi ne, %convert_element_type3A_62, %cond3A_63 : i32
      scf.if %cond3A_64 {
        %get3A_69 = arith.constant 0 : index
        %get3A_70 = arith.constant 0 : index
        %get3A_71 = vector.load %arg13[%get3A_69, %get3A_70] : memref<256x1024xf32, #tpu.memory_space<vmem>>, vector<256x1024xf32>
        %get3A_72 = arith.constant 0 : index
        %get3A_73 = arith.constant 0 : index
        %get3A_74 = arith.constant 0 : index
        %get3A_75 = vector.load %arg12[%get3A_72, %get3A_73, %get3A_74] : memref<1x1x1024xf32, #tpu.memory_space<vmem>>, vector<1x1x1024xf32>
        %get3A_76 = vector.shape_cast %get3A_75 : vector<1x1x1024xf32> to vector<1x1024xf32>
        %add3A_77 = vector.broadcast %get3A_76 : vector<1x1024xf32> to vector<256x1024xf32>
        %add3A_78 = arith.addf %dot_general3A_42, %add3A_77 : vector<256x1024xf32>
        %mul3A_79 = vector.broadcast %select_n3A : vector<256x1xf32> to vector<256x1024xf32>
        %mul3A_80 = arith.mulf %add3A_78, %mul3A_79 : vector<256x1024xf32>
        %add3A_81 = arith.addf %get3A_71, %mul3A_80 : vector<256x1024xf32>
        %swap3A = arith.constant 0 : index
        %swap3A_82 = arith.constant 0 : index
        %swap3A_83 = vector.load %arg13[%swap3A, %swap3A_82] : memref<256x1024xf32, #tpu.memory_space<vmem>>, vector<256x1024xf32>
        tpu.vector_store %arg13[%swap3A, %swap3A_82], %add3A_81 {strides = array<i32>} : memref<256x1024xf32, #tpu.memory_space<vmem>>, vector<256x1024xf32>,
      } else {
      }
      %ne3A = arith.constant 0 : i32
      %ne3A_65 = arith.cmpi ne, %arg1, %ne3A : i32
      %convert_element_type3A_66 = arith.extui %ne3A_65 : i1 to i32
      %cond3A_67 = arith.constant 0 : i32
      %cond3A_68 = arith.cmpi ne, %convert_element_type3A_66, %cond3A_67 : i32
      scf.if %cond3A_68 {
        %get3A_69 = arith.constant 0 : index
        %get3A_70 = arith.constant 0 : index
        %get3A_71 = vector.load %arg13[%get3A_69, %get3A_70] : memref<256x1024xf32, #tpu.memory_space<vmem>>, vector<256x1024xf32>
        %mul3A_72 = vector.broadcast %select_n3A : vector<256x1xf32> to vector<256x1024xf32>
        %mul3A_73 = arith.mulf %dot_general3A_42, %mul3A_72 : vector<256x1024xf32>
        %add3A_74 = arith.addf %get3A_71, %mul3A_73 : vector<256x1024xf32>
        %swap3A = arith.constant 0 : index
        %swap3A_75 = arith.constant 0 : index
        %swap3A_76 = vector.load %arg13[%swap3A, %swap3A_75] : memref<256x1024xf32, #tpu.memory_space<vmem>>, vector<256x1024xf32>
        tpu.vector_store %arg13[%swap3A, %swap3A_75], %add3A_74 {strides = array<i32>} : memref<256x1024xf32, #tpu.memory_space<vmem>>, vector<256x1024xf32>,
      } else {
      }
    } else {
    }
    return
  }
  func.func @transform_0(%arg0: i32, %arg1: i32, %arg2: memref<23xi32, #tpu.memory_space<smem>>, %arg3: memref<23xi32, #tpu.memory_space<smem>>, %arg4: memref<23xi32, #tpu.memory_space<smem>>, %arg5: memref<23xi32, #tpu.memory_space<smem>>, %arg6: memref<8xi32, #tpu.memory_space<smem>>, %arg7: memref<8xi32, #tpu.memory_space<smem>>) -> (i32, i32) {
    %get3A = arith.index_cast %arg0 : i32 to index
    %get3A_0 = memref.load %arg2[%get3A] : memref<23xi32, #tpu.memory_space<smem>>
    %c0_i32 = arith.constant 0 : i32
    %c0_i32_1 = arith.constant 0 : i32
    return %get3A_0, %c0_i32 : i32, i32
  }
  func.func @transform_1(%arg0: i32, %arg1: i32, %arg2: memref<23xi32, #tpu.memory_space<smem>>, %arg3: memref<23xi32, #tpu.memory_space<smem>>, %arg4: memref<23xi32, #tpu.memory_space<smem>>, %arg5: memref<23xi32, #tpu.memory_space<smem>>, %arg6: memref<8xi32, #tpu.memory_space<smem>>, %arg7: memref<8xi32, #tpu.memory_space<smem>>) -> (i32, i32, i32) {
    %get3A = arith.index_cast %arg0 : i32 to index
    %get3A_0 = memref.load %arg3[%get3A] : memref<23xi32, #tpu.memory_space<smem>>
    %c0_i32 = arith.constant 0 : i32
    %c0_i32_1 = arith.constant 0 : i32
    return %get3A_0, %c0_i32, %arg1 : i32, i32, i32
  }
  func.func @transform_2(%arg0: i32, %arg1: i32, %arg2: memref<23xi32, #tpu.memory_space<smem>>, %arg3: memref<23xi32, #tpu.memory_space<smem>>, %arg4: memref<23xi32, #tpu.memory_space<smem>>, %arg5: memref<23xi32, #tpu.memory_space<smem>>, %arg6: memref<8xi32, #tpu.memory_space<smem>>, %arg7: memref<8xi32, #tpu.memory_space<smem>>) -> (i32, i32, i32) {
    %get3A = arith.index_cast %arg0 : i32 to index
    %get3A_0 = memref.load %arg3[%get3A] : memref<23xi32, #tpu.memory_space<smem>>
    %c0_i32 = arith.constant 0 : i32
    %c0_i32_1 = arith.constant 0 : i32
    return %get3A_0, %c0_i32, %arg1 : i32, i32, i32
  }
  func.func @transform_3(%arg0: i32, %arg1: i32, %arg2: memref<23xi32, #tpu.memory_space<smem>>, %arg3: memref<23xi32, #tpu.memory_space<smem>>, %arg4: memref<23xi32, #tpu.memory_space<smem>>, %arg5: memref<23xi32, #tpu.memory_space<smem>>, %arg6: memref<8xi32, #tpu.memory_space<smem>>, %arg7: memref<8xi32, #tpu.memory_space<smem>>) -> (i32, i32, i32) {
    %get3A = arith.index_cast %arg0 : i32 to index
    %get3A_0 = memref.load %arg3[%get3A] : memref<23xi32, #tpu.memory_space<smem>>
    %c0_i32 = arith.constant 0 : i32
    %c0_i32_1 = arith.constant 0 : i32
    return %get3A_0, %arg1, %c0_i32 : i32, i32, i32
  }
  func.func @transform_4(%arg0: i32, %arg1: i32, %arg2: memref<23xi32, #tpu.memory_space<smem>>, %arg3: memref<23xi32, #tpu.memory_space<smem>>, %arg4: memref<23xi32, #tpu.memory_space<smem>>, %arg5: memref<23xi32, #tpu.memory_space<smem>>, %arg6: memref<8xi32, #tpu.memory_space<smem>>, %arg7: memref<8xi32, #tpu.memory_space<smem>>) -> (i32, i32, i32) {
    %get3A = arith.index_cast %arg0 : i32 to index
    %get3A_0 = memref.load %arg3[%get3A] : memref<23xi32, #tpu.memory_space<smem>>
    %c0_i32 = arith.constant 0 : i32
    %c0_i32_1 = arith.constant 0 : i32
    %c0_i32_2 = arith.constant 0 : i32
    return %get3A_0, %c0_i32, %c0_i32_1 : i32, i32, i32
  }
  func.func @transform_5(%arg0: i32, %arg1: i32, %arg2: memref<23xi32, #tpu.memory_space<smem>>, %arg3: memref<23xi32, #tpu.memory_space<smem>>, %arg4: memref<23xi32, #tpu.memory_space<smem>>, %arg5: memref<23xi32, #tpu.memory_space<smem>>, %arg6: memref<8xi32, #tpu.memory_space<smem>>, %arg7: memref<8xi32, #tpu.memory_space<smem>>) -> (i32, i32) {
    %get3A = arith.index_cast %arg0 : i32 to index
    %get3A_0 = memref.load %arg2[%get3A] : memref<23xi32, #tpu.memory_space<smem>>
    %c0_i32 = arith.constant 0 : i32
    %c0_i32_1 = arith.constant 0 : i32
    return %get3A_0, %c0_i32 : i32, i32
  }
}

</mosaic_0001>

<sc_bundles>
// kernel: kernel.6.cloned.1.call-start
scs
__scs_entry_jumppad:
0x0: {  	(pc) =	sbr.rel $0x88, $3  }
0x1: {  	(tag) =	ssettag $0x0;
	lr =	simm.s32 $0x1  }
0x2: {  	[smem:$0x3F9A] =	sst lr;
	_ =	strace $0xD0000000  }
0x3: {  	_ = 	snop  }
0x4: {  	_ = 	snop  }
0x5: {  	_ = 	snop  }
0x6: {  	_ = 	snop  }
0x7: {  	_ = 	snop  }
__scs_overlays_trampoline_lowered:
0x8: {  	[smem:$0x3FA9] =	sst s0  }
0x9: {  	[smem:$0x3FAA] =	sst s1  }
0xa: {  	[smem:$0x3FAB] =	sst s2  }
0xb: {  	[smem:$0x3FAC] =	sst s3  }
0xc: {  	[smem:$0x3FAD] =	sst s4  }
0xd: {  	[smem:$0x3FAE] =	sst s5  }
0xe: {  	[smem:$0x3FAF] =	sst s6  }
0xf: {  	[smem:$0x3FB0] =	sst s7  }
0x10: {  	[smem:$0x3FB1] =	sst s8  }
0x11: {  	[smem:$0x3FB2] =	sst s9;
	s0 =	simm.s32 @!p0 $0x0  }
0x12: {  	s1 =	sld [smem:$0x3F98];
	s0 =	simm.s32 @p0 $0x1  }
0x13: {  	[smem:$0x3FB3] =	sst s0;
	s0 =	simm.s32 @!p1 $0x0  }
0x14: {  	s2 =	sld [smem:$0x3F97];
	s0 =	simm.s32 @p1 $0x1  }
0x15: {  	[smem:$0x3FB4] =	sst s0;
	s0 =	simm.s32 @!p2 $0x0  }
0x16: {  	s3 =	sld [smem:$0x3FDB];
	s0 =	simm.s32 @p2 $0x1  }
0x17: {  	s4 =	simm.s32 $0x1BF5;
	[smem:$0x3FB6] =	sst s0  }
0x18: {  	s0 =	sld [smem:$0x3F99];
	_ =	swait.ge [sflag:s4], $0x0  }
0x19: {  	s7 =	sld [smem:$0x3F9A]  }
0x1a: {  	s8 =	sadd.s32 $0xFFFFE003, lr  }
0x1b: {  	s9 =	sadd.s32 $0xFFFFFEF7, lr;
	s5 =	simm.s32 $0xFFFFFFFF;
	p2 =	slt.u32 s8, $0xFFFFF086  }
0x1c: {  	p1 =	slt.u32 s9, $0xF7A;
	s5 =	simm.s32 @!p2 $0x0  }
0x1d: {  	s5 =	simm.s32 @p1 $0x1;
	p0 =	seq.s32 s7, s2  }
0x1e: {  	s7 =	smul.u32 @!p0 $0xF7A, s2;
	p2 =	seq.s32 @!p0 s5, $0x0  }
0x1f: {  	s9 =	smul.u32 $0xF7A, s1;
	s8 =	simm.s32 @!p0 $0x1BF5;
	p2 =	por !p2, p0  }
0x20: {  	[sflag:s8] =	ssyncset.s32 @!p0 $0xFFFFF086;
	s6 =	sadd.s32 @!p0 s3, s7;
	s7 =	simm.s32 @!p0 $0x108  }
0x21: {  	s3 =	sadd.s32 s3, s9;
	s6 =	sadd.s32 @!p0 $0x88, s6;
	s7 =	simm.s32 @p2 $0x1082  }
0x22: {  	[simem:s7], [sflag:s8] =	dma.local @!p0 [hbm:s6], $0xF7A  }
0x23: {  	s9 =	sor.u32 $0xD0000000, s2;
	s6 =	simm.s32 $0x108;
	_ =	swait.ge @!p0 [sflag:s8], $0x0  }
0x24: {  	s3 =	sadd.s32 $0x88, s3;
	s6 =	simm.s32 @!p1 $0x1082;
	[sflag:s4] =	ssyncset.s32 $0xFFFFF086  }
0x25: {  	[simem:s6], [sflag:s4] =	dma.local [hbm:s3], $0xF7A  }
0x26: {  	[smem:$0x3F9A] =	sst s1;
	(tag) =	ssettag s2;
	_ =	strace s9  }
0x27: {  	s1 =	sld [smem:$0x3FAA]  }
0x28: {  	s2 =	sld [smem:$0x3FAB]  }
0x29: {  	s4 =	sld [smem:$0x3FAD]  }
0x2a: {  	p0 =	seq.s32 s5, $0x0;
	s5 =	sld [smem:$0x3FAE]  }
0x2b: {  	s6 =	sld [smem:$0x3FAF]  }
0x2c: {  	s7 =	sld [smem:$0x3FB0]  }
0x2d: {  	s3 =	simm.s32 $0x108;
	s8 =	sld [smem:$0x3FB1]  }
0x2e: {  	s3 =	simm.s32 @!p0 $0x1082;
	s9 =	sld [smem:$0x3FB2]  }
0x2f: {  	lr =	sadd.s32 s0, s3;
	s0 =	sld [smem:$0x3FA9]  }
0x30: {  	s3 =	sld [smem:$0x3FAC]  }
0x31: {  	[smem:$0x3FB5] =	sst s10  }
0x32: {  	s10 =	sld [smem:$0x3FB3];
	_ =	sdelay $0x3  }
0x33: {  	p0 =	seq.s32 s10, $0x1;
	s10 =	sld [smem:$0x3FB5];
	_ =	sdelay $0x3  }
0x34: {  	[smem:$0x3FB5] =	sst s10  }
0x35: {  	s10 =	sld [smem:$0x3FB4];
	_ =	sdelay $0x3  }
0x36: {  	p1 =	seq.s32 s10, $0x1;
	s10 =	sld [smem:$0x3FB5];
	_ =	sdelay $0x3  }
0x37: {  	[smem:$0x3FB5] =	sst s10  }
0x38: {  	s10 =	sld [smem:$0x3FB6]  }
0x39: {  	_ = 	snop;
	(pc) =	sbr.ind lr, $3  }
0x3a: {  	_ = 	snop  }
0x3b: {  	_ = 	snop  }
0x3c: {  	p2 =	seq.s32 s10, $0x1;
	s10 =	sld [smem:$0x3FB5]  }
0x3d: {  	_ =	shalt  }
0x3e: {  	_ =	shalt  }
0x3f: {  	_ =	shalt  }
0x40: {  	_ =	shalt  }
0x41: {  	_ =	shalt  }
0x42: {  	_ =	shalt  }
0x43: {  	_ =	shalt  }
0x44: {  	_ =	shalt  }
0x45: {  	_ =	shalt  }
0x46: {  	_ =	shalt  }
0x47: {  	_ =	shalt  }
0x48: {  	_ =	shalt  }
0x49: {  	_ =	shalt  }
0x4a: {  	_ =	shalt  }
0x4b: {  	_ =	shalt  }
0x4c: {  	_ =	shalt  }
0x4d: {  	_ =	shalt  }
0x4e: {  	_ =	shalt  }
0x4f: {  	_ =	shalt  }
0x50: {  	_ =	shalt  }
0x51: {  	_ =	shalt  }
0x52: {  	_ =	shalt  }
0x53: {  	_ =	shalt  }
0x54: {  	_ =	shalt  }
0x55: {  	_ =	shalt  }
0x56: {  	_ =	shalt  }
0x57: {  	_ =	shalt  }
0x58: {  	_ =	shalt  }
0x59: {  	_ =	shalt  }
0x5a: {  	_ =	shalt  }
0x5b: {  	_ =	shalt  }
0x5c: {  	_ =	shalt  }
0x5d: {  	_ =	shalt  }
0x5e: {  	_ =	shalt  }
0x5f: {  	_ =	shalt  }
0x60: {  	_ =	shalt  }
0x61: {  	_ =	shalt  }
0x62: {  	_ =	shalt  }
0x63: {  	_ =	shalt  }
0x64: {  	_ =	shalt  }
0x65: {  	_ =	shalt  }
0x66: {  	_ =	shalt  }
0x67: {  	_ =	shalt  }
0x68: {  	_ =	shalt  }
0x69: {  	_ =	shalt  }
0x6a: {  	_ =	shalt  }
0x6b: {  	_ =	shalt  }
0x6c: {  	_ =	shalt  }
0x6d: {  	_ =	shalt  }
0x6e: {  	_ =	shalt  }
0x6f: {  	_ =	shalt  }
0x70: {  	_ =	shalt  }
0x71: {  	_ =	shalt  }
0x72: {  	_ =	shalt  }
0x73: {  	_ =	shalt  }
0x74: {  	_ =	shalt  }
0x75: {  	_ =	shalt  }
0x76: {  	_ =	shalt  }
0x77: {  	_ =	shalt  }
0x78: {  	_ =	shalt  }
0x79: {  	_ =	shalt  }
0x7a: {  	_ =	shalt  }
0x7b: {  	_ =	shalt  }
0x7c: {  	_ =	shalt  }
0x7d: {  	_ =	shalt  }
0x7e: {  	_ =	shalt  }
0x7f: {  	_ =	shalt  }
0x80: {  	_ =	shalt  }
0x81: {  	_ =	shalt  }
0x82: {  	_ =	shalt  }
0x83: {  	_ =	shalt  }
0x84: {  	_ =	shalt  }
0x85: {  	_ =	shalt  }
0x86: {  	_ =	shalt  }
0x87: {  	_ =	shalt  }
.Lfunc_end0:
.L_simem_size_0:
called_computation_lowered:
.L_overlay_start_0:
0x88: {  	s2 =	sld [smem:$0x3FD9]  }
0x89: {  	s3 =	sld [smem:$0x3FFE];
	_ =	sdelay $0x1  }
0x8a: {  	s1 =	srdreg.scid  }
0x8b: {  	s0 =	sand.u32 $0x1, s1  }
0x8c: {  	s17 =	sshll.u32 s0, $0xA;
	s2 =	sadd.s32 s3, s2  }
0x8d: {  	s2 =	sadd.s32 s2, s17  }
0x8e: {  	[smem:$0x3FC1] =	sst s2  }
0x8f: {  	_ = 	snop  }
0x90: {  	s2 =	sld [smem:$0x3FC9];
	(tm) =	ssettm $0x1  }
0x91: {  	s18 =	sld [smem:$0x3FFB];
	_ =	sdelay $0x3  }
0x92: {  	_ =	strace s18  }
0x93: {  	s3 =	sld [smem:$0x3FFC];
	_ =	sdelay $0x3  }
0x94: {  	_ =	strace s3  }
0x95: {  	s3 =	sld [smem:$0x3FFD];
	_ =	sdelay $0x3  }
0x96: {  	_ =	strace s3  }
0x97: {  	_ =	strace $0x8FFFFFFF  }
0x98: {  	s19 =	sld [smem:$0x3FDB];
	_ =	sdelay $0x1  }
0x99: {  	s4 =	simm.s32 $_scs_section_size  }
0x9a: {  	s5 =	simm.s32 $_size__tile_overlayer_lowered;
	s6 =	simm.s32 $_tile_overlayer_lowered  }
0x9b: {  	s22 =	simm.s32 $0x1BFF;
	s21 =	sshll.u32 s6, $0x1;
	s3 =	sadd.s32 s4, s19  }
0x9c: {  	s7 =	simm.s32 $0x0;
	s20 =	sshll.u32 s5, $0x1;
	s5 =	sadd.s32 s21, s3  }
0x9d: {  	[timem:s7], [sflag:s22] =	dma.local [hbm:s5], s20  }
0x9e: {  	_ =	swait.ge [sflag:s22], s20  }
0x9f: {  	s4 =	ssub.s32 $0x0, s20;
	[sflag:s22] =	ssyncset.done $0x0  }
0xa0: {  	[sflag:s22] =	ssyncadd.s32 s4;
	_ =	sdelay $0x1  }
0xa1: {  	s23 =	simm.s32 $0x1B8B  }
0xa2: {  	_ =	swait.ge [sflag:s23], $0x1  }
0xa3: {  	[sflag:s23] =	ssyncset.done $0x0  }
0xa4: {  	s25 =	simm.s32 $0x1B8E;
	s24 =	sld [smem:$0x3FFE];
	[sflag:s23] =	ssyncadd.s32 $0xFFFFFFFF  }
0xa5: {  	s26 =	simm.s32 $execute0_lowered;
	[smem:$0x3FD2] =	sst s25  }
0xa6: {  	s5 =	sshll.u32 s26, $0x1;
	_ =	strace $0x80000046;
	[dreg:$0x1] =	wrdreg $0xFFFFFFFF  }
0xa7: {  	s28 =	simm.s32 $_size_execute0_lowered;
	s3 =	sadd.s32 s3, s5;
	[dreg:$0x0] =	wrdreg $0x0  }
0xa8: {  	s5 =	sshll.u32 s28, $0x1;
	[dreg:$0x2] =	wrdreg s3  }
0xa9: {  	[dreg:$0x3] =	wrdreg s5  }
0xaa: {  	[dreg:$0x4] =	wrdreg $0xC0  }
0xab: {  	_ =	task [dreg:s7], $0x5FFFF  }
0xac: {  	[dreg:$0x1] =	wrdreg $0xFFFFFFFF  }
0xad: {  	[dreg:$0x0] =	wrdreg $0x60  }
0xae: {  	[dreg:$0x2] =	wrdreg s2  }
0xaf: {  	[dreg:$0x3] =	wrdreg s24  }
0xb0: {  	[dreg:$0x4] =	wrdreg $0x9  }
0xb1: {  	_ =	task.clear_ibuf [dreg:s7], $0x5FFFF;
	_ =	strace $0x90000046  }
0xb2: {  	s29 =	simm.s32 $0x9;
	_ =	strace $0x80000048  }
0xb3: {  	_ =	swait.ge [sflag:s29], $0x1  }
0xb4: {  	[sflag:s29] =	ssyncadd.s32 $0xFFFFFFFF  }
0xb5: {  	_ =	strace $0x90000048  }
0xb6: {  	_ =	sfence  }
0xb7: {  	s30 =	sld [smem:$0x0];
	_ =	sdelay $0x2  }
0xb8: {  	s31 =	sshll.u32 s1, $0xD;
	s1 =	sshrl.u32 s1, $0x2  }
0xb9: {  	s3 =	sand.u32 $0x4000, s31;
	s1 =	sadd.s32 s1, s30  }
0xba: {  	s0 =	sor.u32 s3, s0;
	s1 =	sshll.u32 s1, $0x11  }
0xbb: {  	s0 =	sor.u32 s1, s0  }
0xbc: {  	s0 =	sadd.s32 $0x8F2B, s0  }
0xbd: {  	[sflag:s0] =	ssyncadd.remote.s32 $0x1  }
0xbe: {  	_ =	sfence.sel $0xFFFF  }
0xbf: {  	[dreg:$0x0] =	wrdreg $0xFFFFFFFF;
	(pc) =	sbr.abs _section_cstart, $3  }
0xc0: {  	[dreg:$0x1] =	wrdreg $0xFFFFFFFF  }
0xc1: {  	_ =	task.clear_ibuf [dreg:s7], $0x2FFFF;
	_ =	strace $0x9FFFFFFF  }
0xc2: {  	(tm) =	ssettm $0x7FFFFFFF  }
0xc3: {  	_ =	shalt  }
tec
execute0_lowered:
.L_overlay_start_1:
0x0: {  	(tag) =	ssettag $0x1  }
0x1: {  	s0 =	srdreg.scid;
	s1 =	rddreg [dreg:$0x0]  }
0x2: {  	s2 =	stileid.u32;
	s4 =	rddreg [dreg:$0x1]  }
0x3: {  	s25 =	simm.s32 $0x10000;
	s26 =	simm.s32 $0x10080;
	s23 =	simm.s32 $0x1800  }
0x4: {  	s24 =	simm.s32 $0x2000;
	s28 =	simm.s32 $0x3800;
	s29 =	simm.s32 $0x4000  }
0x5: {  	s30 =	simm.s32 $0x4800;
	s31 =	simm.s32 $0x5000;
	s11 =	simm.s32 $0x7000  }
0x6: {  	s12 =	simm.s32 $0x7800;
	s13 =	simm.s32 $0x8000;
	s14 =	simm.s32 $0x8800  }
0x7: {  	s15 =	simm.s32 $0x9000;
	s16 =	simm.s32 $0x9800;
	s17 =	simm.s32 $0xA000  }
0x8: {  	s18 =	simm.s32 $0xA800;
	s10 =	simm.s32 $0xB000;
	s19 =	simm.s32 $0xB800  }
0x9: {  	s20 =	simm.s32 $0xC000;
	s9 =	simm.s32 $0xC800;
	s0 =	sand.u32 $0x1, s0  }
0xa: {  	s3 =	sshll.u32 s2, $0x7;
	s2 =	simm.s32 $0x0;
	s5 =	sshll.u32 s0, $0x6  }
0xb: {  	[smem:$0x7FF] =	sst s2;
	s0 =	ssub.s32 $0x2, s0;
	s5 =	sor.u32 s5, s3  }
0xc: {  	_ =	strace $0x80000047;
	s3 =	sadd.s32 $0x400, s4;
	[dreg:$0x5] =	wrdreg s25  }
0xd: {  	s7 =	sshrl.u32 s0, $0x1;
	[dreg:$0x6] =	wrdreg s26;
	s25 =	simm.s32 $0x2800  }
0xe: {  	s26 =	simm.s32 $0x3000;
	s6 =	sshrl.u32 s5, $0x3;
	s5 =	sshll.u32 s5, $0x7  }
0xf: {  	s0 =	ssub.s32 s0, s7;
	s7 =	sadd.s32 $0x700, s4;
	s6 =	sadd.s32 s4, s6  }
0x10: {  	v2 =	vlaneseq.u32;
	s1 =	sadd.s32 s1, s5;
	s5 =	sadd.s32 $0x500, s4;
	[dreg:$0x7] =	wrdreg s6  }
0x11: {  	vm0 =	vmmov $0xffff;
	v1 =	vshrl.u32 v2, $0x3;
	s8 =	smax.u32 s0, $0x1;
	s6 =	sadd.s32 $0x200, s6;
	[dreg:$0x4] =	wrdreg s1  }
0x12: {  	v0 =	vand.u32 $0x7, v2;
	v2 =	vor.u32 $0x8, v2;
	v1 =	vmul.u32 $0x8, v1;
	[dreg:$0x3] =	wrdreg s6;
	s6 =	sadd.s32 $0x600, s4;
	s4 =	simm.s32 $0x6800  }
.LBB2_1:
0x13: {  	s21 =	rddreg [dreg:$0x3]  }
0x14: {  	s22 =	rddreg [dreg:$0x5];
	s0 =	simm.s32 $0x4  }
0x15: {  	[tilespmem:s22], [sflag:$0x4] =	stream.linear.gather [hbm4b:s21+s2], $0x40, $0x38;
	[tilespmem:$0x10100] =	vst v63  }
0x16: {  	_ =	swait.ge [sflag:s0], $0x40  }
0x17: {  	s22 =	rddreg [dreg:$0x6];
	[sflag:s0] =	ssyncset.done $0x0  }
0x18: {  	s1 =	rddreg [dreg:$0x7];
	[sflag:s0] =	ssyncadd.s32 $0xFFFFFFC0  }
0x19: {  	[tilespmem:s22], [sflag:$0x4] =	stream.linear.gather [hbm4b:s1+s2], $0x40, $0x38;
	[tilespmem:$0x10100] =	vst v63  }
0x1a: {  	_ =	swait.ge [sflag:s0], $0x40  }
0x1b: {  	[sflag:s0] =	ssyncset.done $0x0  }
0x1c: {  	s1 =	simm.s32 $0x1;
	s22 =	rddreg [dreg:$0x4];
	[sflag:s0] =	ssyncadd.s32 $0xFFFFFFC0  }
0x1d: {  	[tilespmem:s2], [sflag:$0x1] =	stream.linear.gather [hbm4b:s22+s2], $0x10000, $0x38;
	[tilespmem:$0x10100] =	vst v63  }
0x1e: {  	_ =	swait.ge [sflag:s1], $0x10000  }
0x1f: {  	[sflag:s1] =	ssyncset.done $0x0  }
0x20: {  	[sflag:s1] =	ssyncadd.s32 $0xFFFF0000  }
0x21: {  	v3 =	vld [tilespmem:$0x10000];
	_ =	sdelay $0x4  }
0x22: {  	v4 =	vshll.u32 v3, $0x3  }
0x23: {  	v3 =	vand.u32 $0x7, v3;
	v4 =	vand.u32 $0xFFFFFFC0, v4  }
0x24: {  	v3 =	vor.u32 v3, v4  }
0x25: {  	v4 =	vperm.xlane v3, v0;
	_ =	sdelay $0x1  }
0x26: {  	v4 =	vadd.s32 v1, v4;
	_ =	sdelay $0x4  }
0x27: {  	[hbm4b:s3+s2] =	stream.indirect_vreg.scatter [tilespmem:s2], [sflag:$0x2], $0x80, v4, vm0, $0xb8;
	[tilespmem:$0x10100] =	vst v63  }
0x28: {  	s21 =	simm.s32 $0x800;
	v3 =	vperm.xlane v3, v2  }
0x29: {  	[hbm4b:s5+s2] =	stream.indirect_vreg.scatter [tilespmem:s21], [sflag:$0x2], $0x80, v4, vm0, $0xb8;
	[tilespmem:$0x10100] =	vst v63  }
0x2a: {  	s22 =	simm.s32 $0x1000;
	v3 =	vadd.s32 v1, v3  }
0x2b: {  	[hbm4b:s6+s2] =	stream.indirect_vreg.scatter [tilespmem:s22], [sflag:$0x2], $0x80, v4, vm0, $0xb8;
	[tilespmem:$0x10100] =	vst v63  }
0x2c: {  	_ = 	snop  }
0x2d: {  	[hbm4b:s7+s2] =	stream.indirect_vreg.scatter [tilespmem:s23], [sflag:$0x2], $0x80, v4, vm0, $0xb8;
	[tilespmem:$0x10100] =	vst v63  }
0x2e: {  	_ = 	snop  }
0x2f: {  	[hbm4b:s3+s2] =	stream.indirect_vreg.scatter [tilespmem:s24], [sflag:$0x2], $0x80, v3, vm0, $0xb8;
	[tilespmem:$0x10100] =	vst v63  }
0x30: {  	_ = 	snop  }
0x31: {  	[hbm4b:s5+s2] =	stream.indirect_vreg.scatter [tilespmem:s25], [sflag:$0x2], $0x80, v3, vm0, $0xb8;
	[tilespmem:$0x10100] =	vst v63  }
0x32: {  	_ = 	snop  }
0x33: {  	[hbm4b:s6+s2] =	stream.indirect_vreg.scatter [tilespmem:s26], [sflag:$0x2], $0x80, v3, vm0, $0xb8;
	[tilespmem:$0x10100] =	vst v63  }
0x34: {  	_ = 	snop  }
0x35: {  	[hbm4b:s7+s2] =	stream.indirect_vreg.scatter [tilespmem:s28], [sflag:$0x2], $0x80, v3, vm0, $0xb8;
	[tilespmem:$0x10100] =	vst v63  }
0x36: {  	v3 =	vld [tilespmem:$0x10010];
	_ =	sdelay $0x4  }
0x37: {  	v57 =	vshll.u32 v3, $0x3  }
0x38: {  	v3 =	vand.u32 $0x7, v3;
	v4 =	vand.u32 $0xFFFFFFC0, v57  }
0x39: {  	v3 =	vor.u32 v3, v4  }
0x3a: {  	v4 =	vperm.xlane v3, v0;
	_ =	sdelay $0x1  }
0x3b: {  	v4 =	vadd.s32 v1, v4;
	_ =	sdelay $0x4  }
0x3c: {  	[hbm4b:s3+s2] =	stream.indirect_vreg.scatter [tilespmem:s29], [sflag:$0x2], $0x80, v4, vm0, $0xb8;
	[tilespmem:$0x10100] =	vst v63  }
0x3d: {  	v3 =	vperm.xlane v3, v2  }
0x3e: {  	[hbm4b:s5+s2] =	stream.indirect_vreg.scatter [tilespmem:s30], [sflag:$0x2], $0x80, v4, vm0, $0xb8;
	[tilespmem:$0x10100] =	vst v63  }
0x3f: {  	v3 =	vadd.s32 v1, v3  }
0x40: {  	[hbm4b:s6+s2] =	stream.indirect_vreg.scatter [tilespmem:s31], [sflag:$0x2], $0x80, v4, vm0, $0xb8;
	[tilespmem:$0x10100] =	vst v63  }
0x41: {  	s1 =	simm.s32 $0x5800  }
0x42: {  	[hbm4b:s7+s2] =	stream.indirect_vreg.scatter [tilespmem:s1], [sflag:$0x2], $0x80, v4, vm0, $0xb8;
	[tilespmem:$0x10100] =	vst v63  }
0x43: {  	s0 =	simm.s32 $0x6000  }
0x44: {  	[hbm4b:s3+s2] =	stream.indirect_vreg.scatter [tilespmem:s0], [sflag:$0x2], $0x80, v3, vm0, $0xb8;
	[tilespmem:$0x10100] =	vst v63  }
0x45: {  	_ = 	snop  }
0x46: {  	[hbm4b:s5+s2] =	stream.indirect_vreg.scatter [tilespmem:s4], [sflag:$0x2], $0x80, v3, vm0, $0xb8;
	[tilespmem:$0x10100] =	vst v63  }
0x47: {  	_ = 	snop  }
0x48: {  	[hbm4b:s6+s2] =	stream.indirect_vreg.scatter [tilespmem:s11], [sflag:$0x2], $0x80, v3, vm0, $0xb8;
	[tilespmem:$0x10100] =	vst v63  }
0x49: {  	_ = 	snop  }
0x4a: {  	[hbm4b:s7+s2] =	stream.indirect_vreg.scatter [tilespmem:s12], [sflag:$0x2], $0x80, v3, vm0, $0xb8;
	[tilespmem:$0x10100] =	vst v63  }
0x4b: {  	v3 =	vld [tilespmem:$0x10020];
	_ =	sdelay $0x4  }
0x4c: {  	v58 =	vshll.u32 v3, $0x3  }
0x4d: {  	v3 =	vand.u32 $0x7, v3;
	v4 =	vand.u32 $0xFFFFFFC0, v58  }
0x4e: {  	v3 =	vor.u32 v3, v4  }
0x4f: {  	v4 =	vperm.xlane v3, v0;
	_ =	sdelay $0x1  }
0x50: {  	v4 =	vadd.s32 v1, v4;
	_ =	sdelay $0x4  }
0x51: {  	[hbm4b:s3+s2] =	stream.indirect_vreg.scatter [tilespmem:s13], [sflag:$0x2], $0x80, v4, vm0, $0xb8;
	[tilespmem:$0x10100] =	vst v63  }
0x52: {  	v3 =	vperm.xlane v3, v2  }
0x53: {  	[hbm4b:s5+s2] =	stream.indirect_vreg.scatter [tilespmem:s14], [sflag:$0x2], $0x80, v4, vm0, $0xb8;
	[tilespmem:$0x10100] =	vst v63  }
0x54: {  	v3 =	vadd.s32 v1, v3  }
0x55: {  	[hbm4b:s6+s2] =	stream.indirect_vreg.scatter [tilespmem:s15], [sflag:$0x2], $0x80, v4, vm0, $0xb8;
	[tilespmem:$0x10100] =	vst v63  }
0x56: {  	_ = 	snop  }
0x57: {  	[hbm4b:s7+s2] =	stream.indirect_vreg.scatter [tilespmem:s16], [sflag:$0x2], $0x80, v4, vm0, $0xb8;
	[tilespmem:$0x10100] =	vst v63  }
0x58: {  	_ = 	snop  }
0x59: {  	[hbm4b:s3+s2] =	stream.indirect_vreg.scatter [tilespmem:s17], [sflag:$0x2], $0x80, v3, vm0, $0xb8;
	[tilespmem:$0x10100] =	vst v63  }
0x5a: {  	_ = 	snop  }
0x5b: {  	[hbm4b:s5+s2] =	stream.indirect_vreg.scatter [tilespmem:s18], [sflag:$0x2], $0x80, v3, vm0, $0xb8;
	[tilespmem:$0x10100] =	vst v63  }
0x5c: {  	_ = 	snop  }
0x5d: {  	[hbm4b:s6+s2] =	stream.indirect_vreg.scatter [tilespmem:s10], [sflag:$0x2], $0x80, v3, vm0, $0xb8;
	[tilespmem:$0x10100] =	vst v63  }
0x5e: {  	_ = 	snop  }
0x5f: {  	[hbm4b:s7+s2] =	stream.indirect_vreg.scatter [tilespmem:s19], [sflag:$0x2], $0x80, v3, vm0, $0xb8;
	[tilespmem:$0x10100] =	vst v63  }
0x60: {  	v3 =	vld [tilespmem:$0x10030];
	_ =	sdelay $0x4  }
0x61: {  	v59 =	vshll.u32 v3, $0x3  }
0x62: {  	v3 =	vand.u32 $0x7, v3;
	v4 =	vand.u32 $0xFFFFFFC0, v59  }
0x63: {  	v3 =	vor.u32 v3, v4  }
0x64: {  	v4 =	vperm.xlane v3, v0;
	_ =	sdelay $0x1  }
0x65: {  	v4 =	vadd.s32 v1, v4;
	_ =	sdelay $0x4  }
0x66: {  	[hbm4b:s3+s2] =	stream.indirect_vreg.scatter [tilespmem:s20], [sflag:$0x2], $0x80, v4, vm0, $0xb8;
	[tilespmem:$0x10100] =	vst v63  }
0x67: {  	v3 =	vperm.xlane v3, v2  }
0x68: {  	[hbm4b:s5+s2] =	stream.indirect_vreg.scatter [tilespmem:s9], [sflag:$0x2], $0x80, v4, vm0, $0xb8;
	[tilespmem:$0x10100] =	vst v63  }
0x69: {  	s0 =	simm.s32 $0xD000;
	v3 =	vadd.s32 v1, v3  }
0x6a: {  	[hbm4b:s6+s2] =	stream.indirect_vreg.scatter [tilespmem:s0], [sflag:$0x2], $0x80, v4, vm0, $0xb8;
	[tilespmem:$0x10100] =	vst v63  }
0x6b: {  	s0 =	simm.s32 $0xD800  }
0x6c: {  	[hbm4b:s7+s2] =	stream.indirect_vreg.scatter [tilespmem:s0], [sflag:$0x2], $0x80, v4, vm0, $0xb8;
	[tilespmem:$0x10100] =	vst v63  }
0x6d: {  	s0 =	simm.s32 $0xE000  }
0x6e: {  	[hbm4b:s3+s2] =	stream.indirect_vreg.scatter [tilespmem:s0], [sflag:$0x2], $0x80, v3, vm0, $0xb8;
	[tilespmem:$0x10100] =	vst v63  }
0x6f: {  	s0 =	simm.s32 $0xE800  }
0x70: {  	[hbm4b:s5+s2] =	stream.indirect_vreg.scatter [tilespmem:s0], [sflag:$0x2], $0x80, v3, vm0, $0xb8;
	[tilespmem:$0x10100] =	vst v63  }
0x71: {  	s0 =	simm.s32 $0xF000  }
0x72: {  	[hbm4b:s6+s2] =	stream.indirect_vreg.scatter [tilespmem:s0], [sflag:$0x2], $0x80, v3, vm0, $0xb8;
	[tilespmem:$0x10100] =	vst v63  }
0x73: {  	s0 =	simm.s32 $0xF800  }
0x74: {  	[hbm4b:s7+s2] =	stream.indirect_vreg.scatter [tilespmem:s0], [sflag:$0x2], $0x80, v3, vm0, $0xb8;
	[tilespmem:$0x10100] =	vst v63  }
0x75: {  	v3 =	vld [tilespmem:$0x10080];
	_ =	sdelay $0x4  }
0x76: {  	v60 =	vshll.u32 v3, $0x3  }
0x77: {  	v3 =	vand.u32 $0x7, v3;
	v4 =	vand.u32 $0xFFFFFFC0, v60  }
0x78: {  	v3 =	vor.u32 v3, v4  }
0x79: {  	v4 =	vperm.xlane v3, v0;
	_ =	sdelay $0x1  }
0x7a: {  	v4 =	vadd.s32 v1, v4;
	_ =	sdelay $0x4  }
0x7b: {  	[hbm4b:s3+s2] =	stream.indirect_vreg.scatter [tilespmem:s2], [sflag:$0x3], $0x80, v4, vm0, $0xb8;
	[tilespmem:$0x10100] =	vst v63  }
0x7c: {  	v3 =	vperm.xlane v3, v2  }
0x7d: {  	[hbm4b:s5+s2] =	stream.indirect_vreg.scatter [tilespmem:s21], [sflag:$0x3], $0x80, v4, vm0, $0xb8;
	[tilespmem:$0x10100] =	vst v63  }
0x7e: {  	v3 =	vadd.s32 v1, v3  }
0x7f: {  	[hbm4b:s6+s2] =	stream.indirect_vreg.scatter [tilespmem:s22], [sflag:$0x3], $0x80, v4, vm0, $0xb8;
	[tilespmem:$0x10100] =	vst v63  }
0x80: {  	_ = 	snop  }
0x81: {  	[hbm4b:s7+s2] =	stream.indirect_vreg.scatter [tilespmem:s23], [sflag:$0x3], $0x80, v4, vm0, $0xb8;
	[tilespmem:$0x10100] =	vst v63  }
0x82: {  	_ = 	snop  }
0x83: {  	[hbm4b:s3+s2] =	stream.indirect_vreg.scatter [tilespmem:s24], [sflag:$0x3], $0x80, v3, vm0, $0xb8;
	[tilespmem:$0x10100] =	vst v63  }
0x84: {  	_ = 	snop  }
0x85: {  	[hbm4b:s5+s2] =	stream.indirect_vreg.scatter [tilespmem:s25], [sflag:$0x3], $0x80, v3, vm0, $0xb8;
	[tilespmem:$0x10100] =	vst v63  }
0x86: {  	_ = 	snop  }
0x87: {  	[hbm4b:s6+s2] =	stream.indirect_vreg.scatter [tilespmem:s26], [sflag:$0x3], $0x80, v3, vm0, $0xb8;
	[tilespmem:$0x10100] =	vst v63  }
0x88: {  	_ = 	snop  }
0x89: {  	[hbm4b:s7+s2] =	stream.indirect_vreg.scatter [tilespmem:s28], [sflag:$0x3], $0x80, v3, vm0, $0xb8;
	[tilespmem:$0x10100] =	vst v63  }
0x8a: {  	v3 =	vld [tilespmem:$0x10090];
	_ =	sdelay $0x4  }
0x8b: {  	v61 =	vshll.u32 v3, $0x3  }
0x8c: {  	v3 =	vand.u32 $0x7, v3;
	v4 =	vand.u32 $0xFFFFFFC0, v61  }
0x8d: {  	v3 =	vor.u32 v3, v4  }
0x8e: {  	v4 =	vperm.xlane v3, v0;
	_ =	sdelay $0x1  }
0x8f: {  	v4 =	vadd.s32 v1, v4;
	_ =	sdelay $0x4  }
0x90: {  	[hbm4b:s3+s2] =	stream.indirect_vreg.scatter [tilespmem:s29], [sflag:$0x3], $0x80, v4, vm0, $0xb8;
	[tilespmem:$0x10100] =	vst v63  }
0x91: {  	v3 =	vperm.xlane v3, v2  }
0x92: {  	[hbm4b:s5+s2] =	stream.indirect_vreg.scatter [tilespmem:s30], [sflag:$0x3], $0x80, v4, vm0, $0xb8;
	[tilespmem:$0x10100] =	vst v63  }
0x93: {  	v3 =	vadd.s32 v1, v3  }
0x94: {  	[hbm4b:s6+s2] =	stream.indirect_vreg.scatter [tilespmem:s31], [sflag:$0x3], $0x80, v4, vm0, $0xb8;
	[tilespmem:$0x10100] =	vst v63  }
0x95: {  	_ = 	snop  }
0x96: {  	[hbm4b:s7+s2] =	stream.indirect_vreg.scatter [tilespmem:s1], [sflag:$0x3], $0x80, v4, vm0, $0xb8;
	[tilespmem:$0x10100] =	vst v63  }
0x97: {  	s21 =	simm.s32 $0x6000  }
0x98: {  	[hbm4b:s3+s2] =	stream.indirect_vreg.scatter [tilespmem:s21], [sflag:$0x3], $0x80, v3, vm0, $0xb8;
	[tilespmem:$0x10100] =	vst v63  }
0x99: {  	_ = 	snop  }
0x9a: {  	[hbm4b:s5+s2] =	stream.indirect_vreg.scatter [tilespmem:s4], [sflag:$0x3], $0x80, v3, vm0, $0xb8;
	[tilespmem:$0x10100] =	vst v63  }
0x9b: {  	_ = 	snop  }
0x9c: {  	[hbm4b:s6+s2] =	stream.indirect_vreg.scatter [tilespmem:s11], [sflag:$0x3], $0x80, v3, vm0, $0xb8;
	[tilespmem:$0x10100] =	vst v63  }
0x9d: {  	_ = 	snop  }
0x9e: {  	[hbm4b:s7+s2] =	stream.indirect_vreg.scatter [tilespmem:s12], [sflag:$0x3], $0x80, v3, vm0, $0xb8;
	[tilespmem:$0x10100] =	vst v63  }
0x9f: {  	v3 =	vld [tilespmem:$0x100A0];
	_ =	sdelay $0x4  }
0xa0: {  	v62 =	vshll.u32 v3, $0x3  }
0xa1: {  	v3 =	vand.u32 $0x7, v3;
	v4 =	vand.u32 $0xFFFFFFC0, v62  }
0xa2: {  	v3 =	vor.u32 v3, v4  }
0xa3: {  	v4 =	vperm.xlane v3, v0;
	_ =	sdelay $0x1  }
0xa4: {  	v4 =	vadd.s32 v1, v4;
	_ =	sdelay $0x4  }
0xa5: {  	[hbm4b:s3+s2] =	stream.indirect_vreg.scatter [tilespmem:s13], [sflag:$0x3], $0x80, v4, vm0, $0xb8;
	[tilespmem:$0x10100] =	vst v63  }
0xa6: {  	v3 =	vperm.xlane v3, v2  }
0xa7: {  	[hbm4b:s5+s2] =	stream.indirect_vreg.scatter [tilespmem:s14], [sflag:$0x3], $0x80, v4, vm0, $0xb8;
	[tilespmem:$0x10100] =	vst v63  }
0xa8: {  	v3 =	vadd.s32 v1, v3  }
0xa9: {  	[hbm4b:s6+s2] =	stream.indirect_vreg.scatter [tilespmem:s15], [sflag:$0x3], $0x80, v4, vm0, $0xb8;
	[tilespmem:$0x10100] =	vst v63  }
0xaa: {  	_ = 	snop  }
0xab: {  	[hbm4b:s7+s2] =	stream.indirect_vreg.scatter [tilespmem:s16], [sflag:$0x3], $0x80, v4, vm0, $0xb8;
	[tilespmem:$0x10100] =	vst v63  }
0xac: {  	_ = 	snop  }
0xad: {  	[hbm4b:s3+s2] =	stream.indirect_vreg.scatter [tilespmem:s17], [sflag:$0x3], $0x80, v3, vm0, $0xb8;
	[tilespmem:$0x10100] =	vst v63  }
0xae: {  	_ = 	snop  }
0xaf: {  	[hbm4b:s5+s2] =	stream.indirect_vreg.scatter [tilespmem:s18], [sflag:$0x3], $0x80, v3, vm0, $0xb8;
	[tilespmem:$0x10100] =	vst v63  }
0xb0: {  	_ = 	snop  }
0xb1: {  	[hbm4b:s6+s2] =	stream.indirect_vreg.scatter [tilespmem:s10], [sflag:$0x3], $0x80, v3, vm0, $0xb8;
	[tilespmem:$0x10100] =	vst v63  }
0xb2: {  	_ = 	snop  }
0xb3: {  	[hbm4b:s7+s2] =	stream.indirect_vreg.scatter [tilespmem:s19], [sflag:$0x3], $0x80, v3, vm0, $0xb8;
	[tilespmem:$0x10100] =	vst v63  }
0xb4: {  	v3 =	vld [tilespmem:$0x100B0];
	_ =	sdelay $0x4  }
0xb5: {  	v63 =	vshll.u32 v3, $0x3  }
0xb6: {  	v3 =	vand.u32 $0x7, v3;
	v4 =	vand.u32 $0xFFFFFFC0, v63  }
0xb7: {  	v3 =	vor.u32 v3, v4  }
0xb8: {  	v4 =	vperm.xlane v3, v0;
	_ =	sdelay $0x1  }
0xb9: {  	v4 =	vadd.s32 v1, v4;
	_ =	sdelay $0x4  }
0xba: {  	[hbm4b:s3+s2] =	stream.indirect_vreg.scatter [tilespmem:s20], [sflag:$0x3], $0x80, v4, vm0, $0xb8;
	[tilespmem:$0x10100] =	vst v63  }
0xbb: {  	v3 =	vperm.xlane v3, v2  }
0xbc: {  	[hbm4b:s5+s2] =	stream.indirect_vreg.scatter [tilespmem:s9], [sflag:$0x3], $0x80, v4, vm0, $0xb8;
	[tilespmem:$0x10100] =	vst v63  }
0xbd: {  	s22 =	simm.s32 $0xD000;
	v3 =	vadd.s32 v1, v3  }
0xbe: {  	[hbm4b:s6+s2] =	stream.indirect_vreg.scatter [tilespmem:s22], [sflag:$0x3], $0x80, v4, vm0, $0xb8;
	[tilespmem:$0x10100] =	vst v63  }
0xbf: {  	s21 =	simm.s32 $0xD800  }
0xc0: {  	[hbm4b:s7+s2] =	stream.indirect_vreg.scatter [tilespmem:s21], [sflag:$0x3], $0x80, v4, vm0, $0xb8;
	[tilespmem:$0x10100] =	vst v63  }
0xc1: {  	s22 =	simm.s32 $0xE000  }
0xc2: {  	[hbm4b:s3+s2] =	stream.indirect_vreg.scatter [tilespmem:s22], [sflag:$0x3], $0x80, v3, vm0, $0xb8;
	[tilespmem:$0x10100] =	vst v63  }
0xc3: {  	s21 =	simm.s32 $0xE800  }
0xc4: {  	[hbm4b:s5+s2] =	stream.indirect_vreg.scatter [tilespmem:s21], [sflag:$0x3], $0x80, v3, vm0, $0xb8;
	[tilespmem:$0x10100] =	vst v63  }
0xc5: {  	s22 =	simm.s32 $0xF000  }
0xc6: {  	[hbm4b:s6+s2] =	stream.indirect_vreg.scatter [tilespmem:s22], [sflag:$0x3], $0x80, v3, vm0, $0xb8;
	[tilespmem:$0x10100] =	vst v63  }
0xc7: {  	s21 =	simm.s32 $0x2  }
0xc8: {  	[hbm4b:s7+s2] =	stream.indirect_vreg.scatter [tilespmem:s0], [sflag:$0x3], $0x80, v3, vm0, $0xb8;
	[tilespmem:$0x10100] =	vst v63  }
0xc9: {  	p0 =	sne.s32 s8, $0x1;
	_ =	swait.ge [sflag:s21], $0x10000  }
.Ltmp0:
0xca: {  	[sflag:s21] =	ssyncset.done $0x0;
	(pc) =	sbr.rel @p0 .LBB2_1-.Ltmp0, $4  }
0xcb: {  	s22 =	simm.s32 $0x3;
	[sflag:s21] =	ssyncadd.s32 $0xFFFF0000  }
0xcc: {  	_ =	swait.ge [sflag:s22], $0x10000  }
0xcd: {  	[sflag:s22] =	ssyncset.done $0x0  }
0xce: {  	s8 =	sadd.s32 $0xFFFFFFFF, s8;
	[sflag:s22] =	ssyncadd.s32 $0xFFFF0000  }
0xcf: {  	_ =	sfence.sel $0x180000  }
0xd0: {  	[bflag:$0x0] =	sbarrier.arrive $0xFFFF  }
0xd1: {  	_ =	strace $0x90000047  }
0xd2: {  	s0 =	stileid.u32;
	[bflag:$0x2] =	sbarrier.arrive $0xFFFF  }
0xd3: {  	p0 =	sne.s32 s0, $0x0;
	s0 =	rddreg [dreg:$0x2]  }
0xd4: {  	s0 =	sadd.s32 @!p0 $0x100000, s0  }
0xd5: {  	[sflag:s0] =	ssyncadd.tile.s32 @!p0 $0x1;
	_ =	shalt  }
.Lfunc_end2:
_tile_overlayer_lowered:
.L_overlay_start_2:
0xd6: {  	(tag) =	ssettag $0x2  }
0xd7: {  	s0 =	rddreg [dreg:$0x0];
	s2 =	stileid.u32  }
0xd8: {  	s1 =	rddreg [dreg:$0x1];
	p0 =	sne.s32 s2, $0x0  }
0xd9: {  	s3 =	rddreg [dreg:$0x2];
	[bflag:$0x3] =	sbarrier.arrive $0xFFFF;
	s2 =	simm.s32 @!p0 $0x1C04  }
0xda: {  	[timem:s3], [sflag:s2] =	dma.local @!p0 [hbm:s0], s1  }
0xdb: {  	s0 =	simm.s32 @!p0 $0x4  }
0xdc: {  	_ =	swait.ge @!p0 [sflag:s0], s1  }
0xdd: {  	s1 =	ssub.s32 @!p0 $0x0, s1;
	[sflag:s0] =	ssyncset.done @!p0 $0x0  }
0xde: {  	[sflag:s0] =	ssyncadd.s32 @!p0 s1  }
0xdf: {  	[bflag:$0x3] =	sbarrier.arrive $0xFFFF  }
0xe0: {  	_ =	shalt  }

// kernel: kernel.9.cloned.1.call-start
scs
__scs_entry_jumppad:
0x0: {  	(pc) =	sbr.rel $0x88, $3  }
0x1: {  	(tag) =	ssettag $0x0;
	lr =	simm.s32 $0x1  }
0x2: {  	[smem:$0x3F9A] =	sst lr;
	_ =	strace $0xD0000000  }
0x3: {  	_ = 	snop  }
0x4: {  	_ = 	snop  }
0x5: {  	_ = 	snop  }
0x6: {  	_ = 	snop  }
0x7: {  	_ = 	snop  }
__scs_overlays_trampoline_lowered:
0x8: {  	[smem:$0x3FA9] =	sst s0  }
0x9: {  	[smem:$0x3FAA] =	sst s1  }
0xa: {  	[smem:$0x3FAB] =	sst s2  }
0xb: {  	[smem:$0x3FAC] =	sst s3  }
0xc: {  	[smem:$0x3FAD] =	sst s4  }
0xd: {  	[smem:$0x3FAE] =	sst s5  }
0xe: {  	[smem:$0x3FAF] =	sst s6  }
0xf: {  	[smem:$0x3FB0] =	sst s7  }
0x10: {  	[smem:$0x3FB1] =	sst s8  }
0x11: {  	[smem:$0x3FB2] =	sst s9;
	s0 =	simm.s32 @!p0 $0x0  }
0x12: {  	s1 =	sld [smem:$0x3F98];
	s0 =	simm.s32 @p0 $0x1  }
0x13: {  	[smem:$0x3FB3] =	sst s0;
	s0 =	simm.s32 @!p1 $0x0  }
0x14: {  	s2 =	sld [smem:$0x3F97];
	s0 =	simm.s32 @p1 $0x1  }
0x15: {  	[smem:$0x3FB4] =	sst s0;
	s0 =	simm.s32 @!p2 $0x0  }
0x16: {  	s3 =	sld [smem:$0x3FDB];
	s0 =	simm.s32 @p2 $0x1  }
0x17: {  	s4 =	simm.s32 $0x1BF5;
	[smem:$0x3FB6] =	sst s0  }
0x18: {  	s0 =	sld [smem:$0x3F99];
	_ =	swait.ge [sflag:s4], $0x0  }
0x19: {  	s7 =	sld [smem:$0x3F9A]  }
0x1a: {  	s8 =	sadd.s32 $0xFFFFE003, lr  }
0x1b: {  	s9 =	sadd.s32 $0xFFFFFEF7, lr;
	s5 =	simm.s32 $0xFFFFFFFF;
	p2 =	slt.u32 s8, $0xFFFFF086  }
0x1c: {  	p1 =	slt.u32 s9, $0xF7A;
	s5 =	simm.s32 @!p2 $0x0  }
0x1d: {  	s5 =	simm.s32 @p1 $0x1;
	p0 =	seq.s32 s7, s2  }
0x1e: {  	s7 =	smul.u32 @!p0 $0xF7A, s2;
	p2 =	seq.s32 @!p0 s5, $0x0  }
0x1f: {  	s9 =	smul.u32 $0xF7A, s1;
	s8 =	simm.s32 @!p0 $0x1BF5;
	p2 =	por !p2, p0  }
0x20: {  	[sflag:s8] =	ssyncset.s32 @!p0 $0xFFFFF086;
	s6 =	sadd.s32 @!p0 s3, s7;
	s7 =	simm.s32 @!p0 $0x108  }
0x21: {  	s3 =	sadd.s32 s3, s9;
	s6 =	sadd.s32 @!p0 $0x88, s6;
	s7 =	simm.s32 @p2 $0x1082  }
0x22: {  	[simem:s7], [sflag:s8] =	dma.local @!p0 [hbm:s6], $0xF7A  }
0x23: {  	s9 =	sor.u32 $0xD0000000, s2;
	s6 =	simm.s32 $0x108;
	_ =	swait.ge @!p0 [sflag:s8], $0x0  }
0x24: {  	s3 =	sadd.s32 $0x88, s3;
	s6 =	simm.s32 @!p1 $0x1082;
	[sflag:s4] =	ssyncset.s32 $0xFFFFF086  }
0x25: {  	[simem:s6], [sflag:s4] =	dma.local [hbm:s3], $0xF7A  }
0x26: {  	[smem:$0x3F9A] =	sst s1;
	(tag) =	ssettag s2;
	_ =	strace s9  }
0x27: {  	s1 =	sld [smem:$0x3FAA]  }
0x28: {  	s2 =	sld [smem:$0x3FAB]  }
0x29: {  	s4 =	sld [smem:$0x3FAD]  }
0x2a: {  	p0 =	seq.s32 s5, $0x0;
	s5 =	sld [smem:$0x3FAE]  }
0x2b: {  	s6 =	sld [smem:$0x3FAF]  }
0x2c: {  	s7 =	sld [smem:$0x3FB0]  }
0x2d: {  	s3 =	simm.s32 $0x108;
	s8 =	sld [smem:$0x3FB1]  }
0x2e: {  	s3 =	simm.s32 @!p0 $0x1082;
	s9 =	sld [smem:$0x3FB2]  }
0x2f: {  	lr =	sadd.s32 s0, s3;
	s0 =	sld [smem:$0x3FA9]  }
0x30: {  	s3 =	sld [smem:$0x3FAC]  }
0x31: {  	[smem:$0x3FB5] =	sst s10  }
0x32: {  	s10 =	sld [smem:$0x3FB3];
	_ =	sdelay $0x3  }
0x33: {  	p0 =	seq.s32 s10, $0x1;
	s10 =	sld [smem:$0x3FB5];
	_ =	sdelay $0x3  }
0x34: {  	[smem:$0x3FB5] =	sst s10  }
0x35: {  	s10 =	sld [smem:$0x3FB4];
	_ =	sdelay $0x3  }
0x36: {  	p1 =	seq.s32 s10, $0x1;
	s10 =	sld [smem:$0x3FB5];
	_ =	sdelay $0x3  }
0x37: {  	[smem:$0x3FB5] =	sst s10  }
0x38: {  	s10 =	sld [smem:$0x3FB6]  }
0x39: {  	_ = 	snop;
	(pc) =	sbr.ind lr, $3  }
0x3a: {  	_ = 	snop  }
0x3b: {  	_ = 	snop  }
0x3c: {  	p2 =	seq.s32 s10, $0x1;
	s10 =	sld [smem:$0x3FB5]  }
0x3d: {  	_ =	shalt  }
0x3e: {  	_ =	shalt  }
0x3f: {  	_ =	shalt  }
0x40: {  	_ =	shalt  }
0x41: {  	_ =	shalt  }
0x42: {  	_ =	shalt  }
0x43: {  	_ =	shalt  }
0x44: {  	_ =	shalt  }
0x45: {  	_ =	shalt  }
0x46: {  	_ =	shalt  }
0x47: {  	_ =	shalt  }
0x48: {  	_ =	shalt  }
0x49: {  	_ =	shalt  }
0x4a: {  	_ =	shalt  }
0x4b: {  	_ =	shalt  }
0x4c: {  	_ =	shalt  }
0x4d: {  	_ =	shalt  }
0x4e: {  	_ =	shalt  }
0x4f: {  	_ =	shalt  }
0x50: {  	_ =	shalt  }
0x51: {  	_ =	shalt  }
0x52: {  	_ =	shalt  }
0x53: {  	_ =	shalt  }
0x54: {  	_ =	shalt  }
0x55: {  	_ =	shalt  }
0x56: {  	_ =	shalt  }
0x57: {  	_ =	shalt  }
0x58: {  	_ =	shalt  }
0x59: {  	_ =	shalt  }
0x5a: {  	_ =	shalt  }
0x5b: {  	_ =	shalt  }
0x5c: {  	_ =	shalt  }
0x5d: {  	_ =	shalt  }
0x5e: {  	_ =	shalt  }
0x5f: {  	_ =	shalt  }
0x60: {  	_ =	shalt  }
0x61: {  	_ =	shalt  }
0x62: {  	_ =	shalt  }
0x63: {  	_ =	shalt  }
0x64: {  	_ =	shalt  }
0x65: {  	_ =	shalt  }
0x66: {  	_ =	shalt  }
0x67: {  	_ =	shalt  }
0x68: {  	_ =	shalt  }
0x69: {  	_ =	shalt  }
0x6a: {  	_ =	shalt  }
0x6b: {  	_ =	shalt  }
0x6c: {  	_ =	shalt  }
0x6d: {  	_ =	shalt  }
0x6e: {  	_ =	shalt  }
0x6f: {  	_ =	shalt  }
0x70: {  	_ =	shalt  }
0x71: {  	_ =	shalt  }
0x72: {  	_ =	shalt  }
0x73: {  	_ =	shalt  }
0x74: {  	_ =	shalt  }
0x75: {  	_ =	shalt  }
0x76: {  	_ =	shalt  }
0x77: {  	_ =	shalt  }
0x78: {  	_ =	shalt  }
0x79: {  	_ =	shalt  }
0x7a: {  	_ =	shalt  }
0x7b: {  	_ =	shalt  }
0x7c: {  	_ =	shalt  }
0x7d: {  	_ =	shalt  }
0x7e: {  	_ =	shalt  }
0x7f: {  	_ =	shalt  }
0x80: {  	_ =	shalt  }
0x81: {  	_ =	shalt  }
0x82: {  	_ =	shalt  }
0x83: {  	_ =	shalt  }
0x84: {  	_ =	shalt  }
0x85: {  	_ =	shalt  }
0x86: {  	_ =	shalt  }
0x87: {  	_ =	shalt  }
.Lfunc_end0:
.L_simem_size_0:
called_computation.1_lowered:
.L_overlay_start_0:
0x88: {  	s2 =	sld [smem:$0x3FD9]  }
0x89: {  	s3 =	sld [smem:$0x3FFE];
	_ =	sdelay $0x1  }
0x8a: {  	s1 =	srdreg.scid  }
0x8b: {  	s0 =	sand.u32 $0x1, s1  }
0x8c: {  	s14 =	sshll.u32 s0, $0xA;
	s2 =	sadd.s32 s3, s2  }
0x8d: {  	s2 =	sadd.s32 s2, s14  }
0x8e: {  	[smem:$0x3FC1] =	sst s2  }
0x8f: {  	_ = 	snop  }
0x90: {  	s2 =	sld [smem:$0x3FD0];
	_ =	sdelay $0x2  }
0x91: {  	s15 =	simm.s32 $0xA;
	s4 =	simm.s32 $0x10  }
0x92: {  	[smem:s4], [sflag:s15] =	dma.local [hbm:s2], $0x1  }
0x93: {  	_ =	swait.eq [sflag:s15], $0x1  }
0x94: {  	[sflag:s15] =	ssyncset.done $0x0  }
0x95: {  	[sflag:s15] =	ssyncadd.s32 $0xFFFFFFFF  }
0x96: {  	s16 =	sld [smem:$0x10];
	(tm) =	ssettm $0x1  }
0x97: {  	s17 =	sld [smem:$0x3FFB];
	_ =	sdelay $0x3  }
0x98: {  	_ =	strace s17  }
0x99: {  	s3 =	sld [smem:$0x3FFC];
	_ =	sdelay $0x3  }
0x9a: {  	_ =	strace s3  }
0x9b: {  	s3 =	sld [smem:$0x3FFD];
	_ =	sdelay $0x3  }
0x9c: {  	_ =	strace s3  }
0x9d: {  	_ =	strace $0x8FFFFFFF  }
0x9e: {  	s18 =	sld [smem:$0x3FDB];
	_ =	sdelay $0x1  }
0x9f: {  	s19 =	simm.s32 $_scs_section_size  }
0xa0: {  	s5 =	simm.s32 $_size__tile_overlayer_lowered;
	s6 =	simm.s32 $_tile_overlayer_lowered  }
0xa1: {  	s22 =	simm.s32 $0x1BFF;
	s21 =	sshll.u32 s6, $0x1;
	s3 =	sadd.s32 s19, s18  }
0xa2: {  	s7 =	simm.s32 $0x0;
	s20 =	sshll.u32 s5, $0x1;
	s5 =	sadd.s32 s21, s3  }
0xa3: {  	[timem:s7], [sflag:s22] =	dma.local [hbm:s5], s20  }
0xa4: {  	_ =	swait.ge [sflag:s22], s20  }
0xa5: {  	s4 =	ssub.s32 $0x0, s20;
	[sflag:s22] =	ssyncset.done $0x0  }
0xa6: {  	[sflag:s22] =	ssyncadd.s32 s4;
	_ =	sdelay $0x1  }
0xa7: {  	s23 =	simm.s32 $0x1B8B  }
0xa8: {  	_ =	swait.ge [sflag:s23], $0x1  }
0xa9: {  	[sflag:s23] =	ssyncset.done $0x0  }
0xaa: {  	s25 =	simm.s32 $0x1B8E;
	s24 =	sld [smem:$0x3FFE];
	[sflag:s23] =	ssyncadd.s32 $0xFFFFFFFF  }
0xab: {  	s26 =	simm.s32 $execute0_lowered;
	[smem:$0x3FD2] =	sst s25  }
0xac: {  	s5 =	sshll.u32 s26, $0x1;
	_ =	strace $0x80000049;
	[dreg:$0x1] =	wrdreg $0xFFFFFFFF  }
0xad: {  	s28 =	simm.s32 $_size_execute0_lowered;
	s3 =	sadd.s32 s3, s5;
	[dreg:$0x0] =	wrdreg $0x0  }
0xae: {  	s5 =	sshll.u32 s28, $0x1;
	[dreg:$0x2] =	wrdreg s3  }
0xaf: {  	[dreg:$0x3] =	wrdreg s5  }
0xb0: {  	[dreg:$0x4] =	wrdreg $0xC0  }
0xb1: {  	_ =	task [dreg:s7], $0x5FFFF  }
0xb2: {  	[dreg:$0x1] =	wrdreg $0xFFFFFFFF  }
0xb3: {  	[dreg:$0x0] =	wrdreg $0x60  }
0xb4: {  	[dreg:$0x2] =	wrdreg s24  }
0xb5: {  	[dreg:$0x3] =	wrdreg s16  }
0xb6: {  	[dreg:$0x4] =	wrdreg $0x9  }
0xb7: {  	_ =	task.clear_ibuf [dreg:s7], $0x5FFFF;
	_ =	strace $0x90000049  }
0xb8: {  	s29 =	simm.s32 $0x9;
	_ =	strace $0x8000004B  }
0xb9: {  	_ =	swait.ge [sflag:s29], $0x1  }
0xba: {  	[sflag:s29] =	ssyncadd.s32 $0xFFFFFFFF  }
0xbb: {  	_ =	strace $0x9000004B  }
0xbc: {  	_ =	sfence  }
0xbd: {  	s30 =	sld [smem:$0x0];
	_ =	sdelay $0x2  }
0xbe: {  	s31 =	sshll.u32 s1, $0xD;
	s1 =	sshrl.u32 s1, $0x2  }
0xbf: {  	s3 =	sand.u32 $0x4000, s31;
	s1 =	sadd.s32 s1, s30  }
0xc0: {  	s0 =	sor.u32 s3, s0;
	s1 =	sshll.u32 s1, $0x11  }
0xc1: {  	s0 =	sor.u32 s1, s0  }
0xc2: {  	s0 =	sadd.s32 $0x8F2B, s0  }
0xc3: {  	[sflag:s0] =	ssyncadd.remote.s32 $0x1  }
0xc4: {  	_ =	sfence.sel $0xFFFF  }
0xc5: {  	[dreg:$0x0] =	wrdreg $0xFFFFFFFF;
	(pc) =	sbr.abs _section_cstart, $3  }
0xc6: {  	[dreg:$0x1] =	wrdreg $0xFFFFFFFF  }
0xc7: {  	_ =	task.clear_ibuf [dreg:s7], $0x2FFFF;
	_ =	strace $0x9FFFFFFF  }
0xc8: {  	(tm) =	ssettm $0x7FFFFFFF  }
0xc9: {  	_ =	shalt  }
tec
execute0_lowered:
.L_overlay_start_1:
0x0: {  	(tag) =	ssettag $0x1  }
0x1: {  	s0 =	rddreg [dreg:$0x0]  }
0x2: {  	s2 =	rddreg [dreg:$0x1]  }
0x3: {  	s1 =	simm.s32 $0x0;
	s4 =	srdreg.scid;
	s7 =	stileid.u32  }
0x4: {  	s28 =	simm.s32 $0xD800;
	s29 =	simm.s32 $0xE800;
	s30 =	simm.s32 $0xF000  }
0x5: {  	s14 =	simm.s32 $0xF800;
	s31 =	simm.s32 $0x1;
	s15 =	simm.s32 $0x2  }
0x6: {  	[smem:$0x7FF] =	sst s1;
	s3 =	sadd.s32 $0x400, s0;
	s5 =	sadd.s32 $0x200, s0  }
0x7: {  	s4 =	sand.u32 $0x1, s4;
	s7 =	sshll.u32 s7, $0x7;
	s9 =	sadd.s32 $0x80400, s0  }
0x8: {  	s10 =	sadd.s32 $0x88400, s0;
	s6 =	ssub.s32 $0x2, s4;
	s4 =	sshll.u32 s4, $0x6  }
0x9: {  	_ =	strace $0x8000004A;
	s8 =	sshrl.u32 s6, $0x1;
	s4 =	sor.u32 s4, s7  }
0xa: {  	s7 =	sadd.s32 $0x600, s0;
	s11 =	ssub.s32 s6, s8;
	s18 =	sshrl.u32 s4, $0x3  }
0xb: {  	s8 =	sadd.s32 $0x700, s0;
	s12 =	sshll.u32 s4, $0x4;
	s20 =	sshll.u32 s4, $0x7  }
0xc: {  	s4 =	sor.u32 $0x20, s4;
	s19 =	sadd.s32 s5, s18;
	s6 =	sadd.s32 s0, s18  }
0xd: {  	s13 =	sadd.s32 s9, s12;
	s12 =	sadd.s32 s10, s12;
	[dreg:$0x3] =	wrdreg s19  }
0xe: {  	s21 =	sadd.s32 s2, s20;
	s22 =	sshrl.u32 s4, $0x3;
	[dreg:$0x4] =	wrdreg s6  }
0xf: {  	s23 =	sshll.u32 s4, $0x4;
	s25 =	sshll.u32 s4, $0x7;
	[dreg:$0x5] =	wrdreg s13  }
0x10: {  	s26 =	smax.u32 s11, $0x1;
	s11 =	simm.s32 $0xB800;
	[dreg:$0x6] =	wrdreg s12  }
0x11: {  	s6 =	sadd.s32 $0x500, s0;
	[dreg:$0x7] =	wrdreg s21;
	s5 =	sadd.s32 s5, s22  }
0x12: {  	s0 =	sadd.s32 s0, s22;
	s24 =	sadd.s32 s9, s23;
	[dreg:$0xd] =	wrdreg s26  }
0x13: {  	s19 =	simm.s32 $0x3;
	s21 =	simm.s32 $0x9000;
	[dreg:$0x8] =	wrdreg s5  }
0x14: {  	v2 =	vlaneseq.u32;
	s22 =	simm.s32 $0x9800;
	s26 =	simm.s32 $0xC800;
	[dreg:$0x9] =	wrdreg s0  }
0x15: {  	v0 =	vand.u32 $0x7, v2;
	v1 =	vshrl.u32 v2, $0x3;
	s12 =	simm.s32 $0xD000;
	s13 =	simm.s32 $0xE000;
	[dreg:$0xa] =	wrdreg s24  }
0x16: {  	v63 =	vor.u32 $0x8, v2;
	[tilespmem:$0x1FFD0] =	vst v0;
	v62 =	vmul.u32 $0x8, v1;
	s0 =	sadd.s32 s10, s23;
	s23 =	simm.s32 $0xA000;
	s10 =	simm.s32 $0xA800  }
0x17: {  	[tilespmem:$0x1FFF0] =	vst v63;
	s24 =	simm.s32 $0xB000;
	[dreg:$0xb] =	wrdreg s0;
	s0 =	sadd.s32 s2, s25  }
0x18: {  	vm0 =	vmmov $0xffff;
	[tilespmem:$0x1FFE0] =	vst v62;
	s25 =	simm.s32 $0xC000;
	[dreg:$0xc] =	wrdreg s0;
	s0 =	simm.s32 $0x0  }
.LBB2_1:
0x19: {  	s2 =	rddreg [dreg:$0x3];
	s4 =	simm.s32 $0x10000  }
0x1a: {  	[tilespmem:s4], [sflag:$0x3] =	stream.linear.gather [hbm4b:s2+s1], $0x20, $0x38;
	[tilespmem:$0x12100] =	vst v63  }
0x1b: {  	_ =	swait.ge [sflag:s19], $0x20  }
0x1c: {  	[sflag:s19] =	ssyncset.done $0x0  }
0x1d: {  	s5 =	simm.s32 $0x10080;
	s4 =	rddreg [dreg:$0x4];
	[sflag:s19] =	ssyncadd.s32 $0xFFFFFFE0  }
0x1e: {  	[tilespmem:s5], [sflag:$0x3] =	stream.linear.gather [hbm4b:s4+s1], $0x20, $0x38;
	[tilespmem:$0x12100] =	vst v63  }
0x1f: {  	_ =	swait.ge [sflag:s19], $0x20  }
0x20: {  	[sflag:s19] =	ssyncset.done $0x0  }
0x21: {  	[sflag:s19] =	ssyncadd.s32 $0xFFFFFFE0  }
0x22: {  	v3 =	vld [tilespmem:$0x10000];
	_ =	sdelay $0x2  }
0x23: {  	v0 =	vld [tilespmem:$0x1FFD0];
	_ =	sdelay $0x1  }
0x24: {  	v1 =	vld [tilespmem:$0x1FFE0];
	v4 =	vshll.u32 v3, $0x3  }
0x25: {  	v3 =	vand.u32 $0x7, v3;
	v4 =	vand.u32 $0xFFFFFFC0, v4  }
0x26: {  	v3 =	vor.u32 v3, v4  }
0x27: {  	v4 =	vperm.xlane v3, v0;
	_ =	sdelay $0x1  }
0x28: {  	v4 =	vadd.s32 v1, v4  }
0x29: {  	v2 =	vld [tilespmem:$0x1FFF0];
	_ =	sdelay $0x3  }
0x2a: {  	[tilespmem:s1], [sflag:$0x1] =	stream.indirect_vreg.gather [hbm4b:s3+s1], $0x80, v4, vm0, $0xb8;
	[tilespmem:$0x12100] =	vst v63  }
0x2b: {  	s9 =	simm.s32 $0x800;
	v3 =	vperm.xlane v3, v2  }
0x2c: {  	[tilespmem:s9], [sflag:$0x1] =	stream.indirect_vreg.gather [hbm4b:s6+s1], $0x80, v4, vm0, $0xb8;
	[tilespmem:$0x12100] =	vst v63  }
0x2d: {  	s16 =	simm.s32 $0x1000;
	v3 =	vadd.s32 v1, v3  }
0x2e: {  	[tilespmem:s16], [sflag:$0x1] =	stream.indirect_vreg.gather [hbm4b:s7+s1], $0x80, v4, vm0, $0xb8;
	[tilespmem:$0x12100] =	vst v63  }
0x2f: {  	s17 =	simm.s32 $0x1800  }
0x30: {  	[tilespmem:s17], [sflag:$0x1] =	stream.indirect_vreg.gather [hbm4b:s8+s1], $0x80, v4, vm0, $0xb8;
	[tilespmem:$0x12100] =	vst v63  }
0x31: {  	s18 =	simm.s32 $0x2000  }
0x32: {  	[tilespmem:s18], [sflag:$0x1] =	stream.indirect_vreg.gather [hbm4b:s3+s1], $0x80, v3, vm0, $0xb8;
	[tilespmem:$0x12100] =	vst v63  }
0x33: {  	s20 =	simm.s32 $0x2800  }
0x34: {  	[tilespmem:s20], [sflag:$0x1] =	stream.indirect_vreg.gather [hbm4b:s6+s1], $0x80, v3, vm0, $0xb8;
	[tilespmem:$0x12100] =	vst v63  }
0x35: {  	s4 =	simm.s32 $0x3000  }
0x36: {  	[tilespmem:s4], [sflag:$0x1] =	stream.indirect_vreg.gather [hbm4b:s7+s1], $0x80, v3, vm0, $0xb8;
	[tilespmem:$0x12100] =	vst v63  }
0x37: {  	s5 =	simm.s32 $0x3800  }
0x38: {  	[tilespmem:s5], [sflag:$0x1] =	stream.indirect_vreg.gather [hbm4b:s8+s1], $0x80, v3, vm0, $0xb8;
	[tilespmem:$0x12100] =	vst v63  }
0x39: {  	v3 =	vld [tilespmem:$0x10010];
	_ =	sdelay $0x4  }
0x3a: {  	v61 =	vshll.u32 v3, $0x3  }
0x3b: {  	v3 =	vand.u32 $0x7, v3;
	v4 =	vand.u32 $0xFFFFFFC0, v61  }
0x3c: {  	v3 =	vor.u32 v3, v4  }
0x3d: {  	v4 =	vperm.xlane v3, v0;
	_ =	sdelay $0x1  }
0x3e: {  	v4 =	vadd.s32 v1, v4;
	_ =	sdelay $0x3  }
0x3f: {  	s9 =	simm.s32 $0x4000  }
0x40: {  	[tilespmem:s9], [sflag:$0x1] =	stream.indirect_vreg.gather [hbm4b:s3+s1], $0x80, v4, vm0, $0xb8;
	[tilespmem:$0x12100] =	vst v63  }
0x41: {  	s16 =	simm.s32 $0x4800;
	v3 =	vperm.xlane v3, v2  }
0x42: {  	[tilespmem:s16], [sflag:$0x1] =	stream.indirect_vreg.gather [hbm4b:s6+s1], $0x80, v4, vm0, $0xb8;
	[tilespmem:$0x12100] =	vst v63  }
0x43: {  	s17 =	simm.s32 $0x5000;
	v3 =	vadd.s32 v1, v3  }
0x44: {  	[tilespmem:s17], [sflag:$0x1] =	stream.indirect_vreg.gather [hbm4b:s7+s1], $0x80, v4, vm0, $0xb8;
	[tilespmem:$0x12100] =	vst v63  }
0x45: {  	s18 =	simm.s32 $0x5800  }
0x46: {  	[tilespmem:s18], [sflag:$0x1] =	stream.indirect_vreg.gather [hbm4b:s8+s1], $0x80, v4, vm0, $0xb8;
	[tilespmem:$0x12100] =	vst v63  }
0x47: {  	s20 =	simm.s32 $0x6000  }
0x48: {  	[tilespmem:s20], [sflag:$0x1] =	stream.indirect_vreg.gather [hbm4b:s3+s1], $0x80, v3, vm0, $0xb8;
	[tilespmem:$0x12100] =	vst v63  }
0x49: {  	s4 =	simm.s32 $0x6800  }
0x4a: {  	[tilespmem:s4], [sflag:$0x1] =	stream.indirect_vreg.gather [hbm4b:s6+s1], $0x80, v3, vm0, $0xb8;
	[tilespmem:$0x12100] =	vst v63  }
0x4b: {  	s5 =	simm.s32 $0x7000  }
0x4c: {  	[tilespmem:s5], [sflag:$0x1] =	stream.indirect_vreg.gather [hbm4b:s7+s1], $0x80, v3, vm0, $0xb8;
	[tilespmem:$0x12100] =	vst v63  }
0x4d: {  	s9 =	simm.s32 $0x7800  }
0x4e: {  	[tilespmem:s9], [sflag:$0x1] =	stream.indirect_vreg.gather [hbm4b:s8+s1], $0x80, v3, vm0, $0xb8;
	[tilespmem:$0x12100] =	vst v63  }
0x4f: {  	v3 =	vld [tilespmem:$0x10080];
	_ =	sdelay $0x4  }
0x50: {  	v62 =	vshll.u32 v3, $0x3  }
0x51: {  	v3 =	vand.u32 $0x7, v3;
	v4 =	vand.u32 $0xFFFFFFC0, v62  }
0x52: {  	v3 =	vor.u32 v3, v4  }
0x53: {  	v4 =	vperm.xlane v3, v0;
	_ =	sdelay $0x1  }
0x54: {  	v4 =	vadd.s32 v1, v4;
	_ =	sdelay $0x3  }
0x55: {  	s16 =	simm.s32 $0x8000  }
0x56: {  	[tilespmem:s16], [sflag:$0x2] =	stream.indirect_vreg.gather [hbm4b:s3+s1], $0x80, v4, vm0, $0xb8;
	[tilespmem:$0x12100] =	vst v63  }
0x57: {  	s17 =	simm.s32 $0x8800;
	v3 =	vperm.xlane v3, v2  }
0x58: {  	[tilespmem:s17], [sflag:$0x2] =	stream.indirect_vreg.gather [hbm4b:s6+s1], $0x80, v4, vm0, $0xb8;
	[tilespmem:$0x12100] =	vst v63  }
0x59: {  	v3 =	vadd.s32 v1, v3  }
0x5a: {  	[tilespmem:s21], [sflag:$0x2] =	stream.indirect_vreg.gather [hbm4b:s7+s1], $0x80, v4, vm0, $0xb8;
	[tilespmem:$0x12100] =	vst v63  }
0x5b: {  	_ = 	snop  }
0x5c: {  	[tilespmem:s22], [sflag:$0x2] =	stream.indirect_vreg.gather [hbm4b:s8+s1], $0x80, v4, vm0, $0xb8;
	[tilespmem:$0x12100] =	vst v63  }
0x5d: {  	_ = 	snop  }
0x5e: {  	[tilespmem:s23], [sflag:$0x2] =	stream.indirect_vreg.gather [hbm4b:s3+s1], $0x80, v3, vm0, $0xb8;
	[tilespmem:$0x12100] =	vst v63  }
0x5f: {  	_ = 	snop  }
0x60: {  	[tilespmem:s10], [sflag:$0x2] =	stream.indirect_vreg.gather [hbm4b:s6+s1], $0x80, v3, vm0, $0xb8;
	[tilespmem:$0x12100] =	vst v63  }
0x61: {  	_ = 	snop  }
0x62: {  	[tilespmem:s24], [sflag:$0x2] =	stream.indirect_vreg.gather [hbm4b:s7+s1], $0x80, v3, vm0, $0xb8;
	[tilespmem:$0x12100] =	vst v63  }
0x63: {  	_ = 	snop  }
0x64: {  	[tilespmem:s11], [sflag:$0x2] =	stream.indirect_vreg.gather [hbm4b:s8+s1], $0x80, v3, vm0, $0xb8;
	[tilespmem:$0x12100] =	vst v63  }
0x65: {  	v3 =	vld [tilespmem:$0x10090];
	_ =	sdelay $0x4  }
0x66: {  	v63 =	vshll.u32 v3, $0x3  }
0x67: {  	v3 =	vand.u32 $0x7, v3;
	v4 =	vand.u32 $0xFFFFFFC0, v63  }
0x68: {  	v3 =	vor.u32 v3, v4  }
0x69: {  	v4 =	vperm.xlane v3, v0;
	_ =	sdelay $0x1  }
0x6a: {  	v4 =	vadd.s32 v1, v4;
	_ =	sdelay $0x4  }
0x6b: {  	[tilespmem:s25], [sflag:$0x2] =	stream.indirect_vreg.gather [hbm4b:s3+s1], $0x80, v4, vm0, $0xb8;
	[tilespmem:$0x12100] =	vst v63  }
0x6c: {  	v3 =	vperm.xlane v3, v2  }
0x6d: {  	[tilespmem:s26], [sflag:$0x2] =	stream.indirect_vreg.gather [hbm4b:s6+s1], $0x80, v4, vm0, $0xb8;
	[tilespmem:$0x12100] =	vst v63  }
0x6e: {  	v3 =	vadd.s32 v1, v3  }
0x6f: {  	[tilespmem:s12], [sflag:$0x2] =	stream.indirect_vreg.gather [hbm4b:s7+s1], $0x80, v4, vm0, $0xb8;
	[tilespmem:$0x12100] =	vst v63  }
0x70: {  	_ = 	snop  }
0x71: {  	[tilespmem:s28], [sflag:$0x2] =	stream.indirect_vreg.gather [hbm4b:s8+s1], $0x80, v4, vm0, $0xb8;
	[tilespmem:$0x12100] =	vst v63  }
0x72: {  	_ = 	snop  }
0x73: {  	[tilespmem:s13], [sflag:$0x2] =	stream.indirect_vreg.gather [hbm4b:s3+s1], $0x80, v3, vm0, $0xb8;
	[tilespmem:$0x12100] =	vst v63  }
0x74: {  	_ = 	snop  }
0x75: {  	[tilespmem:s29], [sflag:$0x2] =	stream.indirect_vreg.gather [hbm4b:s6+s1], $0x80, v3, vm0, $0xb8;
	[tilespmem:$0x12100] =	vst v63  }
0x76: {  	_ = 	snop  }
0x77: {  	[tilespmem:s30], [sflag:$0x2] =	stream.indirect_vreg.gather [hbm4b:s7+s1], $0x80, v3, vm0, $0xb8;
	[tilespmem:$0x12100] =	vst v63  }
0x78: {  	_ = 	snop  }
0x79: {  	[tilespmem:s14], [sflag:$0x2] =	stream.indirect_vreg.gather [hbm4b:s8+s1], $0x80, v3, vm0, $0xb8;
	[tilespmem:$0x12100] =	vst v63  }
0x7a: {  	s2 =	simm.s32 $0x10100;
	s18 =	rddreg [dreg:$0x5]  }
0x7b: {  	[tilespmem:s2], [sflag:$0x3] =	stream.linear.gather [hbm4b:s18+s1], $0x1000, $0x38;
	[tilespmem:$0x12100] =	vst v63  }
0x7c: {  	_ =	swait.ge [sflag:s19], $0x1000  }
0x7d: {  	[sflag:s19] =	ssyncset.done $0x0  }
0x7e: {  	s16 =	simm.s32 $0x11100;
	s20 =	rddreg [dreg:$0x6];
	[sflag:s19] =	ssyncadd.s32 $0xFFFFF000  }
0x7f: {  	[tilespmem:s16], [sflag:$0x3] =	stream.linear.gather [hbm4b:s20+s1], $0x1000, $0x38;
	[tilespmem:$0x12100] =	vst v63  }
0x80: {  	_ =	swait.ge [sflag:s19], $0x1000  }
0x81: {  	[sflag:s19] =	ssyncset.done $0x0  }
0x82: {  	[sflag:s19] =	ssyncadd.s32 $0xFFFFF000  }
0x83: {  	_ =	swait.ge [sflag:s31], $0x8000  }
0x84: {  	[sflag:s31] =	ssyncset.done $0x0  }
0x85: {  	[sflag:s31] =	ssyncadd.s32 $0xFFFF8000  }
0x86: {  	_ =	swait.ge [sflag:s15], $0x8000  }
0x87: {  	s4 =	simm.s32 $0x0;
	[sflag:s15] =	ssyncset.done $0x0  }
0x88: {  	s5 =	simm.s32 $0x0;
	s17 =	simm.s32 $0x0;
	[sflag:s15] =	ssyncadd.s32 $0xFFFF8000  }
.LBB2_2:
0x89: {  	v3 =	vld [tilespmem:s2+$0x0];
	s18 =	sand.u32 $0x6000, s17;
	s20 =	sand.u32 $0x380, s5  }
0x8a: {  	v4 =	vld [tilespmem:s16+$0x0];
	s18 =	sor.u32 s20, s18  }
0x8b: {  	v6 =	vld [tilespmem:s18+$0x0]  }
0x8c: {  	v7 =	vld [tilespmem:s18+$0x8000]  }
0x8d: {  	v10 =	vld [tilespmem:s18+$0x10]  }
0x8e: {  	v11 =	vld [tilespmem:s18+$0x8010]  }
0x8f: {  	v14 =	vld [tilespmem:s18+$0x20]  }
0x90: {  	v17 =	vld [tilespmem:s18+$0x8020]  }
0x91: {  	v20 =	vld [tilespmem:s18+$0x30]  }
0x92: {  	v21 =	vld [tilespmem:s18+$0x8030]  }
0x93: {  	v26 =	vld [tilespmem:s18+$0x40]  }
0x94: {  	v27 =	vld [tilespmem:s18+$0x8040]  }
0x95: {  	v28 =	vld [tilespmem:s18+$0x50]  }
0x96: {  	v29 =	vld [tilespmem:s18+$0x8050]  }
0x97: {  	v30 =	vld [tilespmem:s18+$0x60]  }
0x98: {  	v31 =	vld [tilespmem:s18+$0x8060]  }
0x99: {  	v32 =	vld [tilespmem:s18+$0x70]  }
0x9a: {  	v33 =	vld [tilespmem:s18+$0x8070]  }
0x9b: {  	v34 =	vld [tilespmem:s18+$0x400]  }
0x9c: {  	v35 =	vld [tilespmem:s18+$0x8400]  }
0x9d: {  	v36 =	vld [tilespmem:s18+$0x410]  }
0x9e: {  	v37 =	vld [tilespmem:s18+$0x8410]  }
0x9f: {  	v38 =	vld [tilespmem:s18+$0x420]  }
0xa0: {  	v39 =	vld [tilespmem:s18+$0x8420]  }
0xa1: {  	v40 =	vld [tilespmem:s18+$0x430]  }
0xa2: {  	v41 =	vld [tilespmem:s18+$0x8430]  }
0xa3: {  	v42 =	vld [tilespmem:s18+$0x440]  }
0xa4: {  	v43 =	vld [tilespmem:s18+$0x8440]  }
0xa5: {  	v44 =	vld [tilespmem:s18+$0x450]  }
0xa6: {  	v45 =	vld [tilespmem:s18+$0x8450]  }
0xa7: {  	v46 =	vld [tilespmem:s18+$0x460]  }
0xa8: {  	v47 =	vld [tilespmem:s18+$0x8460]  }
0xa9: {  	v48 =	vld [tilespmem:s18+$0x470]  }
0xaa: {  	v49 =	vld [tilespmem:s18+$0x8470]  }
0xab: {  	v50 =	vld [tilespmem:s18+$0x800]  }
0xac: {  	v51 =	vld [tilespmem:s18+$0x8800]  }
0xad: {  	v52 =	vld [tilespmem:s18+$0x810]  }
0xae: {  	v53 =	vld [tilespmem:s18+$0x8810]  }
0xaf: {  	v54 =	vld [tilespmem:s18+$0x820]  }
0xb0: {  	v55 =	vld [tilespmem:s18+$0x8820]  }
0xb1: {  	v56 =	vld [tilespmem:s18+$0x830]  }
0xb2: {  	v57 =	vld [tilespmem:s18+$0x8830]  }
0xb3: {  	v58 =	vld [tilespmem:s18+$0x840]  }
0xb4: {  	v59 =	vld [tilespmem:s18+$0x8840]  }
0xb5: {  	v60 =	vld [tilespmem:s18+$0x850]  }
0xb6: {  	v61 =	vld [tilespmem:s18+$0x8850]  }
0xb7: {  	v62 =	vld [tilespmem:s18+$0x860]  }
0xb8: {  	v63 =	vld [tilespmem:s18+$0x8860]  }
0xb9: {  	v5 =	vld [tilespmem:s18+$0x870]  }
0xba: {  	v2 =	vld [tilespmem:s18+$0x8870]  }
0xbb: {  	v24 =	vld [tilespmem:s18+$0xC00]  }
0xbc: {  	v25 =	vld [tilespmem:s18+$0x8C00]  }
0xbd: {  	v22 =	vld [tilespmem:s18+$0xC10]  }
0xbe: {  	v23 =	vld [tilespmem:s18+$0x8C10]  }
0xbf: {  	v18 =	vld [tilespmem:s18+$0xC20]  }
0xc0: {  	v0 =	vld [tilespmem:s18+$0xC60]  }
0xc1: {  	v19 =	vld [tilespmem:s18+$0x8C20]  }
0xc2: {  	v15 =	vld [tilespmem:s18+$0xC30]  }
0xc3: {  	v16 =	vld [tilespmem:s18+$0x8C30]  }
0xc4: {  	v12 =	vld [tilespmem:s18+$0xC40];
	v1 =	vmul.f32 v6, v3  }
0xc5: {  	v13 =	vld [tilespmem:s18+$0x8C40];
	[tilespmem:$0x1FFC0] =	vst v0;
	v0 =	vmul.f32 v7, v4;
	v10 =	vmul.f32 v10, v3  }
0xc6: {  	v8 =	vld [tilespmem:s18+$0xC50];
	v11 =	vmul.f32 v11, v4;
	v14 =	vmul.f32 v14, v3  }
0xc7: {  	v9 =	vld [tilespmem:s18+$0x8C50];
	v17 =	vmul.f32 v17, v4;
	v20 =	vmul.f32 v20, v3  }
0xc8: {  	v7 =	vld [tilespmem:s18+$0x8C60];
	v21 =	vmul.f32 v21, v4;
	v26 =	vmul.f32 v26, v3  }
0xc9: {  	v6 =	vld [tilespmem:s18+$0xC70];
	v27 =	vmul.f32 v27, v4;
	v34 =	vmul.f32 v34, v3  }
0xca: {  	v35 =	vmul.f32 v35, v4;
	v38 =	vmul.f32 v38, v3;
	v1 =	vadd.f32 v0, v1;
	v0 =	vld [tilespmem:s18+$0x8C70]  }
0xcb: {  	v39 =	vmul.f32 v39, v4;
	v40 =	vmul.f32 v40, v3;
	v10 =	vadd.f32 v11, v10;
	v11 =	vld [tilespmem:s18+$0x1000]  }
0xcc: {  	v5 =	vmul.f32 v5, v3;
	v2 =	vmul.f32 v2, v4;
	[tilespmem:s18+$0x0] =	vst v1;
	v1 =	vadd.f32 v17, v14;
	v14 =	vld [tilespmem:s18+$0x9000]  }
0xcd: {  	[tilespmem:s18+$0x10] =	vst v10;
	v10 =	vadd.f32 v21, v20;
	v21 =	vmul.f32 v28, v3;
	v28 =	vmul.f32 v29, v4;
	v17 =	vld [tilespmem:s18+$0x1010]  }
0xce: {  	v52 =	vmul.f32 v52, v3;
	v2 =	vadd.f32 v2, v5;
	v20 =	vld [tilespmem:s18+$0x9010];
	v29 =	vmul.f32 v33, v4;
	[tilespmem:s18+$0x20] =	vst v1  }
0xcf: {  	v1 =	vadd.f32 v27, v26;
	v26 =	vmul.f32 v30, v3;
	[tilespmem:s18+$0x30] =	vst v10;
	v10 =	vadd.f32 v28, v21;
	v21 =	vld [tilespmem:s18+$0x1020]  }
0xd0: {  	v27 =	vmul.f32 v31, v4;
	v28 =	vmul.f32 v32, v3;
	v31 =	vld [tilespmem:s18+$0x1030]  }
0xd1: {  	v24 =	vmul.f32 v24, v3;
	v25 =	vmul.f32 v25, v4;
	[tilespmem:s18+$0x870] =	vst v2;
	v32 =	vld [tilespmem:s18+$0x9030]  }
0xd2: {  	v18 =	vmul.f32 v18, v3;
	v33 =	vadd.f32 v27, v26;
	v26 =	vld [tilespmem:s18+$0x9020];
	[tilespmem:s18+$0x50] =	vst v10;
	v10 =	vadd.f32 v29, v28  }
0xd3: {  	[tilespmem:s18+$0x40] =	vst v1;
	v28 =	vmul.f32 v36, v3;
	v36 =	vmul.f32 v37, v4;
	v37 =	vadd.f32 v35, v34;
	v34 =	vld [tilespmem:s18+$0x9040]  }
0xd4: {  	v19 =	vmul.f32 v19, v4;
	v12 =	vmul.f32 v12, v3;
	v35 =	vld [tilespmem:s18+$0x1050];
	[tilespmem:s18+$0x60] =	vst v33  }
0xd5: {  	v13 =	vmul.f32 v13, v4;
	v27 =	vld [tilespmem:s18+$0x9420];
	v29 =	vadd.f32 v25, v24;
	[tilespmem:s18+$0x70] =	vst v10;
	v10 =	vadd.f32 v36, v28  }
0xd6: {  	v36 =	vmul.f32 v41, v4;
	v33 =	vld [tilespmem:s18+$0x1040];
	[tilespmem:s18+$0x400] =	vst v37;
	v37 =	vadd.f32 v39, v38;
	v38 =	vmul.f32 v42, v3  }
0xd7: {  	v39 =	vmul.f32 v43, v4;
	v41 =	vmul.f32 v45, v4;
	v28 =	vld [tilespmem:s18+$0x1420];
	[tilespmem:s18+$0xC00] =	vst v29  }
0xd8: {  	v43 =	vmul.f32 v46, v3;
	[tilespmem:s18+$0x410] =	vst v10;
	v10 =	vadd.f32 v36, v40;
	v40 =	vmul.f32 v44, v3;
	v36 =	vld [tilespmem:s18+$0x9050]  }
0xd9: {  	v46 =	vmul.f32 v48, v3;
	[tilespmem:s18+$0x420] =	vst v37;
	v42 =	vadd.f32 v39, v38;
	v44 =	vmul.f32 v47, v4;
	v37 =	vld [tilespmem:s18+$0x1060]  }
0xda: {  	v47 =	vmul.f32 v49, v4;
	v49 =	vmul.f32 v50, v3;
	v38 =	vld [tilespmem:s18+$0x9060];
	[tilespmem:s18+$0x430] =	vst v10;
	v45 =	vadd.f32 v41, v40  }
0xdb: {  	v50 =	vmul.f32 v51, v4;
	v39 =	vld [tilespmem:s18+$0x1070];
	[tilespmem:s18+$0x440] =	vst v42;
	v48 =	vadd.f32 v44, v43;
	v44 =	vmul.f32 v53, v4  }
0xdc: {  	v51 =	vadd.f32 v47, v46;
	v46 =	vmul.f32 v54, v3;
	v47 =	vmul.f32 v55, v4;
	v40 =	vld [tilespmem:s18+$0x9070];
	[tilespmem:s18+$0x450] =	vst v45  }
0xdd: {  	v41 =	vld [tilespmem:s18+$0x1400];
	v53 =	vmul.f32 v59, v4;
	v55 =	vmul.f32 v60, v3;
	[tilespmem:s18+$0x460] =	vst v48;
	v45 =	vadd.f32 v50, v49  }
0xde: {  	v42 =	vld [tilespmem:s18+$0x9400];
	v59 =	vmul.f32 v63, v4;
	v63 =	vmul.f32 v23, v4;
	[tilespmem:s18+$0x470] =	vst v51;
	v48 =	vadd.f32 v44, v52  }
0xdf: {  	v43 =	vld [tilespmem:s18+$0x1410];
	v49 =	vmul.f32 v56, v3;
	v50 =	vmul.f32 v57, v4;
	v51 =	vadd.f32 v47, v46;
	[tilespmem:s18+$0x800] =	vst v45  }
0xe0: {  	v23 =	vld [tilespmem:s18+$0x9430];
	v25 =	vmul.f32 v33, v3;
	v52 =	vmul.f32 v58, v3;
	v47 =	vadd.f32 v19, v18;
	[tilespmem:s18+$0x810] =	vst v48  }
0xe1: {  	v56 =	vmul.f32 v61, v4;
	v58 =	vmul.f32 v62, v3;
	v44 =	vld [tilespmem:s18+$0x9410];
	v54 =	vadd.f32 v50, v49;
	[tilespmem:s18+$0x820] =	vst v51  }
0xe2: {  	v62 =	vmul.f32 v22, v3;
	v22 =	vld [tilespmem:s18+$0x1430];
	v46 =	vmul.f32 v16, v4;
	v57 =	vadd.f32 v53, v52;
	[tilespmem:s18+$0xC20] =	vst v47  }
0xe3: {  	v16 =	vld [tilespmem:s18+$0x9440];
	v33 =	vmul.f32 v37, v3;
	v60 =	vadd.f32 v56, v55;
	v45 =	vmul.f32 v15, v3;
	[tilespmem:s18+$0x830] =	vst v54  }
0xe4: {  	v18 =	vld [tilespmem:s18+$0x1810];
	v61 =	vadd.f32 v59, v58;
	v49 =	vmul.f32 v8, v3;
	v50 =	vmul.f32 v9, v4;
	[tilespmem:s18+$0x840] =	vst v57  }
0xe5: {  	v19 =	vld [tilespmem:s18+$0x9810];
	v30 =	vadd.f32 v63, v62;
	v56 =	vmul.f32 v11, v3;
	v58 =	vmul.f32 v17, v3;
	[tilespmem:s18+$0x850] =	vst v60  }
0xe6: {  	v15 =	vld [tilespmem:s18+$0x1440];
	v51 =	vadd.f32 v13, v12;
	v59 =	vmul.f32 v20, v4;
	v62 =	vmul.f32 v26, v4;
	[tilespmem:s18+$0x860] =	vst v61  }
0xe7: {  	v9 =	vld [tilespmem:s18+$0x1450];
	v20 =	vmul.f32 v31, v3;
	v26 =	vmul.f32 v34, v4;
	[tilespmem:s18+$0xC10] =	vst v30;
	v48 =	vadd.f32 v46, v45  }
0xe8: {  	v52 =	vld [tilespmem:$0x1FFC0];
	v31 =	vmul.f32 v36, v4;
	v34 =	vmul.f32 v38, v4;
	v53 =	vadd.f32 v50, v49;
	[tilespmem:s18+$0xC40] =	vst v51  }
0xe9: {  	v12 =	vld [tilespmem:s18+$0x9450];
	v36 =	vmul.f32 v39, v3;
	v37 =	vmul.f32 v40, v4;
	v63 =	vadd.f32 v59, v58;
	[tilespmem:s18+$0xC30] =	vst v48  }
0xea: {  	v11 =	vld [tilespmem:s18+$0x1470];
	v61 =	vmul.f32 v21, v3;
	v21 =	vmul.f32 v32, v4;
	v32 =	vadd.f32 v26, v25;
	[tilespmem:s18+$0xC50] =	vst v53  }
0xeb: {  	v13 =	vld [tilespmem:s18+$0x9470];
	v39 =	vmul.f32 v41, v3;
	v40 =	vmul.f32 v42, v4;
	v38 =	vadd.f32 v34, v33;
	[tilespmem:s18+$0x1010] =	vst v63  }
0xec: {  	v0 =	vmul.f32 v0, v4;
	v17 =	vld [tilespmem:s18+$0x9800];
	v54 =	vmul.f32 v6, v3;
	v42 =	vadd.f32 v37, v36;
	[tilespmem:s18+$0x1040] =	vst v32  }
0xed: {  	v41 =	vld [tilespmem:s18+$0x9820];
	v57 =	vmul.f32 v14, v4;
	v47 =	vadd.f32 v40, v39;
	[tilespmem:s18+$0x1060] =	vst v38  }
0xee: {  	v6 =	vld [tilespmem:s18+$0x1460];
	v0 =	vadd.f32 v0, v54;
	[tilespmem:s18+$0x1070] =	vst v42  }
0xef: {  	v14 =	vld [tilespmem:s18+$0x1800];
	v60 =	vadd.f32 v57, v56;
	[tilespmem:s18+$0x1400] =	vst v47  }
0xf0: {  	v7 =	vmul.f32 v7, v4;
	v30 =	vmul.f32 v35, v3;
	v46 =	vld [tilespmem:s18+$0x1830];
	v24 =	vadd.f32 v62, v61;
	[tilespmem:s18+$0xC70] =	vst v0  }
0xf1: {  	v43 =	vmul.f32 v43, v3;
	v50 =	vld [tilespmem:s18+$0x9830];
	v45 =	vmul.f32 v44, v4;
	v29 =	vadd.f32 v21, v20;
	[tilespmem:s18+$0x1000] =	vst v60  }
0xf2: {  	v49 =	vmul.f32 v27, v4;
	v58 =	vld [tilespmem:s18+$0x1850];
	v35 =	vadd.f32 v31, v30;
	v10 =	vmul.f32 v52, v3;
	[tilespmem:s18+$0x1020] =	vst v24  }
0xf3: {  	v36 =	vld [tilespmem:s18+$0x9870];
	v53 =	vmul.f32 v23, v4;
	v51 =	vadd.f32 v45, v43;
	v52 =	vmul.f32 v22, v3;
	[tilespmem:s18+$0x1030] =	vst v29  }
0xf4: {  	v40 =	vld [tilespmem:s18+$0x9840];
	v57 =	vmul.f32 v16, v4;
	v56 =	vmul.f32 v15, v3;
	[tilespmem:s18+$0x1050] =	vst v35;
	v55 =	vadd.f32 v7, v10  }
0xf5: {  	v20 =	vld [tilespmem:s18+$0x1820];
	v26 =	vmul.f32 v11, v3;
	v27 =	vmul.f32 v13, v4;
	[tilespmem:s18+$0x1410] =	vst v51;
	v59 =	vadd.f32 v53, v52  }
0xf6: {  	v62 =	vld [tilespmem:s18+$0x9850];
	v61 =	vmul.f32 v12, v4;
	v60 =	vmul.f32 v9, v3;
	v63 =	vadd.f32 v57, v56;
	[tilespmem:s18+$0xC60] =	vst v55  }
0xf7: {  	v34 =	vmul.f32 v18, v3;
	v16 =	vld [tilespmem:s18+$0x1860];
	v35 =	vmul.f32 v19, v4;
	v33 =	vadd.f32 v27, v26;
	[tilespmem:s18+$0x1430] =	vst v59  }
0xf8: {  	v48 =	vmul.f32 v28, v3;
	v28 =	vld [tilespmem:s18+$0x9860];
	v31 =	vmul.f32 v17, v4;
	v23 =	vadd.f32 v61, v60;
	[tilespmem:s18+$0x1440] =	vst v63  }
0xf9: {  	v32 =	vld [tilespmem:s18+$0x1870];
	v39 =	vmul.f32 v41, v4;
	v30 =	vmul.f32 v14, v3;
	v41 =	vadd.f32 v35, v34;
	[tilespmem:s18+$0x1470] =	vst v33  }
0xfa: {  	v10 =	vld [tilespmem:s18+$0x9460];
	v42 =	vmul.f32 v46, v3;
	v43 =	vmul.f32 v50, v4;
	v55 =	vadd.f32 v49, v48;
	[tilespmem:s18+$0x1450] =	vst v23  }
0xfb: {  	v54 =	vld [tilespmem:s18+$0x1840];
	v37 =	vadd.f32 v31, v30;
	v38 =	vmul.f32 v20, v3;
	[tilespmem:s18+$0x1810] =	vst v41  }
0xfc: {  	v45 =	vmul.f32 v58, v3;
	v46 =	vmul.f32 v62, v4;
	v47 =	vadd.f32 v43, v42;
	[tilespmem:s18+$0x1420] =	vst v55  }
0xfd: {  	v48 =	vmul.f32 v16, v3;
	v49 =	vmul.f32 v28, v4;
	[tilespmem:s18+$0x1800] =	vst v37;
	v44 =	vadd.f32 v39, v38  }
0xfe: {  	v52 =	vmul.f32 v36, v4;
	v51 =	vmul.f32 v32, v3;
	v50 =	vadd.f32 v46, v45;
	[tilespmem:s18+$0x1830] =	vst v47  }
0xff: {  	v6 =	vmul.f32 v6, v3;
	v53 =	vadd.f32 v49, v48;
	v12 =	vmul.f32 v10, v4;
	[tilespmem:s18+$0x1820] =	vst v44  }
0x100: {  	s9 =	sand.u32 $0x7, s4;
	v54 =	vmul.f32 v54, v3;
	v55 =	vmul.f32 v40, v4;
	v56 =	vadd.f32 v52, v51;
	[tilespmem:s18+$0x1850] =	vst v50  }
0x101: {  	s20 =	sshll.u32 s9, $0x7;
	[tilespmem:s18+$0x1860] =	vst v53;
	v29 =	vadd.f32 v12, v6  }
0x102: {  	s20 =	sadd.s32 s20, s17;
	v2 =	vadd.f32 v55, v54;
	[tilespmem:s18+$0x1870] =	vst v56  }
0x103: {  	s9 =	sor.u32 $0x1C00, s20;
	[tilespmem:s18+$0x1460] =	vst v29  }
0x104: {  	[tilespmem:s18+$0x1840] =	vst v2;
	v0 =	vld [tilespmem:s9+$0x0]  }
0x105: {  	v1 =	vld [tilespmem:s9+$0x8000];
	_ =	sdelay $0x4  }
0x106: {  	v0 =	vmul.f32 v0, v3;
	v1 =	vmul.f32 v1, v4;
	_ =	sdelay $0x1  }
0x107: {  	v0 =	vadd.f32 v1, v0;
	_ =	sdelay $0x1  }
0x108: {  	s18 =	sor.u32 $0x1C10, s20;
	[tilespmem:s9+$0x0] =	vst v0  }
0x109: {  	v0 =	vld [tilespmem:s18+$0x0]  }
0x10a: {  	v57 =	vld [tilespmem:s18+$0x8000];
	_ =	sdelay $0x4  }
0x10b: {  	v0 =	vmul.f32 v0, v3;
	v1 =	vmul.f32 v57, v4;
	_ =	sdelay $0x1  }
0x10c: {  	v0 =	vadd.f32 v1, v0;
	_ =	sdelay $0x1  }
0x10d: {  	[tilespmem:s18+$0x0] =	vst v0;
	s18 =	sor.u32 $0x1C20, s20  }
0x10e: {  	v0 =	vld [tilespmem:s18+$0x0]  }
0x10f: {  	v58 =	vld [tilespmem:s18+$0x8000];
	_ =	sdelay $0x4  }
0x110: {  	v0 =	vmul.f32 v0, v3;
	v1 =	vmul.f32 v58, v4;
	_ =	sdelay $0x1  }
0x111: {  	v0 =	vadd.f32 v1, v0;
	_ =	sdelay $0x1  }
0x112: {  	[tilespmem:s18+$0x0] =	vst v0;
	s18 =	sor.u32 $0x1C30, s20  }
0x113: {  	v0 =	vld [tilespmem:s18+$0x0]  }
0x114: {  	v59 =	vld [tilespmem:s18+$0x8000];
	_ =	sdelay $0x4  }
0x115: {  	v0 =	vmul.f32 v0, v3;
	v1 =	vmul.f32 v59, v4;
	_ =	sdelay $0x1  }
0x116: {  	v0 =	vadd.f32 v1, v0;
	_ =	sdelay $0x1  }
0x117: {  	[tilespmem:s18+$0x0] =	vst v0;
	s18 =	sor.u32 $0x1C40, s20  }
0x118: {  	v0 =	vld [tilespmem:s18+$0x0]  }
0x119: {  	v60 =	vld [tilespmem:s18+$0x8000];
	_ =	sdelay $0x4  }
0x11a: {  	v0 =	vmul.f32 v0, v3;
	v1 =	vmul.f32 v60, v4;
	_ =	sdelay $0x1  }
0x11b: {  	v0 =	vadd.f32 v1, v0;
	_ =	sdelay $0x1  }
0x11c: {  	[tilespmem:s18+$0x0] =	vst v0;
	s18 =	sor.u32 $0x1C50, s20  }
0x11d: {  	v0 =	vld [tilespmem:s18+$0x0]  }
0x11e: {  	v61 =	vld [tilespmem:s18+$0x8000];
	_ =	sdelay $0x4  }
0x11f: {  	v0 =	vmul.f32 v0, v3;
	v1 =	vmul.f32 v61, v4;
	_ =	sdelay $0x1  }
0x120: {  	v0 =	vadd.f32 v1, v0;
	_ =	sdelay $0x1  }
0x121: {  	[tilespmem:s18+$0x0] =	vst v0;
	s18 =	sor.u32 $0x1C60, s20  }
0x122: {  	v0 =	vld [tilespmem:s18+$0x0]  }
0x123: {  	v62 =	vld [tilespmem:s18+$0x8000];
	_ =	sdelay $0x4  }
0x124: {  	v0 =	vmul.f32 v0, v3;
	v1 =	vmul.f32 v62, v4;
	_ =	sdelay $0x1  }
0x125: {  	v0 =	vadd.f32 v1, v0;
	_ =	sdelay $0x1  }
0x126: {  	s20 =	sor.u32 $0x1C70, s20;
	[tilespmem:s18+$0x0] =	vst v0  }
0x127: {  	v0 =	vld [tilespmem:s20+$0x0]  }
0x128: {  	v63 =	vld [tilespmem:s20+$0x8000];
	_ =	sdelay $0x3  }
0x129: {  	p0 =	sne.s32 s5, $0xF80  }
.Ltmp0:
0x12a: {  	v0 =	vmul.f32 v0, v3;
	v1 =	vmul.f32 v63, v4;
	(pc) =	sbr.rel @p0 .LBB2_2-.Ltmp0, $4  }
0x12b: {  	_ = 	snop  }
0x12c: {  	v0 =	vadd.f32 v1, v0  }
0x12d: {  	s4 =	sadd.s32 $0x1, s4;
	s2 =	sadd.s32 $0x80, s2  }
0x12e: {  	s16 =	sadd.s32 $0x80, s16;
	s5 =	sadd.s32 $0x80, s5;
	s17 =	sadd.s32 $0x400, s17;
	[tilespmem:s20+$0x0] =	vst v0  }
0x12f: {  	s2 =	simm.s32 $0x0;
	s4 =	rddreg [dreg:$0x7]  }
0x130: {  	[hbm4b:s4+s2] =	stream.linear.scatter [tilespmem:s2], [sflag:$0x3], $0x8000, $0x38;
	[tilespmem:$0x12100] =	vst v63  }
0x131: {  	_ =	swait.ge [sflag:s19], $0x8000  }
0x132: {  	[sflag:s19] =	ssyncset.done $0x0  }
0x133: {  	s5 =	simm.s32 $0x10000;
	s16 =	rddreg [dreg:$0x8];
	[sflag:s19] =	ssyncadd.s32 $0xFFFF8000  }
0x134: {  	[tilespmem:s5], [sflag:$0x3] =	stream.linear.gather [hbm4b:s16+s2], $0x20, $0x38;
	[tilespmem:$0x12100] =	vst v63  }
0x135: {  	_ =	swait.ge [sflag:s19], $0x20  }
0x136: {  	[sflag:s19] =	ssyncset.done $0x0  }
0x137: {  	s18 =	simm.s32 $0x10080;
	s17 =	rddreg [dreg:$0x9];
	[sflag:s19] =	ssyncadd.s32 $0xFFFFFFE0  }
0x138: {  	[tilespmem:s18], [sflag:$0x3] =	stream.linear.gather [hbm4b:s17+s2], $0x20, $0x38;
	[tilespmem:$0x12100] =	vst v63  }
0x139: {  	_ =	swait.ge [sflag:s19], $0x20  }
0x13a: {  	[sflag:s19] =	ssyncset.done $0x0  }
0x13b: {  	[sflag:s19] =	ssyncadd.s32 $0xFFFFFFE0  }
0x13c: {  	v0 =	vld [tilespmem:$0x10000];
	_ =	sdelay $0x2  }
0x13d: {  	v2 =	vld [tilespmem:$0x1FFD0];
	_ =	sdelay $0x1  }
0x13e: {  	v3 =	vld [tilespmem:$0x1FFE0];
	v1 =	vshll.u32 v0, $0x3  }
0x13f: {  	v0 =	vand.u32 $0x7, v0;
	v1 =	vand.u32 $0xFFFFFFC0, v1  }
0x140: {  	v0 =	vor.u32 v0, v1  }
0x141: {  	v1 =	vperm.xlane v0, v2;
	_ =	sdelay $0x1  }
0x142: {  	v1 =	vadd.s32 v3, v1  }
0x143: {  	v4 =	vld [tilespmem:$0x1FFF0];
	_ =	sdelay $0x3  }
0x144: {  	[tilespmem:s2], [sflag:$0x1] =	stream.indirect_vreg.gather [hbm4b:s3+s2], $0x80, v1, vm0, $0xb8;
	[tilespmem:$0x12100] =	vst v63  }
0x145: {  	s20 =	simm.s32 $0x800;
	v0 =	vperm.xlane v0, v4  }
0x146: {  	[tilespmem:s20], [sflag:$0x1] =	stream.indirect_vreg.gather [hbm4b:s6+s2], $0x80, v1, vm0, $0xb8;
	[tilespmem:$0x12100] =	vst v63  }
0x147: {  	s5 =	simm.s32 $0x1000;
	v0 =	vadd.s32 v3, v0  }
0x148: {  	[tilespmem:s5], [sflag:$0x1] =	stream.indirect_vreg.gather [hbm4b:s7+s2], $0x80, v1, vm0, $0xb8;
	[tilespmem:$0x12100] =	vst v63  }
0x149: {  	s9 =	simm.s32 $0x1800  }
0x14a: {  	[tilespmem:s9], [sflag:$0x1] =	stream.indirect_vreg.gather [hbm4b:s8+s2], $0x80, v1, vm0, $0xb8;
	[tilespmem:$0x12100] =	vst v63  }
0x14b: {  	s16 =	simm.s32 $0x2000  }
0x14c: {  	[tilespmem:s16], [sflag:$0x1] =	stream.indirect_vreg.gather [hbm4b:s3+s2], $0x80, v0, vm0, $0xb8;
	[tilespmem:$0x12100] =	vst v63  }
0x14d: {  	s17 =	simm.s32 $0x2800  }
0x14e: {  	[tilespmem:s17], [sflag:$0x1] =	stream.indirect_vreg.gather [hbm4b:s6+s2], $0x80, v0, vm0, $0xb8;
	[tilespmem:$0x12100] =	vst v63  }
0x14f: {  	s18 =	simm.s32 $0x3000  }
0x150: {  	[tilespmem:s18], [sflag:$0x1] =	stream.indirect_vreg.gather [hbm4b:s7+s2], $0x80, v0, vm0, $0xb8;
	[tilespmem:$0x12100] =	vst v63  }
0x151: {  	s20 =	simm.s32 $0x3800  }
0x152: {  	[tilespmem:s20], [sflag:$0x1] =	stream.indirect_vreg.gather [hbm4b:s8+s2], $0x80, v0, vm0, $0xb8;
	[tilespmem:$0x12100] =	vst v63  }
0x153: {  	v0 =	vld [tilespmem:$0x10010];
	_ =	sdelay $0x4  }
0x154: {  	v61 =	vshll.u32 v0, $0x3  }
0x155: {  	v0 =	vand.u32 $0x7, v0;
	v1 =	vand.u32 $0xFFFFFFC0, v61  }
0x156: {  	v0 =	vor.u32 v0, v1  }
0x157: {  	v1 =	vperm.xlane v0, v2;
	_ =	sdelay $0x1  }
0x158: {  	v1 =	vadd.s32 v3, v1;
	_ =	sdelay $0x3  }
0x159: {  	s5 =	simm.s32 $0x4000  }
0x15a: {  	[tilespmem:s5], [sflag:$0x1] =	stream.indirect_vreg.gather [hbm4b:s3+s2], $0x80, v1, vm0, $0xb8;
	[tilespmem:$0x12100] =	vst v63  }
0x15b: {  	s9 =	simm.s32 $0x4800;
	v0 =	vperm.xlane v0, v4  }
0x15c: {  	[tilespmem:s9], [sflag:$0x1] =	stream.indirect_vreg.gather [hbm4b:s6+s2], $0x80, v1, vm0, $0xb8;
	[tilespmem:$0x12100] =	vst v63  }
0x15d: {  	s16 =	simm.s32 $0x5000;
	v0 =	vadd.s32 v3, v0  }
0x15e: {  	[tilespmem:s16], [sflag:$0x1] =	stream.indirect_vreg.gather [hbm4b:s7+s2], $0x80, v1, vm0, $0xb8;
	[tilespmem:$0x12100] =	vst v63  }
0x15f: {  	s17 =	simm.s32 $0x5800  }
0x160: {  	[tilespmem:s17], [sflag:$0x1] =	stream.indirect_vreg.gather [hbm4b:s8+s2], $0x80, v1, vm0, $0xb8;
	[tilespmem:$0x12100] =	vst v63  }
0x161: {  	s18 =	simm.s32 $0x6000  }
0x162: {  	[tilespmem:s18], [sflag:$0x1] =	stream.indirect_vreg.gather [hbm4b:s3+s2], $0x80, v0, vm0, $0xb8;
	[tilespmem:$0x12100] =	vst v63  }
0x163: {  	s20 =	simm.s32 $0x6800  }
0x164: {  	[tilespmem:s20], [sflag:$0x1] =	stream.indirect_vreg.gather [hbm4b:s6+s2], $0x80, v0, vm0, $0xb8;
	[tilespmem:$0x12100] =	vst v63  }
0x165: {  	s5 =	simm.s32 $0x7000  }
0x166: {  	[tilespmem:s5], [sflag:$0x1] =	stream.indirect_vreg.gather [hbm4b:s7+s2], $0x80, v0, vm0, $0xb8;
	[tilespmem:$0x12100] =	vst v63  }
0x167: {  	s9 =	simm.s32 $0x7800  }
0x168: {  	[tilespmem:s9], [sflag:$0x1] =	stream.indirect_vreg.gather [hbm4b:s8+s2], $0x80, v0, vm0, $0xb8;
	[tilespmem:$0x12100] =	vst v63  }
0x169: {  	v0 =	vld [tilespmem:$0x10080];
	_ =	sdelay $0x4  }
0x16a: {  	v62 =	vshll.u32 v0, $0x3  }
0x16b: {  	v0 =	vand.u32 $0x7, v0;
	v1 =	vand.u32 $0xFFFFFFC0, v62  }
0x16c: {  	v0 =	vor.u32 v0, v1  }
0x16d: {  	v1 =	vperm.xlane v0, v2;
	_ =	sdelay $0x1  }
0x16e: {  	v1 =	vadd.s32 v3, v1;
	_ =	sdelay $0x3  }
0x16f: {  	s16 =	simm.s32 $0x8000  }
0x170: {  	[tilespmem:s16], [sflag:$0x2] =	stream.indirect_vreg.gather [hbm4b:s3+s2], $0x80, v1, vm0, $0xb8;
	[tilespmem:$0x12100] =	vst v63  }
0x171: {  	s17 =	simm.s32 $0x8800;
	v0 =	vperm.xlane v0, v4  }
0x172: {  	[tilespmem:s17], [sflag:$0x2] =	stream.indirect_vreg.gather [hbm4b:s6+s2], $0x80, v1, vm0, $0xb8;
	[tilespmem:$0x12100] =	vst v63  }
0x173: {  	v0 =	vadd.s32 v3, v0  }
0x174: {  	[tilespmem:s21], [sflag:$0x2] =	stream.indirect_vreg.gather [hbm4b:s7+s2], $0x80, v1, vm0, $0xb8;
	[tilespmem:$0x12100] =	vst v63  }
0x175: {  	_ = 	snop  }
0x176: {  	[tilespmem:s22], [sflag:$0x2] =	stream.indirect_vreg.gather [hbm4b:s8+s2], $0x80, v1, vm0, $0xb8;
	[tilespmem:$0x12100] =	vst v63  }
0x177: {  	_ = 	snop  }
0x178: {  	[tilespmem:s23], [sflag:$0x2] =	stream.indirect_vreg.gather [hbm4b:s3+s2], $0x80, v0, vm0, $0xb8;
	[tilespmem:$0x12100] =	vst v63  }
0x179: {  	_ = 	snop  }
0x17a: {  	[tilespmem:s10], [sflag:$0x2] =	stream.indirect_vreg.gather [hbm4b:s6+s2], $0x80, v0, vm0, $0xb8;
	[tilespmem:$0x12100] =	vst v63  }
0x17b: {  	_ = 	snop  }
0x17c: {  	[tilespmem:s24], [sflag:$0x2] =	stream.indirect_vreg.gather [hbm4b:s7+s2], $0x80, v0, vm0, $0xb8;
	[tilespmem:$0x12100] =	vst v63  }
0x17d: {  	_ = 	snop  }
0x17e: {  	[tilespmem:s11], [sflag:$0x2] =	stream.indirect_vreg.gather [hbm4b:s8+s2], $0x80, v0, vm0, $0xb8;
	[tilespmem:$0x12100] =	vst v63  }
0x17f: {  	v0 =	vld [tilespmem:$0x10090];
	_ =	sdelay $0x4  }
0x180: {  	v63 =	vshll.u32 v0, $0x3  }
0x181: {  	v0 =	vand.u32 $0x7, v0;
	v1 =	vand.u32 $0xFFFFFFC0, v63  }
0x182: {  	v0 =	vor.u32 v0, v1  }
0x183: {  	v1 =	vperm.xlane v0, v2;
	_ =	sdelay $0x1  }
0x184: {  	v1 =	vadd.s32 v3, v1;
	_ =	sdelay $0x4  }
0x185: {  	[tilespmem:s25], [sflag:$0x2] =	stream.indirect_vreg.gather [hbm4b:s3+s2], $0x80, v1, vm0, $0xb8;
	[tilespmem:$0x12100] =	vst v63  }
0x186: {  	v0 =	vperm.xlane v0, v4  }
0x187: {  	[tilespmem:s26], [sflag:$0x2] =	stream.indirect_vreg.gather [hbm4b:s6+s2], $0x80, v1, vm0, $0xb8;
	[tilespmem:$0x12100] =	vst v63  }
0x188: {  	v0 =	vadd.s32 v3, v0  }
0x189: {  	[tilespmem:s12], [sflag:$0x2] =	stream.indirect_vreg.gather [hbm4b:s7+s2], $0x80, v1, vm0, $0xb8;
	[tilespmem:$0x12100] =	vst v63  }
0x18a: {  	_ = 	snop  }
0x18b: {  	[tilespmem:s28], [sflag:$0x2] =	stream.indirect_vreg.gather [hbm4b:s8+s2], $0x80, v1, vm0, $0xb8;
	[tilespmem:$0x12100] =	vst v63  }
0x18c: {  	_ = 	snop  }
0x18d: {  	[tilespmem:s13], [sflag:$0x2] =	stream.indirect_vreg.gather [hbm4b:s3+s2], $0x80, v0, vm0, $0xb8;
	[tilespmem:$0x12100] =	vst v63  }
0x18e: {  	_ = 	snop  }
0x18f: {  	[tilespmem:s29], [sflag:$0x2] =	stream.indirect_vreg.gather [hbm4b:s6+s2], $0x80, v0, vm0, $0xb8;
	[tilespmem:$0x12100] =	vst v63  }
0x190: {  	_ = 	snop  }
0x191: {  	[tilespmem:s30], [sflag:$0x2] =	stream.indirect_vreg.gather [hbm4b:s7+s2], $0x80, v0, vm0, $0xb8;
	[tilespmem:$0x12100] =	vst v63  }
0x192: {  	_ = 	snop  }
0x193: {  	[tilespmem:s14], [sflag:$0x2] =	stream.indirect_vreg.gather [hbm4b:s8+s2], $0x80, v0, vm0, $0xb8;
	[tilespmem:$0x12100] =	vst v63  }
0x194: {  	s18 =	rddreg [dreg:$0xa];
	s16 =	simm.s32 $0x10100  }
0x195: {  	[tilespmem:s16], [sflag:$0x3] =	stream.linear.gather [hbm4b:s18+s2], $0x1000, $0x38;
	[tilespmem:$0x12100] =	vst v63  }
0x196: {  	_ =	swait.ge [sflag:s19], $0x1000  }
0x197: {  	[sflag:s19] =	ssyncset.done $0x0  }
0x198: {  	s4 =	simm.s32 $0x11100;
	s20 =	rddreg [dreg:$0xb];
	[sflag:s19] =	ssyncadd.s32 $0xFFFFF000  }
0x199: {  	[tilespmem:s4], [sflag:$0x3] =	stream.linear.gather [hbm4b:s20+s2], $0x1000, $0x38;
	[tilespmem:$0x12100] =	vst v63  }
0x19a: {  	_ =	swait.ge [sflag:s19], $0x1000  }
0x19b: {  	[sflag:s19] =	ssyncset.done $0x0  }
0x19c: {  	[sflag:s19] =	ssyncadd.s32 $0xFFFFF000  }
0x19d: {  	_ =	swait.ge [sflag:s31], $0x8000  }
0x19e: {  	[sflag:s31] =	ssyncset.done $0x0  }
0x19f: {  	[sflag:s31] =	ssyncadd.s32 $0xFFFF8000  }
0x1a0: {  	_ =	swait.ge [sflag:s15], $0x8000  }
0x1a1: {  	[sflag:s15] =	ssyncset.done $0x0  }
0x1a2: {  	s5 =	simm.s32 $0x0;
	s17 =	simm.s32 $0x0;
	[sflag:s15] =	ssyncadd.s32 $0xFFFF8000  }
.LBB2_4:
0x1a3: {  	v3 =	vld [tilespmem:s16+$0x0];
	s9 =	sand.u32 $0x6000, s17;
	s18 =	sand.u32 $0x380, s5  }
0x1a4: {  	v4 =	vld [tilespmem:s4+$0x0];
	s18 =	sor.u32 s18, s9  }
0x1a5: {  	v0 =	vld [tilespmem:s18+$0x0]  }
0x1a6: {  	v1 =	vld [tilespmem:s18+$0x8000]  }
0x1a7: {  	v2 =	vld [tilespmem:s18+$0x10]  }
0x1a8: {  	v6 =	vld [tilespmem:s18+$0x8010]  }
0x1a9: {  	v10 =	vld [tilespmem:s18+$0x20]  }
0x1aa: {  	v11 =	vld [tilespmem:s18+$0x8020]  }
0x1ab: {  	v14 =	vld [tilespmem:s18+$0x30]  }
0x1ac: {  	v17 =	vld [tilespmem:s18+$0x8030]  }
0x1ad: {  	v20 =	vld [tilespmem:s18+$0x40]  }
0x1ae: {  	v21 =	vld [tilespmem:s18+$0x8040]  }
0x1af: {  	v26 =	vld [tilespmem:s18+$0x50]  }
0x1b0: {  	v27 =	vld [tilespmem:s18+$0x8050]  }
0x1b1: {  	v28 =	vld [tilespmem:s18+$0x60]  }
0x1b2: {  	v29 =	vld [tilespmem:s18+$0x8060]  }
0x1b3: {  	v30 =	vld [tilespmem:s18+$0x70]  }
0x1b4: {  	v31 =	vld [tilespmem:s18+$0x8070]  }
0x1b5: {  	v32 =	vld [tilespmem:s18+$0x400]  }
0x1b6: {  	v33 =	vld [tilespmem:s18+$0x8400]  }
0x1b7: {  	v34 =	vld [tilespmem:s18+$0x410]  }
0x1b8: {  	v35 =	vld [tilespmem:s18+$0x8410]  }
0x1b9: {  	v36 =	vld [tilespmem:s18+$0x420]  }
0x1ba: {  	v37 =	vld [tilespmem:s18+$0x8420]  }
0x1bb: {  	v38 =	vld [tilespmem:s18+$0x430]  }
0x1bc: {  	v39 =	vld [tilespmem:s18+$0x8430]  }
0x1bd: {  	v40 =	vld [tilespmem:s18+$0x440]  }
0x1be: {  	v41 =	vld [tilespmem:s18+$0x8440]  }
0x1bf: {  	v42 =	vld [tilespmem:s18+$0x450]  }
0x1c0: {  	v43 =	vld [tilespmem:s18+$0x8450]  }
0x1c1: {  	v44 =	vld [tilespmem:s18+$0x460]  }
0x1c2: {  	v45 =	vld [tilespmem:s18+$0x8460]  }
0x1c3: {  	v46 =	vld [tilespmem:s18+$0x470]  }
0x1c4: {  	v47 =	vld [tilespmem:s18+$0x8470]  }
0x1c5: {  	v48 =	vld [tilespmem:s18+$0x800]  }
0x1c6: {  	v49 =	vld [tilespmem:s18+$0x8800]  }
0x1c7: {  	v50 =	vld [tilespmem:s18+$0x810]  }
0x1c8: {  	v51 =	vld [tilespmem:s18+$0x8810]  }
0x1c9: {  	v52 =	vld [tilespmem:s18+$0x820]  }
0x1ca: {  	v53 =	vld [tilespmem:s18+$0x8820]  }
0x1cb: {  	v54 =	vld [tilespmem:s18+$0x830]  }
0x1cc: {  	v55 =	vld [tilespmem:s18+$0x8830]  }
0x1cd: {  	v56 =	vld [tilespmem:s18+$0x840]  }
0x1ce: {  	v57 =	vld [tilespmem:s18+$0x8840]  }
0x1cf: {  	v58 =	vld [tilespmem:s18+$0x850]  }
0x1d0: {  	v59 =	vld [tilespmem:s18+$0x8850]  }
0x1d1: {  	v60 =	vld [tilespmem:s18+$0x860]  }
0x1d2: {  	v61 =	vld [tilespmem:s18+$0x8860]  }
0x1d3: {  	v62 =	vld [tilespmem:s18+$0x870]  }
0x1d4: {  	v63 =	vld [tilespmem:s18+$0x8870]  }
0x1d5: {  	v24 =	vld [tilespmem:s18+$0xC00]  }
0x1d6: {  	v25 =	vld [tilespmem:s18+$0x8C00]  }
0x1d7: {  	v22 =	vld [tilespmem:s18+$0xC10]  }
0x1d8: {  	v23 =	vld [tilespmem:s18+$0x8C10]  }
0x1d9: {  	v18 =	vld [tilespmem:s18+$0xC20]  }
0x1da: {  	v19 =	vld [tilespmem:s18+$0x8C20]  }
0x1db: {  	v15 =	vld [tilespmem:s18+$0xC30]  }
0x1dc: {  	v16 =	vld [tilespmem:s18+$0x8C30]  }
0x1dd: {  	v5 =	vld [tilespmem:s18+$0xC60]  }
0x1de: {  	v12 =	vld [tilespmem:s18+$0xC40]  }
0x1df: {  	v13 =	vld [tilespmem:s18+$0x8C40]  }
0x1e0: {  	v8 =	vld [tilespmem:s18+$0xC50]  }
0x1e1: {  	v9 =	vld [tilespmem:s18+$0x8C50];
	v0 =	vmul.f32 v0, v3;
	v1 =	vmul.f32 v1, v4  }
0x1e2: {  	v7 =	vld [tilespmem:s18+$0x8C60];
	[tilespmem:$0x1FFA0] =	vst v5;
	v5 =	vmul.f32 v2, v3;
	v2 =	vmul.f32 v6, v4  }
0x1e3: {  	v6 =	vld [tilespmem:s18+$0xC70];
	v17 =	vmul.f32 v17, v4;
	v0 =	vadd.f32 v1, v0  }
0x1e4: {  	v1 =	vmul.f32 v10, v3;
	v10 =	vld [tilespmem:s18+$0x8C70];
	v5 =	vadd.f32 v2, v5;
	v2 =	vmul.f32 v14, v3  }
0x1e5: {  	v11 =	vmul.f32 v11, v4;
	v14 =	vld [tilespmem:s18+$0x9000]  }
0x1e6: {  	v26 =	vmul.f32 v26, v3;
	v2 =	vadd.f32 v17, v2;
	v17 =	vld [tilespmem:s18+$0x1010]  }
0x1e7: {  	[tilespmem:s18+$0x0] =	vst v0;
	v0 =	vadd.f32 v11, v1;
	v1 =	vmul.f32 v20, v3;
	v11 =	vmul.f32 v21, v4;
	v20 =	vld [tilespmem:s18+$0x9010]  }
0x1e8: {  	v27 =	vmul.f32 v27, v4;
	v30 =	vmul.f32 v30, v3;
	v21 =	vld [tilespmem:s18+$0x1020];
	[tilespmem:$0x1FFB0] =	vst v6  }
0x1e9: {  	v31 =	vmul.f32 v31, v4;
	v33 =	vmul.f32 v33, v4;
	v6 =	vld [tilespmem:s18+$0x1000];
	[tilespmem:s18+$0x20] =	vst v0;
	v0 =	vadd.f32 v11, v1  }
0x1ea: {  	v1 =	vmul.f32 v28, v3;
	v11 =	vmul.f32 v29, v4;
	[tilespmem:s18+$0x30] =	vst v2;
	v2 =	vadd.f32 v27, v26;
	v26 =	vld [tilespmem:s18+$0x9020]  }
0x1eb: {  	v42 =	vmul.f32 v42, v3;
	[tilespmem:s18+$0x10] =	vst v5;
	v5 =	vmul.f32 v34, v3;
	v28 =	vld [tilespmem:s18+$0x1030]  }
0x1ec: {  	v34 =	vmul.f32 v37, v4;
	v29 =	vld [tilespmem:s18+$0x9030];
	[tilespmem:s18+$0x40] =	vst v0;
	v0 =	vadd.f32 v11, v1;
	v1 =	vmul.f32 v32, v3  }
0x1ed: {  	v37 =	vmul.f32 v39, v4;
	[tilespmem:s18+$0x50] =	vst v2;
	v2 =	vadd.f32 v31, v30;
	v32 =	vmul.f32 v35, v4;
	v30 =	vld [tilespmem:s18+$0x1040]  }
0x1ee: {  	v31 =	vld [tilespmem:s18+$0x9040];
	[tilespmem:s18+$0x60] =	vst v0;
	v0 =	vadd.f32 v33, v1;
	v33 =	vmul.f32 v36, v3;
	v36 =	vmul.f32 v38, v3  }
0x1ef: {  	v39 =	vmul.f32 v40, v3;
	v40 =	vmul.f32 v41, v4;
	v11 =	vld [tilespmem:s18+$0x9450];
	[tilespmem:s18+$0x70] =	vst v2;
	v35 =	vadd.f32 v32, v5  }
0x1f0: {  	v56 =	vmul.f32 v56, v3;
	v32 =	vld [tilespmem:s18+$0x1050];
	[tilespmem:s18+$0x400] =	vst v0;
	v38 =	vadd.f32 v34, v33;
	v41 =	vadd.f32 v37, v36  }
0x1f1: {  	[tilespmem:s18+$0x410] =	vst v35;
	v36 =	vmul.f32 v43, v4;
	v37 =	vadd.f32 v40, v39;
	v39 =	vmul.f32 v45, v4;
	v33 =	vld [tilespmem:s18+$0x9050]  }
0x1f2: {  	v34 =	vld [tilespmem:s18+$0x1060];
	v45 =	vmul.f32 v49, v4;
	[tilespmem:s18+$0x420] =	vst v38;
	v38 =	vmul.f32 v44, v3  }
0x1f3: {  	v35 =	vld [tilespmem:s18+$0x9060];
	[tilespmem:s18+$0x430] =	vst v41;
	v40 =	vadd.f32 v36, v42;
	v41 =	vmul.f32 v46, v3;
	v42 =	vmul.f32 v47, v4  }
0x1f4: {  	[tilespmem:s18+$0x440] =	vst v37;
	v44 =	vmul.f32 v48, v3;
	v47 =	vmul.f32 v50, v3;
	v36 =	vld [tilespmem:s18+$0x1070];
	v43 =	vadd.f32 v39, v38  }
0x1f5: {  	v48 =	vmul.f32 v51, v4;
	v50 =	vmul.f32 v52, v3;
	v37 =	vld [tilespmem:s18+$0x9070];
	[tilespmem:s18+$0x450] =	vst v40;
	v46 =	vadd.f32 v42, v41  }
0x1f6: {  	v51 =	vmul.f32 v53, v4;
	v53 =	vmul.f32 v54, v3;
	v49 =	vadd.f32 v45, v44;
	v38 =	vld [tilespmem:s18+$0x1400];
	[tilespmem:s18+$0x460] =	vst v43  }
0x1f7: {  	v54 =	vmul.f32 v55, v4;
	v52 =	vadd.f32 v48, v47;
	v44 =	vmul.f32 v57, v4;
	v39 =	vld [tilespmem:s18+$0x9400];
	[tilespmem:s18+$0x470] =	vst v46  }
0x1f8: {  	v55 =	vadd.f32 v51, v50;
	v47 =	vmul.f32 v59, v4;
	v40 =	vld [tilespmem:s18+$0x1410];
	v50 =	vmul.f32 v61, v4;
	[tilespmem:s18+$0x800] =	vst v49  }
0x1f9: {  	v45 =	vadd.f32 v54, v53;
	v41 =	vld [tilespmem:s18+$0x9410];
	v53 =	vmul.f32 v63, v4;
	[tilespmem:s18+$0x810] =	vst v52;
	v46 =	vmul.f32 v58, v3  }
0x1fa: {  	v42 =	vld [tilespmem:s18+$0x1420];
	v59 =	vmul.f32 v23, v4;
	[tilespmem:s18+$0x820] =	vst v55;
	v48 =	vadd.f32 v44, v56;
	v49 =	vmul.f32 v60, v3  }
0x1fb: {  	v23 =	vld [tilespmem:s18+$0x1430];
	v61 =	vmul.f32 v18, v3;
	[tilespmem:s18+$0x830] =	vst v45;
	v52 =	vmul.f32 v62, v3;
	v51 =	vadd.f32 v47, v46  }
0x1fc: {  	v18 =	vld [tilespmem:s18+$0x9430];
	v55 =	vmul.f32 v24, v3;
	v56 =	vmul.f32 v25, v4;
	[tilespmem:s18+$0x840] =	vst v48;
	v54 =	vadd.f32 v50, v49  }
0x1fd: {  	v24 =	vld [tilespmem:s18+$0x9420];
	v58 =	vmul.f32 v22, v3;
	v62 =	vmul.f32 v19, v4;
	v57 =	vadd.f32 v53, v52;
	[tilespmem:s18+$0x850] =	vst v51  }
0x1fe: {  	v22 =	vmul.f32 v15, v3;
	v25 =	vmul.f32 v16, v4;
	v16 =	vld [tilespmem:s18+$0x1440];
	v60 =	vadd.f32 v56, v55;
	[tilespmem:s18+$0x860] =	vst v54  }
0x1ff: {  	v43 =	vmul.f32 v12, v3;
	v44 =	vmul.f32 v13, v4;
	v12 =	vld [tilespmem:s18+$0x9440];
	v63 =	vadd.f32 v59, v58;
	[tilespmem:s18+$0x870] =	vst v57  }
0x200: {  	v13 =	vld [tilespmem:s18+$0x1470];
	v27 =	vadd.f32 v62, v61;
	v46 =	vmul.f32 v8, v3;
	v47 =	vmul.f32 v9, v4;
	[tilespmem:s18+$0xC00] =	vst v60  }
0x201: {  	v15 =	vld [tilespmem:s18+$0x1800];
	v45 =	vadd.f32 v25, v22;
	v55 =	vmul.f32 v14, v4;
	v58 =	vmul.f32 v20, v4;
	[tilespmem:s18+$0xC10] =	vst v63  }
0x202: {  	v19 =	vld [tilespmem:s18+$0x1810];
	v48 =	vadd.f32 v44, v43;
	v22 =	vmul.f32 v30, v3;
	v25 =	vmul.f32 v31, v4;
	[tilespmem:s18+$0xC20] =	vst v27  }
0x203: {  	v9 =	vld [tilespmem:s18+$0x1450];
	v30 =	vmul.f32 v34, v3;
	v31 =	vmul.f32 v35, v4;
	[tilespmem:s18+$0xC30] =	vst v45;
	v50 =	vadd.f32 v47, v46  }
0x204: {  	v49 =	vld [tilespmem:$0x1FFA0];
	v20 =	vmul.f32 v29, v4;
	[tilespmem:s18+$0xC40] =	vst v48;
	v54 =	vmul.f32 v6, v3;
	v29 =	vadd.f32 v25, v22  }
0x205: {  	v52 =	vmul.f32 v10, v4;
	v10 =	vld [tilespmem:s18+$0x1460];
	v57 =	vmul.f32 v17, v3;
	v35 =	vadd.f32 v31, v30;
	[tilespmem:s18+$0xC50] =	vst v50  }
0x206: {  	v61 =	vmul.f32 v26, v4;
	v14 =	vld [tilespmem:s18+$0x9470];
	v60 =	vmul.f32 v21, v3;
	v59 =	vadd.f32 v55, v54;
	[tilespmem:s18+$0x1040] =	vst v29  }
0x207: {  	v7 =	vmul.f32 v7, v4;
	v44 =	vld [tilespmem:s18+$0x1830];
	v63 =	vmul.f32 v28, v3;
	v62 =	vadd.f32 v58, v57;
	[tilespmem:s18+$0x1060] =	vst v35  }
0x208: {  	v51 =	vld [tilespmem:$0x1FFB0];
	v27 =	vmul.f32 v32, v3;
	v28 =	vmul.f32 v33, v4;
	v21 =	vadd.f32 v61, v60;
	[tilespmem:s18+$0x1000] =	vst v59  }
0x209: {  	v34 =	vmul.f32 v37, v4;
	v17 =	vld [tilespmem:s18+$0x9800];
	v33 =	vmul.f32 v36, v3;
	v26 =	vadd.f32 v20, v63;
	[tilespmem:s18+$0x1010] =	vst v62  }
0x20a: {  	v37 =	vmul.f32 v39, v4;
	v36 =	vmul.f32 v38, v3;
	v38 =	vld [tilespmem:s18+$0x9820];
	v32 =	vadd.f32 v28, v27;
	[tilespmem:s18+$0x1020] =	vst v21  }
0x20b: {  	v40 =	vmul.f32 v40, v3;
	v43 =	vmul.f32 v41, v4;
	v48 =	vld [tilespmem:s18+$0x9830];
	v39 =	vadd.f32 v34, v33;
	[tilespmem:s18+$0x1030] =	vst v26  }
0x20c: {  	v31 =	vld [tilespmem:s18+$0x1870];
	v45 =	vadd.f32 v37, v36;
	v50 =	vmul.f32 v23, v3;
	v1 =	vmul.f32 v49, v3;
	[tilespmem:s18+$0x1050] =	vst v32  }
0x20d: {  	v20 =	vld [tilespmem:s18+$0x9810];
	v23 =	vmul.f32 v13, v3;
	v49 =	vadd.f32 v43, v40;
	[tilespmem:s18+$0x1070] =	vst v39;
	v26 =	vmul.f32 v14, v4  }
0x20e: {  	v46 =	vmul.f32 v42, v3;
	v55 =	vld [tilespmem:s18+$0x1850];
	[tilespmem:s18+$0x1400] =	vst v45;
	v5 =	vmul.f32 v51, v3;
	v53 =	vadd.f32 v7, v1  }
0x20f: {  	v47 =	vmul.f32 v24, v4;
	v58 =	vmul.f32 v11, v4;
	v63 =	vld [tilespmem:s18+$0x1860];
	[tilespmem:s18+$0x1410] =	vst v49;
	v32 =	vadd.f32 v26, v23  }
0x210: {  	v27 =	vld [tilespmem:s18+$0x9860];
	v29 =	vmul.f32 v15, v3;
	v57 =	vmul.f32 v9, v3;
	v56 =	vadd.f32 v52, v5;
	[tilespmem:s18+$0xC60] =	vst v53  }
0x211: {  	v35 =	vld [tilespmem:s18+$0x9870];
	v41 =	vmul.f32 v44, v3;
	v30 =	vmul.f32 v17, v4;
	v52 =	vadd.f32 v47, v46;
	[tilespmem:s18+$0x1470] =	vst v32  }
0x212: {  	v21 =	vld [tilespmem:s18+$0x1820];
	v42 =	vmul.f32 v48, v4;
	v53 =	vmul.f32 v16, v3;
	v16 =	vadd.f32 v58, v57;
	[tilespmem:s18+$0xC70] =	vst v56  }
0x213: {  	v59 =	vld [tilespmem:s18+$0x9850];
	v51 =	vmul.f32 v18, v4;
	v36 =	vadd.f32 v30, v29;
	[tilespmem:s18+$0x1420] =	vst v52  }
0x214: {  	v54 =	vmul.f32 v12, v4;
	v39 =	vld [tilespmem:s18+$0x9840];
	v46 =	vadd.f32 v42, v41;
	[tilespmem:s18+$0x1450] =	vst v16  }
0x215: {  	v33 =	vmul.f32 v19, v3;
	v7 =	vld [tilespmem:s18+$0x9460];
	v34 =	vmul.f32 v20, v4;
	v56 =	vadd.f32 v51, v50;
	[tilespmem:s18+$0x1800] =	vst v36  }
0x216: {  	v18 =	vld [tilespmem:s18+$0x1840];
	v47 =	vmul.f32 v63, v3;
	v48 =	vmul.f32 v27, v4;
	v60 =	vadd.f32 v54, v53;
	[tilespmem:s18+$0x1830] =	vst v46  }
0x217: {  	v38 =	vmul.f32 v38, v4;
	v37 =	vmul.f32 v21, v3;
	v40 =	vadd.f32 v34, v33;
	[tilespmem:s18+$0x1430] =	vst v56  }
0x218: {  	v44 =	vmul.f32 v55, v3;
	v45 =	vmul.f32 v59, v4;
	v52 =	vadd.f32 v48, v47;
	[tilespmem:s18+$0x1440] =	vst v60  }
0x219: {  	v50 =	vmul.f32 v31, v3;
	v51 =	vmul.f32 v35, v4;
	v43 =	vadd.f32 v38, v37;
	[tilespmem:s18+$0x1810] =	vst v40  }
0x21a: {  	v61 =	vmul.f32 v10, v3;
	v62 =	vmul.f32 v7, v4;
	v49 =	vadd.f32 v45, v44;
	[tilespmem:s18+$0x1860] =	vst v52  }
0x21b: {  	s20 =	sand.u32 $0x7, s2;
	v54 =	vmul.f32 v39, v4;
	v53 =	vmul.f32 v18, v3;
	v55 =	vadd.f32 v51, v50;
	[tilespmem:s18+$0x1820] =	vst v43  }
0x21c: {  	s9 =	sshll.u32 s20, $0x7;
	v28 =	vadd.f32 v62, v61;
	[tilespmem:s18+$0x1850] =	vst v49  }
0x21d: {  	s9 =	sadd.s32 s9, s17;
	v56 =	vadd.f32 v54, v53;
	[tilespmem:s18+$0x1870] =	vst v55  }
0x21e: {  	s20 =	sor.u32 $0x1C00, s9;
	[tilespmem:s18+$0x1460] =	vst v28  }
0x21f: {  	[tilespmem:s18+$0x1840] =	vst v56;
	v0 =	vld [tilespmem:s20+$0x0]  }
0x220: {  	v1 =	vld [tilespmem:s20+$0x8000];
	_ =	sdelay $0x4  }
0x221: {  	v0 =	vmul.f32 v0, v3;
	v1 =	vmul.f32 v1, v4;
	_ =	sdelay $0x1  }
0x222: {  	v0 =	vadd.f32 v1, v0;
	_ =	sdelay $0x1  }
0x223: {  	[tilespmem:s20+$0x0] =	vst v0;
	s20 =	sor.u32 $0x1C10, s9  }
0x224: {  	v0 =	vld [tilespmem:s20+$0x0]  }
0x225: {  	v57 =	vld [tilespmem:s20+$0x8000];
	_ =	sdelay $0x4  }
0x226: {  	v0 =	vmul.f32 v0, v3;
	v1 =	vmul.f32 v57, v4;
	_ =	sdelay $0x1  }
0x227: {  	v0 =	vadd.f32 v1, v0;
	_ =	sdelay $0x1  }
0x228: {  	[tilespmem:s20+$0x0] =	vst v0;
	s20 =	sor.u32 $0x1C20, s9  }
0x229: {  	v0 =	vld [tilespmem:s20+$0x0]  }
0x22a: {  	v58 =	vld [tilespmem:s20+$0x8000];
	_ =	sdelay $0x4  }
0x22b: {  	v0 =	vmul.f32 v0, v3;
	v1 =	vmul.f32 v58, v4;
	_ =	sdelay $0x1  }
0x22c: {  	v0 =	vadd.f32 v1, v0;
	_ =	sdelay $0x1  }
0x22d: {  	[tilespmem:s20+$0x0] =	vst v0;
	s20 =	sor.u32 $0x1C30, s9  }
0x22e: {  	v0 =	vld [tilespmem:s20+$0x0]  }
0x22f: {  	v59 =	vld [tilespmem:s20+$0x8000];
	_ =	sdelay $0x4  }
0x230: {  	v0 =	vmul.f32 v0, v3;
	v1 =	vmul.f32 v59, v4;
	_ =	sdelay $0x1  }
0x231: {  	v0 =	vadd.f32 v1, v0;
	_ =	sdelay $0x1  }
0x232: {  	[tilespmem:s20+$0x0] =	vst v0;
	s20 =	sor.u32 $0x1C40, s9  }
0x233: {  	v0 =	vld [tilespmem:s20+$0x0]  }
0x234: {  	v60 =	vld [tilespmem:s20+$0x8000];
	_ =	sdelay $0x4  }
0x235: {  	v0 =	vmul.f32 v0, v3;
	v1 =	vmul.f32 v60, v4;
	_ =	sdelay $0x1  }
0x236: {  	v0 =	vadd.f32 v1, v0;
	_ =	sdelay $0x1  }
0x237: {  	[tilespmem:s20+$0x0] =	vst v0;
	s20 =	sor.u32 $0x1C50, s9  }
0x238: {  	v0 =	vld [tilespmem:s20+$0x0]  }
0x239: {  	v61 =	vld [tilespmem:s20+$0x8000];
	_ =	sdelay $0x4  }
0x23a: {  	v0 =	vmul.f32 v0, v3;
	v1 =	vmul.f32 v61, v4;
	_ =	sdelay $0x1  }
0x23b: {  	v0 =	vadd.f32 v1, v0;
	_ =	sdelay $0x1  }
0x23c: {  	[tilespmem:s20+$0x0] =	vst v0;
	s20 =	sor.u32 $0x1C60, s9  }
0x23d: {  	v0 =	vld [tilespmem:s20+$0x0]  }
0x23e: {  	v62 =	vld [tilespmem:s20+$0x8000];
	_ =	sdelay $0x4  }
0x23f: {  	v0 =	vmul.f32 v0, v3;
	v1 =	vmul.f32 v62, v4;
	_ =	sdelay $0x1  }
0x240: {  	v0 =	vadd.f32 v1, v0;
	_ =	sdelay $0x1  }
0x241: {  	s9 =	sor.u32 $0x1C70, s9;
	[tilespmem:s20+$0x0] =	vst v0  }
0x242: {  	v0 =	vld [tilespmem:s9+$0x0]  }
0x243: {  	v63 =	vld [tilespmem:s9+$0x8000];
	_ =	sdelay $0x3  }
0x244: {  	p0 =	sne.s32 s5, $0xF80  }
.Ltmp1:
0x245: {  	v0 =	vmul.f32 v0, v3;
	v1 =	vmul.f32 v63, v4;
	(pc) =	sbr.rel @p0 .LBB2_4-.Ltmp1, $4  }
0x246: {  	_ = 	snop  }
0x247: {  	v0 =	vadd.f32 v1, v0  }
0x248: {  	s2 =	sadd.s32 $0x1, s2;
	s16 =	sadd.s32 $0x80, s16  }
0x249: {  	s4 =	sadd.s32 $0x80, s4;
	s5 =	sadd.s32 $0x80, s5;
	s17 =	sadd.s32 $0x400, s17;
	[tilespmem:s9+$0x0] =	vst v0  }
0x24a: {  	s2 =	rddreg [dreg:$0xc]  }
0x24b: {  	[hbm4b:s2+s1] =	stream.linear.scatter [tilespmem:s1], [sflag:$0x3], $0x8000, $0x38;
	[tilespmem:$0x12100] =	vst v63  }
0x24c: {  	_ =	swait.ge [sflag:s19], $0x8000  }
0x24d: {  	s0 =	sadd.s32 $0x1, s0;
	s20 =	rddreg [dreg:$0xd]  }
0x24e: {  	p0 =	sne.s32 s0, s20  }
.Ltmp2:
0x24f: {  	_ = 	snop;
	(pc) =	sbr.rel @p0 .LBB2_1-.Ltmp2, $3  }
0x250: {  	_ =	sdelay $0x1  }
0x251: {  	[sflag:s19] =	ssyncset.done $0x0  }
0x252: {  	[sflag:s19] =	ssyncadd.s32 $0xFFFF8000  }
0x253: {  	_ =	sfence.sel $0x180000  }
0x254: {  	[bflag:$0x0] =	sbarrier.arrive $0xFFFF  }
0x255: {  	_ =	strace $0x9000004A  }
0x256: {  	s0 =	stileid.u32;
	[bflag:$0x2] =	sbarrier.arrive $0xFFFF  }
0x257: {  	p0 =	sne.s32 s0, $0x0;
	s0 =	rddreg [dreg:$0x2]  }
0x258: {  	s0 =	sadd.s32 @!p0 $0x100000, s0  }
0x259: {  	[sflag:s0] =	ssyncadd.tile.s32 @!p0 $0x1;
	_ =	shalt  }
.Lfunc_end2:
_tile_overlayer_lowered:
.L_overlay_start_2:
0x25a: {  	(tag) =	ssettag $0x2  }
0x25b: {  	s0 =	rddreg [dreg:$0x0];
	s2 =	stileid.u32  }
0x25c: {  	s1 =	rddreg [dreg:$0x1];
	p0 =	sne.s32 s2, $0x0  }
0x25d: {  	s3 =	rddreg [dreg:$0x2];
	[bflag:$0x3] =	sbarrier.arrive $0xFFFF;
	s2 =	simm.s32 @!p0 $0x1C03  }
0x25e: {  	[timem:s3], [sflag:s2] =	dma.local @!p0 [hbm:s0], s1  }
0x25f: {  	s0 =	simm.s32 @!p0 $0x3  }
0x260: {  	_ =	swait.ge @!p0 [sflag:s0], s1  }
0x261: {  	s1 =	ssub.s32 @!p0 $0x0, s1;
	[sflag:s0] =	ssyncset.done @!p0 $0x0  }
0x262: {  	[sflag:s0] =	ssyncadd.s32 @!p0 s1  }
0x263: {  	[bflag:$0x3] =	sbarrier.arrive $0xFFFF  }
0x264: {  	_ =	shalt  }

</sc_bundles>
